<compile_context>
chip_gen: v7x
topology: tpu7x:2x2x1
jax: 0.10.2.dev20260603
libtpu: 0.0.44.dev20260713+nightly
codegen_flags: <defaults>
</compile_context>

<pallas_src>
import functools

import jax
import jax.numpy as jnp
from jax import lax
from jax.experimental import pallas as pl
from jax.experimental.pallas import tpu as pltpu
from jax.experimental.pallas import tpu_sc as plsc

N = 10000
E = 320000
D = 128
L = 4

NC = 2
NS = 16
NW = NC * NS
K = 128
NCH = 80
E2 = NW * NCH * K
N2 = 10240
RPT = N2 // NS
RC = 128
NZ = RPT // RC

_mesh = plsc.VectorSubcoreMesh(
    core_axis_name="c", subcore_axis_name="s", num_cores=NC, num_subcores=NS
)


@functools.partial(
    pl.kernel,
    out_type=jax.ShapeDtypeStruct((NC, N2, D), jnp.float32),
    mesh=_mesh,
    scratch_types=[
        pltpu.VMEM((NCH // 2, K), jnp.int32),
        pltpu.VMEM((NCH // 2, K), jnp.int32),
        pltpu.VMEM((K, D), jnp.float32),
        pltpu.VMEM((K, D), jnp.float32),
        pltpu.VMEM_SHARED((N2, D), jnp.float32),
        pltpu.SemaphoreType.DMA,
        pltpu.SemaphoreType.DMA,
    ],
)
def _sc_scatter(ei_hbm, m_hbm, out_hbm, src_v, dst_v, buf_a, buf_b,
                agg_s, sem_a, sem_b):
    cid = lax.axis_index("c")
    sid = lax.axis_index("s")
    wid = sid * NC + cid
    HP = NCH // 2

    def _zrow(r, carry):
        for c in range(D // 16):
            buf_a[r, pl.ds(c * 16, 16)] = jnp.zeros((16,), jnp.float32)
        return carry

    lax.fori_loop(0, K, _zrow, 0)
    base = pl.multiple_of(sid * RPT, RC)
    for t in range(NZ):
        pltpu.sync_copy(buf_a, agg_s.at[pl.ds(base + t * RC, RC)])
    plsc.subcore_barrier()

    for p in range(2):
        pltpu.sync_copy(ei_hbm.at[0, wid, pl.ds(p * HP, HP)], src_v)
        pltpu.sync_copy(ei_hbm.at[1, wid, pl.ds(p * HP, HP)], dst_v)
        pltpu.async_copy(m_hbm.at[src_v.at[0]], buf_a, sem_a)
        pltpu.async_copy(m_hbm.at[src_v.at[1]], buf_b, sem_b)

        def _pair(i, carry):
            j0 = 2 * i
            pltpu.make_async_copy(m_hbm.at[src_v.at[j0]], buf_a, sem_a).wait()
            pltpu.sync_copy(buf_a, agg_s.at[dst_v.at[j0]], add=True)
            pltpu.async_copy(m_hbm.at[src_v.at[j0 + 2]], buf_a, sem_a)
            pltpu.make_async_copy(m_hbm.at[src_v.at[j0 + 1]], buf_b, sem_b).wait()
            pltpu.sync_copy(buf_b, agg_s.at[dst_v.at[j0 + 1]], add=True)
            pltpu.async_copy(m_hbm.at[src_v.at[j0 + 3]], buf_b, sem_b)
            return carry

        lax.fori_loop(0, HP // 2 - 1, _pair, 0)
        pltpu.make_async_copy(m_hbm.at[src_v.at[HP - 2]], buf_a, sem_a).wait()
        pltpu.sync_copy(buf_a, agg_s.at[dst_v.at[HP - 2]], add=True)
        pltpu.make_async_copy(m_hbm.at[src_v.at[HP - 1]], buf_b, sem_b).wait()
        pltpu.sync_copy(buf_b, agg_s.at[dst_v.at[HP - 1]], add=True)
    plsc.subcore_barrier()

    for t in range(NZ):
        pltpu.sync_copy(agg_s.at[pl.ds(base + t * RC, RC)], buf_a)
        pltpu.sync_copy(buf_a, out_hbm.at[cid, pl.ds(base + t * RC, RC)])


_R = 1000


def _dot(a, b, dims):
    return lax.dot_general(
        a, b, (dims, ((), ())), preferred_element_type=jnp.float32
    )


def _pre_body(h_ref, w_ref, whh_ref, bhh_ref, m_ref, gh_ref):
    h = h_ref[...]
    m_ref[...] = _dot(h, w_ref[...], ((1,), (0,)))
    gh_ref[...] = _dot(h, whh_ref[...], ((1,), (1,))) + bhh_ref[...]


def _tc_pre(h, w, w_hh, b_hh2):
    return pl.pallas_call(
        _pre_body,
        grid=(N // _R,),
        in_specs=[
            pl.BlockSpec((_R, D), lambda i: (i, 0)),
            pl.BlockSpec((D, D), lambda i: (0, 0)),
            pl.BlockSpec((3 * D, D), lambda i: (0, 0)),
            pl.BlockSpec((1, 3 * D), lambda i: (0, 0)),
        ],
        out_specs=[
            pl.BlockSpec((_R, D), lambda i: (i, 0)),
            pl.BlockSpec((_R, 3 * D), lambda i: (i, 0)),
        ],
        out_shape=[
            jax.ShapeDtypeStruct((N, D), jnp.float32),
            jax.ShapeDtypeStruct((N, 3 * D), jnp.float32),
        ],
    )(h, w, w_hh, b_hh2)


def _gru_body(a0_ref, a1_ref, h_ref, gh_ref, wih_ref, bih_ref,
              g_ref, bt_ref, x_ref, o_ref, *, norm):
    agg = a0_ref[0] + a1_ref[0]
    gi = _dot(agg, wih_ref[...], ((1,), (1,))) + bih_ref[...]
    gh = gh_ref[...]
    h = h_ref[...]
    r = jax.nn.sigmoid(gi[:, :D] + gh[:, :D])
    z = jax.nn.sigmoid(gi[:, D:2 * D] + gh[:, D:2 * D])
    n = jnp.tanh(gi[:, 2 * D:] + r * gh[:, 2 * D:])
    hn = (1.0 - z) * n + z * h
    if norm:
        mu = jnp.mean(hn, axis=-1, keepdims=True)
        var = jnp.mean((hn - mu) ** 2, axis=-1, keepdims=True)
        hn = (hn - mu) * lax.rsqrt(var + 1e-5) * g_ref[...] + bt_ref[...]
        hn = hn + x_ref[...]
    o_ref[...] = hn


def _tc_gru(agg2, h, gh, w_ih, b_ih2, g2, bt2, x, norm):
    return pl.pallas_call(
        functools.partial(_gru_body, norm=norm),
        grid=(N // _R,),
        in_specs=[
            pl.BlockSpec((1, _R, D), lambda i: (0, i, 0)),
            pl.BlockSpec((1, _R, D), lambda i: (NC - 1, i, 0)),
            pl.BlockSpec((_R, D), lambda i: (i, 0)),
            pl.BlockSpec((_R, 3 * D), lambda i: (i, 0)),
            pl.BlockSpec((3 * D, D), lambda i: (0, 0)),
            pl.BlockSpec((1, 3 * D), lambda i: (0, 0)),
            pl.BlockSpec((1, D), lambda i: (0, 0)),
            pl.BlockSpec((1, D), lambda i: (0, 0)),
            pl.BlockSpec((_R, D), lambda i: (i, 0)),
        ],
        out_specs=pl.BlockSpec((_R, D), lambda i: (i, 0)),
        out_shape=jax.ShapeDtypeStruct((N, D), jnp.float32),
    )(agg2, agg2, h, gh, w_ih, b_ih2, g2, bt2, x)


def kernel(x, edge_index, weight, w_ih, w_hh, b_ih, b_hh, gamma, beta):
    pad = jnp.broadcast_to(
        jnp.array([[0], [N2 - 1]], dtype=jnp.int32), (2, E2 - E)
    )
    ei = jnp.concatenate([edge_index, pad], axis=1).reshape(2, NW, NCH, K)
    b_ih2 = b_ih.reshape(1, 3 * D)
    b_hh2 = b_hh.reshape(1, 3 * D)
    g2 = gamma.reshape(1, D)
    bt2 = beta.reshape(1, D)
    h = x
    for i in range(L):
        m, gh = _tc_pre(h, weight[i], w_hh, b_hh2)
        agg2 = _sc_scatter(ei, m)
        h = _tc_gru(agg2, h, gh, w_ih, b_ih2, g2, bt2, x, norm=(i == L - 1))
    return h

# --- scband reference (transcript-rebuilt; emitter-appended) ---
"""Pipeline reference for scband-view-encoder-72834055406012 (READ-ONLY COPY).

The authoritative reference and input builder live on the scoring server;
editing this copy changes nothing except your own understanding.
"""

import jax, jax.numpy as jnp
import numpy as np

N = 10000
E = 320000
D = 128
L = 4


def setup_inputs(seed: int = 0) -> dict:
    key = jax.random.key(seed)
    ks = jax.random.split(key, 10)
    x = jax.random.normal(ks[0], (N, D), dtype=jnp.float32)
    edge_index = jax.random.randint(ks[1], (2, E), 0, N, dtype=jnp.int32)
    s = 1.0 / np.sqrt(D)
    weight = jax.random.normal(ks[2], (L, D, D), dtype=jnp.float32) * s
    w_ih = jax.random.normal(ks[3], (3 * D, D), dtype=jnp.float32) * s
    w_hh = jax.random.normal(ks[4], (3 * D, D), dtype=jnp.float32) * s
    b_ih = jax.random.normal(ks[5], (3 * D,), dtype=jnp.float32) * s
    b_hh = jax.random.normal(ks[6], (3 * D,), dtype=jnp.float32) * s
    gamma = jnp.ones((D,), dtype=jnp.float32)
    beta = jnp.zeros((D,), dtype=jnp.float32)
    return {"x": x, "edge_index": edge_index, "weight": weight, "w_ih": w_ih,
            "w_hh": w_hh, "b_ih": b_ih, "b_hh": b_hh, "gamma": gamma, "beta": beta}


def _gru_cell(m, h, w_ih, w_hh, b_ih, b_hh):
    gi = m @ w_ih.T + b_ih
    gh = h @ w_hh.T + b_hh
    i_r, i_z, i_n = jnp.split(gi, 3, axis=-1)
    h_r, h_z, h_n = jnp.split(gh, 3, axis=-1)
    r = jax.nn.sigmoid(i_r + h_r)
    z = jax.nn.sigmoid(i_z + h_z)
    n = jnp.tanh(i_n + r * h_n)
    return (1.0 - z) * n + z * h


def reference(x, edge_index, weight, w_ih, w_hh, b_ih, b_hh, gamma, beta):
    # sort_edge_index (sort by row then col); sum-aggregation is permutation-invariant
    order = jnp.argsort(edge_index[0].astype(jnp.int64) * N + edge_index[1].astype(jnp.int64))
    ei = edge_index[:, order]
    src, dst = ei[0], ei[1]
    h = x  # in_channels == out_channels, no padding needed
    for i in range(L):
        m = h @ weight[i]
        # message passing: gather from src, scatter-add to dst (flow: source_to_target)
        agg = jnp.zeros((N, D), dtype=h.dtype).at[dst].add(m[src])
        h = _gru_cell(agg, h, w_ih, w_hh, b_ih, b_hh)
    # LayerNorm
    mu = jnp.mean(h, axis=-1, keepdims=True)
    var = jnp.mean((h - mu) ** 2, axis=-1, keepdims=True)
    hn = (h - mu) / jnp.sqrt(var + 1e-5) * gamma + beta
    # dropout is identity in eval mode; residual connection
    return hn + x

if __name__ == "__main__":
    import jax
    _d = setup_inputs()
    print(jax.jit(kernel)(*tuple(_d.values())))

</pallas_src>

<mosaic_0001>
#map = affine_map<(d0, d1) -> (0, 0, 0, 0)>
#map1 = affine_map<(d0, d1) -> (0, 0)>
#map2 = affine_map<(d0, d1) -> (0, 0, 0)>
module attributes {stable_mosaic.version = 14 : i64} {
  func.func @_sc_scatter(%arg0: i32, %arg1: i32, %arg2: memref<2x32x80x128xi32, #tpu.memory_space<hbm>>, %arg3: memref<10000x128xf32, #tpu.memory_space<hbm>>, %arg4: memref<2x10240x128xf32, #tpu.memory_space<hbm>>, %arg5: memref<40x128xi32, #tpu.memory_space<vmem>>, %arg6: memref<40x128xi32, #tpu.memory_space<vmem>>, %arg7: memref<128x128xf32, #tpu.memory_space<vmem>>, %arg8: memref<128x128xf32, #tpu.memory_space<vmem>>, %arg9: memref<10240x128xf32, #tpu.memory_space<vmem_shared>>, %arg10: memref<!tpu.dma_semaphore, #tpu.memory_space<semaphore_mem>>, %arg11: memref<!tpu.dma_semaphore, #tpu.memory_space<semaphore_mem>>) attributes {dimension_semantics = [#tpu.dimension_semantics<core_parallel>, #tpu.dimension_semantics<subcore_parallel>], iteration_bounds = array<i64: 2, 16>, scalar_prefetch = 0 : i64, scratch_operands = 7 : i64, tpu.core_type = #tpu.core_type<sc_vector_subcore>, window_params = [{transform_indices = #map}, {transform_indices = #map1}, {transform_indices = #map2}]} {
    %mul3A = arith.constant 2 : i32
    %mul3A_0 = arith.muli %arg1, %mul3A : i32
    %add3A = arith.addi %mul3A_0, %arg0 : i32
    %scan3A = arith.constant 0 : i32
    %scan3A_1 = arith.constant 0 : i32
    %scan3A_2 = arith.constant 128 : i32
    %scan3A_3 = arith.addi %scan3A_1, %scan3A_2 : i32
    %scan3A_4 = arith.constant 1 : i32
    scf.for %scan3A_112 = %scan3A_1 to %scan3A_3 step %scan3A_4  : i32 {
      %broadcast_in_dim3A = arith.constant 0.000000e+00 : f32
      %broadcast_in_dim3A_113 = vector.broadcast %broadcast_in_dim3A : f32 to vector<16xf32>
      %swap3A = arith.index_cast %scan3A_112 : i32 to index
      %swap3A_114 = arith.constant 0 : index
      %swap3A_115 = tpu.vector_load %arg7[%swap3A, %swap3A_114] {strides = array<i32>} : memref<128x128xf32, #tpu.memory_space<vmem>>, vector<1x16xf32>,
      %swap3A_116 = vector.shape_cast %swap3A_115 : vector<1x16xf32> to vector<16xf32>
      %swap3A_117 = vector.shape_cast %broadcast_in_dim3A_113 : vector<16xf32> to vector<1x16xf32>
      tpu.vector_store %arg7[%swap3A, %swap3A_114], %swap3A_117 {strides = array<i32>} : memref<128x128xf32, #tpu.memory_space<vmem>>, vector<1x16xf32>,
      %broadcast_in_dim3A_118 = arith.constant 0.000000e+00 : f32
      %broadcast_in_dim3A_119 = vector.broadcast %broadcast_in_dim3A_118 : f32 to vector<16xf32>
      %swap3A_120 = arith.index_cast %scan3A_112 : i32 to index
      %swap3A_121 = arith.constant 16 : index
      %swap3A_122 = tpu.vector_load %arg7[%swap3A_120, %swap3A_121] {strides = array<i32>} : memref<128x128xf32, #tpu.memory_space<vmem>>, vector<1x16xf32>,
      %swap3A_123 = vector.shape_cast %swap3A_122 : vector<1x16xf32> to vector<16xf32>
      %swap3A_124 = vector.shape_cast %broadcast_in_dim3A_119 : vector<16xf32> to vector<1x16xf32>
      tpu.vector_store %arg7[%swap3A_120, %swap3A_121], %swap3A_124 {strides = array<i32>} : memref<128x128xf32, #tpu.memory_space<vmem>>, vector<1x16xf32>,
      %broadcast_in_dim3A_125 = arith.constant 0.000000e+00 : f32
      %broadcast_in_dim3A_126 = vector.broadcast %broadcast_in_dim3A_125 : f32 to vector<16xf32>
      %swap3A_127 = arith.index_cast %scan3A_112 : i32 to index
      %swap3A_128 = arith.constant 32 : index
      %swap3A_129 = tpu.vector_load %arg7[%swap3A_127, %swap3A_128] {strides = array<i32>} : memref<128x128xf32, #tpu.memory_space<vmem>>, vector<1x16xf32>,
      %swap3A_130 = vector.shape_cast %swap3A_129 : vector<1x16xf32> to vector<16xf32>
      %swap3A_131 = vector.shape_cast %broadcast_in_dim3A_126 : vector<16xf32> to vector<1x16xf32>
      tpu.vector_store %arg7[%swap3A_127, %swap3A_128], %swap3A_131 {strides = array<i32>} : memref<128x128xf32, #tpu.memory_space<vmem>>, vector<1x16xf32>,
      %broadcast_in_dim3A_132 = arith.constant 0.000000e+00 : f32
      %broadcast_in_dim3A_133 = vector.broadcast %broadcast_in_dim3A_132 : f32 to vector<16xf32>
      %swap3A_134 = arith.index_cast %scan3A_112 : i32 to index
      %swap3A_135 = arith.constant 48 : index
      %swap3A_136 = tpu.vector_load %arg7[%swap3A_134, %swap3A_135] {strides = array<i32>} : memref<128x128xf32, #tpu.memory_space<vmem>>, vector<1x16xf32>,
      %swap3A_137 = vector.shape_cast %swap3A_136 : vector<1x16xf32> to vector<16xf32>
      %swap3A_138 = vector.shape_cast %broadcast_in_dim3A_133 : vector<16xf32> to vector<1x16xf32>
      tpu.vector_store %arg7[%swap3A_134, %swap3A_135], %swap3A_138 {strides = array<i32>} : memref<128x128xf32, #tpu.memory_space<vmem>>, vector<1x16xf32>,
      %broadcast_in_dim3A_139 = arith.constant 0.000000e+00 : f32
      %broadcast_in_dim3A_140 = vector.broadcast %broadcast_in_dim3A_139 : f32 to vector<16xf32>
      %swap3A_141 = arith.index_cast %scan3A_112 : i32 to index
      %swap3A_142 = arith.constant 64 : index
      %swap3A_143 = tpu.vector_load %arg7[%swap3A_141, %swap3A_142] {strides = array<i32>} : memref<128x128xf32, #tpu.memory_space<vmem>>, vector<1x16xf32>,
      %swap3A_144 = vector.shape_cast %swap3A_143 : vector<1x16xf32> to vector<16xf32>
      %swap3A_145 = vector.shape_cast %broadcast_in_dim3A_140 : vector<16xf32> to vector<1x16xf32>
      tpu.vector_store %arg7[%swap3A_141, %swap3A_142], %swap3A_145 {strides = array<i32>} : memref<128x128xf32, #tpu.memory_space<vmem>>, vector<1x16xf32>,
      %broadcast_in_dim3A_146 = arith.constant 0.000000e+00 : f32
      %broadcast_in_dim3A_147 = vector.broadcast %broadcast_in_dim3A_146 : f32 to vector<16xf32>
      %swap3A_148 = arith.index_cast %scan3A_112 : i32 to index
      %swap3A_149 = arith.constant 80 : index
      %swap3A_150 = tpu.vector_load %arg7[%swap3A_148, %swap3A_149] {strides = array<i32>} : memref<128x128xf32, #tpu.memory_space<vmem>>, vector<1x16xf32>,
      %swap3A_151 = vector.shape_cast %swap3A_150 : vector<1x16xf32> to vector<16xf32>
      %swap3A_152 = vector.shape_cast %broadcast_in_dim3A_147 : vector<16xf32> to vector<1x16xf32>
      tpu.vector_store %arg7[%swap3A_148, %swap3A_149], %swap3A_152 {strides = array<i32>} : memref<128x128xf32, #tpu.memory_space<vmem>>, vector<1x16xf32>,
      %broadcast_in_dim3A_153 = arith.constant 0.000000e+00 : f32
      %broadcast_in_dim3A_154 = vector.broadcast %broadcast_in_dim3A_153 : f32 to vector<16xf32>
      %swap3A_155 = arith.index_cast %scan3A_112 : i32 to index
      %swap3A_156 = arith.constant 96 : index
      %swap3A_157 = tpu.vector_load %arg7[%swap3A_155, %swap3A_156] {strides = array<i32>} : memref<128x128xf32, #tpu.memory_space<vmem>>, vector<1x16xf32>,
      %swap3A_158 = vector.shape_cast %swap3A_157 : vector<1x16xf32> to vector<16xf32>
      %swap3A_159 = vector.shape_cast %broadcast_in_dim3A_154 : vector<16xf32> to vector<1x16xf32>
      tpu.vector_store %arg7[%swap3A_155, %swap3A_156], %swap3A_159 {strides = array<i32>} : memref<128x128xf32, #tpu.memory_space<vmem>>, vector<1x16xf32>,
      %broadcast_in_dim3A_160 = arith.constant 0.000000e+00 : f32
      %broadcast_in_dim3A_161 = vector.broadcast %broadcast_in_dim3A_160 : f32 to vector<16xf32>
      %swap3A_162 = arith.index_cast %scan3A_112 : i32 to index
      %swap3A_163 = arith.constant 112 : index
      %swap3A_164 = tpu.vector_load %arg7[%swap3A_162, %swap3A_163] {strides = array<i32>} : memref<128x128xf32, #tpu.memory_space<vmem>>, vector<1x16xf32>,
      %swap3A_165 = vector.shape_cast %swap3A_164 : vector<1x16xf32> to vector<16xf32>
      %swap3A_166 = vector.shape_cast %broadcast_in_dim3A_161 : vector<16xf32> to vector<1x16xf32>
      tpu.vector_store %arg7[%swap3A_162, %swap3A_163], %swap3A_166 {strides = array<i32>} : memref<128x128xf32, #tpu.memory_space<vmem>>, vector<1x16xf32>,
    }
    %scan3A_5 = arith.constant 128 : i32
    %mul3A_6 = arith.constant 640 : i32
    %mul3A_7 = arith.muli %arg1, %mul3A_6 : i32
    %multiple_of3A = tpu.assume_multiple %mul3A_7, 128 : i32
    %add3A_8 = arith.constant 0 : i32
    %add3A_9 = arith.addi %multiple_of3A, %add3A_8 : i32
    "tpu.region"() ({
      %run_scoped3A_112 = tpu.sem_alloc : memref<!tpu.dma_semaphore, #tpu.memory_space<semaphore_mem>>
      %dma_start3A_113 = arith.constant 0 : i32
      %dma_start3A_114 = tpu.memref_slice %arg9[%add3A_9, %dma_start3A_113] : memref<10240x128xf32, #tpu.memory_space<vmem_shared>> -> memref<128x128xf32, #tpu.memory_space<vmem_shared>>
      %dma_start3A_115 = arith.constant 0 : i32
      %dma_start3A_116 = tpu.memref_slice %arg9[%add3A_9, %dma_start3A_115] : memref<10240x128xf32, #tpu.memory_space<vmem_shared>> -> memref<128x128xf32, #tpu.memory_space<vmem_shared>>
      tpu.enqueue_dma source(%arg7 : memref<128x128xf32, #tpu.memory_space<vmem>>) target(%dma_start3A_116 : memref<128x128xf32, #tpu.memory_space<vmem_shared>>) target_semaphore(%run_scoped3A_112 : memref<!tpu.dma_semaphore, #tpu.memory_space<semaphore_mem>>)
      %dma_wait3A_117 = arith.constant 0 : i32
      %dma_wait3A_118 = tpu.memref_slice %arg9[%add3A_9, %dma_wait3A_117] : memref<10240x128xf32, #tpu.memory_space<vmem_shared>> -> memref<128x128xf32, #tpu.memory_space<vmem_shared>>
      %dma_wait3A_119 = arith.constant 0 : i32
      %dma_wait3A_120 = tpu.memref_slice %arg9[%add3A_9, %dma_wait3A_119] : memref<10240x128xf32, #tpu.memory_space<vmem_shared>> -> memref<128x128xf32, #tpu.memory_space<vmem_shared>>
      tpu.wait_dma2 semaphore(%run_scoped3A_112 : memref<!tpu.dma_semaphore, #tpu.memory_space<semaphore_mem>>) src(%arg7 : memref<128x128xf32, #tpu.memory_space<vmem>>) dst(%dma_wait3A_120 : memref<128x128xf32, #tpu.memory_space<vmem_shared>>)
      tpu.yield
    }) : () -> ()
    %add3A_10 = arith.constant 128 : i32
    %add3A_11 = arith.addi %multiple_of3A, %add3A_10 : i32
    "tpu.region"() ({
      %run_scoped3A_112 = tpu.sem_alloc : memref<!tpu.dma_semaphore, #tpu.memory_space<semaphore_mem>>
      %dma_start3A_113 = arith.constant 0 : i32
      %dma_start3A_114 = tpu.memref_slice %arg9[%add3A_11, %dma_start3A_113] : memref<10240x128xf32, #tpu.memory_space<vmem_shared>> -> memref<128x128xf32, #tpu.memory_space<vmem_shared>>
      %dma_start3A_115 = arith.constant 0 : i32
      %dma_start3A_116 = tpu.memref_slice %arg9[%add3A_11, %dma_start3A_115] : memref<10240x128xf32, #tpu.memory_space<vmem_shared>> -> memref<128x128xf32, #tpu.memory_space<vmem_shared>>
      tpu.enqueue_dma source(%arg7 : memref<128x128xf32, #tpu.memory_space<vmem>>) target(%dma_start3A_116 : memref<128x128xf32, #tpu.memory_space<vmem_shared>>) target_semaphore(%run_scoped3A_112 : memref<!tpu.dma_semaphore, #tpu.memory_space<semaphore_mem>>)
      %dma_wait3A_117 = arith.constant 0 : i32
      %dma_wait3A_118 = tpu.memref_slice %arg9[%add3A_11, %dma_wait3A_117] : memref<10240x128xf32, #tpu.memory_space<vmem_shared>> -> memref<128x128xf32, #tpu.memory_space<vmem_shared>>
      %dma_wait3A_119 = arith.constant 0 : i32
      %dma_wait3A_120 = tpu.memref_slice %arg9[%add3A_11, %dma_wait3A_119] : memref<10240x128xf32, #tpu.memory_space<vmem_shared>> -> memref<128x128xf32, #tpu.memory_space<vmem_shared>>
      tpu.wait_dma2 semaphore(%run_scoped3A_112 : memref<!tpu.dma_semaphore, #tpu.memory_space<semaphore_mem>>) src(%arg7 : memref<128x128xf32, #tpu.memory_space<vmem>>) dst(%dma_wait3A_120 : memref<128x128xf32, #tpu.memory_space<vmem_shared>>)
      tpu.yield
    }) : () -> ()
    %add3A_12 = arith.constant 256 : i32
    %add3A_13 = arith.addi %multiple_of3A, %add3A_12 : i32
    "tpu.region"() ({
      %run_scoped3A_112 = tpu.sem_alloc : memref<!tpu.dma_semaphore, #tpu.memory_space<semaphore_mem>>
      %dma_start3A_113 = arith.constant 0 : i32
      %dma_start3A_114 = tpu.memref_slice %arg9[%add3A_13, %dma_start3A_113] : memref<10240x128xf32, #tpu.memory_space<vmem_shared>> -> memref<128x128xf32, #tpu.memory_space<vmem_shared>>
      %dma_start3A_115 = arith.constant 0 : i32
      %dma_start3A_116 = tpu.memref_slice %arg9[%add3A_13, %dma_start3A_115] : memref<10240x128xf32, #tpu.memory_space<vmem_shared>> -> memref<128x128xf32, #tpu.memory_space<vmem_shared>>
      tpu.enqueue_dma source(%arg7 : memref<128x128xf32, #tpu.memory_space<vmem>>) target(%dma_start3A_116 : memref<128x128xf32, #tpu.memory_space<vmem_shared>>) target_semaphore(%run_scoped3A_112 : memref<!tpu.dma_semaphore, #tpu.memory_space<semaphore_mem>>)
      %dma_wait3A_117 = arith.constant 0 : i32
      %dma_wait3A_118 = tpu.memref_slice %arg9[%add3A_13, %dma_wait3A_117] : memref<10240x128xf32, #tpu.memory_space<vmem_shared>> -> memref<128x128xf32, #tpu.memory_space<vmem_shared>>
      %dma_wait3A_119 = arith.constant 0 : i32
      %dma_wait3A_120 = tpu.memref_slice %arg9[%add3A_13, %dma_wait3A_119] : memref<10240x128xf32, #tpu.memory_space<vmem_shared>> -> memref<128x128xf32, #tpu.memory_space<vmem_shared>>
      tpu.wait_dma2 semaphore(%run_scoped3A_112 : memref<!tpu.dma_semaphore, #tpu.memory_space<semaphore_mem>>) src(%arg7 : memref<128x128xf32, #tpu.memory_space<vmem>>) dst(%dma_wait3A_120 : memref<128x128xf32, #tpu.memory_space<vmem_shared>>)
      tpu.yield
    }) : () -> ()
    %add3A_14 = arith.constant 384 : i32
    %add3A_15 = arith.addi %multiple_of3A, %add3A_14 : i32
    "tpu.region"() ({
      %run_scoped3A_112 = tpu.sem_alloc : memref<!tpu.dma_semaphore, #tpu.memory_space<semaphore_mem>>
      %dma_start3A_113 = arith.constant 0 : i32
      %dma_start3A_114 = tpu.memref_slice %arg9[%add3A_15, %dma_start3A_113] : memref<10240x128xf32, #tpu.memory_space<vmem_shared>> -> memref<128x128xf32, #tpu.memory_space<vmem_shared>>
      %dma_start3A_115 = arith.constant 0 : i32
      %dma_start3A_116 = tpu.memref_slice %arg9[%add3A_15, %dma_start3A_115] : memref<10240x128xf32, #tpu.memory_space<vmem_shared>> -> memref<128x128xf32, #tpu.memory_space<vmem_shared>>
      tpu.enqueue_dma source(%arg7 : memref<128x128xf32, #tpu.memory_space<vmem>>) target(%dma_start3A_116 : memref<128x128xf32, #tpu.memory_space<vmem_shared>>) target_semaphore(%run_scoped3A_112 : memref<!tpu.dma_semaphore, #tpu.memory_space<semaphore_mem>>)
      %dma_wait3A_117 = arith.constant 0 : i32
      %dma_wait3A_118 = tpu.memref_slice %arg9[%add3A_15, %dma_wait3A_117] : memref<10240x128xf32, #tpu.memory_space<vmem_shared>> -> memref<128x128xf32, #tpu.memory_space<vmem_shared>>
      %dma_wait3A_119 = arith.constant 0 : i32
      %dma_wait3A_120 = tpu.memref_slice %arg9[%add3A_15, %dma_wait3A_119] : memref<10240x128xf32, #tpu.memory_space<vmem_shared>> -> memref<128x128xf32, #tpu.memory_space<vmem_shared>>
      tpu.wait_dma2 semaphore(%run_scoped3A_112 : memref<!tpu.dma_semaphore, #tpu.memory_space<semaphore_mem>>) src(%arg7 : memref<128x128xf32, #tpu.memory_space<vmem>>) dst(%dma_wait3A_120 : memref<128x128xf32, #tpu.memory_space<vmem_shared>>)
      tpu.yield
    }) : () -> ()
    %add3A_16 = arith.constant 512 : i32
    %add3A_17 = arith.addi %multiple_of3A, %add3A_16 : i32
    "tpu.region"() ({
      %run_scoped3A_112 = tpu.sem_alloc : memref<!tpu.dma_semaphore, #tpu.memory_space<semaphore_mem>>
      %dma_start3A_113 = arith.constant 0 : i32
      %dma_start3A_114 = tpu.memref_slice %arg9[%add3A_17, %dma_start3A_113] : memref<10240x128xf32, #tpu.memory_space<vmem_shared>> -> memref<128x128xf32, #tpu.memory_space<vmem_shared>>
      %dma_start3A_115 = arith.constant 0 : i32
      %dma_start3A_116 = tpu.memref_slice %arg9[%add3A_17, %dma_start3A_115] : memref<10240x128xf32, #tpu.memory_space<vmem_shared>> -> memref<128x128xf32, #tpu.memory_space<vmem_shared>>
      tpu.enqueue_dma source(%arg7 : memref<128x128xf32, #tpu.memory_space<vmem>>) target(%dma_start3A_116 : memref<128x128xf32, #tpu.memory_space<vmem_shared>>) target_semaphore(%run_scoped3A_112 : memref<!tpu.dma_semaphore, #tpu.memory_space<semaphore_mem>>)
      %dma_wait3A_117 = arith.constant 0 : i32
      %dma_wait3A_118 = tpu.memref_slice %arg9[%add3A_17, %dma_wait3A_117] : memref<10240x128xf32, #tpu.memory_space<vmem_shared>> -> memref<128x128xf32, #tpu.memory_space<vmem_shared>>
      %dma_wait3A_119 = arith.constant 0 : i32
      %dma_wait3A_120 = tpu.memref_slice %arg9[%add3A_17, %dma_wait3A_119] : memref<10240x128xf32, #tpu.memory_space<vmem_shared>> -> memref<128x128xf32, #tpu.memory_space<vmem_shared>>
      tpu.wait_dma2 semaphore(%run_scoped3A_112 : memref<!tpu.dma_semaphore, #tpu.memory_space<semaphore_mem>>) src(%arg7 : memref<128x128xf32, #tpu.memory_space<vmem>>) dst(%dma_wait3A_120 : memref<128x128xf32, #tpu.memory_space<vmem_shared>>)
      tpu.yield
    }) : () -> ()
    %barrier3A = arith.constant 0 : index
    tpu.barrier barrier_id(%barrier3A)
    %run_scoped3A = arith.constant 0 : i32
    "tpu.region"() ({
      %run_scoped3A_112 = tpu.sem_alloc : memref<!tpu.dma_semaphore, #tpu.memory_space<semaphore_mem>>
      %dma_start3A_113 = arith.constant 0 : i32
      %dma_start3A_114 = arith.constant 0 : i32
      %dma_start3A_115 = tpu.memref_slice %arg2[%run_scoped3A, %add3A, %dma_start3A_113, %dma_start3A_114] : memref<2x32x80x128xi32, #tpu.memory_space<hbm>> -> memref<1x1x40x128xi32, #tpu.memory_space<hbm>>
      %dma_start3A_116 = tpu.memref_squeeze %dma_start3A_115 : memref<1x1x40x128xi32, #tpu.memory_space<hbm>> -> memref<40x128xi32, #tpu.memory_space<hbm>>
      %dma_start3A_117 = arith.constant 0 : i32
      %dma_start3A_118 = arith.constant 0 : i32
      %dma_start3A_119 = tpu.memref_slice %arg2[%run_scoped3A, %add3A, %dma_start3A_117, %dma_start3A_118] : memref<2x32x80x128xi32, #tpu.memory_space<hbm>> -> memref<1x1x40x128xi32, #tpu.memory_space<hbm>>
      %dma_start3A_120 = tpu.memref_squeeze %dma_start3A_119 : memref<1x1x40x128xi32, #tpu.memory_space<hbm>> -> memref<40x128xi32, #tpu.memory_space<hbm>>
      tpu.enqueue_dma source(%dma_start3A_120 : memref<40x128xi32, #tpu.memory_space<hbm>>) target(%arg5 : memref<40x128xi32, #tpu.memory_space<vmem>>) target_semaphore(%run_scoped3A_112 : memref<!tpu.dma_semaphore, #tpu.memory_space<semaphore_mem>>)
      %dma_wait3A_121 = arith.constant 0 : i32
      %dma_wait3A_122 = arith.constant 0 : i32
      %dma_wait3A_123 = tpu.memref_slice %arg2[%run_scoped3A, %add3A, %dma_wait3A_121, %dma_wait3A_122] : memref<2x32x80x128xi32, #tpu.memory_space<hbm>> -> memref<1x1x40x128xi32, #tpu.memory_space<hbm>>
      %dma_wait3A_124 = tpu.memref_squeeze %dma_wait3A_123 : memref<1x1x40x128xi32, #tpu.memory_space<hbm>> -> memref<40x128xi32, #tpu.memory_space<hbm>>
      %dma_wait3A_125 = arith.constant 0 : i32
      %dma_wait3A_126 = arith.constant 0 : i32
      %dma_wait3A_127 = tpu.memref_slice %arg2[%run_scoped3A, %add3A, %dma_wait3A_125, %dma_wait3A_126] : memref<2x32x80x128xi32, #tpu.memory_space<hbm>> -> memref<1x1x40x128xi32, #tpu.memory_space<hbm>>
      %dma_wait3A_128 = tpu.memref_squeeze %dma_wait3A_127 : memref<1x1x40x128xi32, #tpu.memory_space<hbm>> -> memref<40x128xi32, #tpu.memory_space<hbm>>
      tpu.wait_dma2 semaphore(%run_scoped3A_112 : memref<!tpu.dma_semaphore, #tpu.memory_space<semaphore_mem>>) src(%dma_wait3A_128 : memref<40x128xi32, #tpu.memory_space<hbm>>) dst(%arg5 : memref<40x128xi32, #tpu.memory_space<vmem>>)
      tpu.yield
    }) : () -> ()
    %run_scoped3A_18 = arith.constant 1 : i32
    "tpu.region"() ({
      %run_scoped3A_112 = tpu.sem_alloc : memref<!tpu.dma_semaphore, #tpu.memory_space<semaphore_mem>>
      %dma_start3A_113 = arith.constant 0 : i32
      %dma_start3A_114 = arith.constant 0 : i32
      %dma_start3A_115 = tpu.memref_slice %arg2[%run_scoped3A_18, %add3A, %dma_start3A_113, %dma_start3A_114] : memref<2x32x80x128xi32, #tpu.memory_space<hbm>> -> memref<1x1x40x128xi32, #tpu.memory_space<hbm>>
      %dma_start3A_116 = tpu.memref_squeeze %dma_start3A_115 : memref<1x1x40x128xi32, #tpu.memory_space<hbm>> -> memref<40x128xi32, #tpu.memory_space<hbm>>
      %dma_start3A_117 = arith.constant 0 : i32
      %dma_start3A_118 = arith.constant 0 : i32
      %dma_start3A_119 = tpu.memref_slice %arg2[%run_scoped3A_18, %add3A, %dma_start3A_117, %dma_start3A_118] : memref<2x32x80x128xi32, #tpu.memory_space<hbm>> -> memref<1x1x40x128xi32, #tpu.memory_space<hbm>>
      %dma_start3A_120 = tpu.memref_squeeze %dma_start3A_119 : memref<1x1x40x128xi32, #tpu.memory_space<hbm>> -> memref<40x128xi32, #tpu.memory_space<hbm>>
      tpu.enqueue_dma source(%dma_start3A_120 : memref<40x128xi32, #tpu.memory_space<hbm>>) target(%arg6 : memref<40x128xi32, #tpu.memory_space<vmem>>) target_semaphore(%run_scoped3A_112 : memref<!tpu.dma_semaphore, #tpu.memory_space<semaphore_mem>>)
      %dma_wait3A_121 = arith.constant 0 : i32
      %dma_wait3A_122 = arith.constant 0 : i32
      %dma_wait3A_123 = tpu.memref_slice %arg2[%run_scoped3A_18, %add3A, %dma_wait3A_121, %dma_wait3A_122] : memref<2x32x80x128xi32, #tpu.memory_space<hbm>> -> memref<1x1x40x128xi32, #tpu.memory_space<hbm>>
      %dma_wait3A_124 = tpu.memref_squeeze %dma_wait3A_123 : memref<1x1x40x128xi32, #tpu.memory_space<hbm>> -> memref<40x128xi32, #tpu.memory_space<hbm>>
      %dma_wait3A_125 = arith.constant 0 : i32
      %dma_wait3A_126 = arith.constant 0 : i32
      %dma_wait3A_127 = tpu.memref_slice %arg2[%run_scoped3A_18, %add3A, %dma_wait3A_125, %dma_wait3A_126] : memref<2x32x80x128xi32, #tpu.memory_space<hbm>> -> memref<1x1x40x128xi32, #tpu.memory_space<hbm>>
      %dma_wait3A_128 = tpu.memref_squeeze %dma_wait3A_127 : memref<1x1x40x128xi32, #tpu.memory_space<hbm>> -> memref<40x128xi32, #tpu.memory_space<hbm>>
      tpu.wait_dma2 semaphore(%run_scoped3A_112 : memref<!tpu.dma_semaphore, #tpu.memory_space<semaphore_mem>>) src(%dma_wait3A_128 : memref<40x128xi32, #tpu.memory_space<hbm>>) dst(%arg6 : memref<40x128xi32, #tpu.memory_space<vmem>>)
      tpu.yield
    }) : () -> ()
    %dma_start3A = arith.constant 0 : i32
    %dma_start3A_19 = arith.constant 0 : i32
    %dma_start3A_20 = tpu.memref_slice %arg5[%dma_start3A, %dma_start3A_19] : memref<40x128xi32, #tpu.memory_space<vmem>> -> memref<1x128xi32, #tpu.memory_space<vmem>>
    %dma_start3A_21 = tpu.memref_squeeze %dma_start3A_20 : memref<1x128xi32, #tpu.memory_space<vmem>> -> memref<128xi32, #tpu.memory_space<vmem>>
    %dma_start3A_22 = arith.constant 0 : i32
    %dma_start3A_23 = arith.constant 0 : i32
    %dma_start3A_24 = tpu.memref_slice %arg3[%dma_start3A_22, %dma_start3A_23] : memref<10000x128xf32, #tpu.memory_space<hbm>> -> memref<10000x128xf32, #tpu.memory_space<hbm>>
    tpu.enqueue_indirect_dma source(%dma_start3A_24 : memref<10000x128xf32, #tpu.memory_space<hbm>>) target(%arg7 : memref<128x128xf32, #tpu.memory_space<vmem>>) offsets(%dma_start3A_21 : memref<128xi32, #tpu.memory_space<vmem>>) semaphore(%arg10 : memref<!tpu.dma_semaphore, #tpu.memory_space<semaphore_mem>>)
    %dma_start3A_25 = arith.constant 1 : i32
    %dma_start3A_26 = arith.constant 0 : i32
    %dma_start3A_27 = tpu.memref_slice %arg5[%dma_start3A_25, %dma_start3A_26] : memref<40x128xi32, #tpu.memory_space<vmem>> -> memref<1x128xi32, #tpu.memory_space<vmem>>
    %dma_start3A_28 = tpu.memref_squeeze %dma_start3A_27 : memref<1x128xi32, #tpu.memory_space<vmem>> -> memref<128xi32, #tpu.memory_space<vmem>>
    %dma_start3A_29 = arith.constant 0 : i32
    %dma_start3A_30 = arith.constant 0 : i32
    %dma_start3A_31 = tpu.memref_slice %arg3[%dma_start3A_29, %dma_start3A_30] : memref<10000x128xf32, #tpu.memory_space<hbm>> -> memref<10000x128xf32, #tpu.memory_space<hbm>>
    tpu.enqueue_indirect_dma source(%dma_start3A_31 : memref<10000x128xf32, #tpu.memory_space<hbm>>) target(%arg8 : memref<128x128xf32, #tpu.memory_space<vmem>>) offsets(%dma_start3A_28 : memref<128xi32, #tpu.memory_space<vmem>>) semaphore(%arg11 : memref<!tpu.dma_semaphore, #tpu.memory_space<semaphore_mem>>)
    %scan3A_32 = arith.constant 0 : i32
    %scan3A_33 = arith.constant 0 : i32
    %scan3A_34 = arith.constant 19 : i32
    %scan3A_35 = arith.addi %scan3A_33, %scan3A_34 : i32
    %scan3A_36 = arith.constant 1 : i32
    scf.for %scan3A_112 = %scan3A_33 to %scan3A_35 step %scan3A_36  : i32 {
      %mul3A_113 = arith.constant 2 : i32
      %mul3A_114 = arith.muli %mul3A_113, %scan3A_112 : i32
      %dma_wait3A_115 = arith.constant 0 : i32
      %dma_wait3A_116 = tpu.memref_slice %arg5[%mul3A_114, %dma_wait3A_115] : memref<40x128xi32, #tpu.memory_space<vmem>> -> memref<1x128xi32, #tpu.memory_space<vmem>>
      %dma_wait3A_117 = tpu.memref_squeeze %dma_wait3A_116 : memref<1x128xi32, #tpu.memory_space<vmem>> -> memref<128xi32, #tpu.memory_space<vmem>>
      %dma_wait3A_118 = arith.constant 0 : i32
      %dma_wait3A_119 = arith.constant 0 : i32
      %dma_wait3A_120 = tpu.memref_slice %arg3[%dma_wait3A_118, %dma_wait3A_119] : memref<10000x128xf32, #tpu.memory_space<hbm>> -> memref<10000x128xf32, #tpu.memory_space<hbm>>
      tpu.wait_indirect_dma semaphore(%arg10 : memref<!tpu.dma_semaphore, #tpu.memory_space<semaphore_mem>>) src(%dma_wait3A_120 : memref<10000x128xf32, #tpu.memory_space<hbm>>) dst(%arg7 : memref<128x128xf32, #tpu.memory_space<vmem>>)
      "tpu.region"() ({
        %run_scoped3A_147 = tpu.sem_alloc : memref<!tpu.dma_semaphore, #tpu.memory_space<semaphore_mem>>
        %dma_start3A_148 = arith.constant 0 : i32
        %dma_start3A_149 = tpu.memref_slice %arg6[%mul3A_114, %dma_start3A_148] : memref<40x128xi32, #tpu.memory_space<vmem>> -> memref<1x128xi32, #tpu.memory_space<vmem>>
        %dma_start3A_150 = tpu.memref_squeeze %dma_start3A_149 : memref<1x128xi32, #tpu.memory_space<vmem>> -> memref<128xi32, #tpu.memory_space<vmem>>
        %dma_start3A_151 = arith.constant 0 : i32
        %dma_start3A_152 = arith.constant 0 : i32
        %dma_start3A_153 = tpu.memref_slice %arg9[%dma_start3A_151, %dma_start3A_152] : memref<10240x128xf32, #tpu.memory_space<vmem_shared>> -> memref<10240x128xf32, #tpu.memory_space<vmem_shared>>
        tpu.enqueue_indirect_dma source(%arg7 : memref<128x128xf32, #tpu.memory_space<vmem>>) target(%dma_start3A_153 : memref<10240x128xf32, #tpu.memory_space<vmem_shared>>) offsets(%dma_start3A_150 : memref<128xi32, #tpu.memory_space<vmem>>) semaphore(%run_scoped3A_147 : memref<!tpu.dma_semaphore, #tpu.memory_space<semaphore_mem>>) {add = true}
        %dma_wait3A_154 = arith.constant 0 : i32
        %dma_wait3A_155 = tpu.memref_slice %arg6[%mul3A_114, %dma_wait3A_154] : memref<40x128xi32, #tpu.memory_space<vmem>> -> memref<1x128xi32, #tpu.memory_space<vmem>>
        %dma_wait3A_156 = tpu.memref_squeeze %dma_wait3A_155 : memref<1x128xi32, #tpu.memory_space<vmem>> -> memref<128xi32, #tpu.memory_space<vmem>>
        %dma_wait3A_157 = arith.constant 0 : i32
        %dma_wait3A_158 = arith.constant 0 : i32
        %dma_wait3A_159 = tpu.memref_slice %arg9[%dma_wait3A_157, %dma_wait3A_158] : memref<10240x128xf32, #tpu.memory_space<vmem_shared>> -> memref<10240x128xf32, #tpu.memory_space<vmem_shared>>
        tpu.wait_indirect_dma semaphore(%run_scoped3A_147 : memref<!tpu.dma_semaphore, #tpu.memory_space<semaphore_mem>>) src(%arg7 : memref<128x128xf32, #tpu.memory_space<vmem>>) dst(%dma_wait3A_159 : memref<10240x128xf32, #tpu.memory_space<vmem_shared>>)
        tpu.yield
      }) : () -> ()
      %add3A_121 = arith.constant 2 : i32
      %add3A_122 = arith.addi %mul3A_114, %add3A_121 : i32
      %dma_start3A_123 = arith.constant 0 : i32
      %dma_start3A_124 = tpu.memref_slice %arg5[%add3A_122, %dma_start3A_123] : memref<40x128xi32, #tpu.memory_space<vmem>> -> memref<1x128xi32, #tpu.memory_space<vmem>>
      %dma_start3A_125 = tpu.memref_squeeze %dma_start3A_124 : memref<1x128xi32, #tpu.memory_space<vmem>> -> memref<128xi32, #tpu.memory_space<vmem>>
      %dma_start3A_126 = arith.constant 0 : i32
      %dma_start3A_127 = arith.constant 0 : i32
      %dma_start3A_128 = tpu.memref_slice %arg3[%dma_start3A_126, %dma_start3A_127] : memref<10000x128xf32, #tpu.memory_space<hbm>> -> memref<10000x128xf32, #tpu.memory_space<hbm>>
      tpu.enqueue_indirect_dma source(%dma_start3A_128 : memref<10000x128xf32, #tpu.memory_space<hbm>>) target(%arg7 : memref<128x128xf32, #tpu.memory_space<vmem>>) offsets(%dma_start3A_125 : memref<128xi32, #tpu.memory_space<vmem>>) semaphore(%arg10 : memref<!tpu.dma_semaphore, #tpu.memory_space<semaphore_mem>>)
      %add3A_129 = arith.constant 1 : i32
      %add3A_130 = arith.addi %mul3A_114, %add3A_129 : i32
      %dma_wait3A_131 = arith.constant 0 : i32
      %dma_wait3A_132 = tpu.memref_slice %arg5[%add3A_130, %dma_wait3A_131] : memref<40x128xi32, #tpu.memory_space<vmem>> -> memref<1x128xi32, #tpu.memory_space<vmem>>
      %dma_wait3A_133 = tpu.memref_squeeze %dma_wait3A_132 : memref<1x128xi32, #tpu.memory_space<vmem>> -> memref<128xi32, #tpu.memory_space<vmem>>
      %dma_wait3A_134 = arith.constant 0 : i32
      %dma_wait3A_135 = arith.constant 0 : i32
      %dma_wait3A_136 = tpu.memref_slice %arg3[%dma_wait3A_134, %dma_wait3A_135] : memref<10000x128xf32, #tpu.memory_space<hbm>> -> memref<10000x128xf32, #tpu.memory_space<hbm>>
      tpu.wait_indirect_dma semaphore(%arg11 : memref<!tpu.dma_semaphore, #tpu.memory_space<semaphore_mem>>) src(%dma_wait3A_136 : memref<10000x128xf32, #tpu.memory_space<hbm>>) dst(%arg8 : memref<128x128xf32, #tpu.memory_space<vmem>>)
      %add3A_137 = arith.constant 1 : i32
      %add3A_138 = arith.addi %mul3A_114, %add3A_137 : i32
      "tpu.region"() ({
        %run_scoped3A_147 = tpu.sem_alloc : memref<!tpu.dma_semaphore, #tpu.memory_space<semaphore_mem>>
        %dma_start3A_148 = arith.constant 0 : i32
        %dma_start3A_149 = tpu.memref_slice %arg6[%add3A_138, %dma_start3A_148] : memref<40x128xi32, #tpu.memory_space<vmem>> -> memref<1x128xi32, #tpu.memory_space<vmem>>
        %dma_start3A_150 = tpu.memref_squeeze %dma_start3A_149 : memref<1x128xi32, #tpu.memory_space<vmem>> -> memref<128xi32, #tpu.memory_space<vmem>>
        %dma_start3A_151 = arith.constant 0 : i32
        %dma_start3A_152 = arith.constant 0 : i32
        %dma_start3A_153 = tpu.memref_slice %arg9[%dma_start3A_151, %dma_start3A_152] : memref<10240x128xf32, #tpu.memory_space<vmem_shared>> -> memref<10240x128xf32, #tpu.memory_space<vmem_shared>>
        tpu.enqueue_indirect_dma source(%arg8 : memref<128x128xf32, #tpu.memory_space<vmem>>) target(%dma_start3A_153 : memref<10240x128xf32, #tpu.memory_space<vmem_shared>>) offsets(%dma_start3A_150 : memref<128xi32, #tpu.memory_space<vmem>>) semaphore(%run_scoped3A_147 : memref<!tpu.dma_semaphore, #tpu.memory_space<semaphore_mem>>) {add = true}
        %dma_wait3A_154 = arith.constant 0 : i32
        %dma_wait3A_155 = tpu.memref_slice %arg6[%add3A_138, %dma_wait3A_154] : memref<40x128xi32, #tpu.memory_space<vmem>> -> memref<1x128xi32, #tpu.memory_space<vmem>>
        %dma_wait3A_156 = tpu.memref_squeeze %dma_wait3A_155 : memref<1x128xi32, #tpu.memory_space<vmem>> -> memref<128xi32, #tpu.memory_space<vmem>>
        %dma_wait3A_157 = arith.constant 0 : i32
        %dma_wait3A_158 = arith.constant 0 : i32
        %dma_wait3A_159 = tpu.memref_slice %arg9[%dma_wait3A_157, %dma_wait3A_158] : memref<10240x128xf32, #tpu.memory_space<vmem_shared>> -> memref<10240x128xf32, #tpu.memory_space<vmem_shared>>
        tpu.wait_indirect_dma semaphore(%run_scoped3A_147 : memref<!tpu.dma_semaphore, #tpu.memory_space<semaphore_mem>>) src(%arg8 : memref<128x128xf32, #tpu.memory_space<vmem>>) dst(%dma_wait3A_159 : memref<10240x128xf32, #tpu.memory_space<vmem_shared>>)
        tpu.yield
      }) : () -> ()
      %add3A_139 = arith.constant 3 : i32
      %add3A_140 = arith.addi %mul3A_114, %add3A_139 : i32
      %dma_start3A_141 = arith.constant 0 : i32
      %dma_start3A_142 = tpu.memref_slice %arg5[%add3A_140, %dma_start3A_141] : memref<40x128xi32, #tpu.memory_space<vmem>> -> memref<1x128xi32, #tpu.memory_space<vmem>>
      %dma_start3A_143 = tpu.memref_squeeze %dma_start3A_142 : memref<1x128xi32, #tpu.memory_space<vmem>> -> memref<128xi32, #tpu.memory_space<vmem>>
      %dma_start3A_144 = arith.constant 0 : i32
      %dma_start3A_145 = arith.constant 0 : i32
      %dma_start3A_146 = tpu.memref_slice %arg3[%dma_start3A_144, %dma_start3A_145] : memref<10000x128xf32, #tpu.memory_space<hbm>> -> memref<10000x128xf32, #tpu.memory_space<hbm>>
      tpu.enqueue_indirect_dma source(%dma_start3A_146 : memref<10000x128xf32, #tpu.memory_space<hbm>>) target(%arg8 : memref<128x128xf32, #tpu.memory_space<vmem>>) offsets(%dma_start3A_143 : memref<128xi32, #tpu.memory_space<vmem>>) semaphore(%arg11 : memref<!tpu.dma_semaphore, #tpu.memory_space<semaphore_mem>>)
    }
    %scan3A_37 = arith.constant 19 : i32
    %dma_wait3A = arith.constant 38 : i32
    %dma_wait3A_38 = arith.constant 0 : i32
    %dma_wait3A_39 = tpu.memref_slice %arg5[%dma_wait3A, %dma_wait3A_38] : memref<40x128xi32, #tpu.memory_space<vmem>> -> memref<1x128xi32, #tpu.memory_space<vmem>>
    %dma_wait3A_40 = tpu.memref_squeeze %dma_wait3A_39 : memref<1x128xi32, #tpu.memory_space<vmem>> -> memref<128xi32, #tpu.memory_space<vmem>>
    %dma_wait3A_41 = arith.constant 0 : i32
    %dma_wait3A_42 = arith.constant 0 : i32
    %dma_wait3A_43 = tpu.memref_slice %arg3[%dma_wait3A_41, %dma_wait3A_42] : memref<10000x128xf32, #tpu.memory_space<hbm>> -> memref<10000x128xf32, #tpu.memory_space<hbm>>
    tpu.wait_indirect_dma semaphore(%arg10 : memref<!tpu.dma_semaphore, #tpu.memory_space<semaphore_mem>>) src(%dma_wait3A_43 : memref<10000x128xf32, #tpu.memory_space<hbm>>) dst(%arg7 : memref<128x128xf32, #tpu.memory_space<vmem>>)
    %run_scoped3A_44 = arith.constant 38 : i32
    "tpu.region"() ({
      %run_scoped3A_112 = tpu.sem_alloc : memref<!tpu.dma_semaphore, #tpu.memory_space<semaphore_mem>>
      %dma_start3A_113 = arith.constant 0 : i32
      %dma_start3A_114 = tpu.memref_slice %arg6[%run_scoped3A_44, %dma_start3A_113] : memref<40x128xi32, #tpu.memory_space<vmem>> -> memref<1x128xi32, #tpu.memory_space<vmem>>
      %dma_start3A_115 = tpu.memref_squeeze %dma_start3A_114 : memref<1x128xi32, #tpu.memory_space<vmem>> -> memref<128xi32, #tpu.memory_space<vmem>>
      %dma_start3A_116 = arith.constant 0 : i32
      %dma_start3A_117 = arith.constant 0 : i32
      %dma_start3A_118 = tpu.memref_slice %arg9[%dma_start3A_116, %dma_start3A_117] : memref<10240x128xf32, #tpu.memory_space<vmem_shared>> -> memref<10240x128xf32, #tpu.memory_space<vmem_shared>>
      tpu.enqueue_indirect_dma source(%arg7 : memref<128x128xf32, #tpu.memory_space<vmem>>) target(%dma_start3A_118 : memref<10240x128xf32, #tpu.memory_space<vmem_shared>>) offsets(%dma_start3A_115 : memref<128xi32, #tpu.memory_space<vmem>>) semaphore(%run_scoped3A_112 : memref<!tpu.dma_semaphore, #tpu.memory_space<semaphore_mem>>) {add = true}
      %dma_wait3A_119 = arith.constant 0 : i32
      %dma_wait3A_120 = tpu.memref_slice %arg6[%run_scoped3A_44, %dma_wait3A_119] : memref<40x128xi32, #tpu.memory_space<vmem>> -> memref<1x128xi32, #tpu.memory_space<vmem>>
      %dma_wait3A_121 = tpu.memref_squeeze %dma_wait3A_120 : memref<1x128xi32, #tpu.memory_space<vmem>> -> memref<128xi32, #tpu.memory_space<vmem>>
      %dma_wait3A_122 = arith.constant 0 : i32
      %dma_wait3A_123 = arith.constant 0 : i32
      %dma_wait3A_124 = tpu.memref_slice %arg9[%dma_wait3A_122, %dma_wait3A_123] : memref<10240x128xf32, #tpu.memory_space<vmem_shared>> -> memref<10240x128xf32, #tpu.memory_space<vmem_shared>>
      tpu.wait_indirect_dma semaphore(%run_scoped3A_112 : memref<!tpu.dma_semaphore, #tpu.memory_space<semaphore_mem>>) src(%arg7 : memref<128x128xf32, #tpu.memory_space<vmem>>) dst(%dma_wait3A_124 : memref<10240x128xf32, #tpu.memory_space<vmem_shared>>)
      tpu.yield
    }) : () -> ()
    %dma_wait3A_45 = arith.constant 39 : i32
    %dma_wait3A_46 = arith.constant 0 : i32
    %dma_wait3A_47 = tpu.memref_slice %arg5[%dma_wait3A_45, %dma_wait3A_46] : memref<40x128xi32, #tpu.memory_space<vmem>> -> memref<1x128xi32, #tpu.memory_space<vmem>>
    %dma_wait3A_48 = tpu.memref_squeeze %dma_wait3A_47 : memref<1x128xi32, #tpu.memory_space<vmem>> -> memref<128xi32, #tpu.memory_space<vmem>>
    %dma_wait3A_49 = arith.constant 0 : i32
    %dma_wait3A_50 = arith.constant 0 : i32
    %dma_wait3A_51 = tpu.memref_slice %arg3[%dma_wait3A_49, %dma_wait3A_50] : memref<10000x128xf32, #tpu.memory_space<hbm>> -> memref<10000x128xf32, #tpu.memory_space<hbm>>
    tpu.wait_indirect_dma semaphore(%arg11 : memref<!tpu.dma_semaphore, #tpu.memory_space<semaphore_mem>>) src(%dma_wait3A_51 : memref<10000x128xf32, #tpu.memory_space<hbm>>) dst(%arg8 : memref<128x128xf32, #tpu.memory_space<vmem>>)
    %run_scoped3A_52 = arith.constant 39 : i32
    "tpu.region"() ({
      %run_scoped3A_112 = tpu.sem_alloc : memref<!tpu.dma_semaphore, #tpu.memory_space<semaphore_mem>>
      %dma_start3A_113 = arith.constant 0 : i32
      %dma_start3A_114 = tpu.memref_slice %arg6[%run_scoped3A_52, %dma_start3A_113] : memref<40x128xi32, #tpu.memory_space<vmem>> -> memref<1x128xi32, #tpu.memory_space<vmem>>
      %dma_start3A_115 = tpu.memref_squeeze %dma_start3A_114 : memref<1x128xi32, #tpu.memory_space<vmem>> -> memref<128xi32, #tpu.memory_space<vmem>>
      %dma_start3A_116 = arith.constant 0 : i32
      %dma_start3A_117 = arith.constant 0 : i32
      %dma_start3A_118 = tpu.memref_slice %arg9[%dma_start3A_116, %dma_start3A_117] : memref<10240x128xf32, #tpu.memory_space<vmem_shared>> -> memref<10240x128xf32, #tpu.memory_space<vmem_shared>>
      tpu.enqueue_indirect_dma source(%arg8 : memref<128x128xf32, #tpu.memory_space<vmem>>) target(%dma_start3A_118 : memref<10240x128xf32, #tpu.memory_space<vmem_shared>>) offsets(%dma_start3A_115 : memref<128xi32, #tpu.memory_space<vmem>>) semaphore(%run_scoped3A_112 : memref<!tpu.dma_semaphore, #tpu.memory_space<semaphore_mem>>) {add = true}
      %dma_wait3A_119 = arith.constant 0 : i32
      %dma_wait3A_120 = tpu.memref_slice %arg6[%run_scoped3A_52, %dma_wait3A_119] : memref<40x128xi32, #tpu.memory_space<vmem>> -> memref<1x128xi32, #tpu.memory_space<vmem>>
      %dma_wait3A_121 = tpu.memref_squeeze %dma_wait3A_120 : memref<1x128xi32, #tpu.memory_space<vmem>> -> memref<128xi32, #tpu.memory_space<vmem>>
      %dma_wait3A_122 = arith.constant 0 : i32
      %dma_wait3A_123 = arith.constant 0 : i32
      %dma_wait3A_124 = tpu.memref_slice %arg9[%dma_wait3A_122, %dma_wait3A_123] : memref<10240x128xf32, #tpu.memory_space<vmem_shared>> -> memref<10240x128xf32, #tpu.memory_space<vmem_shared>>
      tpu.wait_indirect_dma semaphore(%run_scoped3A_112 : memref<!tpu.dma_semaphore, #tpu.memory_space<semaphore_mem>>) src(%arg8 : memref<128x128xf32, #tpu.memory_space<vmem>>) dst(%dma_wait3A_124 : memref<10240x128xf32, #tpu.memory_space<vmem_shared>>)
      tpu.yield
    }) : () -> ()
    %run_scoped3A_53 = arith.constant 0 : i32
    "tpu.region"() ({
      %run_scoped3A_112 = tpu.sem_alloc : memref<!tpu.dma_semaphore, #tpu.memory_space<semaphore_mem>>
      %dma_start3A_113 = arith.constant 40 : i32
      %dma_start3A_114 = arith.constant 0 : i32
      %dma_start3A_115 = tpu.memref_slice %arg2[%run_scoped3A_53, %add3A, %dma_start3A_113, %dma_start3A_114] : memref<2x32x80x128xi32, #tpu.memory_space<hbm>> -> memref<1x1x40x128xi32, #tpu.memory_space<hbm>>
      %dma_start3A_116 = tpu.memref_squeeze %dma_start3A_115 : memref<1x1x40x128xi32, #tpu.memory_space<hbm>> -> memref<40x128xi32, #tpu.memory_space<hbm>>
      %dma_start3A_117 = arith.constant 40 : i32
      %dma_start3A_118 = arith.constant 0 : i32
      %dma_start3A_119 = tpu.memref_slice %arg2[%run_scoped3A_53, %add3A, %dma_start3A_117, %dma_start3A_118] : memref<2x32x80x128xi32, #tpu.memory_space<hbm>> -> memref<1x1x40x128xi32, #tpu.memory_space<hbm>>
      %dma_start3A_120 = tpu.memref_squeeze %dma_start3A_119 : memref<1x1x40x128xi32, #tpu.memory_space<hbm>> -> memref<40x128xi32, #tpu.memory_space<hbm>>
      tpu.enqueue_dma source(%dma_start3A_120 : memref<40x128xi32, #tpu.memory_space<hbm>>) target(%arg5 : memref<40x128xi32, #tpu.memory_space<vmem>>) target_semaphore(%run_scoped3A_112 : memref<!tpu.dma_semaphore, #tpu.memory_space<semaphore_mem>>)
      %dma_wait3A_121 = arith.constant 40 : i32
      %dma_wait3A_122 = arith.constant 0 : i32
      %dma_wait3A_123 = tpu.memref_slice %arg2[%run_scoped3A_53, %add3A, %dma_wait3A_121, %dma_wait3A_122] : memref<2x32x80x128xi32, #tpu.memory_space<hbm>> -> memref<1x1x40x128xi32, #tpu.memory_space<hbm>>
      %dma_wait3A_124 = tpu.memref_squeeze %dma_wait3A_123 : memref<1x1x40x128xi32, #tpu.memory_space<hbm>> -> memref<40x128xi32, #tpu.memory_space<hbm>>
      %dma_wait3A_125 = arith.constant 40 : i32
      %dma_wait3A_126 = arith.constant 0 : i32
      %dma_wait3A_127 = tpu.memref_slice %arg2[%run_scoped3A_53, %add3A, %dma_wait3A_125, %dma_wait3A_126] : memref<2x32x80x128xi32, #tpu.memory_space<hbm>> -> memref<1x1x40x128xi32, #tpu.memory_space<hbm>>
      %dma_wait3A_128 = tpu.memref_squeeze %dma_wait3A_127 : memref<1x1x40x128xi32, #tpu.memory_space<hbm>> -> memref<40x128xi32, #tpu.memory_space<hbm>>
      tpu.wait_dma2 semaphore(%run_scoped3A_112 : memref<!tpu.dma_semaphore, #tpu.memory_space<semaphore_mem>>) src(%dma_wait3A_128 : memref<40x128xi32, #tpu.memory_space<hbm>>) dst(%arg5 : memref<40x128xi32, #tpu.memory_space<vmem>>)
      tpu.yield
    }) : () -> ()
    %run_scoped3A_54 = arith.constant 1 : i32
    "tpu.region"() ({
      %run_scoped3A_112 = tpu.sem_alloc : memref<!tpu.dma_semaphore, #tpu.memory_space<semaphore_mem>>
      %dma_start3A_113 = arith.constant 40 : i32
      %dma_start3A_114 = arith.constant 0 : i32
      %dma_start3A_115 = tpu.memref_slice %arg2[%run_scoped3A_54, %add3A, %dma_start3A_113, %dma_start3A_114] : memref<2x32x80x128xi32, #tpu.memory_space<hbm>> -> memref<1x1x40x128xi32, #tpu.memory_space<hbm>>
      %dma_start3A_116 = tpu.memref_squeeze %dma_start3A_115 : memref<1x1x40x128xi32, #tpu.memory_space<hbm>> -> memref<40x128xi32, #tpu.memory_space<hbm>>
      %dma_start3A_117 = arith.constant 40 : i32
      %dma_start3A_118 = arith.constant 0 : i32
      %dma_start3A_119 = tpu.memref_slice %arg2[%run_scoped3A_54, %add3A, %dma_start3A_117, %dma_start3A_118] : memref<2x32x80x128xi32, #tpu.memory_space<hbm>> -> memref<1x1x40x128xi32, #tpu.memory_space<hbm>>
      %dma_start3A_120 = tpu.memref_squeeze %dma_start3A_119 : memref<1x1x40x128xi32, #tpu.memory_space<hbm>> -> memref<40x128xi32, #tpu.memory_space<hbm>>
      tpu.enqueue_dma source(%dma_start3A_120 : memref<40x128xi32, #tpu.memory_space<hbm>>) target(%arg6 : memref<40x128xi32, #tpu.memory_space<vmem>>) target_semaphore(%run_scoped3A_112 : memref<!tpu.dma_semaphore, #tpu.memory_space<semaphore_mem>>)
      %dma_wait3A_121 = arith.constant 40 : i32
      %dma_wait3A_122 = arith.constant 0 : i32
      %dma_wait3A_123 = tpu.memref_slice %arg2[%run_scoped3A_54, %add3A, %dma_wait3A_121, %dma_wait3A_122] : memref<2x32x80x128xi32, #tpu.memory_space<hbm>> -> memref<1x1x40x128xi32, #tpu.memory_space<hbm>>
      %dma_wait3A_124 = tpu.memref_squeeze %dma_wait3A_123 : memref<1x1x40x128xi32, #tpu.memory_space<hbm>> -> memref<40x128xi32, #tpu.memory_space<hbm>>
      %dma_wait3A_125 = arith.constant 40 : i32
      %dma_wait3A_126 = arith.constant 0 : i32
      %dma_wait3A_127 = tpu.memref_slice %arg2[%run_scoped3A_54, %add3A, %dma_wait3A_125, %dma_wait3A_126] : memref<2x32x80x128xi32, #tpu.memory_space<hbm>> -> memref<1x1x40x128xi32, #tpu.memory_space<hbm>>
      %dma_wait3A_128 = tpu.memref_squeeze %dma_wait3A_127 : memref<1x1x40x128xi32, #tpu.memory_space<hbm>> -> memref<40x128xi32, #tpu.memory_space<hbm>>
      tpu.wait_dma2 semaphore(%run_scoped3A_112 : memref<!tpu.dma_semaphore, #tpu.memory_space<semaphore_mem>>) src(%dma_wait3A_128 : memref<40x128xi32, #tpu.memory_space<hbm>>) dst(%arg6 : memref<40x128xi32, #tpu.memory_space<vmem>>)
      tpu.yield
    }) : () -> ()
    %dma_start3A_55 = arith.constant 0 : i32
    %dma_start3A_56 = arith.constant 0 : i32
    %dma_start3A_57 = tpu.memref_slice %arg5[%dma_start3A_55, %dma_start3A_56] : memref<40x128xi32, #tpu.memory_space<vmem>> -> memref<1x128xi32, #tpu.memory_space<vmem>>
    %dma_start3A_58 = tpu.memref_squeeze %dma_start3A_57 : memref<1x128xi32, #tpu.memory_space<vmem>> -> memref<128xi32, #tpu.memory_space<vmem>>
    %dma_start3A_59 = arith.constant 0 : i32
    %dma_start3A_60 = arith.constant 0 : i32
    %dma_start3A_61 = tpu.memref_slice %arg3[%dma_start3A_59, %dma_start3A_60] : memref<10000x128xf32, #tpu.memory_space<hbm>> -> memref<10000x128xf32, #tpu.memory_space<hbm>>
    tpu.enqueue_indirect_dma source(%dma_start3A_61 : memref<10000x128xf32, #tpu.memory_space<hbm>>) target(%arg7 : memref<128x128xf32, #tpu.memory_space<vmem>>) offsets(%dma_start3A_58 : memref<128xi32, #tpu.memory_space<vmem>>) semaphore(%arg10 : memref<!tpu.dma_semaphore, #tpu.memory_space<semaphore_mem>>)
    %dma_start3A_62 = arith.constant 1 : i32
    %dma_start3A_63 = arith.constant 0 : i32
    %dma_start3A_64 = tpu.memref_slice %arg5[%dma_start3A_62, %dma_start3A_63] : memref<40x128xi32, #tpu.memory_space<vmem>> -> memref<1x128xi32, #tpu.memory_space<vmem>>
    %dma_start3A_65 = tpu.memref_squeeze %dma_start3A_64 : memref<1x128xi32, #tpu.memory_space<vmem>> -> memref<128xi32, #tpu.memory_space<vmem>>
    %dma_start3A_66 = arith.constant 0 : i32
    %dma_start3A_67 = arith.constant 0 : i32
    %dma_start3A_68 = tpu.memref_slice %arg3[%dma_start3A_66, %dma_start3A_67] : memref<10000x128xf32, #tpu.memory_space<hbm>> -> memref<10000x128xf32, #tpu.memory_space<hbm>>
    tpu.enqueue_indirect_dma source(%dma_start3A_68 : memref<10000x128xf32, #tpu.memory_space<hbm>>) target(%arg8 : memref<128x128xf32, #tpu.memory_space<vmem>>) offsets(%dma_start3A_65 : memref<128xi32, #tpu.memory_space<vmem>>) semaphore(%arg11 : memref<!tpu.dma_semaphore, #tpu.memory_space<semaphore_mem>>)
    %scan3A_69 = arith.constant 0 : i32
    %scan3A_70 = arith.constant 0 : i32
    %scan3A_71 = arith.constant 19 : i32
    %scan3A_72 = arith.addi %scan3A_70, %scan3A_71 : i32
    %scan3A_73 = arith.constant 1 : i32
    scf.for %scan3A_112 = %scan3A_70 to %scan3A_72 step %scan3A_73  : i32 {
      %mul3A_113 = arith.constant 2 : i32
      %mul3A_114 = arith.muli %mul3A_113, %scan3A_112 : i32
      %dma_wait3A_115 = arith.constant 0 : i32
      %dma_wait3A_116 = tpu.memref_slice %arg5[%mul3A_114, %dma_wait3A_115] : memref<40x128xi32, #tpu.memory_space<vmem>> -> memref<1x128xi32, #tpu.memory_space<vmem>>
      %dma_wait3A_117 = tpu.memref_squeeze %dma_wait3A_116 : memref<1x128xi32, #tpu.memory_space<vmem>> -> memref<128xi32, #tpu.memory_space<vmem>>
      %dma_wait3A_118 = arith.constant 0 : i32
      %dma_wait3A_119 = arith.constant 0 : i32
      %dma_wait3A_120 = tpu.memref_slice %arg3[%dma_wait3A_118, %dma_wait3A_119] : memref<10000x128xf32, #tpu.memory_space<hbm>> -> memref<10000x128xf32, #tpu.memory_space<hbm>>
      tpu.wait_indirect_dma semaphore(%arg10 : memref<!tpu.dma_semaphore, #tpu.memory_space<semaphore_mem>>) src(%dma_wait3A_120 : memref<10000x128xf32, #tpu.memory_space<hbm>>) dst(%arg7 : memref<128x128xf32, #tpu.memory_space<vmem>>)
      "tpu.region"() ({
        %run_scoped3A_147 = tpu.sem_alloc : memref<!tpu.dma_semaphore, #tpu.memory_space<semaphore_mem>>
        %dma_start3A_148 = arith.constant 0 : i32
        %dma_start3A_149 = tpu.memref_slice %arg6[%mul3A_114, %dma_start3A_148] : memref<40x128xi32, #tpu.memory_space<vmem>> -> memref<1x128xi32, #tpu.memory_space<vmem>>
        %dma_start3A_150 = tpu.memref_squeeze %dma_start3A_149 : memref<1x128xi32, #tpu.memory_space<vmem>> -> memref<128xi32, #tpu.memory_space<vmem>>
        %dma_start3A_151 = arith.constant 0 : i32
        %dma_start3A_152 = arith.constant 0 : i32
        %dma_start3A_153 = tpu.memref_slice %arg9[%dma_start3A_151, %dma_start3A_152] : memref<10240x128xf32, #tpu.memory_space<vmem_shared>> -> memref<10240x128xf32, #tpu.memory_space<vmem_shared>>
        tpu.enqueue_indirect_dma source(%arg7 : memref<128x128xf32, #tpu.memory_space<vmem>>) target(%dma_start3A_153 : memref<10240x128xf32, #tpu.memory_space<vmem_shared>>) offsets(%dma_start3A_150 : memref<128xi32, #tpu.memory_space<vmem>>) semaphore(%run_scoped3A_147 : memref<!tpu.dma_semaphore, #tpu.memory_space<semaphore_mem>>) {add = true}
        %dma_wait3A_154 = arith.constant 0 : i32
        %dma_wait3A_155 = tpu.memref_slice %arg6[%mul3A_114, %dma_wait3A_154] : memref<40x128xi32, #tpu.memory_space<vmem>> -> memref<1x128xi32, #tpu.memory_space<vmem>>
        %dma_wait3A_156 = tpu.memref_squeeze %dma_wait3A_155 : memref<1x128xi32, #tpu.memory_space<vmem>> -> memref<128xi32, #tpu.memory_space<vmem>>
        %dma_wait3A_157 = arith.constant 0 : i32
        %dma_wait3A_158 = arith.constant 0 : i32
        %dma_wait3A_159 = tpu.memref_slice %arg9[%dma_wait3A_157, %dma_wait3A_158] : memref<10240x128xf32, #tpu.memory_space<vmem_shared>> -> memref<10240x128xf32, #tpu.memory_space<vmem_shared>>
        tpu.wait_indirect_dma semaphore(%run_scoped3A_147 : memref<!tpu.dma_semaphore, #tpu.memory_space<semaphore_mem>>) src(%arg7 : memref<128x128xf32, #tpu.memory_space<vmem>>) dst(%dma_wait3A_159 : memref<10240x128xf32, #tpu.memory_space<vmem_shared>>)
        tpu.yield
      }) : () -> ()
      %add3A_121 = arith.constant 2 : i32
      %add3A_122 = arith.addi %mul3A_114, %add3A_121 : i32
      %dma_start3A_123 = arith.constant 0 : i32
      %dma_start3A_124 = tpu.memref_slice %arg5[%add3A_122, %dma_start3A_123] : memref<40x128xi32, #tpu.memory_space<vmem>> -> memref<1x128xi32, #tpu.memory_space<vmem>>
      %dma_start3A_125 = tpu.memref_squeeze %dma_start3A_124 : memref<1x128xi32, #tpu.memory_space<vmem>> -> memref<128xi32, #tpu.memory_space<vmem>>
      %dma_start3A_126 = arith.constant 0 : i32
      %dma_start3A_127 = arith.constant 0 : i32
      %dma_start3A_128 = tpu.memref_slice %arg3[%dma_start3A_126, %dma_start3A_127] : memref<10000x128xf32, #tpu.memory_space<hbm>> -> memref<10000x128xf32, #tpu.memory_space<hbm>>
      tpu.enqueue_indirect_dma source(%dma_start3A_128 : memref<10000x128xf32, #tpu.memory_space<hbm>>) target(%arg7 : memref<128x128xf32, #tpu.memory_space<vmem>>) offsets(%dma_start3A_125 : memref<128xi32, #tpu.memory_space<vmem>>) semaphore(%arg10 : memref<!tpu.dma_semaphore, #tpu.memory_space<semaphore_mem>>)
      %add3A_129 = arith.constant 1 : i32
      %add3A_130 = arith.addi %mul3A_114, %add3A_129 : i32
      %dma_wait3A_131 = arith.constant 0 : i32
      %dma_wait3A_132 = tpu.memref_slice %arg5[%add3A_130, %dma_wait3A_131] : memref<40x128xi32, #tpu.memory_space<vmem>> -> memref<1x128xi32, #tpu.memory_space<vmem>>
      %dma_wait3A_133 = tpu.memref_squeeze %dma_wait3A_132 : memref<1x128xi32, #tpu.memory_space<vmem>> -> memref<128xi32, #tpu.memory_space<vmem>>
      %dma_wait3A_134 = arith.constant 0 : i32
      %dma_wait3A_135 = arith.constant 0 : i32
      %dma_wait3A_136 = tpu.memref_slice %arg3[%dma_wait3A_134, %dma_wait3A_135] : memref<10000x128xf32, #tpu.memory_space<hbm>> -> memref<10000x128xf32, #tpu.memory_space<hbm>>
      tpu.wait_indirect_dma semaphore(%arg11 : memref<!tpu.dma_semaphore, #tpu.memory_space<semaphore_mem>>) src(%dma_wait3A_136 : memref<10000x128xf32, #tpu.memory_space<hbm>>) dst(%arg8 : memref<128x128xf32, #tpu.memory_space<vmem>>)
      %add3A_137 = arith.constant 1 : i32
      %add3A_138 = arith.addi %mul3A_114, %add3A_137 : i32
      "tpu.region"() ({
        %run_scoped3A_147 = tpu.sem_alloc : memref<!tpu.dma_semaphore, #tpu.memory_space<semaphore_mem>>
        %dma_start3A_148 = arith.constant 0 : i32
        %dma_start3A_149 = tpu.memref_slice %arg6[%add3A_138, %dma_start3A_148] : memref<40x128xi32, #tpu.memory_space<vmem>> -> memref<1x128xi32, #tpu.memory_space<vmem>>
        %dma_start3A_150 = tpu.memref_squeeze %dma_start3A_149 : memref<1x128xi32, #tpu.memory_space<vmem>> -> memref<128xi32, #tpu.memory_space<vmem>>
        %dma_start3A_151 = arith.constant 0 : i32
        %dma_start3A_152 = arith.constant 0 : i32
        %dma_start3A_153 = tpu.memref_slice %arg9[%dma_start3A_151, %dma_start3A_152] : memref<10240x128xf32, #tpu.memory_space<vmem_shared>> -> memref<10240x128xf32, #tpu.memory_space<vmem_shared>>
        tpu.enqueue_indirect_dma source(%arg8 : memref<128x128xf32, #tpu.memory_space<vmem>>) target(%dma_start3A_153 : memref<10240x128xf32, #tpu.memory_space<vmem_shared>>) offsets(%dma_start3A_150 : memref<128xi32, #tpu.memory_space<vmem>>) semaphore(%run_scoped3A_147 : memref<!tpu.dma_semaphore, #tpu.memory_space<semaphore_mem>>) {add = true}
        %dma_wait3A_154 = arith.constant 0 : i32
        %dma_wait3A_155 = tpu.memref_slice %arg6[%add3A_138, %dma_wait3A_154] : memref<40x128xi32, #tpu.memory_space<vmem>> -> memref<1x128xi32, #tpu.memory_space<vmem>>
        %dma_wait3A_156 = tpu.memref_squeeze %dma_wait3A_155 : memref<1x128xi32, #tpu.memory_space<vmem>> -> memref<128xi32, #tpu.memory_space<vmem>>
        %dma_wait3A_157 = arith.constant 0 : i32
        %dma_wait3A_158 = arith.constant 0 : i32
        %dma_wait3A_159 = tpu.memref_slice %arg9[%dma_wait3A_157, %dma_wait3A_158] : memref<10240x128xf32, #tpu.memory_space<vmem_shared>> -> memref<10240x128xf32, #tpu.memory_space<vmem_shared>>
        tpu.wait_indirect_dma semaphore(%run_scoped3A_147 : memref<!tpu.dma_semaphore, #tpu.memory_space<semaphore_mem>>) src(%arg8 : memref<128x128xf32, #tpu.memory_space<vmem>>) dst(%dma_wait3A_159 : memref<10240x128xf32, #tpu.memory_space<vmem_shared>>)
        tpu.yield
      }) : () -> ()
      %add3A_139 = arith.constant 3 : i32
      %add3A_140 = arith.addi %mul3A_114, %add3A_139 : i32
      %dma_start3A_141 = arith.constant 0 : i32
      %dma_start3A_142 = tpu.memref_slice %arg5[%add3A_140, %dma_start3A_141] : memref<40x128xi32, #tpu.memory_space<vmem>> -> memref<1x128xi32, #tpu.memory_space<vmem>>
      %dma_start3A_143 = tpu.memref_squeeze %dma_start3A_142 : memref<1x128xi32, #tpu.memory_space<vmem>> -> memref<128xi32, #tpu.memory_space<vmem>>
      %dma_start3A_144 = arith.constant 0 : i32
      %dma_start3A_145 = arith.constant 0 : i32
      %dma_start3A_146 = tpu.memref_slice %arg3[%dma_start3A_144, %dma_start3A_145] : memref<10000x128xf32, #tpu.memory_space<hbm>> -> memref<10000x128xf32, #tpu.memory_space<hbm>>
      tpu.enqueue_indirect_dma source(%dma_start3A_146 : memref<10000x128xf32, #tpu.memory_space<hbm>>) target(%arg8 : memref<128x128xf32, #tpu.memory_space<vmem>>) offsets(%dma_start3A_143 : memref<128xi32, #tpu.memory_space<vmem>>) semaphore(%arg11 : memref<!tpu.dma_semaphore, #tpu.memory_space<semaphore_mem>>)
    }
    %scan3A_74 = arith.constant 19 : i32
    %dma_wait3A_75 = arith.constant 38 : i32
    %dma_wait3A_76 = arith.constant 0 : i32
    %dma_wait3A_77 = tpu.memref_slice %arg5[%dma_wait3A_75, %dma_wait3A_76] : memref<40x128xi32, #tpu.memory_space<vmem>> -> memref<1x128xi32, #tpu.memory_space<vmem>>
    %dma_wait3A_78 = tpu.memref_squeeze %dma_wait3A_77 : memref<1x128xi32, #tpu.memory_space<vmem>> -> memref<128xi32, #tpu.memory_space<vmem>>
    %dma_wait3A_79 = arith.constant 0 : i32
    %dma_wait3A_80 = arith.constant 0 : i32
    %dma_wait3A_81 = tpu.memref_slice %arg3[%dma_wait3A_79, %dma_wait3A_80] : memref<10000x128xf32, #tpu.memory_space<hbm>> -> memref<10000x128xf32, #tpu.memory_space<hbm>>
    tpu.wait_indirect_dma semaphore(%arg10 : memref<!tpu.dma_semaphore, #tpu.memory_space<semaphore_mem>>) src(%dma_wait3A_81 : memref<10000x128xf32, #tpu.memory_space<hbm>>) dst(%arg7 : memref<128x128xf32, #tpu.memory_space<vmem>>)
    %run_scoped3A_82 = arith.constant 38 : i32
    "tpu.region"() ({
      %run_scoped3A_112 = tpu.sem_alloc : memref<!tpu.dma_semaphore, #tpu.memory_space<semaphore_mem>>
      %dma_start3A_113 = arith.constant 0 : i32
      %dma_start3A_114 = tpu.memref_slice %arg6[%run_scoped3A_82, %dma_start3A_113] : memref<40x128xi32, #tpu.memory_space<vmem>> -> memref<1x128xi32, #tpu.memory_space<vmem>>
      %dma_start3A_115 = tpu.memref_squeeze %dma_start3A_114 : memref<1x128xi32, #tpu.memory_space<vmem>> -> memref<128xi32, #tpu.memory_space<vmem>>
      %dma_start3A_116 = arith.constant 0 : i32
      %dma_start3A_117 = arith.constant 0 : i32
      %dma_start3A_118 = tpu.memref_slice %arg9[%dma_start3A_116, %dma_start3A_117] : memref<10240x128xf32, #tpu.memory_space<vmem_shared>> -> memref<10240x128xf32, #tpu.memory_space<vmem_shared>>
      tpu.enqueue_indirect_dma source(%arg7 : memref<128x128xf32, #tpu.memory_space<vmem>>) target(%dma_start3A_118 : memref<10240x128xf32, #tpu.memory_space<vmem_shared>>) offsets(%dma_start3A_115 : memref<128xi32, #tpu.memory_space<vmem>>) semaphore(%run_scoped3A_112 : memref<!tpu.dma_semaphore, #tpu.memory_space<semaphore_mem>>) {add = true}
      %dma_wait3A_119 = arith.constant 0 : i32
      %dma_wait3A_120 = tpu.memref_slice %arg6[%run_scoped3A_82, %dma_wait3A_119] : memref<40x128xi32, #tpu.memory_space<vmem>> -> memref<1x128xi32, #tpu.memory_space<vmem>>
      %dma_wait3A_121 = tpu.memref_squeeze %dma_wait3A_120 : memref<1x128xi32, #tpu.memory_space<vmem>> -> memref<128xi32, #tpu.memory_space<vmem>>
      %dma_wait3A_122 = arith.constant 0 : i32
      %dma_wait3A_123 = arith.constant 0 : i32
      %dma_wait3A_124 = tpu.memref_slice %arg9[%dma_wait3A_122, %dma_wait3A_123] : memref<10240x128xf32, #tpu.memory_space<vmem_shared>> -> memref<10240x128xf32, #tpu.memory_space<vmem_shared>>
      tpu.wait_indirect_dma semaphore(%run_scoped3A_112 : memref<!tpu.dma_semaphore, #tpu.memory_space<semaphore_mem>>) src(%arg7 : memref<128x128xf32, #tpu.memory_space<vmem>>) dst(%dma_wait3A_124 : memref<10240x128xf32, #tpu.memory_space<vmem_shared>>)
      tpu.yield
    }) : () -> ()
    %dma_wait3A_83 = arith.constant 39 : i32
    %dma_wait3A_84 = arith.constant 0 : i32
    %dma_wait3A_85 = tpu.memref_slice %arg5[%dma_wait3A_83, %dma_wait3A_84] : memref<40x128xi32, #tpu.memory_space<vmem>> -> memref<1x128xi32, #tpu.memory_space<vmem>>
    %dma_wait3A_86 = tpu.memref_squeeze %dma_wait3A_85 : memref<1x128xi32, #tpu.memory_space<vmem>> -> memref<128xi32, #tpu.memory_space<vmem>>
    %dma_wait3A_87 = arith.constant 0 : i32
    %dma_wait3A_88 = arith.constant 0 : i32
    %dma_wait3A_89 = tpu.memref_slice %arg3[%dma_wait3A_87, %dma_wait3A_88] : memref<10000x128xf32, #tpu.memory_space<hbm>> -> memref<10000x128xf32, #tpu.memory_space<hbm>>
    tpu.wait_indirect_dma semaphore(%arg11 : memref<!tpu.dma_semaphore, #tpu.memory_space<semaphore_mem>>) src(%dma_wait3A_89 : memref<10000x128xf32, #tpu.memory_space<hbm>>) dst(%arg8 : memref<128x128xf32, #tpu.memory_space<vmem>>)
    %run_scoped3A_90 = arith.constant 39 : i32
    "tpu.region"() ({
      %run_scoped3A_112 = tpu.sem_alloc : memref<!tpu.dma_semaphore, #tpu.memory_space<semaphore_mem>>
      %dma_start3A_113 = arith.constant 0 : i32
      %dma_start3A_114 = tpu.memref_slice %arg6[%run_scoped3A_90, %dma_start3A_113] : memref<40x128xi32, #tpu.memory_space<vmem>> -> memref<1x128xi32, #tpu.memory_space<vmem>>
      %dma_start3A_115 = tpu.memref_squeeze %dma_start3A_114 : memref<1x128xi32, #tpu.memory_space<vmem>> -> memref<128xi32, #tpu.memory_space<vmem>>
      %dma_start3A_116 = arith.constant 0 : i32
      %dma_start3A_117 = arith.constant 0 : i32
      %dma_start3A_118 = tpu.memref_slice %arg9[%dma_start3A_116, %dma_start3A_117] : memref<10240x128xf32, #tpu.memory_space<vmem_shared>> -> memref<10240x128xf32, #tpu.memory_space<vmem_shared>>
      tpu.enqueue_indirect_dma source(%arg8 : memref<128x128xf32, #tpu.memory_space<vmem>>) target(%dma_start3A_118 : memref<10240x128xf32, #tpu.memory_space<vmem_shared>>) offsets(%dma_start3A_115 : memref<128xi32, #tpu.memory_space<vmem>>) semaphore(%run_scoped3A_112 : memref<!tpu.dma_semaphore, #tpu.memory_space<semaphore_mem>>) {add = true}
      %dma_wait3A_119 = arith.constant 0 : i32
      %dma_wait3A_120 = tpu.memref_slice %arg6[%run_scoped3A_90, %dma_wait3A_119] : memref<40x128xi32, #tpu.memory_space<vmem>> -> memref<1x128xi32, #tpu.memory_space<vmem>>
      %dma_wait3A_121 = tpu.memref_squeeze %dma_wait3A_120 : memref<1x128xi32, #tpu.memory_space<vmem>> -> memref<128xi32, #tpu.memory_space<vmem>>
      %dma_wait3A_122 = arith.constant 0 : i32
      %dma_wait3A_123 = arith.constant 0 : i32
      %dma_wait3A_124 = tpu.memref_slice %arg9[%dma_wait3A_122, %dma_wait3A_123] : memref<10240x128xf32, #tpu.memory_space<vmem_shared>> -> memref<10240x128xf32, #tpu.memory_space<vmem_shared>>
      tpu.wait_indirect_dma semaphore(%run_scoped3A_112 : memref<!tpu.dma_semaphore, #tpu.memory_space<semaphore_mem>>) src(%arg8 : memref<128x128xf32, #tpu.memory_space<vmem>>) dst(%dma_wait3A_124 : memref<10240x128xf32, #tpu.memory_space<vmem_shared>>)
      tpu.yield
    }) : () -> ()
    %barrier3A_91 = arith.constant 0 : index
    tpu.barrier barrier_id(%barrier3A_91)
    %add3A_92 = arith.constant 0 : i32
    %add3A_93 = arith.addi %multiple_of3A, %add3A_92 : i32
    "tpu.region"() ({
      %run_scoped3A_112 = tpu.sem_alloc : memref<!tpu.dma_semaphore, #tpu.memory_space<semaphore_mem>>
      %dma_start3A_113 = arith.constant 0 : i32
      %dma_start3A_114 = tpu.memref_slice %arg9[%add3A_93, %dma_start3A_113] : memref<10240x128xf32, #tpu.memory_space<vmem_shared>> -> memref<128x128xf32, #tpu.memory_space<vmem_shared>>
      %dma_start3A_115 = arith.constant 0 : i32
      %dma_start3A_116 = tpu.memref_slice %arg9[%add3A_93, %dma_start3A_115] : memref<10240x128xf32, #tpu.memory_space<vmem_shared>> -> memref<128x128xf32, #tpu.memory_space<vmem_shared>>
      tpu.enqueue_dma source(%dma_start3A_116 : memref<128x128xf32, #tpu.memory_space<vmem_shared>>) target(%arg7 : memref<128x128xf32, #tpu.memory_space<vmem>>) target_semaphore(%run_scoped3A_112 : memref<!tpu.dma_semaphore, #tpu.memory_space<semaphore_mem>>)
      %dma_wait3A_117 = arith.constant 0 : i32
      %dma_wait3A_118 = tpu.memref_slice %arg9[%add3A_93, %dma_wait3A_117] : memref<10240x128xf32, #tpu.memory_space<vmem_shared>> -> memref<128x128xf32, #tpu.memory_space<vmem_shared>>
      %dma_wait3A_119 = arith.constant 0 : i32
      %dma_wait3A_120 = tpu.memref_slice %arg9[%add3A_93, %dma_wait3A_119] : memref<10240x128xf32, #tpu.memory_space<vmem_shared>> -> memref<128x128xf32, #tpu.memory_space<vmem_shared>>
      tpu.wait_dma2 semaphore(%run_scoped3A_112 : memref<!tpu.dma_semaphore, #tpu.memory_space<semaphore_mem>>) src(%dma_wait3A_120 : memref<128x128xf32, #tpu.memory_space<vmem_shared>>) dst(%arg7 : memref<128x128xf32, #tpu.memory_space<vmem>>)
      tpu.yield
    }) : () -> ()
    %add3A_94 = arith.constant 0 : i32
    %add3A_95 = arith.addi %multiple_of3A, %add3A_94 : i32
    "tpu.region"() ({
      %run_scoped3A_112 = tpu.sem_alloc : memref<!tpu.dma_semaphore, #tpu.memory_space<semaphore_mem>>
      %dma_start3A_113 = arith.constant 0 : i32
      %dma_start3A_114 = tpu.memref_slice %arg4[%arg0, %add3A_95, %dma_start3A_113] : memref<2x10240x128xf32, #tpu.memory_space<hbm>> -> memref<1x128x128xf32, #tpu.memory_space<hbm>>
      %dma_start3A_115 = tpu.memref_squeeze %dma_start3A_114 : memref<1x128x128xf32, #tpu.memory_space<hbm>> -> memref<128x128xf32, #tpu.memory_space<hbm>>
      %dma_start3A_116 = arith.constant 0 : i32
      %dma_start3A_117 = tpu.memref_slice %arg4[%arg0, %add3A_95, %dma_start3A_116] : memref<2x10240x128xf32, #tpu.memory_space<hbm>> -> memref<1x128x128xf32, #tpu.memory_space<hbm>>
      %dma_start3A_118 = tpu.memref_squeeze %dma_start3A_117 : memref<1x128x128xf32, #tpu.memory_space<hbm>> -> memref<128x128xf32, #tpu.memory_space<hbm>>
      tpu.enqueue_dma source(%arg7 : memref<128x128xf32, #tpu.memory_space<vmem>>) target(%dma_start3A_118 : memref<128x128xf32, #tpu.memory_space<hbm>>) target_semaphore(%run_scoped3A_112 : memref<!tpu.dma_semaphore, #tpu.memory_space<semaphore_mem>>)
      %dma_wait3A_119 = arith.constant 0 : i32
      %dma_wait3A_120 = tpu.memref_slice %arg4[%arg0, %add3A_95, %dma_wait3A_119] : memref<2x10240x128xf32, #tpu.memory_space<hbm>> -> memref<1x128x128xf32, #tpu.memory_space<hbm>>
      %dma_wait3A_121 = tpu.memref_squeeze %dma_wait3A_120 : memref<1x128x128xf32, #tpu.memory_space<hbm>> -> memref<128x128xf32, #tpu.memory_space<hbm>>
      %dma_wait3A_122 = arith.constant 0 : i32
      %dma_wait3A_123 = tpu.memref_slice %arg4[%arg0, %add3A_95, %dma_wait3A_122] : memref<2x10240x128xf32, #tpu.memory_space<hbm>> -> memref<1x128x128xf32, #tpu.memory_space<hbm>>
      %dma_wait3A_124 = tpu.memref_squeeze %dma_wait3A_123 : memref<1x128x128xf32, #tpu.memory_space<hbm>> -> memref<128x128xf32, #tpu.memory_space<hbm>>
      tpu.wait_dma2 semaphore(%run_scoped3A_112 : memref<!tpu.dma_semaphore, #tpu.memory_space<semaphore_mem>>) src(%arg7 : memref<128x128xf32, #tpu.memory_space<vmem>>) dst(%dma_wait3A_124 : memref<128x128xf32, #tpu.memory_space<hbm>>)
      tpu.yield
    }) : () -> ()
    %add3A_96 = arith.constant 128 : i32
    %add3A_97 = arith.addi %multiple_of3A, %add3A_96 : i32
    "tpu.region"() ({
      %run_scoped3A_112 = tpu.sem_alloc : memref<!tpu.dma_semaphore, #tpu.memory_space<semaphore_mem>>
      %dma_start3A_113 = arith.constant 0 : i32
      %dma_start3A_114 = tpu.memref_slice %arg9[%add3A_97, %dma_start3A_113] : memref<10240x128xf32, #tpu.memory_space<vmem_shared>> -> memref<128x128xf32, #tpu.memory_space<vmem_shared>>
      %dma_start3A_115 = arith.constant 0 : i32
      %dma_start3A_116 = tpu.memref_slice %arg9[%add3A_97, %dma_start3A_115] : memref<10240x128xf32, #tpu.memory_space<vmem_shared>> -> memref<128x128xf32, #tpu.memory_space<vmem_shared>>
      tpu.enqueue_dma source(%dma_start3A_116 : memref<128x128xf32, #tpu.memory_space<vmem_shared>>) target(%arg7 : memref<128x128xf32, #tpu.memory_space<vmem>>) target_semaphore(%run_scoped3A_112 : memref<!tpu.dma_semaphore, #tpu.memory_space<semaphore_mem>>)
      %dma_wait3A_117 = arith.constant 0 : i32
      %dma_wait3A_118 = tpu.memref_slice %arg9[%add3A_97, %dma_wait3A_117] : memref<10240x128xf32, #tpu.memory_space<vmem_shared>> -> memref<128x128xf32, #tpu.memory_space<vmem_shared>>
      %dma_wait3A_119 = arith.constant 0 : i32
      %dma_wait3A_120 = tpu.memref_slice %arg9[%add3A_97, %dma_wait3A_119] : memref<10240x128xf32, #tpu.memory_space<vmem_shared>> -> memref<128x128xf32, #tpu.memory_space<vmem_shared>>
      tpu.wait_dma2 semaphore(%run_scoped3A_112 : memref<!tpu.dma_semaphore, #tpu.memory_space<semaphore_mem>>) src(%dma_wait3A_120 : memref<128x128xf32, #tpu.memory_space<vmem_shared>>) dst(%arg7 : memref<128x128xf32, #tpu.memory_space<vmem>>)
      tpu.yield
    }) : () -> ()
    %add3A_98 = arith.constant 128 : i32
    %add3A_99 = arith.addi %multiple_of3A, %add3A_98 : i32
    "tpu.region"() ({
      %run_scoped3A_112 = tpu.sem_alloc : memref<!tpu.dma_semaphore, #tpu.memory_space<semaphore_mem>>
      %dma_start3A_113 = arith.constant 0 : i32
      %dma_start3A_114 = tpu.memref_slice %arg4[%arg0, %add3A_99, %dma_start3A_113] : memref<2x10240x128xf32, #tpu.memory_space<hbm>> -> memref<1x128x128xf32, #tpu.memory_space<hbm>>
      %dma_start3A_115 = tpu.memref_squeeze %dma_start3A_114 : memref<1x128x128xf32, #tpu.memory_space<hbm>> -> memref<128x128xf32, #tpu.memory_space<hbm>>
      %dma_start3A_116 = arith.constant 0 : i32
      %dma_start3A_117 = tpu.memref_slice %arg4[%arg0, %add3A_99, %dma_start3A_116] : memref<2x10240x128xf32, #tpu.memory_space<hbm>> -> memref<1x128x128xf32, #tpu.memory_space<hbm>>
      %dma_start3A_118 = tpu.memref_squeeze %dma_start3A_117 : memref<1x128x128xf32, #tpu.memory_space<hbm>> -> memref<128x128xf32, #tpu.memory_space<hbm>>
      tpu.enqueue_dma source(%arg7 : memref<128x128xf32, #tpu.memory_space<vmem>>) target(%dma_start3A_118 : memref<128x128xf32, #tpu.memory_space<hbm>>) target_semaphore(%run_scoped3A_112 : memref<!tpu.dma_semaphore, #tpu.memory_space<semaphore_mem>>)
      %dma_wait3A_119 = arith.constant 0 : i32
      %dma_wait3A_120 = tpu.memref_slice %arg4[%arg0, %add3A_99, %dma_wait3A_119] : memref<2x10240x128xf32, #tpu.memory_space<hbm>> -> memref<1x128x128xf32, #tpu.memory_space<hbm>>
      %dma_wait3A_121 = tpu.memref_squeeze %dma_wait3A_120 : memref<1x128x128xf32, #tpu.memory_space<hbm>> -> memref<128x128xf32, #tpu.memory_space<hbm>>
      %dma_wait3A_122 = arith.constant 0 : i32
      %dma_wait3A_123 = tpu.memref_slice %arg4[%arg0, %add3A_99, %dma_wait3A_122] : memref<2x10240x128xf32, #tpu.memory_space<hbm>> -> memref<1x128x128xf32, #tpu.memory_space<hbm>>
      %dma_wait3A_124 = tpu.memref_squeeze %dma_wait3A_123 : memref<1x128x128xf32, #tpu.memory_space<hbm>> -> memref<128x128xf32, #tpu.memory_space<hbm>>
      tpu.wait_dma2 semaphore(%run_scoped3A_112 : memref<!tpu.dma_semaphore, #tpu.memory_space<semaphore_mem>>) src(%arg7 : memref<128x128xf32, #tpu.memory_space<vmem>>) dst(%dma_wait3A_124 : memref<128x128xf32, #tpu.memory_space<hbm>>)
      tpu.yield
    }) : () -> ()
    %add3A_100 = arith.constant 256 : i32
    %add3A_101 = arith.addi %multiple_of3A, %add3A_100 : i32
    "tpu.region"() ({
      %run_scoped3A_112 = tpu.sem_alloc : memref<!tpu.dma_semaphore, #tpu.memory_space<semaphore_mem>>
      %dma_start3A_113 = arith.constant 0 : i32
      %dma_start3A_114 = tpu.memref_slice %arg9[%add3A_101, %dma_start3A_113] : memref<10240x128xf32, #tpu.memory_space<vmem_shared>> -> memref<128x128xf32, #tpu.memory_space<vmem_shared>>
      %dma_start3A_115 = arith.constant 0 : i32
      %dma_start3A_116 = tpu.memref_slice %arg9[%add3A_101, %dma_start3A_115] : memref<10240x128xf32, #tpu.memory_space<vmem_shared>> -> memref<128x128xf32, #tpu.memory_space<vmem_shared>>
      tpu.enqueue_dma source(%dma_start3A_116 : memref<128x128xf32, #tpu.memory_space<vmem_shared>>) target(%arg7 : memref<128x128xf32, #tpu.memory_space<vmem>>) target_semaphore(%run_scoped3A_112 : memref<!tpu.dma_semaphore, #tpu.memory_space<semaphore_mem>>)
      %dma_wait3A_117 = arith.constant 0 : i32
      %dma_wait3A_118 = tpu.memref_slice %arg9[%add3A_101, %dma_wait3A_117] : memref<10240x128xf32, #tpu.memory_space<vmem_shared>> -> memref<128x128xf32, #tpu.memory_space<vmem_shared>>
      %dma_wait3A_119 = arith.constant 0 : i32
      %dma_wait3A_120 = tpu.memref_slice %arg9[%add3A_101, %dma_wait3A_119] : memref<10240x128xf32, #tpu.memory_space<vmem_shared>> -> memref<128x128xf32, #tpu.memory_space<vmem_shared>>
      tpu.wait_dma2 semaphore(%run_scoped3A_112 : memref<!tpu.dma_semaphore, #tpu.memory_space<semaphore_mem>>) src(%dma_wait3A_120 : memref<128x128xf32, #tpu.memory_space<vmem_shared>>) dst(%arg7 : memref<128x128xf32, #tpu.memory_space<vmem>>)
      tpu.yield
    }) : () -> ()
    %add3A_102 = arith.constant 256 : i32
    %add3A_103 = arith.addi %multiple_of3A, %add3A_102 : i32
    "tpu.region"() ({
      %run_scoped3A_112 = tpu.sem_alloc : memref<!tpu.dma_semaphore, #tpu.memory_space<semaphore_mem>>
      %dma_start3A_113 = arith.constant 0 : i32
      %dma_start3A_114 = tpu.memref_slice %arg4[%arg0, %add3A_103, %dma_start3A_113] : memref<2x10240x128xf32, #tpu.memory_space<hbm>> -> memref<1x128x128xf32, #tpu.memory_space<hbm>>
      %dma_start3A_115 = tpu.memref_squeeze %dma_start3A_114 : memref<1x128x128xf32, #tpu.memory_space<hbm>> -> memref<128x128xf32, #tpu.memory_space<hbm>>
      %dma_start3A_116 = arith.constant 0 : i32
      %dma_start3A_117 = tpu.memref_slice %arg4[%arg0, %add3A_103, %dma_start3A_116] : memref<2x10240x128xf32, #tpu.memory_space<hbm>> -> memref<1x128x128xf32, #tpu.memory_space<hbm>>
      %dma_start3A_118 = tpu.memref_squeeze %dma_start3A_117 : memref<1x128x128xf32, #tpu.memory_space<hbm>> -> memref<128x128xf32, #tpu.memory_space<hbm>>
      tpu.enqueue_dma source(%arg7 : memref<128x128xf32, #tpu.memory_space<vmem>>) target(%dma_start3A_118 : memref<128x128xf32, #tpu.memory_space<hbm>>) target_semaphore(%run_scoped3A_112 : memref<!tpu.dma_semaphore, #tpu.memory_space<semaphore_mem>>)
      %dma_wait3A_119 = arith.constant 0 : i32
      %dma_wait3A_120 = tpu.memref_slice %arg4[%arg0, %add3A_103, %dma_wait3A_119] : memref<2x10240x128xf32, #tpu.memory_space<hbm>> -> memref<1x128x128xf32, #tpu.memory_space<hbm>>
      %dma_wait3A_121 = tpu.memref_squeeze %dma_wait3A_120 : memref<1x128x128xf32, #tpu.memory_space<hbm>> -> memref<128x128xf32, #tpu.memory_space<hbm>>
      %dma_wait3A_122 = arith.constant 0 : i32
      %dma_wait3A_123 = tpu.memref_slice %arg4[%arg0, %add3A_103, %dma_wait3A_122] : memref<2x10240x128xf32, #tpu.memory_space<hbm>> -> memref<1x128x128xf32, #tpu.memory_space<hbm>>
      %dma_wait3A_124 = tpu.memref_squeeze %dma_wait3A_123 : memref<1x128x128xf32, #tpu.memory_space<hbm>> -> memref<128x128xf32, #tpu.memory_space<hbm>>
      tpu.wait_dma2 semaphore(%run_scoped3A_112 : memref<!tpu.dma_semaphore, #tpu.memory_space<semaphore_mem>>) src(%arg7 : memref<128x128xf32, #tpu.memory_space<vmem>>) dst(%dma_wait3A_124 : memref<128x128xf32, #tpu.memory_space<hbm>>)
      tpu.yield
    }) : () -> ()
    %add3A_104 = arith.constant 384 : i32
    %add3A_105 = arith.addi %multiple_of3A, %add3A_104 : i32
    "tpu.region"() ({
      %run_scoped3A_112 = tpu.sem_alloc : memref<!tpu.dma_semaphore, #tpu.memory_space<semaphore_mem>>
      %dma_start3A_113 = arith.constant 0 : i32
      %dma_start3A_114 = tpu.memref_slice %arg9[%add3A_105, %dma_start3A_113] : memref<10240x128xf32, #tpu.memory_space<vmem_shared>> -> memref<128x128xf32, #tpu.memory_space<vmem_shared>>
      %dma_start3A_115 = arith.constant 0 : i32
      %dma_start3A_116 = tpu.memref_slice %arg9[%add3A_105, %dma_start3A_115] : memref<10240x128xf32, #tpu.memory_space<vmem_shared>> -> memref<128x128xf32, #tpu.memory_space<vmem_shared>>
      tpu.enqueue_dma source(%dma_start3A_116 : memref<128x128xf32, #tpu.memory_space<vmem_shared>>) target(%arg7 : memref<128x128xf32, #tpu.memory_space<vmem>>) target_semaphore(%run_scoped3A_112 : memref<!tpu.dma_semaphore, #tpu.memory_space<semaphore_mem>>)
      %dma_wait3A_117 = arith.constant 0 : i32
      %dma_wait3A_118 = tpu.memref_slice %arg9[%add3A_105, %dma_wait3A_117] : memref<10240x128xf32, #tpu.memory_space<vmem_shared>> -> memref<128x128xf32, #tpu.memory_space<vmem_shared>>
      %dma_wait3A_119 = arith.constant 0 : i32
      %dma_wait3A_120 = tpu.memref_slice %arg9[%add3A_105, %dma_wait3A_119] : memref<10240x128xf32, #tpu.memory_space<vmem_shared>> -> memref<128x128xf32, #tpu.memory_space<vmem_shared>>
      tpu.wait_dma2 semaphore(%run_scoped3A_112 : memref<!tpu.dma_semaphore, #tpu.memory_space<semaphore_mem>>) src(%dma_wait3A_120 : memref<128x128xf32, #tpu.memory_space<vmem_shared>>) dst(%arg7 : memref<128x128xf32, #tpu.memory_space<vmem>>)
      tpu.yield
    }) : () -> ()
    %add3A_106 = arith.constant 384 : i32
    %add3A_107 = arith.addi %multiple_of3A, %add3A_106 : i32
    "tpu.region"() ({
      %run_scoped3A_112 = tpu.sem_alloc : memref<!tpu.dma_semaphore, #tpu.memory_space<semaphore_mem>>
      %dma_start3A_113 = arith.constant 0 : i32
      %dma_start3A_114 = tpu.memref_slice %arg4[%arg0, %add3A_107, %dma_start3A_113] : memref<2x10240x128xf32, #tpu.memory_space<hbm>> -> memref<1x128x128xf32, #tpu.memory_space<hbm>>
      %dma_start3A_115 = tpu.memref_squeeze %dma_start3A_114 : memref<1x128x128xf32, #tpu.memory_space<hbm>> -> memref<128x128xf32, #tpu.memory_space<hbm>>
      %dma_start3A_116 = arith.constant 0 : i32
      %dma_start3A_117 = tpu.memref_slice %arg4[%arg0, %add3A_107, %dma_start3A_116] : memref<2x10240x128xf32, #tpu.memory_space<hbm>> -> memref<1x128x128xf32, #tpu.memory_space<hbm>>
      %dma_start3A_118 = tpu.memref_squeeze %dma_start3A_117 : memref<1x128x128xf32, #tpu.memory_space<hbm>> -> memref<128x128xf32, #tpu.memory_space<hbm>>
      tpu.enqueue_dma source(%arg7 : memref<128x128xf32, #tpu.memory_space<vmem>>) target(%dma_start3A_118 : memref<128x128xf32, #tpu.memory_space<hbm>>) target_semaphore(%run_scoped3A_112 : memref<!tpu.dma_semaphore, #tpu.memory_space<semaphore_mem>>)
      %dma_wait3A_119 = arith.constant 0 : i32
      %dma_wait3A_120 = tpu.memref_slice %arg4[%arg0, %add3A_107, %dma_wait3A_119] : memref<2x10240x128xf32, #tpu.memory_space<hbm>> -> memref<1x128x128xf32, #tpu.memory_space<hbm>>
      %dma_wait3A_121 = tpu.memref_squeeze %dma_wait3A_120 : memref<1x128x128xf32, #tpu.memory_space<hbm>> -> memref<128x128xf32, #tpu.memory_space<hbm>>
      %dma_wait3A_122 = arith.constant 0 : i32
      %dma_wait3A_123 = tpu.memref_slice %arg4[%arg0, %add3A_107, %dma_wait3A_122] : memref<2x10240x128xf32, #tpu.memory_space<hbm>> -> memref<1x128x128xf32, #tpu.memory_space<hbm>>
      %dma_wait3A_124 = tpu.memref_squeeze %dma_wait3A_123 : memref<1x128x128xf32, #tpu.memory_space<hbm>> -> memref<128x128xf32, #tpu.memory_space<hbm>>
      tpu.wait_dma2 semaphore(%run_scoped3A_112 : memref<!tpu.dma_semaphore, #tpu.memory_space<semaphore_mem>>) src(%arg7 : memref<128x128xf32, #tpu.memory_space<vmem>>) dst(%dma_wait3A_124 : memref<128x128xf32, #tpu.memory_space<hbm>>)
      tpu.yield
    }) : () -> ()
    %add3A_108 = arith.constant 512 : i32
    %add3A_109 = arith.addi %multiple_of3A, %add3A_108 : i32
    "tpu.region"() ({
      %run_scoped3A_112 = tpu.sem_alloc : memref<!tpu.dma_semaphore, #tpu.memory_space<semaphore_mem>>
      %dma_start3A_113 = arith.constant 0 : i32
      %dma_start3A_114 = tpu.memref_slice %arg9[%add3A_109, %dma_start3A_113] : memref<10240x128xf32, #tpu.memory_space<vmem_shared>> -> memref<128x128xf32, #tpu.memory_space<vmem_shared>>
      %dma_start3A_115 = arith.constant 0 : i32
      %dma_start3A_116 = tpu.memref_slice %arg9[%add3A_109, %dma_start3A_115] : memref<10240x128xf32, #tpu.memory_space<vmem_shared>> -> memref<128x128xf32, #tpu.memory_space<vmem_shared>>
      tpu.enqueue_dma source(%dma_start3A_116 : memref<128x128xf32, #tpu.memory_space<vmem_shared>>) target(%arg7 : memref<128x128xf32, #tpu.memory_space<vmem>>) target_semaphore(%run_scoped3A_112 : memref<!tpu.dma_semaphore, #tpu.memory_space<semaphore_mem>>)
      %dma_wait3A_117 = arith.constant 0 : i32
      %dma_wait3A_118 = tpu.memref_slice %arg9[%add3A_109, %dma_wait3A_117] : memref<10240x128xf32, #tpu.memory_space<vmem_shared>> -> memref<128x128xf32, #tpu.memory_space<vmem_shared>>
      %dma_wait3A_119 = arith.constant 0 : i32
      %dma_wait3A_120 = tpu.memref_slice %arg9[%add3A_109, %dma_wait3A_119] : memref<10240x128xf32, #tpu.memory_space<vmem_shared>> -> memref<128x128xf32, #tpu.memory_space<vmem_shared>>
      tpu.wait_dma2 semaphore(%run_scoped3A_112 : memref<!tpu.dma_semaphore, #tpu.memory_space<semaphore_mem>>) src(%dma_wait3A_120 : memref<128x128xf32, #tpu.memory_space<vmem_shared>>) dst(%arg7 : memref<128x128xf32, #tpu.memory_space<vmem>>)
      tpu.yield
    }) : () -> ()
    %add3A_110 = arith.constant 512 : i32
    %add3A_111 = arith.addi %multiple_of3A, %add3A_110 : i32
    "tpu.region"() ({
      %run_scoped3A_112 = tpu.sem_alloc : memref<!tpu.dma_semaphore, #tpu.memory_space<semaphore_mem>>
      %dma_start3A_113 = arith.constant 0 : i32
      %dma_start3A_114 = tpu.memref_slice %arg4[%arg0, %add3A_111, %dma_start3A_113] : memref<2x10240x128xf32, #tpu.memory_space<hbm>> -> memref<1x128x128xf32, #tpu.memory_space<hbm>>
      %dma_start3A_115 = tpu.memref_squeeze %dma_start3A_114 : memref<1x128x128xf32, #tpu.memory_space<hbm>> -> memref<128x128xf32, #tpu.memory_space<hbm>>
      %dma_start3A_116 = arith.constant 0 : i32
      %dma_start3A_117 = tpu.memref_slice %arg4[%arg0, %add3A_111, %dma_start3A_116] : memref<2x10240x128xf32, #tpu.memory_space<hbm>> -> memref<1x128x128xf32, #tpu.memory_space<hbm>>
      %dma_start3A_118 = tpu.memref_squeeze %dma_start3A_117 : memref<1x128x128xf32, #tpu.memory_space<hbm>> -> memref<128x128xf32, #tpu.memory_space<hbm>>
      tpu.enqueue_dma source(%arg7 : memref<128x128xf32, #tpu.memory_space<vmem>>) target(%dma_start3A_118 : memref<128x128xf32, #tpu.memory_space<hbm>>) target_semaphore(%run_scoped3A_112 : memref<!tpu.dma_semaphore, #tpu.memory_space<semaphore_mem>>)
      %dma_wait3A_119 = arith.constant 0 : i32
      %dma_wait3A_120 = tpu.memref_slice %arg4[%arg0, %add3A_111, %dma_wait3A_119] : memref<2x10240x128xf32, #tpu.memory_space<hbm>> -> memref<1x128x128xf32, #tpu.memory_space<hbm>>
      %dma_wait3A_121 = tpu.memref_squeeze %dma_wait3A_120 : memref<1x128x128xf32, #tpu.memory_space<hbm>> -> memref<128x128xf32, #tpu.memory_space<hbm>>
      %dma_wait3A_122 = arith.constant 0 : i32
      %dma_wait3A_123 = tpu.memref_slice %arg4[%arg0, %add3A_111, %dma_wait3A_122] : memref<2x10240x128xf32, #tpu.memory_space<hbm>> -> memref<1x128x128xf32, #tpu.memory_space<hbm>>
      %dma_wait3A_124 = tpu.memref_squeeze %dma_wait3A_123 : memref<1x128x128xf32, #tpu.memory_space<hbm>> -> memref<128x128xf32, #tpu.memory_space<hbm>>
      tpu.wait_dma2 semaphore(%run_scoped3A_112 : memref<!tpu.dma_semaphore, #tpu.memory_space<semaphore_mem>>) src(%arg7 : memref<128x128xf32, #tpu.memory_space<vmem>>) dst(%dma_wait3A_124 : memref<128x128xf32, #tpu.memory_space<hbm>>)
      tpu.yield
    }) : () -> ()
    return
  }
}

#map = affine_map<(d0, d1) -> (0, 0, 0, 0)>
#map1 = affine_map<(d0, d1) -> (0, 0)>
#map2 = affine_map<(d0, d1) -> (0, 0, 0)>
module attributes {stable_mosaic.version = 14 : i64} {
  func.func @_sc_scatter(%arg0: i32, %arg1: i32, %arg2: memref<2x32x80x128xi32, #tpu.memory_space<hbm>>, %arg3: memref<10000x128xf32, #tpu.memory_space<hbm>>, %arg4: memref<2x10240x128xf32, #tpu.memory_space<hbm>>, %arg5: memref<40x128xi32, #tpu.memory_space<vmem>>, %arg6: memref<40x128xi32, #tpu.memory_space<vmem>>, %arg7: memref<128x128xf32, #tpu.memory_space<vmem>>, %arg8: memref<128x128xf32, #tpu.memory_space<vmem>>, %arg9: memref<10240x128xf32, #tpu.memory_space<vmem_shared>>, %arg10: memref<!tpu.dma_semaphore, #tpu.memory_space<semaphore_mem>>, %arg11: memref<!tpu.dma_semaphore, #tpu.memory_space<semaphore_mem>>) attributes {dimension_semantics = [#tpu.dimension_semantics<core_parallel>, #tpu.dimension_semantics<subcore_parallel>], iteration_bounds = array<i64: 2, 16>, scalar_prefetch = 0 : i64, scratch_operands = 7 : i64, tpu.core_type = #tpu.core_type<sc_vector_subcore>, window_params = [{transform_indices = #map}, {transform_indices = #map1}, {transform_indices = #map2}]} {
    %mul3A = arith.constant 2 : i32
    %mul3A_0 = arith.muli %arg1, %mul3A : i32
    %add3A = arith.addi %mul3A_0, %arg0 : i32
    %scan3A = arith.constant 0 : i32
    %scan3A_1 = arith.constant 0 : i32
    %scan3A_2 = arith.constant 128 : i32
    %scan3A_3 = arith.addi %scan3A_1, %scan3A_2 : i32
    %scan3A_4 = arith.constant 1 : i32
    scf.for %scan3A_112 = %scan3A_1 to %scan3A_3 step %scan3A_4  : i32 {
      %broadcast_in_dim3A = arith.constant 0.000000e+00 : f32
      %broadcast_in_dim3A_113 = vector.broadcast %broadcast_in_dim3A : f32 to vector<16xf32>
      %swap3A = arith.index_cast %scan3A_112 : i32 to index
      %swap3A_114 = arith.constant 0 : index
      %swap3A_115 = tpu.vector_load %arg7[%swap3A, %swap3A_114] {strides = array<i32>} : memref<128x128xf32, #tpu.memory_space<vmem>>, vector<1x16xf32>,
      %swap3A_116 = vector.shape_cast %swap3A_115 : vector<1x16xf32> to vector<16xf32>
      %swap3A_117 = vector.shape_cast %broadcast_in_dim3A_113 : vector<16xf32> to vector<1x16xf32>
      tpu.vector_store %arg7[%swap3A, %swap3A_114], %swap3A_117 {strides = array<i32>} : memref<128x128xf32, #tpu.memory_space<vmem>>, vector<1x16xf32>,
      %broadcast_in_dim3A_118 = arith.constant 0.000000e+00 : f32
      %broadcast_in_dim3A_119 = vector.broadcast %broadcast_in_dim3A_118 : f32 to vector<16xf32>
      %swap3A_120 = arith.index_cast %scan3A_112 : i32 to index
      %swap3A_121 = arith.constant 16 : index
      %swap3A_122 = tpu.vector_load %arg7[%swap3A_120, %swap3A_121] {strides = array<i32>} : memref<128x128xf32, #tpu.memory_space<vmem>>, vector<1x16xf32>,
      %swap3A_123 = vector.shape_cast %swap3A_122 : vector<1x16xf32> to vector<16xf32>
      %swap3A_124 = vector.shape_cast %broadcast_in_dim3A_119 : vector<16xf32> to vector<1x16xf32>
      tpu.vector_store %arg7[%swap3A_120, %swap3A_121], %swap3A_124 {strides = array<i32>} : memref<128x128xf32, #tpu.memory_space<vmem>>, vector<1x16xf32>,
      %broadcast_in_dim3A_125 = arith.constant 0.000000e+00 : f32
      %broadcast_in_dim3A_126 = vector.broadcast %broadcast_in_dim3A_125 : f32 to vector<16xf32>
      %swap3A_127 = arith.index_cast %scan3A_112 : i32 to index
      %swap3A_128 = arith.constant 32 : index
      %swap3A_129 = tpu.vector_load %arg7[%swap3A_127, %swap3A_128] {strides = array<i32>} : memref<128x128xf32, #tpu.memory_space<vmem>>, vector<1x16xf32>,
      %swap3A_130 = vector.shape_cast %swap3A_129 : vector<1x16xf32> to vector<16xf32>
      %swap3A_131 = vector.shape_cast %broadcast_in_dim3A_126 : vector<16xf32> to vector<1x16xf32>
      tpu.vector_store %arg7[%swap3A_127, %swap3A_128], %swap3A_131 {strides = array<i32>} : memref<128x128xf32, #tpu.memory_space<vmem>>, vector<1x16xf32>,
      %broadcast_in_dim3A_132 = arith.constant 0.000000e+00 : f32
      %broadcast_in_dim3A_133 = vector.broadcast %broadcast_in_dim3A_132 : f32 to vector<16xf32>
      %swap3A_134 = arith.index_cast %scan3A_112 : i32 to index
      %swap3A_135 = arith.constant 48 : index
      %swap3A_136 = tpu.vector_load %arg7[%swap3A_134, %swap3A_135] {strides = array<i32>} : memref<128x128xf32, #tpu.memory_space<vmem>>, vector<1x16xf32>,
      %swap3A_137 = vector.shape_cast %swap3A_136 : vector<1x16xf32> to vector<16xf32>
      %swap3A_138 = vector.shape_cast %broadcast_in_dim3A_133 : vector<16xf32> to vector<1x16xf32>
      tpu.vector_store %arg7[%swap3A_134, %swap3A_135], %swap3A_138 {strides = array<i32>} : memref<128x128xf32, #tpu.memory_space<vmem>>, vector<1x16xf32>,
      %broadcast_in_dim3A_139 = arith.constant 0.000000e+00 : f32
      %broadcast_in_dim3A_140 = vector.broadcast %broadcast_in_dim3A_139 : f32 to vector<16xf32>
      %swap3A_141 = arith.index_cast %scan3A_112 : i32 to index
      %swap3A_142 = arith.constant 64 : index
      %swap3A_143 = tpu.vector_load %arg7[%swap3A_141, %swap3A_142] {strides = array<i32>} : memref<128x128xf32, #tpu.memory_space<vmem>>, vector<1x16xf32>,
      %swap3A_144 = vector.shape_cast %swap3A_143 : vector<1x16xf32> to vector<16xf32>
      %swap3A_145 = vector.shape_cast %broadcast_in_dim3A_140 : vector<16xf32> to vector<1x16xf32>
      tpu.vector_store %arg7[%swap3A_141, %swap3A_142], %swap3A_145 {strides = array<i32>} : memref<128x128xf32, #tpu.memory_space<vmem>>, vector<1x16xf32>,
      %broadcast_in_dim3A_146 = arith.constant 0.000000e+00 : f32
      %broadcast_in_dim3A_147 = vector.broadcast %broadcast_in_dim3A_146 : f32 to vector<16xf32>
      %swap3A_148 = arith.index_cast %scan3A_112 : i32 to index
      %swap3A_149 = arith.constant 80 : index
      %swap3A_150 = tpu.vector_load %arg7[%swap3A_148, %swap3A_149] {strides = array<i32>} : memref<128x128xf32, #tpu.memory_space<vmem>>, vector<1x16xf32>,
      %swap3A_151 = vector.shape_cast %swap3A_150 : vector<1x16xf32> to vector<16xf32>
      %swap3A_152 = vector.shape_cast %broadcast_in_dim3A_147 : vector<16xf32> to vector<1x16xf32>
      tpu.vector_store %arg7[%swap3A_148, %swap3A_149], %swap3A_152 {strides = array<i32>} : memref<128x128xf32, #tpu.memory_space<vmem>>, vector<1x16xf32>,
      %broadcast_in_dim3A_153 = arith.constant 0.000000e+00 : f32
      %broadcast_in_dim3A_154 = vector.broadcast %broadcast_in_dim3A_153 : f32 to vector<16xf32>
      %swap3A_155 = arith.index_cast %scan3A_112 : i32 to index
      %swap3A_156 = arith.constant 96 : index
      %swap3A_157 = tpu.vector_load %arg7[%swap3A_155, %swap3A_156] {strides = array<i32>} : memref<128x128xf32, #tpu.memory_space<vmem>>, vector<1x16xf32>,
      %swap3A_158 = vector.shape_cast %swap3A_157 : vector<1x16xf32> to vector<16xf32>
      %swap3A_159 = vector.shape_cast %broadcast_in_dim3A_154 : vector<16xf32> to vector<1x16xf32>
      tpu.vector_store %arg7[%swap3A_155, %swap3A_156], %swap3A_159 {strides = array<i32>} : memref<128x128xf32, #tpu.memory_space<vmem>>, vector<1x16xf32>,
      %broadcast_in_dim3A_160 = arith.constant 0.000000e+00 : f32
      %broadcast_in_dim3A_161 = vector.broadcast %broadcast_in_dim3A_160 : f32 to vector<16xf32>
      %swap3A_162 = arith.index_cast %scan3A_112 : i32 to index
      %swap3A_163 = arith.constant 112 : index
      %swap3A_164 = tpu.vector_load %arg7[%swap3A_162, %swap3A_163] {strides = array<i32>} : memref<128x128xf32, #tpu.memory_space<vmem>>, vector<1x16xf32>,
      %swap3A_165 = vector.shape_cast %swap3A_164 : vector<1x16xf32> to vector<16xf32>
      %swap3A_166 = vector.shape_cast %broadcast_in_dim3A_161 : vector<16xf32> to vector<1x16xf32>
      tpu.vector_store %arg7[%swap3A_162, %swap3A_163], %swap3A_166 {strides = array<i32>} : memref<128x128xf32, #tpu.memory_space<vmem>>, vector<1x16xf32>,
    }
    %scan3A_5 = arith.constant 128 : i32
    %mul3A_6 = arith.constant 640 : i32
    %mul3A_7 = arith.muli %arg1, %mul3A_6 : i32
    %multiple_of3A = tpu.assume_multiple %mul3A_7, 128 : i32
    %add3A_8 = arith.constant 0 : i32
    %add3A_9 = arith.addi %multiple_of3A, %add3A_8 : i32
    "tpu.region"() ({
      %run_scoped3A_112 = tpu.sem_alloc : memref<!tpu.dma_semaphore, #tpu.memory_space<semaphore_mem>>
      %dma_start3A_113 = arith.constant 0 : i32
      %dma_start3A_114 = tpu.memref_slice %arg9[%add3A_9, %dma_start3A_113] : memref<10240x128xf32, #tpu.memory_space<vmem_shared>> -> memref<128x128xf32, #tpu.memory_space<vmem_shared>>
      %dma_start3A_115 = arith.constant 0 : i32
      %dma_start3A_116 = tpu.memref_slice %arg9[%add3A_9, %dma_start3A_115] : memref<10240x128xf32, #tpu.memory_space<vmem_shared>> -> memref<128x128xf32, #tpu.memory_space<vmem_shared>>
      tpu.enqueue_dma source(%arg7 : memref<128x128xf32, #tpu.memory_space<vmem>>) target(%dma_start3A_116 : memref<128x128xf32, #tpu.memory_space<vmem_shared>>) target_semaphore(%run_scoped3A_112 : memref<!tpu.dma_semaphore, #tpu.memory_space<semaphore_mem>>)
      %dma_wait3A_117 = arith.constant 0 : i32
      %dma_wait3A_118 = tpu.memref_slice %arg9[%add3A_9, %dma_wait3A_117] : memref<10240x128xf32, #tpu.memory_space<vmem_shared>> -> memref<128x128xf32, #tpu.memory_space<vmem_shared>>
      %dma_wait3A_119 = arith.constant 0 : i32
      %dma_wait3A_120 = tpu.memref_slice %arg9[%add3A_9, %dma_wait3A_119] : memref<10240x128xf32, #tpu.memory_space<vmem_shared>> -> memref<128x128xf32, #tpu.memory_space<vmem_shared>>
      tpu.wait_dma2 semaphore(%run_scoped3A_112 : memref<!tpu.dma_semaphore, #tpu.memory_space<semaphore_mem>>) src(%arg7 : memref<128x128xf32, #tpu.memory_space<vmem>>) dst(%dma_wait3A_120 : memref<128x128xf32, #tpu.memory_space<vmem_shared>>)
      tpu.yield
    }) : () -> ()
    %add3A_10 = arith.constant 128 : i32
    %add3A_11 = arith.addi %multiple_of3A, %add3A_10 : i32
    "tpu.region"() ({
      %run_scoped3A_112 = tpu.sem_alloc : memref<!tpu.dma_semaphore, #tpu.memory_space<semaphore_mem>>
      %dma_start3A_113 = arith.constant 0 : i32
      %dma_start3A_114 = tpu.memref_slice %arg9[%add3A_11, %dma_start3A_113] : memref<10240x128xf32, #tpu.memory_space<vmem_shared>> -> memref<128x128xf32, #tpu.memory_space<vmem_shared>>
      %dma_start3A_115 = arith.constant 0 : i32
      %dma_start3A_116 = tpu.memref_slice %arg9[%add3A_11, %dma_start3A_115] : memref<10240x128xf32, #tpu.memory_space<vmem_shared>> -> memref<128x128xf32, #tpu.memory_space<vmem_shared>>
      tpu.enqueue_dma source(%arg7 : memref<128x128xf32, #tpu.memory_space<vmem>>) target(%dma_start3A_116 : memref<128x128xf32, #tpu.memory_space<vmem_shared>>) target_semaphore(%run_scoped3A_112 : memref<!tpu.dma_semaphore, #tpu.memory_space<semaphore_mem>>)
      %dma_wait3A_117 = arith.constant 0 : i32
      %dma_wait3A_118 = tpu.memref_slice %arg9[%add3A_11, %dma_wait3A_117] : memref<10240x128xf32, #tpu.memory_space<vmem_shared>> -> memref<128x128xf32, #tpu.memory_space<vmem_shared>>
      %dma_wait3A_119 = arith.constant 0 : i32
      %dma_wait3A_120 = tpu.memref_slice %arg9[%add3A_11, %dma_wait3A_119] : memref<10240x128xf32, #tpu.memory_space<vmem_shared>> -> memref<128x128xf32, #tpu.memory_space<vmem_shared>>
      tpu.wait_dma2 semaphore(%run_scoped3A_112 : memref<!tpu.dma_semaphore, #tpu.memory_space<semaphore_mem>>) src(%arg7 : memref<128x128xf32, #tpu.memory_space<vmem>>) dst(%dma_wait3A_120 : memref<128x128xf32, #tpu.memory_space<vmem_shared>>)
      tpu.yield
    }) : () -> ()
    %add3A_12 = arith.constant 256 : i32
    %add3A_13 = arith.addi %multiple_of3A, %add3A_12 : i32
    "tpu.region"() ({
      %run_scoped3A_112 = tpu.sem_alloc : memref<!tpu.dma_semaphore, #tpu.memory_space<semaphore_mem>>
      %dma_start3A_113 = arith.constant 0 : i32
      %dma_start3A_114 = tpu.memref_slice %arg9[%add3A_13, %dma_start3A_113] : memref<10240x128xf32, #tpu.memory_space<vmem_shared>> -> memref<128x128xf32, #tpu.memory_space<vmem_shared>>
      %dma_start3A_115 = arith.constant 0 : i32
      %dma_start3A_116 = tpu.memref_slice %arg9[%add3A_13, %dma_start3A_115] : memref<10240x128xf32, #tpu.memory_space<vmem_shared>> -> memref<128x128xf32, #tpu.memory_space<vmem_shared>>
      tpu.enqueue_dma source(%arg7 : memref<128x128xf32, #tpu.memory_space<vmem>>) target(%dma_start3A_116 : memref<128x128xf32, #tpu.memory_space<vmem_shared>>) target_semaphore(%run_scoped3A_112 : memref<!tpu.dma_semaphore, #tpu.memory_space<semaphore_mem>>)
      %dma_wait3A_117 = arith.constant 0 : i32
      %dma_wait3A_118 = tpu.memref_slice %arg9[%add3A_13, %dma_wait3A_117] : memref<10240x128xf32, #tpu.memory_space<vmem_shared>> -> memref<128x128xf32, #tpu.memory_space<vmem_shared>>
      %dma_wait3A_119 = arith.constant 0 : i32
      %dma_wait3A_120 = tpu.memref_slice %arg9[%add3A_13, %dma_wait3A_119] : memref<10240x128xf32, #tpu.memory_space<vmem_shared>> -> memref<128x128xf32, #tpu.memory_space<vmem_shared>>
      tpu.wait_dma2 semaphore(%run_scoped3A_112 : memref<!tpu.dma_semaphore, #tpu.memory_space<semaphore_mem>>) src(%arg7 : memref<128x128xf32, #tpu.memory_space<vmem>>) dst(%dma_wait3A_120 : memref<128x128xf32, #tpu.memory_space<vmem_shared>>)
      tpu.yield
    }) : () -> ()
    %add3A_14 = arith.constant 384 : i32
    %add3A_15 = arith.addi %multiple_of3A, %add3A_14 : i32
    "tpu.region"() ({
      %run_scoped3A_112 = tpu.sem_alloc : memref<!tpu.dma_semaphore, #tpu.memory_space<semaphore_mem>>
      %dma_start3A_113 = arith.constant 0 : i32
      %dma_start3A_114 = tpu.memref_slice %arg9[%add3A_15, %dma_start3A_113] : memref<10240x128xf32, #tpu.memory_space<vmem_shared>> -> memref<128x128xf32, #tpu.memory_space<vmem_shared>>
      %dma_start3A_115 = arith.constant 0 : i32
      %dma_start3A_116 = tpu.memref_slice %arg9[%add3A_15, %dma_start3A_115] : memref<10240x128xf32, #tpu.memory_space<vmem_shared>> -> memref<128x128xf32, #tpu.memory_space<vmem_shared>>
      tpu.enqueue_dma source(%arg7 : memref<128x128xf32, #tpu.memory_space<vmem>>) target(%dma_start3A_116 : memref<128x128xf32, #tpu.memory_space<vmem_shared>>) target_semaphore(%run_scoped3A_112 : memref<!tpu.dma_semaphore, #tpu.memory_space<semaphore_mem>>)
      %dma_wait3A_117 = arith.constant 0 : i32
      %dma_wait3A_118 = tpu.memref_slice %arg9[%add3A_15, %dma_wait3A_117] : memref<10240x128xf32, #tpu.memory_space<vmem_shared>> -> memref<128x128xf32, #tpu.memory_space<vmem_shared>>
      %dma_wait3A_119 = arith.constant 0 : i32
      %dma_wait3A_120 = tpu.memref_slice %arg9[%add3A_15, %dma_wait3A_119] : memref<10240x128xf32, #tpu.memory_space<vmem_shared>> -> memref<128x128xf32, #tpu.memory_space<vmem_shared>>
      tpu.wait_dma2 semaphore(%run_scoped3A_112 : memref<!tpu.dma_semaphore, #tpu.memory_space<semaphore_mem>>) src(%arg7 : memref<128x128xf32, #tpu.memory_space<vmem>>) dst(%dma_wait3A_120 : memref<128x128xf32, #tpu.memory_space<vmem_shared>>)
      tpu.yield
    }) : () -> ()
    %add3A_16 = arith.constant 512 : i32
    %add3A_17 = arith.addi %multiple_of3A, %add3A_16 : i32
    "tpu.region"() ({
      %run_scoped3A_112 = tpu.sem_alloc : memref<!tpu.dma_semaphore, #tpu.memory_space<semaphore_mem>>
      %dma_start3A_113 = arith.constant 0 : i32
      %dma_start3A_114 = tpu.memref_slice %arg9[%add3A_17, %dma_start3A_113] : memref<10240x128xf32, #tpu.memory_space<vmem_shared>> -> memref<128x128xf32, #tpu.memory_space<vmem_shared>>
      %dma_start3A_115 = arith.constant 0 : i32
      %dma_start3A_116 = tpu.memref_slice %arg9[%add3A_17, %dma_start3A_115] : memref<10240x128xf32, #tpu.memory_space<vmem_shared>> -> memref<128x128xf32, #tpu.memory_space<vmem_shared>>
      tpu.enqueue_dma source(%arg7 : memref<128x128xf32, #tpu.memory_space<vmem>>) target(%dma_start3A_116 : memref<128x128xf32, #tpu.memory_space<vmem_shared>>) target_semaphore(%run_scoped3A_112 : memref<!tpu.dma_semaphore, #tpu.memory_space<semaphore_mem>>)
      %dma_wait3A_117 = arith.constant 0 : i32
      %dma_wait3A_118 = tpu.memref_slice %arg9[%add3A_17, %dma_wait3A_117] : memref<10240x128xf32, #tpu.memory_space<vmem_shared>> -> memref<128x128xf32, #tpu.memory_space<vmem_shared>>
      %dma_wait3A_119 = arith.constant 0 : i32
      %dma_wait3A_120 = tpu.memref_slice %arg9[%add3A_17, %dma_wait3A_119] : memref<10240x128xf32, #tpu.memory_space<vmem_shared>> -> memref<128x128xf32, #tpu.memory_space<vmem_shared>>
      tpu.wait_dma2 semaphore(%run_scoped3A_112 : memref<!tpu.dma_semaphore, #tpu.memory_space<semaphore_mem>>) src(%arg7 : memref<128x128xf32, #tpu.memory_space<vmem>>) dst(%dma_wait3A_120 : memref<128x128xf32, #tpu.memory_space<vmem_shared>>)
      tpu.yield
    }) : () -> ()
    %barrier3A = arith.constant 0 : index
    tpu.barrier barrier_id(%barrier3A)
    %run_scoped3A = arith.constant 0 : i32
    "tpu.region"() ({
      %run_scoped3A_112 = tpu.sem_alloc : memref<!tpu.dma_semaphore, #tpu.memory_space<semaphore_mem>>
      %dma_start3A_113 = arith.constant 0 : i32
      %dma_start3A_114 = arith.constant 0 : i32
      %dma_start3A_115 = tpu.memref_slice %arg2[%run_scoped3A, %add3A, %dma_start3A_113, %dma_start3A_114] : memref<2x32x80x128xi32, #tpu.memory_space<hbm>> -> memref<1x1x40x128xi32, #tpu.memory_space<hbm>>
      %dma_start3A_116 = tpu.memref_squeeze %dma_start3A_115 : memref<1x1x40x128xi32, #tpu.memory_space<hbm>> -> memref<40x128xi32, #tpu.memory_space<hbm>>
      %dma_start3A_117 = arith.constant 0 : i32
      %dma_start3A_118 = arith.constant 0 : i32
      %dma_start3A_119 = tpu.memref_slice %arg2[%run_scoped3A, %add3A, %dma_start3A_117, %dma_start3A_118] : memref<2x32x80x128xi32, #tpu.memory_space<hbm>> -> memref<1x1x40x128xi32, #tpu.memory_space<hbm>>
      %dma_start3A_120 = tpu.memref_squeeze %dma_start3A_119 : memref<1x1x40x128xi32, #tpu.memory_space<hbm>> -> memref<40x128xi32, #tpu.memory_space<hbm>>
      tpu.enqueue_dma source(%dma_start3A_120 : memref<40x128xi32, #tpu.memory_space<hbm>>) target(%arg5 : memref<40x128xi32, #tpu.memory_space<vmem>>) target_semaphore(%run_scoped3A_112 : memref<!tpu.dma_semaphore, #tpu.memory_space<semaphore_mem>>)
      %dma_wait3A_121 = arith.constant 0 : i32
      %dma_wait3A_122 = arith.constant 0 : i32
      %dma_wait3A_123 = tpu.memref_slice %arg2[%run_scoped3A, %add3A, %dma_wait3A_121, %dma_wait3A_122] : memref<2x32x80x128xi32, #tpu.memory_space<hbm>> -> memref<1x1x40x128xi32, #tpu.memory_space<hbm>>
      %dma_wait3A_124 = tpu.memref_squeeze %dma_wait3A_123 : memref<1x1x40x128xi32, #tpu.memory_space<hbm>> -> memref<40x128xi32, #tpu.memory_space<hbm>>
      %dma_wait3A_125 = arith.constant 0 : i32
      %dma_wait3A_126 = arith.constant 0 : i32
      %dma_wait3A_127 = tpu.memref_slice %arg2[%run_scoped3A, %add3A, %dma_wait3A_125, %dma_wait3A_126] : memref<2x32x80x128xi32, #tpu.memory_space<hbm>> -> memref<1x1x40x128xi32, #tpu.memory_space<hbm>>
      %dma_wait3A_128 = tpu.memref_squeeze %dma_wait3A_127 : memref<1x1x40x128xi32, #tpu.memory_space<hbm>> -> memref<40x128xi32, #tpu.memory_space<hbm>>
      tpu.wait_dma2 semaphore(%run_scoped3A_112 : memref<!tpu.dma_semaphore, #tpu.memory_space<semaphore_mem>>) src(%dma_wait3A_128 : memref<40x128xi32, #tpu.memory_space<hbm>>) dst(%arg5 : memref<40x128xi32, #tpu.memory_space<vmem>>)
      tpu.yield
    }) : () -> ()
    %run_scoped3A_18 = arith.constant 1 : i32
    "tpu.region"() ({
      %run_scoped3A_112 = tpu.sem_alloc : memref<!tpu.dma_semaphore, #tpu.memory_space<semaphore_mem>>
      %dma_start3A_113 = arith.constant 0 : i32
      %dma_start3A_114 = arith.constant 0 : i32
      %dma_start3A_115 = tpu.memref_slice %arg2[%run_scoped3A_18, %add3A, %dma_start3A_113, %dma_start3A_114] : memref<2x32x80x128xi32, #tpu.memory_space<hbm>> -> memref<1x1x40x128xi32, #tpu.memory_space<hbm>>
      %dma_start3A_116 = tpu.memref_squeeze %dma_start3A_115 : memref<1x1x40x128xi32, #tpu.memory_space<hbm>> -> memref<40x128xi32, #tpu.memory_space<hbm>>
      %dma_start3A_117 = arith.constant 0 : i32
      %dma_start3A_118 = arith.constant 0 : i32
      %dma_start3A_119 = tpu.memref_slice %arg2[%run_scoped3A_18, %add3A, %dma_start3A_117, %dma_start3A_118] : memref<2x32x80x128xi32, #tpu.memory_space<hbm>> -> memref<1x1x40x128xi32, #tpu.memory_space<hbm>>
      %dma_start3A_120 = tpu.memref_squeeze %dma_start3A_119 : memref<1x1x40x128xi32, #tpu.memory_space<hbm>> -> memref<40x128xi32, #tpu.memory_space<hbm>>
      tpu.enqueue_dma source(%dma_start3A_120 : memref<40x128xi32, #tpu.memory_space<hbm>>) target(%arg6 : memref<40x128xi32, #tpu.memory_space<vmem>>) target_semaphore(%run_scoped3A_112 : memref<!tpu.dma_semaphore, #tpu.memory_space<semaphore_mem>>)
      %dma_wait3A_121 = arith.constant 0 : i32
      %dma_wait3A_122 = arith.constant 0 : i32
      %dma_wait3A_123 = tpu.memref_slice %arg2[%run_scoped3A_18, %add3A, %dma_wait3A_121, %dma_wait3A_122] : memref<2x32x80x128xi32, #tpu.memory_space<hbm>> -> memref<1x1x40x128xi32, #tpu.memory_space<hbm>>
      %dma_wait3A_124 = tpu.memref_squeeze %dma_wait3A_123 : memref<1x1x40x128xi32, #tpu.memory_space<hbm>> -> memref<40x128xi32, #tpu.memory_space<hbm>>
      %dma_wait3A_125 = arith.constant 0 : i32
      %dma_wait3A_126 = arith.constant 0 : i32
      %dma_wait3A_127 = tpu.memref_slice %arg2[%run_scoped3A_18, %add3A, %dma_wait3A_125, %dma_wait3A_126] : memref<2x32x80x128xi32, #tpu.memory_space<hbm>> -> memref<1x1x40x128xi32, #tpu.memory_space<hbm>>
      %dma_wait3A_128 = tpu.memref_squeeze %dma_wait3A_127 : memref<1x1x40x128xi32, #tpu.memory_space<hbm>> -> memref<40x128xi32, #tpu.memory_space<hbm>>
      tpu.wait_dma2 semaphore(%run_scoped3A_112 : memref<!tpu.dma_semaphore, #tpu.memory_space<semaphore_mem>>) src(%dma_wait3A_128 : memref<40x128xi32, #tpu.memory_space<hbm>>) dst(%arg6 : memref<40x128xi32, #tpu.memory_space<vmem>>)
      tpu.yield
    }) : () -> ()
    %dma_start3A = arith.constant 0 : i32
    %dma_start3A_19 = arith.constant 0 : i32
    %dma_start3A_20 = tpu.memref_slice %arg5[%dma_start3A, %dma_start3A_19] : memref<40x128xi32, #tpu.memory_space<vmem>> -> memref<1x128xi32, #tpu.memory_space<vmem>>
    %dma_start3A_21 = tpu.memref_squeeze %dma_start3A_20 : memref<1x128xi32, #tpu.memory_space<vmem>> -> memref<128xi32, #tpu.memory_space<vmem>>
    %dma_start3A_22 = arith.constant 0 : i32
    %dma_start3A_23 = arith.constant 0 : i32
    %dma_start3A_24 = tpu.memref_slice %arg3[%dma_start3A_22, %dma_start3A_23] : memref<10000x128xf32, #tpu.memory_space<hbm>> -> memref<10000x128xf32, #tpu.memory_space<hbm>>
    tpu.enqueue_indirect_dma source(%dma_start3A_24 : memref<10000x128xf32, #tpu.memory_space<hbm>>) target(%arg7 : memref<128x128xf32, #tpu.memory_space<vmem>>) offsets(%dma_start3A_21 : memref<128xi32, #tpu.memory_space<vmem>>) semaphore(%arg10 : memref<!tpu.dma_semaphore, #tpu.memory_space<semaphore_mem>>)
    %dma_start3A_25 = arith.constant 1 : i32
    %dma_start3A_26 = arith.constant 0 : i32
    %dma_start3A_27 = tpu.memref_slice %arg5[%dma_start3A_25, %dma_start3A_26] : memref<40x128xi32, #tpu.memory_space<vmem>> -> memref<1x128xi32, #tpu.memory_space<vmem>>
    %dma_start3A_28 = tpu.memref_squeeze %dma_start3A_27 : memref<1x128xi32, #tpu.memory_space<vmem>> -> memref<128xi32, #tpu.memory_space<vmem>>
    %dma_start3A_29 = arith.constant 0 : i32
    %dma_start3A_30 = arith.constant 0 : i32
    %dma_start3A_31 = tpu.memref_slice %arg3[%dma_start3A_29, %dma_start3A_30] : memref<10000x128xf32, #tpu.memory_space<hbm>> -> memref<10000x128xf32, #tpu.memory_space<hbm>>
    tpu.enqueue_indirect_dma source(%dma_start3A_31 : memref<10000x128xf32, #tpu.memory_space<hbm>>) target(%arg8 : memref<128x128xf32, #tpu.memory_space<vmem>>) offsets(%dma_start3A_28 : memref<128xi32, #tpu.memory_space<vmem>>) semaphore(%arg11 : memref<!tpu.dma_semaphore, #tpu.memory_space<semaphore_mem>>)
    %scan3A_32 = arith.constant 0 : i32
    %scan3A_33 = arith.constant 0 : i32
    %scan3A_34 = arith.constant 19 : i32
    %scan3A_35 = arith.addi %scan3A_33, %scan3A_34 : i32
    %scan3A_36 = arith.constant 1 : i32
    scf.for %scan3A_112 = %scan3A_33 to %scan3A_35 step %scan3A_36  : i32 {
      %mul3A_113 = arith.constant 2 : i32
      %mul3A_114 = arith.muli %mul3A_113, %scan3A_112 : i32
      %dma_wait3A_115 = arith.constant 0 : i32
      %dma_wait3A_116 = tpu.memref_slice %arg5[%mul3A_114, %dma_wait3A_115] : memref<40x128xi32, #tpu.memory_space<vmem>> -> memref<1x128xi32, #tpu.memory_space<vmem>>
      %dma_wait3A_117 = tpu.memref_squeeze %dma_wait3A_116 : memref<1x128xi32, #tpu.memory_space<vmem>> -> memref<128xi32, #tpu.memory_space<vmem>>
      %dma_wait3A_118 = arith.constant 0 : i32
      %dma_wait3A_119 = arith.constant 0 : i32
      %dma_wait3A_120 = tpu.memref_slice %arg3[%dma_wait3A_118, %dma_wait3A_119] : memref<10000x128xf32, #tpu.memory_space<hbm>> -> memref<10000x128xf32, #tpu.memory_space<hbm>>
      tpu.wait_indirect_dma semaphore(%arg10 : memref<!tpu.dma_semaphore, #tpu.memory_space<semaphore_mem>>) src(%dma_wait3A_120 : memref<10000x128xf32, #tpu.memory_space<hbm>>) dst(%arg7 : memref<128x128xf32, #tpu.memory_space<vmem>>)
      "tpu.region"() ({
        %run_scoped3A_147 = tpu.sem_alloc : memref<!tpu.dma_semaphore, #tpu.memory_space<semaphore_mem>>
        %dma_start3A_148 = arith.constant 0 : i32
        %dma_start3A_149 = tpu.memref_slice %arg6[%mul3A_114, %dma_start3A_148] : memref<40x128xi32, #tpu.memory_space<vmem>> -> memref<1x128xi32, #tpu.memory_space<vmem>>
        %dma_start3A_150 = tpu.memref_squeeze %dma_start3A_149 : memref<1x128xi32, #tpu.memory_space<vmem>> -> memref<128xi32, #tpu.memory_space<vmem>>
        %dma_start3A_151 = arith.constant 0 : i32
        %dma_start3A_152 = arith.constant 0 : i32
        %dma_start3A_153 = tpu.memref_slice %arg9[%dma_start3A_151, %dma_start3A_152] : memref<10240x128xf32, #tpu.memory_space<vmem_shared>> -> memref<10240x128xf32, #tpu.memory_space<vmem_shared>>
        tpu.enqueue_indirect_dma source(%arg7 : memref<128x128xf32, #tpu.memory_space<vmem>>) target(%dma_start3A_153 : memref<10240x128xf32, #tpu.memory_space<vmem_shared>>) offsets(%dma_start3A_150 : memref<128xi32, #tpu.memory_space<vmem>>) semaphore(%run_scoped3A_147 : memref<!tpu.dma_semaphore, #tpu.memory_space<semaphore_mem>>) {add = true}
        %dma_wait3A_154 = arith.constant 0 : i32
        %dma_wait3A_155 = tpu.memref_slice %arg6[%mul3A_114, %dma_wait3A_154] : memref<40x128xi32, #tpu.memory_space<vmem>> -> memref<1x128xi32, #tpu.memory_space<vmem>>
        %dma_wait3A_156 = tpu.memref_squeeze %dma_wait3A_155 : memref<1x128xi32, #tpu.memory_space<vmem>> -> memref<128xi32, #tpu.memory_space<vmem>>
        %dma_wait3A_157 = arith.constant 0 : i32
        %dma_wait3A_158 = arith.constant 0 : i32
        %dma_wait3A_159 = tpu.memref_slice %arg9[%dma_wait3A_157, %dma_wait3A_158] : memref<10240x128xf32, #tpu.memory_space<vmem_shared>> -> memref<10240x128xf32, #tpu.memory_space<vmem_shared>>
        tpu.wait_indirect_dma semaphore(%run_scoped3A_147 : memref<!tpu.dma_semaphore, #tpu.memory_space<semaphore_mem>>) src(%arg7 : memref<128x128xf32, #tpu.memory_space<vmem>>) dst(%dma_wait3A_159 : memref<10240x128xf32, #tpu.memory_space<vmem_shared>>)
        tpu.yield
      }) : () -> ()
      %add3A_121 = arith.constant 2 : i32
      %add3A_122 = arith.addi %mul3A_114, %add3A_121 : i32
      %dma_start3A_123 = arith.constant 0 : i32
      %dma_start3A_124 = tpu.memref_slice %arg5[%add3A_122, %dma_start3A_123] : memref<40x128xi32, #tpu.memory_space<vmem>> -> memref<1x128xi32, #tpu.memory_space<vmem>>
      %dma_start3A_125 = tpu.memref_squeeze %dma_start3A_124 : memref<1x128xi32, #tpu.memory_space<vmem>> -> memref<128xi32, #tpu.memory_space<vmem>>
      %dma_start3A_126 = arith.constant 0 : i32
      %dma_start3A_127 = arith.constant 0 : i32
      %dma_start3A_128 = tpu.memref_slice %arg3[%dma_start3A_126, %dma_start3A_127] : memref<10000x128xf32, #tpu.memory_space<hbm>> -> memref<10000x128xf32, #tpu.memory_space<hbm>>
      tpu.enqueue_indirect_dma source(%dma_start3A_128 : memref<10000x128xf32, #tpu.memory_space<hbm>>) target(%arg7 : memref<128x128xf32, #tpu.memory_space<vmem>>) offsets(%dma_start3A_125 : memref<128xi32, #tpu.memory_space<vmem>>) semaphore(%arg10 : memref<!tpu.dma_semaphore, #tpu.memory_space<semaphore_mem>>)
      %add3A_129 = arith.constant 1 : i32
      %add3A_130 = arith.addi %mul3A_114, %add3A_129 : i32
      %dma_wait3A_131 = arith.constant 0 : i32
      %dma_wait3A_132 = tpu.memref_slice %arg5[%add3A_130, %dma_wait3A_131] : memref<40x128xi32, #tpu.memory_space<vmem>> -> memref<1x128xi32, #tpu.memory_space<vmem>>
      %dma_wait3A_133 = tpu.memref_squeeze %dma_wait3A_132 : memref<1x128xi32, #tpu.memory_space<vmem>> -> memref<128xi32, #tpu.memory_space<vmem>>
      %dma_wait3A_134 = arith.constant 0 : i32
      %dma_wait3A_135 = arith.constant 0 : i32
      %dma_wait3A_136 = tpu.memref_slice %arg3[%dma_wait3A_134, %dma_wait3A_135] : memref<10000x128xf32, #tpu.memory_space<hbm>> -> memref<10000x128xf32, #tpu.memory_space<hbm>>
      tpu.wait_indirect_dma semaphore(%arg11 : memref<!tpu.dma_semaphore, #tpu.memory_space<semaphore_mem>>) src(%dma_wait3A_136 : memref<10000x128xf32, #tpu.memory_space<hbm>>) dst(%arg8 : memref<128x128xf32, #tpu.memory_space<vmem>>)
      %add3A_137 = arith.constant 1 : i32
      %add3A_138 = arith.addi %mul3A_114, %add3A_137 : i32
      "tpu.region"() ({
        %run_scoped3A_147 = tpu.sem_alloc : memref<!tpu.dma_semaphore, #tpu.memory_space<semaphore_mem>>
        %dma_start3A_148 = arith.constant 0 : i32
        %dma_start3A_149 = tpu.memref_slice %arg6[%add3A_138, %dma_start3A_148] : memref<40x128xi32, #tpu.memory_space<vmem>> -> memref<1x128xi32, #tpu.memory_space<vmem>>
        %dma_start3A_150 = tpu.memref_squeeze %dma_start3A_149 : memref<1x128xi32, #tpu.memory_space<vmem>> -> memref<128xi32, #tpu.memory_space<vmem>>
        %dma_start3A_151 = arith.constant 0 : i32
        %dma_start3A_152 = arith.constant 0 : i32
        %dma_start3A_153 = tpu.memref_slice %arg9[%dma_start3A_151, %dma_start3A_152] : memref<10240x128xf32, #tpu.memory_space<vmem_shared>> -> memref<10240x128xf32, #tpu.memory_space<vmem_shared>>
        tpu.enqueue_indirect_dma source(%arg8 : memref<128x128xf32, #tpu.memory_space<vmem>>) target(%dma_start3A_153 : memref<10240x128xf32, #tpu.memory_space<vmem_shared>>) offsets(%dma_start3A_150 : memref<128xi32, #tpu.memory_space<vmem>>) semaphore(%run_scoped3A_147 : memref<!tpu.dma_semaphore, #tpu.memory_space<semaphore_mem>>) {add = true}
        %dma_wait3A_154 = arith.constant 0 : i32
        %dma_wait3A_155 = tpu.memref_slice %arg6[%add3A_138, %dma_wait3A_154] : memref<40x128xi32, #tpu.memory_space<vmem>> -> memref<1x128xi32, #tpu.memory_space<vmem>>
        %dma_wait3A_156 = tpu.memref_squeeze %dma_wait3A_155 : memref<1x128xi32, #tpu.memory_space<vmem>> -> memref<128xi32, #tpu.memory_space<vmem>>
        %dma_wait3A_157 = arith.constant 0 : i32
        %dma_wait3A_158 = arith.constant 0 : i32
        %dma_wait3A_159 = tpu.memref_slice %arg9[%dma_wait3A_157, %dma_wait3A_158] : memref<10240x128xf32, #tpu.memory_space<vmem_shared>> -> memref<10240x128xf32, #tpu.memory_space<vmem_shared>>
        tpu.wait_indirect_dma semaphore(%run_scoped3A_147 : memref<!tpu.dma_semaphore, #tpu.memory_space<semaphore_mem>>) src(%arg8 : memref<128x128xf32, #tpu.memory_space<vmem>>) dst(%dma_wait3A_159 : memref<10240x128xf32, #tpu.memory_space<vmem_shared>>)
        tpu.yield
      }) : () -> ()
      %add3A_139 = arith.constant 3 : i32
      %add3A_140 = arith.addi %mul3A_114, %add3A_139 : i32
      %dma_start3A_141 = arith.constant 0 : i32
      %dma_start3A_142 = tpu.memref_slice %arg5[%add3A_140, %dma_start3A_141] : memref<40x128xi32, #tpu.memory_space<vmem>> -> memref<1x128xi32, #tpu.memory_space<vmem>>
      %dma_start3A_143 = tpu.memref_squeeze %dma_start3A_142 : memref<1x128xi32, #tpu.memory_space<vmem>> -> memref<128xi32, #tpu.memory_space<vmem>>
      %dma_start3A_144 = arith.constant 0 : i32
      %dma_start3A_145 = arith.constant 0 : i32
      %dma_start3A_146 = tpu.memref_slice %arg3[%dma_start3A_144, %dma_start3A_145] : memref<10000x128xf32, #tpu.memory_space<hbm>> -> memref<10000x128xf32, #tpu.memory_space<hbm>>
      tpu.enqueue_indirect_dma source(%dma_start3A_146 : memref<10000x128xf32, #tpu.memory_space<hbm>>) target(%arg8 : memref<128x128xf32, #tpu.memory_space<vmem>>) offsets(%dma_start3A_143 : memref<128xi32, #tpu.memory_space<vmem>>) semaphore(%arg11 : memref<!tpu.dma_semaphore, #tpu.memory_space<semaphore_mem>>)
    }
    %scan3A_37 = arith.constant 19 : i32
    %dma_wait3A = arith.constant 38 : i32
    %dma_wait3A_38 = arith.constant 0 : i32
    %dma_wait3A_39 = tpu.memref_slice %arg5[%dma_wait3A, %dma_wait3A_38] : memref<40x128xi32, #tpu.memory_space<vmem>> -> memref<1x128xi32, #tpu.memory_space<vmem>>
    %dma_wait3A_40 = tpu.memref_squeeze %dma_wait3A_39 : memref<1x128xi32, #tpu.memory_space<vmem>> -> memref<128xi32, #tpu.memory_space<vmem>>
    %dma_wait3A_41 = arith.constant 0 : i32
    %dma_wait3A_42 = arith.constant 0 : i32
    %dma_wait3A_43 = tpu.memref_slice %arg3[%dma_wait3A_41, %dma_wait3A_42] : memref<10000x128xf32, #tpu.memory_space<hbm>> -> memref<10000x128xf32, #tpu.memory_space<hbm>>
    tpu.wait_indirect_dma semaphore(%arg10 : memref<!tpu.dma_semaphore, #tpu.memory_space<semaphore_mem>>) src(%dma_wait3A_43 : memref<10000x128xf32, #tpu.memory_space<hbm>>) dst(%arg7 : memref<128x128xf32, #tpu.memory_space<vmem>>)
    %run_scoped3A_44 = arith.constant 38 : i32
    "tpu.region"() ({
      %run_scoped3A_112 = tpu.sem_alloc : memref<!tpu.dma_semaphore, #tpu.memory_space<semaphore_mem>>
      %dma_start3A_113 = arith.constant 0 : i32
      %dma_start3A_114 = tpu.memref_slice %arg6[%run_scoped3A_44, %dma_start3A_113] : memref<40x128xi32, #tpu.memory_space<vmem>> -> memref<1x128xi32, #tpu.memory_space<vmem>>
      %dma_start3A_115 = tpu.memref_squeeze %dma_start3A_114 : memref<1x128xi32, #tpu.memory_space<vmem>> -> memref<128xi32, #tpu.memory_space<vmem>>
      %dma_start3A_116 = arith.constant 0 : i32
      %dma_start3A_117 = arith.constant 0 : i32
      %dma_start3A_118 = tpu.memref_slice %arg9[%dma_start3A_116, %dma_start3A_117] : memref<10240x128xf32, #tpu.memory_space<vmem_shared>> -> memref<10240x128xf32, #tpu.memory_space<vmem_shared>>
      tpu.enqueue_indirect_dma source(%arg7 : memref<128x128xf32, #tpu.memory_space<vmem>>) target(%dma_start3A_118 : memref<10240x128xf32, #tpu.memory_space<vmem_shared>>) offsets(%dma_start3A_115 : memref<128xi32, #tpu.memory_space<vmem>>) semaphore(%run_scoped3A_112 : memref<!tpu.dma_semaphore, #tpu.memory_space<semaphore_mem>>) {add = true}
      %dma_wait3A_119 = arith.constant 0 : i32
      %dma_wait3A_120 = tpu.memref_slice %arg6[%run_scoped3A_44, %dma_wait3A_119] : memref<40x128xi32, #tpu.memory_space<vmem>> -> memref<1x128xi32, #tpu.memory_space<vmem>>
      %dma_wait3A_121 = tpu.memref_squeeze %dma_wait3A_120 : memref<1x128xi32, #tpu.memory_space<vmem>> -> memref<128xi32, #tpu.memory_space<vmem>>
      %dma_wait3A_122 = arith.constant 0 : i32
      %dma_wait3A_123 = arith.constant 0 : i32
      %dma_wait3A_124 = tpu.memref_slice %arg9[%dma_wait3A_122, %dma_wait3A_123] : memref<10240x128xf32, #tpu.memory_space<vmem_shared>> -> memref<10240x128xf32, #tpu.memory_space<vmem_shared>>
      tpu.wait_indirect_dma semaphore(%run_scoped3A_112 : memref<!tpu.dma_semaphore, #tpu.memory_space<semaphore_mem>>) src(%arg7 : memref<128x128xf32, #tpu.memory_space<vmem>>) dst(%dma_wait3A_124 : memref<10240x128xf32, #tpu.memory_space<vmem_shared>>)
      tpu.yield
    }) : () -> ()
    %dma_wait3A_45 = arith.constant 39 : i32
    %dma_wait3A_46 = arith.constant 0 : i32
    %dma_wait3A_47 = tpu.memref_slice %arg5[%dma_wait3A_45, %dma_wait3A_46] : memref<40x128xi32, #tpu.memory_space<vmem>> -> memref<1x128xi32, #tpu.memory_space<vmem>>
    %dma_wait3A_48 = tpu.memref_squeeze %dma_wait3A_47 : memref<1x128xi32, #tpu.memory_space<vmem>> -> memref<128xi32, #tpu.memory_space<vmem>>
    %dma_wait3A_49 = arith.constant 0 : i32
    %dma_wait3A_50 = arith.constant 0 : i32
    %dma_wait3A_51 = tpu.memref_slice %arg3[%dma_wait3A_49, %dma_wait3A_50] : memref<10000x128xf32, #tpu.memory_space<hbm>> -> memref<10000x128xf32, #tpu.memory_space<hbm>>
    tpu.wait_indirect_dma semaphore(%arg11 : memref<!tpu.dma_semaphore, #tpu.memory_space<semaphore_mem>>) src(%dma_wait3A_51 : memref<10000x128xf32, #tpu.memory_space<hbm>>) dst(%arg8 : memref<128x128xf32, #tpu.memory_space<vmem>>)
    %run_scoped3A_52 = arith.constant 39 : i32
    "tpu.region"() ({
      %run_scoped3A_112 = tpu.sem_alloc : memref<!tpu.dma_semaphore, #tpu.memory_space<semaphore_mem>>
      %dma_start3A_113 = arith.constant 0 : i32
      %dma_start3A_114 = tpu.memref_slice %arg6[%run_scoped3A_52, %dma_start3A_113] : memref<40x128xi32, #tpu.memory_space<vmem>> -> memref<1x128xi32, #tpu.memory_space<vmem>>
      %dma_start3A_115 = tpu.memref_squeeze %dma_start3A_114 : memref<1x128xi32, #tpu.memory_space<vmem>> -> memref<128xi32, #tpu.memory_space<vmem>>
      %dma_start3A_116 = arith.constant 0 : i32
      %dma_start3A_117 = arith.constant 0 : i32
      %dma_start3A_118 = tpu.memref_slice %arg9[%dma_start3A_116, %dma_start3A_117] : memref<10240x128xf32, #tpu.memory_space<vmem_shared>> -> memref<10240x128xf32, #tpu.memory_space<vmem_shared>>
      tpu.enqueue_indirect_dma source(%arg8 : memref<128x128xf32, #tpu.memory_space<vmem>>) target(%dma_start3A_118 : memref<10240x128xf32, #tpu.memory_space<vmem_shared>>) offsets(%dma_start3A_115 : memref<128xi32, #tpu.memory_space<vmem>>) semaphore(%run_scoped3A_112 : memref<!tpu.dma_semaphore, #tpu.memory_space<semaphore_mem>>) {add = true}
      %dma_wait3A_119 = arith.constant 0 : i32
      %dma_wait3A_120 = tpu.memref_slice %arg6[%run_scoped3A_52, %dma_wait3A_119] : memref<40x128xi32, #tpu.memory_space<vmem>> -> memref<1x128xi32, #tpu.memory_space<vmem>>
      %dma_wait3A_121 = tpu.memref_squeeze %dma_wait3A_120 : memref<1x128xi32, #tpu.memory_space<vmem>> -> memref<128xi32, #tpu.memory_space<vmem>>
      %dma_wait3A_122 = arith.constant 0 : i32
      %dma_wait3A_123 = arith.constant 0 : i32
      %dma_wait3A_124 = tpu.memref_slice %arg9[%dma_wait3A_122, %dma_wait3A_123] : memref<10240x128xf32, #tpu.memory_space<vmem_shared>> -> memref<10240x128xf32, #tpu.memory_space<vmem_shared>>
      tpu.wait_indirect_dma semaphore(%run_scoped3A_112 : memref<!tpu.dma_semaphore, #tpu.memory_space<semaphore_mem>>) src(%arg8 : memref<128x128xf32, #tpu.memory_space<vmem>>) dst(%dma_wait3A_124 : memref<10240x128xf32, #tpu.memory_space<vmem_shared>>)
      tpu.yield
    }) : () -> ()
    %run_scoped3A_53 = arith.constant 0 : i32
    "tpu.region"() ({
      %run_scoped3A_112 = tpu.sem_alloc : memref<!tpu.dma_semaphore, #tpu.memory_space<semaphore_mem>>
      %dma_start3A_113 = arith.constant 40 : i32
      %dma_start3A_114 = arith.constant 0 : i32
      %dma_start3A_115 = tpu.memref_slice %arg2[%run_scoped3A_53, %add3A, %dma_start3A_113, %dma_start3A_114] : memref<2x32x80x128xi32, #tpu.memory_space<hbm>> -> memref<1x1x40x128xi32, #tpu.memory_space<hbm>>
      %dma_start3A_116 = tpu.memref_squeeze %dma_start3A_115 : memref<1x1x40x128xi32, #tpu.memory_space<hbm>> -> memref<40x128xi32, #tpu.memory_space<hbm>>
      %dma_start3A_117 = arith.constant 40 : i32
      %dma_start3A_118 = arith.constant 0 : i32
      %dma_start3A_119 = tpu.memref_slice %arg2[%run_scoped3A_53, %add3A, %dma_start3A_117, %dma_start3A_118] : memref<2x32x80x128xi32, #tpu.memory_space<hbm>> -> memref<1x1x40x128xi32, #tpu.memory_space<hbm>>
      %dma_start3A_120 = tpu.memref_squeeze %dma_start3A_119 : memref<1x1x40x128xi32, #tpu.memory_space<hbm>> -> memref<40x128xi32, #tpu.memory_space<hbm>>
      tpu.enqueue_dma source(%dma_start3A_120 : memref<40x128xi32, #tpu.memory_space<hbm>>) target(%arg5 : memref<40x128xi32, #tpu.memory_space<vmem>>) target_semaphore(%run_scoped3A_112 : memref<!tpu.dma_semaphore, #tpu.memory_space<semaphore_mem>>)
      %dma_wait3A_121 = arith.constant 40 : i32
      %dma_wait3A_122 = arith.constant 0 : i32
      %dma_wait3A_123 = tpu.memref_slice %arg2[%run_scoped3A_53, %add3A, %dma_wait3A_121, %dma_wait3A_122] : memref<2x32x80x128xi32, #tpu.memory_space<hbm>> -> memref<1x1x40x128xi32, #tpu.memory_space<hbm>>
      %dma_wait3A_124 = tpu.memref_squeeze %dma_wait3A_123 : memref<1x1x40x128xi32, #tpu.memory_space<hbm>> -> memref<40x128xi32, #tpu.memory_space<hbm>>
      %dma_wait3A_125 = arith.constant 40 : i32
      %dma_wait3A_126 = arith.constant 0 : i32
      %dma_wait3A_127 = tpu.memref_slice %arg2[%run_scoped3A_53, %add3A, %dma_wait3A_125, %dma_wait3A_126] : memref<2x32x80x128xi32, #tpu.memory_space<hbm>> -> memref<1x1x40x128xi32, #tpu.memory_space<hbm>>
      %dma_wait3A_128 = tpu.memref_squeeze %dma_wait3A_127 : memref<1x1x40x128xi32, #tpu.memory_space<hbm>> -> memref<40x128xi32, #tpu.memory_space<hbm>>
      tpu.wait_dma2 semaphore(%run_scoped3A_112 : memref<!tpu.dma_semaphore, #tpu.memory_space<semaphore_mem>>) src(%dma_wait3A_128 : memref<40x128xi32, #tpu.memory_space<hbm>>) dst(%arg5 : memref<40x128xi32, #tpu.memory_space<vmem>>)
      tpu.yield
    }) : () -> ()
    %run_scoped3A_54 = arith.constant 1 : i32
    "tpu.region"() ({
      %run_scoped3A_112 = tpu.sem_alloc : memref<!tpu.dma_semaphore, #tpu.memory_space<semaphore_mem>>
      %dma_start3A_113 = arith.constant 40 : i32
      %dma_start3A_114 = arith.constant 0 : i32
      %dma_start3A_115 = tpu.memref_slice %arg2[%run_scoped3A_54, %add3A, %dma_start3A_113, %dma_start3A_114] : memref<2x32x80x128xi32, #tpu.memory_space<hbm>> -> memref<1x1x40x128xi32, #tpu.memory_space<hbm>>
      %dma_start3A_116 = tpu.memref_squeeze %dma_start3A_115 : memref<1x1x40x128xi32, #tpu.memory_space<hbm>> -> memref<40x128xi32, #tpu.memory_space<hbm>>
      %dma_start3A_117 = arith.constant 40 : i32
      %dma_start3A_118 = arith.constant 0 : i32
      %dma_start3A_119 = tpu.memref_slice %arg2[%run_scoped3A_54, %add3A, %dma_start3A_117, %dma_start3A_118] : memref<2x32x80x128xi32, #tpu.memory_space<hbm>> -> memref<1x1x40x128xi32, #tpu.memory_space<hbm>>
      %dma_start3A_120 = tpu.memref_squeeze %dma_start3A_119 : memref<1x1x40x128xi32, #tpu.memory_space<hbm>> -> memref<40x128xi32, #tpu.memory_space<hbm>>
      tpu.enqueue_dma source(%dma_start3A_120 : memref<40x128xi32, #tpu.memory_space<hbm>>) target(%arg6 : memref<40x128xi32, #tpu.memory_space<vmem>>) target_semaphore(%run_scoped3A_112 : memref<!tpu.dma_semaphore, #tpu.memory_space<semaphore_mem>>)
      %dma_wait3A_121 = arith.constant 40 : i32
      %dma_wait3A_122 = arith.constant 0 : i32
      %dma_wait3A_123 = tpu.memref_slice %arg2[%run_scoped3A_54, %add3A, %dma_wait3A_121, %dma_wait3A_122] : memref<2x32x80x128xi32, #tpu.memory_space<hbm>> -> memref<1x1x40x128xi32, #tpu.memory_space<hbm>>
      %dma_wait3A_124 = tpu.memref_squeeze %dma_wait3A_123 : memref<1x1x40x128xi32, #tpu.memory_space<hbm>> -> memref<40x128xi32, #tpu.memory_space<hbm>>
      %dma_wait3A_125 = arith.constant 40 : i32
      %dma_wait3A_126 = arith.constant 0 : i32
      %dma_wait3A_127 = tpu.memref_slice %arg2[%run_scoped3A_54, %add3A, %dma_wait3A_125, %dma_wait3A_126] : memref<2x32x80x128xi32, #tpu.memory_space<hbm>> -> memref<1x1x40x128xi32, #tpu.memory_space<hbm>>
      %dma_wait3A_128 = tpu.memref_squeeze %dma_wait3A_127 : memref<1x1x40x128xi32, #tpu.memory_space<hbm>> -> memref<40x128xi32, #tpu.memory_space<hbm>>
      tpu.wait_dma2 semaphore(%run_scoped3A_112 : memref<!tpu.dma_semaphore, #tpu.memory_space<semaphore_mem>>) src(%dma_wait3A_128 : memref<40x128xi32, #tpu.memory_space<hbm>>) dst(%arg6 : memref<40x128xi32, #tpu.memory_space<vmem>>)
      tpu.yield
    }) : () -> ()
    %dma_start3A_55 = arith.constant 0 : i32
    %dma_start3A_56 = arith.constant 0 : i32
    %dma_start3A_57 = tpu.memref_slice %arg5[%dma_start3A_55, %dma_start3A_56] : memref<40x128xi32, #tpu.memory_space<vmem>> -> memref<1x128xi32, #tpu.memory_space<vmem>>
    %dma_start3A_58 = tpu.memref_squeeze %dma_start3A_57 : memref<1x128xi32, #tpu.memory_space<vmem>> -> memref<128xi32, #tpu.memory_space<vmem>>
    %dma_start3A_59 = arith.constant 0 : i32
    %dma_start3A_60 = arith.constant 0 : i32
    %dma_start3A_61 = tpu.memref_slice %arg3[%dma_start3A_59, %dma_start3A_60] : memref<10000x128xf32, #tpu.memory_space<hbm>> -> memref<10000x128xf32, #tpu.memory_space<hbm>>
    tpu.enqueue_indirect_dma source(%dma_start3A_61 : memref<10000x128xf32, #tpu.memory_space<hbm>>) target(%arg7 : memref<128x128xf32, #tpu.memory_space<vmem>>) offsets(%dma_start3A_58 : memref<128xi32, #tpu.memory_space<vmem>>) semaphore(%arg10 : memref<!tpu.dma_semaphore, #tpu.memory_space<semaphore_mem>>)
    %dma_start3A_62 = arith.constant 1 : i32
    %dma_start3A_63 = arith.constant 0 : i32
    %dma_start3A_64 = tpu.memref_slice %arg5[%dma_start3A_62, %dma_start3A_63] : memref<40x128xi32, #tpu.memory_space<vmem>> -> memref<1x128xi32, #tpu.memory_space<vmem>>
    %dma_start3A_65 = tpu.memref_squeeze %dma_start3A_64 : memref<1x128xi32, #tpu.memory_space<vmem>> -> memref<128xi32, #tpu.memory_space<vmem>>
    %dma_start3A_66 = arith.constant 0 : i32
    %dma_start3A_67 = arith.constant 0 : i32
    %dma_start3A_68 = tpu.memref_slice %arg3[%dma_start3A_66, %dma_start3A_67] : memref<10000x128xf32, #tpu.memory_space<hbm>> -> memref<10000x128xf32, #tpu.memory_space<hbm>>
    tpu.enqueue_indirect_dma source(%dma_start3A_68 : memref<10000x128xf32, #tpu.memory_space<hbm>>) target(%arg8 : memref<128x128xf32, #tpu.memory_space<vmem>>) offsets(%dma_start3A_65 : memref<128xi32, #tpu.memory_space<vmem>>) semaphore(%arg11 : memref<!tpu.dma_semaphore, #tpu.memory_space<semaphore_mem>>)
    %scan3A_69 = arith.constant 0 : i32
    %scan3A_70 = arith.constant 0 : i32
    %scan3A_71 = arith.constant 19 : i32
    %scan3A_72 = arith.addi %scan3A_70, %scan3A_71 : i32
    %scan3A_73 = arith.constant 1 : i32
    scf.for %scan3A_112 = %scan3A_70 to %scan3A_72 step %scan3A_73  : i32 {
      %mul3A_113 = arith.constant 2 : i32
      %mul3A_114 = arith.muli %mul3A_113, %scan3A_112 : i32
      %dma_wait3A_115 = arith.constant 0 : i32
      %dma_wait3A_116 = tpu.memref_slice %arg5[%mul3A_114, %dma_wait3A_115] : memref<40x128xi32, #tpu.memory_space<vmem>> -> memref<1x128xi32, #tpu.memory_space<vmem>>
      %dma_wait3A_117 = tpu.memref_squeeze %dma_wait3A_116 : memref<1x128xi32, #tpu.memory_space<vmem>> -> memref<128xi32, #tpu.memory_space<vmem>>
      %dma_wait3A_118 = arith.constant 0 : i32
      %dma_wait3A_119 = arith.constant 0 : i32
      %dma_wait3A_120 = tpu.memref_slice %arg3[%dma_wait3A_118, %dma_wait3A_119] : memref<10000x128xf32, #tpu.memory_space<hbm>> -> memref<10000x128xf32, #tpu.memory_space<hbm>>
      tpu.wait_indirect_dma semaphore(%arg10 : memref<!tpu.dma_semaphore, #tpu.memory_space<semaphore_mem>>) src(%dma_wait3A_120 : memref<10000x128xf32, #tpu.memory_space<hbm>>) dst(%arg7 : memref<128x128xf32, #tpu.memory_space<vmem>>)
      "tpu.region"() ({
        %run_scoped3A_147 = tpu.sem_alloc : memref<!tpu.dma_semaphore, #tpu.memory_space<semaphore_mem>>
        %dma_start3A_148 = arith.constant 0 : i32
        %dma_start3A_149 = tpu.memref_slice %arg6[%mul3A_114, %dma_start3A_148] : memref<40x128xi32, #tpu.memory_space<vmem>> -> memref<1x128xi32, #tpu.memory_space<vmem>>
        %dma_start3A_150 = tpu.memref_squeeze %dma_start3A_149 : memref<1x128xi32, #tpu.memory_space<vmem>> -> memref<128xi32, #tpu.memory_space<vmem>>
        %dma_start3A_151 = arith.constant 0 : i32
        %dma_start3A_152 = arith.constant 0 : i32
        %dma_start3A_153 = tpu.memref_slice %arg9[%dma_start3A_151, %dma_start3A_152] : memref<10240x128xf32, #tpu.memory_space<vmem_shared>> -> memref<10240x128xf32, #tpu.memory_space<vmem_shared>>
        tpu.enqueue_indirect_dma source(%arg7 : memref<128x128xf32, #tpu.memory_space<vmem>>) target(%dma_start3A_153 : memref<10240x128xf32, #tpu.memory_space<vmem_shared>>) offsets(%dma_start3A_150 : memref<128xi32, #tpu.memory_space<vmem>>) semaphore(%run_scoped3A_147 : memref<!tpu.dma_semaphore, #tpu.memory_space<semaphore_mem>>) {add = true}
        %dma_wait3A_154 = arith.constant 0 : i32
        %dma_wait3A_155 = tpu.memref_slice %arg6[%mul3A_114, %dma_wait3A_154] : memref<40x128xi32, #tpu.memory_space<vmem>> -> memref<1x128xi32, #tpu.memory_space<vmem>>
        %dma_wait3A_156 = tpu.memref_squeeze %dma_wait3A_155 : memref<1x128xi32, #tpu.memory_space<vmem>> -> memref<128xi32, #tpu.memory_space<vmem>>
        %dma_wait3A_157 = arith.constant 0 : i32
        %dma_wait3A_158 = arith.constant 0 : i32
        %dma_wait3A_159 = tpu.memref_slice %arg9[%dma_wait3A_157, %dma_wait3A_158] : memref<10240x128xf32, #tpu.memory_space<vmem_shared>> -> memref<10240x128xf32, #tpu.memory_space<vmem_shared>>
        tpu.wait_indirect_dma semaphore(%run_scoped3A_147 : memref<!tpu.dma_semaphore, #tpu.memory_space<semaphore_mem>>) src(%arg7 : memref<128x128xf32, #tpu.memory_space<vmem>>) dst(%dma_wait3A_159 : memref<10240x128xf32, #tpu.memory_space<vmem_shared>>)
        tpu.yield
      }) : () -> ()
      %add3A_121 = arith.constant 2 : i32
      %add3A_122 = arith.addi %mul3A_114, %add3A_121 : i32
      %dma_start3A_123 = arith.constant 0 : i32
      %dma_start3A_124 = tpu.memref_slice %arg5[%add3A_122, %dma_start3A_123] : memref<40x128xi32, #tpu.memory_space<vmem>> -> memref<1x128xi32, #tpu.memory_space<vmem>>
      %dma_start3A_125 = tpu.memref_squeeze %dma_start3A_124 : memref<1x128xi32, #tpu.memory_space<vmem>> -> memref<128xi32, #tpu.memory_space<vmem>>
      %dma_start3A_126 = arith.constant 0 : i32
      %dma_start3A_127 = arith.constant 0 : i32
      %dma_start3A_128 = tpu.memref_slice %arg3[%dma_start3A_126, %dma_start3A_127] : memref<10000x128xf32, #tpu.memory_space<hbm>> -> memref<10000x128xf32, #tpu.memory_space<hbm>>
      tpu.enqueue_indirect_dma source(%dma_start3A_128 : memref<10000x128xf32, #tpu.memory_space<hbm>>) target(%arg7 : memref<128x128xf32, #tpu.memory_space<vmem>>) offsets(%dma_start3A_125 : memref<128xi32, #tpu.memory_space<vmem>>) semaphore(%arg10 : memref<!tpu.dma_semaphore, #tpu.memory_space<semaphore_mem>>)
      %add3A_129 = arith.constant 1 : i32
      %add3A_130 = arith.addi %mul3A_114, %add3A_129 : i32
      %dma_wait3A_131 = arith.constant 0 : i32
      %dma_wait3A_132 = tpu.memref_slice %arg5[%add3A_130, %dma_wait3A_131] : memref<40x128xi32, #tpu.memory_space<vmem>> -> memref<1x128xi32, #tpu.memory_space<vmem>>
      %dma_wait3A_133 = tpu.memref_squeeze %dma_wait3A_132 : memref<1x128xi32, #tpu.memory_space<vmem>> -> memref<128xi32, #tpu.memory_space<vmem>>
      %dma_wait3A_134 = arith.constant 0 : i32
      %dma_wait3A_135 = arith.constant 0 : i32
      %dma_wait3A_136 = tpu.memref_slice %arg3[%dma_wait3A_134, %dma_wait3A_135] : memref<10000x128xf32, #tpu.memory_space<hbm>> -> memref<10000x128xf32, #tpu.memory_space<hbm>>
      tpu.wait_indirect_dma semaphore(%arg11 : memref<!tpu.dma_semaphore, #tpu.memory_space<semaphore_mem>>) src(%dma_wait3A_136 : memref<10000x128xf32, #tpu.memory_space<hbm>>) dst(%arg8 : memref<128x128xf32, #tpu.memory_space<vmem>>)
      %add3A_137 = arith.constant 1 : i32
      %add3A_138 = arith.addi %mul3A_114, %add3A_137 : i32
      "tpu.region"() ({
        %run_scoped3A_147 = tpu.sem_alloc : memref<!tpu.dma_semaphore, #tpu.memory_space<semaphore_mem>>
        %dma_start3A_148 = arith.constant 0 : i32
        %dma_start3A_149 = tpu.memref_slice %arg6[%add3A_138, %dma_start3A_148] : memref<40x128xi32, #tpu.memory_space<vmem>> -> memref<1x128xi32, #tpu.memory_space<vmem>>
        %dma_start3A_150 = tpu.memref_squeeze %dma_start3A_149 : memref<1x128xi32, #tpu.memory_space<vmem>> -> memref<128xi32, #tpu.memory_space<vmem>>
        %dma_start3A_151 = arith.constant 0 : i32
        %dma_start3A_152 = arith.constant 0 : i32
        %dma_start3A_153 = tpu.memref_slice %arg9[%dma_start3A_151, %dma_start3A_152] : memref<10240x128xf32, #tpu.memory_space<vmem_shared>> -> memref<10240x128xf32, #tpu.memory_space<vmem_shared>>
        tpu.enqueue_indirect_dma source(%arg8 : memref<128x128xf32, #tpu.memory_space<vmem>>) target(%dma_start3A_153 : memref<10240x128xf32, #tpu.memory_space<vmem_shared>>) offsets(%dma_start3A_150 : memref<128xi32, #tpu.memory_space<vmem>>) semaphore(%run_scoped3A_147 : memref<!tpu.dma_semaphore, #tpu.memory_space<semaphore_mem>>) {add = true}
        %dma_wait3A_154 = arith.constant 0 : i32
        %dma_wait3A_155 = tpu.memref_slice %arg6[%add3A_138, %dma_wait3A_154] : memref<40x128xi32, #tpu.memory_space<vmem>> -> memref<1x128xi32, #tpu.memory_space<vmem>>
        %dma_wait3A_156 = tpu.memref_squeeze %dma_wait3A_155 : memref<1x128xi32, #tpu.memory_space<vmem>> -> memref<128xi32, #tpu.memory_space<vmem>>
        %dma_wait3A_157 = arith.constant 0 : i32
        %dma_wait3A_158 = arith.constant 0 : i32
        %dma_wait3A_159 = tpu.memref_slice %arg9[%dma_wait3A_157, %dma_wait3A_158] : memref<10240x128xf32, #tpu.memory_space<vmem_shared>> -> memref<10240x128xf32, #tpu.memory_space<vmem_shared>>
        tpu.wait_indirect_dma semaphore(%run_scoped3A_147 : memref<!tpu.dma_semaphore, #tpu.memory_space<semaphore_mem>>) src(%arg8 : memref<128x128xf32, #tpu.memory_space<vmem>>) dst(%dma_wait3A_159 : memref<10240x128xf32, #tpu.memory_space<vmem_shared>>)
        tpu.yield
      }) : () -> ()
      %add3A_139 = arith.constant 3 : i32
      %add3A_140 = arith.addi %mul3A_114, %add3A_139 : i32
      %dma_start3A_141 = arith.constant 0 : i32
      %dma_start3A_142 = tpu.memref_slice %arg5[%add3A_140, %dma_start3A_141] : memref<40x128xi32, #tpu.memory_space<vmem>> -> memref<1x128xi32, #tpu.memory_space<vmem>>
      %dma_start3A_143 = tpu.memref_squeeze %dma_start3A_142 : memref<1x128xi32, #tpu.memory_space<vmem>> -> memref<128xi32, #tpu.memory_space<vmem>>
      %dma_start3A_144 = arith.constant 0 : i32
      %dma_start3A_145 = arith.constant 0 : i32
      %dma_start3A_146 = tpu.memref_slice %arg3[%dma_start3A_144, %dma_start3A_145] : memref<10000x128xf32, #tpu.memory_space<hbm>> -> memref<10000x128xf32, #tpu.memory_space<hbm>>
      tpu.enqueue_indirect_dma source(%dma_start3A_146 : memref<10000x128xf32, #tpu.memory_space<hbm>>) target(%arg8 : memref<128x128xf32, #tpu.memory_space<vmem>>) offsets(%dma_start3A_143 : memref<128xi32, #tpu.memory_space<vmem>>) semaphore(%arg11 : memref<!tpu.dma_semaphore, #tpu.memory_space<semaphore_mem>>)
    }
    %scan3A_74 = arith.constant 19 : i32
    %dma_wait3A_75 = arith.constant 38 : i32
    %dma_wait3A_76 = arith.constant 0 : i32
    %dma_wait3A_77 = tpu.memref_slice %arg5[%dma_wait3A_75, %dma_wait3A_76] : memref<40x128xi32, #tpu.memory_space<vmem>> -> memref<1x128xi32, #tpu.memory_space<vmem>>
    %dma_wait3A_78 = tpu.memref_squeeze %dma_wait3A_77 : memref<1x128xi32, #tpu.memory_space<vmem>> -> memref<128xi32, #tpu.memory_space<vmem>>
    %dma_wait3A_79 = arith.constant 0 : i32
    %dma_wait3A_80 = arith.constant 0 : i32
    %dma_wait3A_81 = tpu.memref_slice %arg3[%dma_wait3A_79, %dma_wait3A_80] : memref<10000x128xf32, #tpu.memory_space<hbm>> -> memref<10000x128xf32, #tpu.memory_space<hbm>>
    tpu.wait_indirect_dma semaphore(%arg10 : memref<!tpu.dma_semaphore, #tpu.memory_space<semaphore_mem>>) src(%dma_wait3A_81 : memref<10000x128xf32, #tpu.memory_space<hbm>>) dst(%arg7 : memref<128x128xf32, #tpu.memory_space<vmem>>)
    %run_scoped3A_82 = arith.constant 38 : i32
    "tpu.region"() ({
      %run_scoped3A_112 = tpu.sem_alloc : memref<!tpu.dma_semaphore, #tpu.memory_space<semaphore_mem>>
      %dma_start3A_113 = arith.constant 0 : i32
      %dma_start3A_114 = tpu.memref_slice %arg6[%run_scoped3A_82, %dma_start3A_113] : memref<40x128xi32, #tpu.memory_space<vmem>> -> memref<1x128xi32, #tpu.memory_space<vmem>>
      %dma_start3A_115 = tpu.memref_squeeze %dma_start3A_114 : memref<1x128xi32, #tpu.memory_space<vmem>> -> memref<128xi32, #tpu.memory_space<vmem>>
      %dma_start3A_116 = arith.constant 0 : i32
      %dma_start3A_117 = arith.constant 0 : i32
      %dma_start3A_118 = tpu.memref_slice %arg9[%dma_start3A_116, %dma_start3A_117] : memref<10240x128xf32, #tpu.memory_space<vmem_shared>> -> memref<10240x128xf32, #tpu.memory_space<vmem_shared>>
      tpu.enqueue_indirect_dma source(%arg7 : memref<128x128xf32, #tpu.memory_space<vmem>>) target(%dma_start3A_118 : memref<10240x128xf32, #tpu.memory_space<vmem_shared>>) offsets(%dma_start3A_115 : memref<128xi32, #tpu.memory_space<vmem>>) semaphore(%run_scoped3A_112 : memref<!tpu.dma_semaphore, #tpu.memory_space<semaphore_mem>>) {add = true}
      %dma_wait3A_119 = arith.constant 0 : i32
      %dma_wait3A_120 = tpu.memref_slice %arg6[%run_scoped3A_82, %dma_wait3A_119] : memref<40x128xi32, #tpu.memory_space<vmem>> -> memref<1x128xi32, #tpu.memory_space<vmem>>
      %dma_wait3A_121 = tpu.memref_squeeze %dma_wait3A_120 : memref<1x128xi32, #tpu.memory_space<vmem>> -> memref<128xi32, #tpu.memory_space<vmem>>
      %dma_wait3A_122 = arith.constant 0 : i32
      %dma_wait3A_123 = arith.constant 0 : i32
      %dma_wait3A_124 = tpu.memref_slice %arg9[%dma_wait3A_122, %dma_wait3A_123] : memref<10240x128xf32, #tpu.memory_space<vmem_shared>> -> memref<10240x128xf32, #tpu.memory_space<vmem_shared>>
      tpu.wait_indirect_dma semaphore(%run_scoped3A_112 : memref<!tpu.dma_semaphore, #tpu.memory_space<semaphore_mem>>) src(%arg7 : memref<128x128xf32, #tpu.memory_space<vmem>>) dst(%dma_wait3A_124 : memref<10240x128xf32, #tpu.memory_space<vmem_shared>>)
      tpu.yield
    }) : () -> ()
    %dma_wait3A_83 = arith.constant 39 : i32
    %dma_wait3A_84 = arith.constant 0 : i32
    %dma_wait3A_85 = tpu.memref_slice %arg5[%dma_wait3A_83, %dma_wait3A_84] : memref<40x128xi32, #tpu.memory_space<vmem>> -> memref<1x128xi32, #tpu.memory_space<vmem>>
    %dma_wait3A_86 = tpu.memref_squeeze %dma_wait3A_85 : memref<1x128xi32, #tpu.memory_space<vmem>> -> memref<128xi32, #tpu.memory_space<vmem>>
    %dma_wait3A_87 = arith.constant 0 : i32
    %dma_wait3A_88 = arith.constant 0 : i32
    %dma_wait3A_89 = tpu.memref_slice %arg3[%dma_wait3A_87, %dma_wait3A_88] : memref<10000x128xf32, #tpu.memory_space<hbm>> -> memref<10000x128xf32, #tpu.memory_space<hbm>>
    tpu.wait_indirect_dma semaphore(%arg11 : memref<!tpu.dma_semaphore, #tpu.memory_space<semaphore_mem>>) src(%dma_wait3A_89 : memref<10000x128xf32, #tpu.memory_space<hbm>>) dst(%arg8 : memref<128x128xf32, #tpu.memory_space<vmem>>)
    %run_scoped3A_90 = arith.constant 39 : i32
    "tpu.region"() ({
      %run_scoped3A_112 = tpu.sem_alloc : memref<!tpu.dma_semaphore, #tpu.memory_space<semaphore_mem>>
      %dma_start3A_113 = arith.constant 0 : i32
      %dma_start3A_114 = tpu.memref_slice %arg6[%run_scoped3A_90, %dma_start3A_113] : memref<40x128xi32, #tpu.memory_space<vmem>> -> memref<1x128xi32, #tpu.memory_space<vmem>>
      %dma_start3A_115 = tpu.memref_squeeze %dma_start3A_114 : memref<1x128xi32, #tpu.memory_space<vmem>> -> memref<128xi32, #tpu.memory_space<vmem>>
      %dma_start3A_116 = arith.constant 0 : i32
      %dma_start3A_117 = arith.constant 0 : i32
      %dma_start3A_118 = tpu.memref_slice %arg9[%dma_start3A_116, %dma_start3A_117] : memref<10240x128xf32, #tpu.memory_space<vmem_shared>> -> memref<10240x128xf32, #tpu.memory_space<vmem_shared>>
      tpu.enqueue_indirect_dma source(%arg8 : memref<128x128xf32, #tpu.memory_space<vmem>>) target(%dma_start3A_118 : memref<10240x128xf32, #tpu.memory_space<vmem_shared>>) offsets(%dma_start3A_115 : memref<128xi32, #tpu.memory_space<vmem>>) semaphore(%run_scoped3A_112 : memref<!tpu.dma_semaphore, #tpu.memory_space<semaphore_mem>>) {add = true}
      %dma_wait3A_119 = arith.constant 0 : i32
      %dma_wait3A_120 = tpu.memref_slice %arg6[%run_scoped3A_90, %dma_wait3A_119] : memref<40x128xi32, #tpu.memory_space<vmem>> -> memref<1x128xi32, #tpu.memory_space<vmem>>
      %dma_wait3A_121 = tpu.memref_squeeze %dma_wait3A_120 : memref<1x128xi32, #tpu.memory_space<vmem>> -> memref<128xi32, #tpu.memory_space<vmem>>
      %dma_wait3A_122 = arith.constant 0 : i32
      %dma_wait3A_123 = arith.constant 0 : i32
      %dma_wait3A_124 = tpu.memref_slice %arg9[%dma_wait3A_122, %dma_wait3A_123] : memref<10240x128xf32, #tpu.memory_space<vmem_shared>> -> memref<10240x128xf32, #tpu.memory_space<vmem_shared>>
      tpu.wait_indirect_dma semaphore(%run_scoped3A_112 : memref<!tpu.dma_semaphore, #tpu.memory_space<semaphore_mem>>) src(%arg8 : memref<128x128xf32, #tpu.memory_space<vmem>>) dst(%dma_wait3A_124 : memref<10240x128xf32, #tpu.memory_space<vmem_shared>>)
      tpu.yield
    }) : () -> ()
    %barrier3A_91 = arith.constant 0 : index
    tpu.barrier barrier_id(%barrier3A_91)
    %add3A_92 = arith.constant 0 : i32
    %add3A_93 = arith.addi %multiple_of3A, %add3A_92 : i32
    "tpu.region"() ({
      %run_scoped3A_112 = tpu.sem_alloc : memref<!tpu.dma_semaphore, #tpu.memory_space<semaphore_mem>>
      %dma_start3A_113 = arith.constant 0 : i32
      %dma_start3A_114 = tpu.memref_slice %arg9[%add3A_93, %dma_start3A_113] : memref<10240x128xf32, #tpu.memory_space<vmem_shared>> -> memref<128x128xf32, #tpu.memory_space<vmem_shared>>
      %dma_start3A_115 = arith.constant 0 : i32
      %dma_start3A_116 = tpu.memref_slice %arg9[%add3A_93, %dma_start3A_115] : memref<10240x128xf32, #tpu.memory_space<vmem_shared>> -> memref<128x128xf32, #tpu.memory_space<vmem_shared>>
      tpu.enqueue_dma source(%dma_start3A_116 : memref<128x128xf32, #tpu.memory_space<vmem_shared>>) target(%arg7 : memref<128x128xf32, #tpu.memory_space<vmem>>) target_semaphore(%run_scoped3A_112 : memref<!tpu.dma_semaphore, #tpu.memory_space<semaphore_mem>>)
      %dma_wait3A_117 = arith.constant 0 : i32
      %dma_wait3A_118 = tpu.memref_slice %arg9[%add3A_93, %dma_wait3A_117] : memref<10240x128xf32, #tpu.memory_space<vmem_shared>> -> memref<128x128xf32, #tpu.memory_space<vmem_shared>>
      %dma_wait3A_119 = arith.constant 0 : i32
      %dma_wait3A_120 = tpu.memref_slice %arg9[%add3A_93, %dma_wait3A_119] : memref<10240x128xf32, #tpu.memory_space<vmem_shared>> -> memref<128x128xf32, #tpu.memory_space<vmem_shared>>
      tpu.wait_dma2 semaphore(%run_scoped3A_112 : memref<!tpu.dma_semaphore, #tpu.memory_space<semaphore_mem>>) src(%dma_wait3A_120 : memref<128x128xf32, #tpu.memory_space<vmem_shared>>) dst(%arg7 : memref<128x128xf32, #tpu.memory_space<vmem>>)
      tpu.yield
    }) : () -> ()
    %add3A_94 = arith.constant 0 : i32
    %add3A_95 = arith.addi %multiple_of3A, %add3A_94 : i32
    "tpu.region"() ({
      %run_scoped3A_112 = tpu.sem_alloc : memref<!tpu.dma_semaphore, #tpu.memory_space<semaphore_mem>>
      %dma_start3A_113 = arith.constant 0 : i32
      %dma_start3A_114 = tpu.memref_slice %arg4[%arg0, %add3A_95, %dma_start3A_113] : memref<2x10240x128xf32, #tpu.memory_space<hbm>> -> memref<1x128x128xf32, #tpu.memory_space<hbm>>
      %dma_start3A_115 = tpu.memref_squeeze %dma_start3A_114 : memref<1x128x128xf32, #tpu.memory_space<hbm>> -> memref<128x128xf32, #tpu.memory_space<hbm>>
      %dma_start3A_116 = arith.constant 0 : i32
      %dma_start3A_117 = tpu.memref_slice %arg4[%arg0, %add3A_95, %dma_start3A_116] : memref<2x10240x128xf32, #tpu.memory_space<hbm>> -> memref<1x128x128xf32, #tpu.memory_space<hbm>>
      %dma_start3A_118 = tpu.memref_squeeze %dma_start3A_117 : memref<1x128x128xf32, #tpu.memory_space<hbm>> -> memref<128x128xf32, #tpu.memory_space<hbm>>
      tpu.enqueue_dma source(%arg7 : memref<128x128xf32, #tpu.memory_space<vmem>>) target(%dma_start3A_118 : memref<128x128xf32, #tpu.memory_space<hbm>>) target_semaphore(%run_scoped3A_112 : memref<!tpu.dma_semaphore, #tpu.memory_space<semaphore_mem>>)
      %dma_wait3A_119 = arith.constant 0 : i32
      %dma_wait3A_120 = tpu.memref_slice %arg4[%arg0, %add3A_95, %dma_wait3A_119] : memref<2x10240x128xf32, #tpu.memory_space<hbm>> -> memref<1x128x128xf32, #tpu.memory_space<hbm>>
      %dma_wait3A_121 = tpu.memref_squeeze %dma_wait3A_120 : memref<1x128x128xf32, #tpu.memory_space<hbm>> -> memref<128x128xf32, #tpu.memory_space<hbm>>
      %dma_wait3A_122 = arith.constant 0 : i32
      %dma_wait3A_123 = tpu.memref_slice %arg4[%arg0, %add3A_95, %dma_wait3A_122] : memref<2x10240x128xf32, #tpu.memory_space<hbm>> -> memref<1x128x128xf32, #tpu.memory_space<hbm>>
      %dma_wait3A_124 = tpu.memref_squeeze %dma_wait3A_123 : memref<1x128x128xf32, #tpu.memory_space<hbm>> -> memref<128x128xf32, #tpu.memory_space<hbm>>
      tpu.wait_dma2 semaphore(%run_scoped3A_112 : memref<!tpu.dma_semaphore, #tpu.memory_space<semaphore_mem>>) src(%arg7 : memref<128x128xf32, #tpu.memory_space<vmem>>) dst(%dma_wait3A_124 : memref<128x128xf32, #tpu.memory_space<hbm>>)
      tpu.yield
    }) : () -> ()
    %add3A_96 = arith.constant 128 : i32
    %add3A_97 = arith.addi %multiple_of3A, %add3A_96 : i32
    "tpu.region"() ({
      %run_scoped3A_112 = tpu.sem_alloc : memref<!tpu.dma_semaphore, #tpu.memory_space<semaphore_mem>>
      %dma_start3A_113 = arith.constant 0 : i32
      %dma_start3A_114 = tpu.memref_slice %arg9[%add3A_97, %dma_start3A_113] : memref<10240x128xf32, #tpu.memory_space<vmem_shared>> -> memref<128x128xf32, #tpu.memory_space<vmem_shared>>
      %dma_start3A_115 = arith.constant 0 : i32
      %dma_start3A_116 = tpu.memref_slice %arg9[%add3A_97, %dma_start3A_115] : memref<10240x128xf32, #tpu.memory_space<vmem_shared>> -> memref<128x128xf32, #tpu.memory_space<vmem_shared>>
      tpu.enqueue_dma source(%dma_start3A_116 : memref<128x128xf32, #tpu.memory_space<vmem_shared>>) target(%arg7 : memref<128x128xf32, #tpu.memory_space<vmem>>) target_semaphore(%run_scoped3A_112 : memref<!tpu.dma_semaphore, #tpu.memory_space<semaphore_mem>>)
      %dma_wait3A_117 = arith.constant 0 : i32
      %dma_wait3A_118 = tpu.memref_slice %arg9[%add3A_97, %dma_wait3A_117] : memref<10240x128xf32, #tpu.memory_space<vmem_shared>> -> memref<128x128xf32, #tpu.memory_space<vmem_shared>>
      %dma_wait3A_119 = arith.constant 0 : i32
      %dma_wait3A_120 = tpu.memref_slice %arg9[%add3A_97, %dma_wait3A_119] : memref<10240x128xf32, #tpu.memory_space<vmem_shared>> -> memref<128x128xf32, #tpu.memory_space<vmem_shared>>
      tpu.wait_dma2 semaphore(%run_scoped3A_112 : memref<!tpu.dma_semaphore, #tpu.memory_space<semaphore_mem>>) src(%dma_wait3A_120 : memref<128x128xf32, #tpu.memory_space<vmem_shared>>) dst(%arg7 : memref<128x128xf32, #tpu.memory_space<vmem>>)
      tpu.yield
    }) : () -> ()
    %add3A_98 = arith.constant 128 : i32
    %add3A_99 = arith.addi %multiple_of3A, %add3A_98 : i32
    "tpu.region"() ({
      %run_scoped3A_112 = tpu.sem_alloc : memref<!tpu.dma_semaphore, #tpu.memory_space<semaphore_mem>>
      %dma_start3A_113 = arith.constant 0 : i32
      %dma_start3A_114 = tpu.memref_slice %arg4[%arg0, %add3A_99, %dma_start3A_113] : memref<2x10240x128xf32, #tpu.memory_space<hbm>> -> memref<1x128x128xf32, #tpu.memory_space<hbm>>
      %dma_start3A_115 = tpu.memref_squeeze %dma_start3A_114 : memref<1x128x128xf32, #tpu.memory_space<hbm>> -> memref<128x128xf32, #tpu.memory_space<hbm>>
      %dma_start3A_116 = arith.constant 0 : i32
      %dma_start3A_117 = tpu.memref_slice %arg4[%arg0, %add3A_99, %dma_start3A_116] : memref<2x10240x128xf32, #tpu.memory_space<hbm>> -> memref<1x128x128xf32, #tpu.memory_space<hbm>>
      %dma_start3A_118 = tpu.memref_squeeze %dma_start3A_117 : memref<1x128x128xf32, #tpu.memory_space<hbm>> -> memref<128x128xf32, #tpu.memory_space<hbm>>
      tpu.enqueue_dma source(%arg7 : memref<128x128xf32, #tpu.memory_space<vmem>>) target(%dma_start3A_118 : memref<128x128xf32, #tpu.memory_space<hbm>>) target_semaphore(%run_scoped3A_112 : memref<!tpu.dma_semaphore, #tpu.memory_space<semaphore_mem>>)
      %dma_wait3A_119 = arith.constant 0 : i32
      %dma_wait3A_120 = tpu.memref_slice %arg4[%arg0, %add3A_99, %dma_wait3A_119] : memref<2x10240x128xf32, #tpu.memory_space<hbm>> -> memref<1x128x128xf32, #tpu.memory_space<hbm>>
      %dma_wait3A_121 = tpu.memref_squeeze %dma_wait3A_120 : memref<1x128x128xf32, #tpu.memory_space<hbm>> -> memref<128x128xf32, #tpu.memory_space<hbm>>
      %dma_wait3A_122 = arith.constant 0 : i32
      %dma_wait3A_123 = tpu.memref_slice %arg4[%arg0, %add3A_99, %dma_wait3A_122] : memref<2x10240x128xf32, #tpu.memory_space<hbm>> -> memref<1x128x128xf32, #tpu.memory_space<hbm>>
      %dma_wait3A_124 = tpu.memref_squeeze %dma_wait3A_123 : memref<1x128x128xf32, #tpu.memory_space<hbm>> -> memref<128x128xf32, #tpu.memory_space<hbm>>
      tpu.wait_dma2 semaphore(%run_scoped3A_112 : memref<!tpu.dma_semaphore, #tpu.memory_space<semaphore_mem>>) src(%arg7 : memref<128x128xf32, #tpu.memory_space<vmem>>) dst(%dma_wait3A_124 : memref<128x128xf32, #tpu.memory_space<hbm>>)
      tpu.yield
    }) : () -> ()
    %add3A_100 = arith.constant 256 : i32
    %add3A_101 = arith.addi %multiple_of3A, %add3A_100 : i32
    "tpu.region"() ({
      %run_scoped3A_112 = tpu.sem_alloc : memref<!tpu.dma_semaphore, #tpu.memory_space<semaphore_mem>>
      %dma_start3A_113 = arith.constant 0 : i32
      %dma_start3A_114 = tpu.memref_slice %arg9[%add3A_101, %dma_start3A_113] : memref<10240x128xf32, #tpu.memory_space<vmem_shared>> -> memref<128x128xf32, #tpu.memory_space<vmem_shared>>
      %dma_start3A_115 = arith.constant 0 : i32
      %dma_start3A_116 = tpu.memref_slice %arg9[%add3A_101, %dma_start3A_115] : memref<10240x128xf32, #tpu.memory_space<vmem_shared>> -> memref<128x128xf32, #tpu.memory_space<vmem_shared>>
      tpu.enqueue_dma source(%dma_start3A_116 : memref<128x128xf32, #tpu.memory_space<vmem_shared>>) target(%arg7 : memref<128x128xf32, #tpu.memory_space<vmem>>) target_semaphore(%run_scoped3A_112 : memref<!tpu.dma_semaphore, #tpu.memory_space<semaphore_mem>>)
      %dma_wait3A_117 = arith.constant 0 : i32
      %dma_wait3A_118 = tpu.memref_slice %arg9[%add3A_101, %dma_wait3A_117] : memref<10240x128xf32, #tpu.memory_space<vmem_shared>> -> memref<128x128xf32, #tpu.memory_space<vmem_shared>>
      %dma_wait3A_119 = arith.constant 0 : i32
      %dma_wait3A_120 = tpu.memref_slice %arg9[%add3A_101, %dma_wait3A_119] : memref<10240x128xf32, #tpu.memory_space<vmem_shared>> -> memref<128x128xf32, #tpu.memory_space<vmem_shared>>
      tpu.wait_dma2 semaphore(%run_scoped3A_112 : memref<!tpu.dma_semaphore, #tpu.memory_space<semaphore_mem>>) src(%dma_wait3A_120 : memref<128x128xf32, #tpu.memory_space<vmem_shared>>) dst(%arg7 : memref<128x128xf32, #tpu.memory_space<vmem>>)
      tpu.yield
    }) : () -> ()
    %add3A_102 = arith.constant 256 : i32
    %add3A_103 = arith.addi %multiple_of3A, %add3A_102 : i32
    "tpu.region"() ({
      %run_scoped3A_112 = tpu.sem_alloc : memref<!tpu.dma_semaphore, #tpu.memory_space<semaphore_mem>>
      %dma_start3A_113 = arith.constant 0 : i32
      %dma_start3A_114 = tpu.memref_slice %arg4[%arg0, %add3A_103, %dma_start3A_113] : memref<2x10240x128xf32, #tpu.memory_space<hbm>> -> memref<1x128x128xf32, #tpu.memory_space<hbm>>
      %dma_start3A_115 = tpu.memref_squeeze %dma_start3A_114 : memref<1x128x128xf32, #tpu.memory_space<hbm>> -> memref<128x128xf32, #tpu.memory_space<hbm>>
      %dma_start3A_116 = arith.constant 0 : i32
      %dma_start3A_117 = tpu.memref_slice %arg4[%arg0, %add3A_103, %dma_start3A_116] : memref<2x10240x128xf32, #tpu.memory_space<hbm>> -> memref<1x128x128xf32, #tpu.memory_space<hbm>>
      %dma_start3A_118 = tpu.memref_squeeze %dma_start3A_117 : memref<1x128x128xf32, #tpu.memory_space<hbm>> -> memref<128x128xf32, #tpu.memory_space<hbm>>
      tpu.enqueue_dma source(%arg7 : memref<128x128xf32, #tpu.memory_space<vmem>>) target(%dma_start3A_118 : memref<128x128xf32, #tpu.memory_space<hbm>>) target_semaphore(%run_scoped3A_112 : memref<!tpu.dma_semaphore, #tpu.memory_space<semaphore_mem>>)
      %dma_wait3A_119 = arith.constant 0 : i32
      %dma_wait3A_120 = tpu.memref_slice %arg4[%arg0, %add3A_103, %dma_wait3A_119] : memref<2x10240x128xf32, #tpu.memory_space<hbm>> -> memref<1x128x128xf32, #tpu.memory_space<hbm>>
      %dma_wait3A_121 = tpu.memref_squeeze %dma_wait3A_120 : memref<1x128x128xf32, #tpu.memory_space<hbm>> -> memref<128x128xf32, #tpu.memory_space<hbm>>
      %dma_wait3A_122 = arith.constant 0 : i32
      %dma_wait3A_123 = tpu.memref_slice %arg4[%arg0, %add3A_103, %dma_wait3A_122] : memref<2x10240x128xf32, #tpu.memory_space<hbm>> -> memref<1x128x128xf32, #tpu.memory_space<hbm>>
      %dma_wait3A_124 = tpu.memref_squeeze %dma_wait3A_123 : memref<1x128x128xf32, #tpu.memory_space<hbm>> -> memref<128x128xf32, #tpu.memory_space<hbm>>
      tpu.wait_dma2 semaphore(%run_scoped3A_112 : memref<!tpu.dma_semaphore, #tpu.memory_space<semaphore_mem>>) src(%arg7 : memref<128x128xf32, #tpu.memory_space<vmem>>) dst(%dma_wait3A_124 : memref<128x128xf32, #tpu.memory_space<hbm>>)
      tpu.yield
    }) : () -> ()
    %add3A_104 = arith.constant 384 : i32
    %add3A_105 = arith.addi %multiple_of3A, %add3A_104 : i32
    "tpu.region"() ({
      %run_scoped3A_112 = tpu.sem_alloc : memref<!tpu.dma_semaphore, #tpu.memory_space<semaphore_mem>>
      %dma_start3A_113 = arith.constant 0 : i32
      %dma_start3A_114 = tpu.memref_slice %arg9[%add3A_105, %dma_start3A_113] : memref<10240x128xf32, #tpu.memory_space<vmem_shared>> -> memref<128x128xf32, #tpu.memory_space<vmem_shared>>
      %dma_start3A_115 = arith.constant 0 : i32
      %dma_start3A_116 = tpu.memref_slice %arg9[%add3A_105, %dma_start3A_115] : memref<10240x128xf32, #tpu.memory_space<vmem_shared>> -> memref<128x128xf32, #tpu.memory_space<vmem_shared>>
      tpu.enqueue_dma source(%dma_start3A_116 : memref<128x128xf32, #tpu.memory_space<vmem_shared>>) target(%arg7 : memref<128x128xf32, #tpu.memory_space<vmem>>) target_semaphore(%run_scoped3A_112 : memref<!tpu.dma_semaphore, #tpu.memory_space<semaphore_mem>>)
      %dma_wait3A_117 = arith.constant 0 : i32
      %dma_wait3A_118 = tpu.memref_slice %arg9[%add3A_105, %dma_wait3A_117] : memref<10240x128xf32, #tpu.memory_space<vmem_shared>> -> memref<128x128xf32, #tpu.memory_space<vmem_shared>>
      %dma_wait3A_119 = arith.constant 0 : i32
      %dma_wait3A_120 = tpu.memref_slice %arg9[%add3A_105, %dma_wait3A_119] : memref<10240x128xf32, #tpu.memory_space<vmem_shared>> -> memref<128x128xf32, #tpu.memory_space<vmem_shared>>
      tpu.wait_dma2 semaphore(%run_scoped3A_112 : memref<!tpu.dma_semaphore, #tpu.memory_space<semaphore_mem>>) src(%dma_wait3A_120 : memref<128x128xf32, #tpu.memory_space<vmem_shared>>) dst(%arg7 : memref<128x128xf32, #tpu.memory_space<vmem>>)
      tpu.yield
    }) : () -> ()
    %add3A_106 = arith.constant 384 : i32
    %add3A_107 = arith.addi %multiple_of3A, %add3A_106 : i32
    "tpu.region"() ({
      %run_scoped3A_112 = tpu.sem_alloc : memref<!tpu.dma_semaphore, #tpu.memory_space<semaphore_mem>>
      %dma_start3A_113 = arith.constant 0 : i32
      %dma_start3A_114 = tpu.memref_slice %arg4[%arg0, %add3A_107, %dma_start3A_113] : memref<2x10240x128xf32, #tpu.memory_space<hbm>> -> memref<1x128x128xf32, #tpu.memory_space<hbm>>
      %dma_start3A_115 = tpu.memref_squeeze %dma_start3A_114 : memref<1x128x128xf32, #tpu.memory_space<hbm>> -> memref<128x128xf32, #tpu.memory_space<hbm>>
      %dma_start3A_116 = arith.constant 0 : i32
      %dma_start3A_117 = tpu.memref_slice %arg4[%arg0, %add3A_107, %dma_start3A_116] : memref<2x10240x128xf32, #tpu.memory_space<hbm>> -> memref<1x128x128xf32, #tpu.memory_space<hbm>>
      %dma_start3A_118 = tpu.memref_squeeze %dma_start3A_117 : memref<1x128x128xf32, #tpu.memory_space<hbm>> -> memref<128x128xf32, #tpu.memory_space<hbm>>
      tpu.enqueue_dma source(%arg7 : memref<128x128xf32, #tpu.memory_space<vmem>>) target(%dma_start3A_118 : memref<128x128xf32, #tpu.memory_space<hbm>>) target_semaphore(%run_scoped3A_112 : memref<!tpu.dma_semaphore, #tpu.memory_space<semaphore_mem>>)
      %dma_wait3A_119 = arith.constant 0 : i32
      %dma_wait3A_120 = tpu.memref_slice %arg4[%arg0, %add3A_107, %dma_wait3A_119] : memref<2x10240x128xf32, #tpu.memory_space<hbm>> -> memref<1x128x128xf32, #tpu.memory_space<hbm>>
      %dma_wait3A_121 = tpu.memref_squeeze %dma_wait3A_120 : memref<1x128x128xf32, #tpu.memory_space<hbm>> -> memref<128x128xf32, #tpu.memory_space<hbm>>
      %dma_wait3A_122 = arith.constant 0 : i32
      %dma_wait3A_123 = tpu.memref_slice %arg4[%arg0, %add3A_107, %dma_wait3A_122] : memref<2x10240x128xf32, #tpu.memory_space<hbm>> -> memref<1x128x128xf32, #tpu.memory_space<hbm>>
      %dma_wait3A_124 = tpu.memref_squeeze %dma_wait3A_123 : memref<1x128x128xf32, #tpu.memory_space<hbm>> -> memref<128x128xf32, #tpu.memory_space<hbm>>
      tpu.wait_dma2 semaphore(%run_scoped3A_112 : memref<!tpu.dma_semaphore, #tpu.memory_space<semaphore_mem>>) src(%arg7 : memref<128x128xf32, #tpu.memory_space<vmem>>) dst(%dma_wait3A_124 : memref<128x128xf32, #tpu.memory_space<hbm>>)
      tpu.yield
    }) : () -> ()
    %add3A_108 = arith.constant 512 : i32
    %add3A_109 = arith.addi %multiple_of3A, %add3A_108 : i32
    "tpu.region"() ({
      %run_scoped3A_112 = tpu.sem_alloc : memref<!tpu.dma_semaphore, #tpu.memory_space<semaphore_mem>>
      %dma_start3A_113 = arith.constant 0 : i32
      %dma_start3A_114 = tpu.memref_slice %arg9[%add3A_109, %dma_start3A_113] : memref<10240x128xf32, #tpu.memory_space<vmem_shared>> -> memref<128x128xf32, #tpu.memory_space<vmem_shared>>
      %dma_start3A_115 = arith.constant 0 : i32
      %dma_start3A_116 = tpu.memref_slice %arg9[%add3A_109, %dma_start3A_115] : memref<10240x128xf32, #tpu.memory_space<vmem_shared>> -> memref<128x128xf32, #tpu.memory_space<vmem_shared>>
      tpu.enqueue_dma source(%dma_start3A_116 : memref<128x128xf32, #tpu.memory_space<vmem_shared>>) target(%arg7 : memref<128x128xf32, #tpu.memory_space<vmem>>) target_semaphore(%run_scoped3A_112 : memref<!tpu.dma_semaphore, #tpu.memory_space<semaphore_mem>>)
      %dma_wait3A_117 = arith.constant 0 : i32
      %dma_wait3A_118 = tpu.memref_slice %arg9[%add3A_109, %dma_wait3A_117] : memref<10240x128xf32, #tpu.memory_space<vmem_shared>> -> memref<128x128xf32, #tpu.memory_space<vmem_shared>>
      %dma_wait3A_119 = arith.constant 0 : i32
      %dma_wait3A_120 = tpu.memref_slice %arg9[%add3A_109, %dma_wait3A_119] : memref<10240x128xf32, #tpu.memory_space<vmem_shared>> -> memref<128x128xf32, #tpu.memory_space<vmem_shared>>
      tpu.wait_dma2 semaphore(%run_scoped3A_112 : memref<!tpu.dma_semaphore, #tpu.memory_space<semaphore_mem>>) src(%dma_wait3A_120 : memref<128x128xf32, #tpu.memory_space<vmem_shared>>) dst(%arg7 : memref<128x128xf32, #tpu.memory_space<vmem>>)
      tpu.yield
    }) : () -> ()
    %add3A_110 = arith.constant 512 : i32
    %add3A_111 = arith.addi %multiple_of3A, %add3A_110 : i32
    "tpu.region"() ({
      %run_scoped3A_112 = tpu.sem_alloc : memref<!tpu.dma_semaphore, #tpu.memory_space<semaphore_mem>>
      %dma_start3A_113 = arith.constant 0 : i32
      %dma_start3A_114 = tpu.memref_slice %arg4[%arg0, %add3A_111, %dma_start3A_113] : memref<2x10240x128xf32, #tpu.memory_space<hbm>> -> memref<1x128x128xf32, #tpu.memory_space<hbm>>
      %dma_start3A_115 = tpu.memref_squeeze %dma_start3A_114 : memref<1x128x128xf32, #tpu.memory_space<hbm>> -> memref<128x128xf32, #tpu.memory_space<hbm>>
      %dma_start3A_116 = arith.constant 0 : i32
      %dma_start3A_117 = tpu.memref_slice %arg4[%arg0, %add3A_111, %dma_start3A_116] : memref<2x10240x128xf32, #tpu.memory_space<hbm>> -> memref<1x128x128xf32, #tpu.memory_space<hbm>>
      %dma_start3A_118 = tpu.memref_squeeze %dma_start3A_117 : memref<1x128x128xf32, #tpu.memory_space<hbm>> -> memref<128x128xf32, #tpu.memory_space<hbm>>
      tpu.enqueue_dma source(%arg7 : memref<128x128xf32, #tpu.memory_space<vmem>>) target(%dma_start3A_118 : memref<128x128xf32, #tpu.memory_space<hbm>>) target_semaphore(%run_scoped3A_112 : memref<!tpu.dma_semaphore, #tpu.memory_space<semaphore_mem>>)
      %dma_wait3A_119 = arith.constant 0 : i32
      %dma_wait3A_120 = tpu.memref_slice %arg4[%arg0, %add3A_111, %dma_wait3A_119] : memref<2x10240x128xf32, #tpu.memory_space<hbm>> -> memref<1x128x128xf32, #tpu.memory_space<hbm>>
      %dma_wait3A_121 = tpu.memref_squeeze %dma_wait3A_120 : memref<1x128x128xf32, #tpu.memory_space<hbm>> -> memref<128x128xf32, #tpu.memory_space<hbm>>
      %dma_wait3A_122 = arith.constant 0 : i32
      %dma_wait3A_123 = tpu.memref_slice %arg4[%arg0, %add3A_111, %dma_wait3A_122] : memref<2x10240x128xf32, #tpu.memory_space<hbm>> -> memref<1x128x128xf32, #tpu.memory_space<hbm>>
      %dma_wait3A_124 = tpu.memref_squeeze %dma_wait3A_123 : memref<1x128x128xf32, #tpu.memory_space<hbm>> -> memref<128x128xf32, #tpu.memory_space<hbm>>
      tpu.wait_dma2 semaphore(%run_scoped3A_112 : memref<!tpu.dma_semaphore, #tpu.memory_space<semaphore_mem>>) src(%arg7 : memref<128x128xf32, #tpu.memory_space<vmem>>) dst(%dma_wait3A_124 : memref<128x128xf32, #tpu.memory_space<hbm>>)
      tpu.yield
    }) : () -> ()
    return
  }
}

#map = affine_map<(d0, d1) -> (0, 0, 0, 0)>
#map1 = affine_map<(d0, d1) -> (0, 0)>
#map2 = affine_map<(d0, d1) -> (0, 0, 0)>
module attributes {stable_mosaic.version = 14 : i64} {
  func.func @_sc_scatter(%arg0: i32, %arg1: i32, %arg2: memref<2x32x80x128xi32, #tpu.memory_space<hbm>>, %arg3: memref<10000x128xf32, #tpu.memory_space<hbm>>, %arg4: memref<2x10240x128xf32, #tpu.memory_space<hbm>>, %arg5: memref<40x128xi32, #tpu.memory_space<vmem>>, %arg6: memref<40x128xi32, #tpu.memory_space<vmem>>, %arg7: memref<128x128xf32, #tpu.memory_space<vmem>>, %arg8: memref<128x128xf32, #tpu.memory_space<vmem>>, %arg9: memref<10240x128xf32, #tpu.memory_space<vmem_shared>>, %arg10: memref<!tpu.dma_semaphore, #tpu.memory_space<semaphore_mem>>, %arg11: memref<!tpu.dma_semaphore, #tpu.memory_space<semaphore_mem>>) attributes {dimension_semantics = [#tpu.dimension_semantics<core_parallel>, #tpu.dimension_semantics<subcore_parallel>], iteration_bounds = array<i64: 2, 16>, scalar_prefetch = 0 : i64, scratch_operands = 7 : i64, tpu.core_type = #tpu.core_type<sc_vector_subcore>, window_params = [{transform_indices = #map}, {transform_indices = #map1}, {transform_indices = #map2}]} {
    %mul3A = arith.constant 2 : i32
    %mul3A_0 = arith.muli %arg1, %mul3A : i32
    %add3A = arith.addi %mul3A_0, %arg0 : i32
    %scan3A = arith.constant 0 : i32
    %scan3A_1 = arith.constant 0 : i32
    %scan3A_2 = arith.constant 128 : i32
    %scan3A_3 = arith.addi %scan3A_1, %scan3A_2 : i32
    %scan3A_4 = arith.constant 1 : i32
    scf.for %scan3A_112 = %scan3A_1 to %scan3A_3 step %scan3A_4  : i32 {
      %broadcast_in_dim3A = arith.constant 0.000000e+00 : f32
      %broadcast_in_dim3A_113 = vector.broadcast %broadcast_in_dim3A : f32 to vector<16xf32>
      %swap3A = arith.index_cast %scan3A_112 : i32 to index
      %swap3A_114 = arith.constant 0 : index
      %swap3A_115 = tpu.vector_load %arg7[%swap3A, %swap3A_114] {strides = array<i32>} : memref<128x128xf32, #tpu.memory_space<vmem>>, vector<1x16xf32>,
      %swap3A_116 = vector.shape_cast %swap3A_115 : vector<1x16xf32> to vector<16xf32>
      %swap3A_117 = vector.shape_cast %broadcast_in_dim3A_113 : vector<16xf32> to vector<1x16xf32>
      tpu.vector_store %arg7[%swap3A, %swap3A_114], %swap3A_117 {strides = array<i32>} : memref<128x128xf32, #tpu.memory_space<vmem>>, vector<1x16xf32>,
      %broadcast_in_dim3A_118 = arith.constant 0.000000e+00 : f32
      %broadcast_in_dim3A_119 = vector.broadcast %broadcast_in_dim3A_118 : f32 to vector<16xf32>
      %swap3A_120 = arith.index_cast %scan3A_112 : i32 to index
      %swap3A_121 = arith.constant 16 : index
      %swap3A_122 = tpu.vector_load %arg7[%swap3A_120, %swap3A_121] {strides = array<i32>} : memref<128x128xf32, #tpu.memory_space<vmem>>, vector<1x16xf32>,
      %swap3A_123 = vector.shape_cast %swap3A_122 : vector<1x16xf32> to vector<16xf32>
      %swap3A_124 = vector.shape_cast %broadcast_in_dim3A_119 : vector<16xf32> to vector<1x16xf32>
      tpu.vector_store %arg7[%swap3A_120, %swap3A_121], %swap3A_124 {strides = array<i32>} : memref<128x128xf32, #tpu.memory_space<vmem>>, vector<1x16xf32>,
      %broadcast_in_dim3A_125 = arith.constant 0.000000e+00 : f32
      %broadcast_in_dim3A_126 = vector.broadcast %broadcast_in_dim3A_125 : f32 to vector<16xf32>
      %swap3A_127 = arith.index_cast %scan3A_112 : i32 to index
      %swap3A_128 = arith.constant 32 : index
      %swap3A_129 = tpu.vector_load %arg7[%swap3A_127, %swap3A_128] {strides = array<i32>} : memref<128x128xf32, #tpu.memory_space<vmem>>, vector<1x16xf32>,
      %swap3A_130 = vector.shape_cast %swap3A_129 : vector<1x16xf32> to vector<16xf32>
      %swap3A_131 = vector.shape_cast %broadcast_in_dim3A_126 : vector<16xf32> to vector<1x16xf32>
      tpu.vector_store %arg7[%swap3A_127, %swap3A_128], %swap3A_131 {strides = array<i32>} : memref<128x128xf32, #tpu.memory_space<vmem>>, vector<1x16xf32>,
      %broadcast_in_dim3A_132 = arith.constant 0.000000e+00 : f32
      %broadcast_in_dim3A_133 = vector.broadcast %broadcast_in_dim3A_132 : f32 to vector<16xf32>
      %swap3A_134 = arith.index_cast %scan3A_112 : i32 to index
      %swap3A_135 = arith.constant 48 : index
      %swap3A_136 = tpu.vector_load %arg7[%swap3A_134, %swap3A_135] {strides = array<i32>} : memref<128x128xf32, #tpu.memory_space<vmem>>, vector<1x16xf32>,
      %swap3A_137 = vector.shape_cast %swap3A_136 : vector<1x16xf32> to vector<16xf32>
      %swap3A_138 = vector.shape_cast %broadcast_in_dim3A_133 : vector<16xf32> to vector<1x16xf32>
      tpu.vector_store %arg7[%swap3A_134, %swap3A_135], %swap3A_138 {strides = array<i32>} : memref<128x128xf32, #tpu.memory_space<vmem>>, vector<1x16xf32>,
      %broadcast_in_dim3A_139 = arith.constant 0.000000e+00 : f32
      %broadcast_in_dim3A_140 = vector.broadcast %broadcast_in_dim3A_139 : f32 to vector<16xf32>
      %swap3A_141 = arith.index_cast %scan3A_112 : i32 to index
      %swap3A_142 = arith.constant 64 : index
      %swap3A_143 = tpu.vector_load %arg7[%swap3A_141, %swap3A_142] {strides = array<i32>} : memref<128x128xf32, #tpu.memory_space<vmem>>, vector<1x16xf32>,
      %swap3A_144 = vector.shape_cast %swap3A_143 : vector<1x16xf32> to vector<16xf32>
      %swap3A_145 = vector.shape_cast %broadcast_in_dim3A_140 : vector<16xf32> to vector<1x16xf32>
      tpu.vector_store %arg7[%swap3A_141, %swap3A_142], %swap3A_145 {strides = array<i32>} : memref<128x128xf32, #tpu.memory_space<vmem>>, vector<1x16xf32>,
      %broadcast_in_dim3A_146 = arith.constant 0.000000e+00 : f32
      %broadcast_in_dim3A_147 = vector.broadcast %broadcast_in_dim3A_146 : f32 to vector<16xf32>
      %swap3A_148 = arith.index_cast %scan3A_112 : i32 to index
      %swap3A_149 = arith.constant 80 : index
      %swap3A_150 = tpu.vector_load %arg7[%swap3A_148, %swap3A_149] {strides = array<i32>} : memref<128x128xf32, #tpu.memory_space<vmem>>, vector<1x16xf32>,
      %swap3A_151 = vector.shape_cast %swap3A_150 : vector<1x16xf32> to vector<16xf32>
      %swap3A_152 = vector.shape_cast %broadcast_in_dim3A_147 : vector<16xf32> to vector<1x16xf32>
      tpu.vector_store %arg7[%swap3A_148, %swap3A_149], %swap3A_152 {strides = array<i32>} : memref<128x128xf32, #tpu.memory_space<vmem>>, vector<1x16xf32>,
      %broadcast_in_dim3A_153 = arith.constant 0.000000e+00 : f32
      %broadcast_in_dim3A_154 = vector.broadcast %broadcast_in_dim3A_153 : f32 to vector<16xf32>
      %swap3A_155 = arith.index_cast %scan3A_112 : i32 to index
      %swap3A_156 = arith.constant 96 : index
      %swap3A_157 = tpu.vector_load %arg7[%swap3A_155, %swap3A_156] {strides = array<i32>} : memref<128x128xf32, #tpu.memory_space<vmem>>, vector<1x16xf32>,
      %swap3A_158 = vector.shape_cast %swap3A_157 : vector<1x16xf32> to vector<16xf32>
      %swap3A_159 = vector.shape_cast %broadcast_in_dim3A_154 : vector<16xf32> to vector<1x16xf32>
      tpu.vector_store %arg7[%swap3A_155, %swap3A_156], %swap3A_159 {strides = array<i32>} : memref<128x128xf32, #tpu.memory_space<vmem>>, vector<1x16xf32>,
      %broadcast_in_dim3A_160 = arith.constant 0.000000e+00 : f32
      %broadcast_in_dim3A_161 = vector.broadcast %broadcast_in_dim3A_160 : f32 to vector<16xf32>
      %swap3A_162 = arith.index_cast %scan3A_112 : i32 to index
      %swap3A_163 = arith.constant 112 : index
      %swap3A_164 = tpu.vector_load %arg7[%swap3A_162, %swap3A_163] {strides = array<i32>} : memref<128x128xf32, #tpu.memory_space<vmem>>, vector<1x16xf32>,
      %swap3A_165 = vector.shape_cast %swap3A_164 : vector<1x16xf32> to vector<16xf32>
      %swap3A_166 = vector.shape_cast %broadcast_in_dim3A_161 : vector<16xf32> to vector<1x16xf32>
      tpu.vector_store %arg7[%swap3A_162, %swap3A_163], %swap3A_166 {strides = array<i32>} : memref<128x128xf32, #tpu.memory_space<vmem>>, vector<1x16xf32>,
    }
    %scan3A_5 = arith.constant 128 : i32
    %mul3A_6 = arith.constant 640 : i32
    %mul3A_7 = arith.muli %arg1, %mul3A_6 : i32
    %multiple_of3A = tpu.assume_multiple %mul3A_7, 128 : i32
    %add3A_8 = arith.constant 0 : i32
    %add3A_9 = arith.addi %multiple_of3A, %add3A_8 : i32
    "tpu.region"() ({
      %run_scoped3A_112 = tpu.sem_alloc : memref<!tpu.dma_semaphore, #tpu.memory_space<semaphore_mem>>
      %dma_start3A_113 = arith.constant 0 : i32
      %dma_start3A_114 = tpu.memref_slice %arg9[%add3A_9, %dma_start3A_113] : memref<10240x128xf32, #tpu.memory_space<vmem_shared>> -> memref<128x128xf32, #tpu.memory_space<vmem_shared>>
      %dma_start3A_115 = arith.constant 0 : i32
      %dma_start3A_116 = tpu.memref_slice %arg9[%add3A_9, %dma_start3A_115] : memref<10240x128xf32, #tpu.memory_space<vmem_shared>> -> memref<128x128xf32, #tpu.memory_space<vmem_shared>>
      tpu.enqueue_dma source(%arg7 : memref<128x128xf32, #tpu.memory_space<vmem>>) target(%dma_start3A_116 : memref<128x128xf32, #tpu.memory_space<vmem_shared>>) target_semaphore(%run_scoped3A_112 : memref<!tpu.dma_semaphore, #tpu.memory_space<semaphore_mem>>)
      %dma_wait3A_117 = arith.constant 0 : i32
      %dma_wait3A_118 = tpu.memref_slice %arg9[%add3A_9, %dma_wait3A_117] : memref<10240x128xf32, #tpu.memory_space<vmem_shared>> -> memref<128x128xf32, #tpu.memory_space<vmem_shared>>
      %dma_wait3A_119 = arith.constant 0 : i32
      %dma_wait3A_120 = tpu.memref_slice %arg9[%add3A_9, %dma_wait3A_119] : memref<10240x128xf32, #tpu.memory_space<vmem_shared>> -> memref<128x128xf32, #tpu.memory_space<vmem_shared>>
      tpu.wait_dma2 semaphore(%run_scoped3A_112 : memref<!tpu.dma_semaphore, #tpu.memory_space<semaphore_mem>>) src(%arg7 : memref<128x128xf32, #tpu.memory_space<vmem>>) dst(%dma_wait3A_120 : memref<128x128xf32, #tpu.memory_space<vmem_shared>>)
      tpu.yield
    }) : () -> ()
    %add3A_10 = arith.constant 128 : i32
    %add3A_11 = arith.addi %multiple_of3A, %add3A_10 : i32
    "tpu.region"() ({
      %run_scoped3A_112 = tpu.sem_alloc : memref<!tpu.dma_semaphore, #tpu.memory_space<semaphore_mem>>
      %dma_start3A_113 = arith.constant 0 : i32
      %dma_start3A_114 = tpu.memref_slice %arg9[%add3A_11, %dma_start3A_113] : memref<10240x128xf32, #tpu.memory_space<vmem_shared>> -> memref<128x128xf32, #tpu.memory_space<vmem_shared>>
      %dma_start3A_115 = arith.constant 0 : i32
      %dma_start3A_116 = tpu.memref_slice %arg9[%add3A_11, %dma_start3A_115] : memref<10240x128xf32, #tpu.memory_space<vmem_shared>> -> memref<128x128xf32, #tpu.memory_space<vmem_shared>>
      tpu.enqueue_dma source(%arg7 : memref<128x128xf32, #tpu.memory_space<vmem>>) target(%dma_start3A_116 : memref<128x128xf32, #tpu.memory_space<vmem_shared>>) target_semaphore(%run_scoped3A_112 : memref<!tpu.dma_semaphore, #tpu.memory_space<semaphore_mem>>)
      %dma_wait3A_117 = arith.constant 0 : i32
      %dma_wait3A_118 = tpu.memref_slice %arg9[%add3A_11, %dma_wait3A_117] : memref<10240x128xf32, #tpu.memory_space<vmem_shared>> -> memref<128x128xf32, #tpu.memory_space<vmem_shared>>
      %dma_wait3A_119 = arith.constant 0 : i32
      %dma_wait3A_120 = tpu.memref_slice %arg9[%add3A_11, %dma_wait3A_119] : memref<10240x128xf32, #tpu.memory_space<vmem_shared>> -> memref<128x128xf32, #tpu.memory_space<vmem_shared>>
      tpu.wait_dma2 semaphore(%run_scoped3A_112 : memref<!tpu.dma_semaphore, #tpu.memory_space<semaphore_mem>>) src(%arg7 : memref<128x128xf32, #tpu.memory_space<vmem>>) dst(%dma_wait3A_120 : memref<128x128xf32, #tpu.memory_space<vmem_shared>>)
      tpu.yield
    }) : () -> ()
    %add3A_12 = arith.constant 256 : i32
    %add3A_13 = arith.addi %multiple_of3A, %add3A_12 : i32
    "tpu.region"() ({
      %run_scoped3A_112 = tpu.sem_alloc : memref<!tpu.dma_semaphore, #tpu.memory_space<semaphore_mem>>
      %dma_start3A_113 = arith.constant 0 : i32
      %dma_start3A_114 = tpu.memref_slice %arg9[%add3A_13, %dma_start3A_113] : memref<10240x128xf32, #tpu.memory_space<vmem_shared>> -> memref<128x128xf32, #tpu.memory_space<vmem_shared>>
      %dma_start3A_115 = arith.constant 0 : i32
      %dma_start3A_116 = tpu.memref_slice %arg9[%add3A_13, %dma_start3A_115] : memref<10240x128xf32, #tpu.memory_space<vmem_shared>> -> memref<128x128xf32, #tpu.memory_space<vmem_shared>>
      tpu.enqueue_dma source(%arg7 : memref<128x128xf32, #tpu.memory_space<vmem>>) target(%dma_start3A_116 : memref<128x128xf32, #tpu.memory_space<vmem_shared>>) target_semaphore(%run_scoped3A_112 : memref<!tpu.dma_semaphore, #tpu.memory_space<semaphore_mem>>)
      %dma_wait3A_117 = arith.constant 0 : i32
      %dma_wait3A_118 = tpu.memref_slice %arg9[%add3A_13, %dma_wait3A_117] : memref<10240x128xf32, #tpu.memory_space<vmem_shared>> -> memref<128x128xf32, #tpu.memory_space<vmem_shared>>
      %dma_wait3A_119 = arith.constant 0 : i32
      %dma_wait3A_120 = tpu.memref_slice %arg9[%add3A_13, %dma_wait3A_119] : memref<10240x128xf32, #tpu.memory_space<vmem_shared>> -> memref<128x128xf32, #tpu.memory_space<vmem_shared>>
      tpu.wait_dma2 semaphore(%run_scoped3A_112 : memref<!tpu.dma_semaphore, #tpu.memory_space<semaphore_mem>>) src(%arg7 : memref<128x128xf32, #tpu.memory_space<vmem>>) dst(%dma_wait3A_120 : memref<128x128xf32, #tpu.memory_space<vmem_shared>>)
      tpu.yield
    }) : () -> ()
    %add3A_14 = arith.constant 384 : i32
    %add3A_15 = arith.addi %multiple_of3A, %add3A_14 : i32
    "tpu.region"() ({
      %run_scoped3A_112 = tpu.sem_alloc : memref<!tpu.dma_semaphore, #tpu.memory_space<semaphore_mem>>
      %dma_start3A_113 = arith.constant 0 : i32
      %dma_start3A_114 = tpu.memref_slice %arg9[%add3A_15, %dma_start3A_113] : memref<10240x128xf32, #tpu.memory_space<vmem_shared>> -> memref<128x128xf32, #tpu.memory_space<vmem_shared>>
      %dma_start3A_115 = arith.constant 0 : i32
      %dma_start3A_116 = tpu.memref_slice %arg9[%add3A_15, %dma_start3A_115] : memref<10240x128xf32, #tpu.memory_space<vmem_shared>> -> memref<128x128xf32, #tpu.memory_space<vmem_shared>>
      tpu.enqueue_dma source(%arg7 : memref<128x128xf32, #tpu.memory_space<vmem>>) target(%dma_start3A_116 : memref<128x128xf32, #tpu.memory_space<vmem_shared>>) target_semaphore(%run_scoped3A_112 : memref<!tpu.dma_semaphore, #tpu.memory_space<semaphore_mem>>)
      %dma_wait3A_117 = arith.constant 0 : i32
      %dma_wait3A_118 = tpu.memref_slice %arg9[%add3A_15, %dma_wait3A_117] : memref<10240x128xf32, #tpu.memory_space<vmem_shared>> -> memref<128x128xf32, #tpu.memory_space<vmem_shared>>
      %dma_wait3A_119 = arith.constant 0 : i32
      %dma_wait3A_120 = tpu.memref_slice %arg9[%add3A_15, %dma_wait3A_119] : memref<10240x128xf32, #tpu.memory_space<vmem_shared>> -> memref<128x128xf32, #tpu.memory_space<vmem_shared>>
      tpu.wait_dma2 semaphore(%run_scoped3A_112 : memref<!tpu.dma_semaphore, #tpu.memory_space<semaphore_mem>>) src(%arg7 : memref<128x128xf32, #tpu.memory_space<vmem>>) dst(%dma_wait3A_120 : memref<128x128xf32, #tpu.memory_space<vmem_shared>>)
      tpu.yield
    }) : () -> ()
    %add3A_16 = arith.constant 512 : i32
    %add3A_17 = arith.addi %multiple_of3A, %add3A_16 : i32
    "tpu.region"() ({
      %run_scoped3A_112 = tpu.sem_alloc : memref<!tpu.dma_semaphore, #tpu.memory_space<semaphore_mem>>
      %dma_start3A_113 = arith.constant 0 : i32
      %dma_start3A_114 = tpu.memref_slice %arg9[%add3A_17, %dma_start3A_113] : memref<10240x128xf32, #tpu.memory_space<vmem_shared>> -> memref<128x128xf32, #tpu.memory_space<vmem_shared>>
      %dma_start3A_115 = arith.constant 0 : i32
      %dma_start3A_116 = tpu.memref_slice %arg9[%add3A_17, %dma_start3A_115] : memref<10240x128xf32, #tpu.memory_space<vmem_shared>> -> memref<128x128xf32, #tpu.memory_space<vmem_shared>>
      tpu.enqueue_dma source(%arg7 : memref<128x128xf32, #tpu.memory_space<vmem>>) target(%dma_start3A_116 : memref<128x128xf32, #tpu.memory_space<vmem_shared>>) target_semaphore(%run_scoped3A_112 : memref<!tpu.dma_semaphore, #tpu.memory_space<semaphore_mem>>)
      %dma_wait3A_117 = arith.constant 0 : i32
      %dma_wait3A_118 = tpu.memref_slice %arg9[%add3A_17, %dma_wait3A_117] : memref<10240x128xf32, #tpu.memory_space<vmem_shared>> -> memref<128x128xf32, #tpu.memory_space<vmem_shared>>
      %dma_wait3A_119 = arith.constant 0 : i32
      %dma_wait3A_120 = tpu.memref_slice %arg9[%add3A_17, %dma_wait3A_119] : memref<10240x128xf32, #tpu.memory_space<vmem_shared>> -> memref<128x128xf32, #tpu.memory_space<vmem_shared>>
      tpu.wait_dma2 semaphore(%run_scoped3A_112 : memref<!tpu.dma_semaphore, #tpu.memory_space<semaphore_mem>>) src(%arg7 : memref<128x128xf32, #tpu.memory_space<vmem>>) dst(%dma_wait3A_120 : memref<128x128xf32, #tpu.memory_space<vmem_shared>>)
      tpu.yield
    }) : () -> ()
    %barrier3A = arith.constant 0 : index
    tpu.barrier barrier_id(%barrier3A)
    %run_scoped3A = arith.constant 0 : i32
    "tpu.region"() ({
      %run_scoped3A_112 = tpu.sem_alloc : memref<!tpu.dma_semaphore, #tpu.memory_space<semaphore_mem>>
      %dma_start3A_113 = arith.constant 0 : i32
      %dma_start3A_114 = arith.constant 0 : i32
      %dma_start3A_115 = tpu.memref_slice %arg2[%run_scoped3A, %add3A, %dma_start3A_113, %dma_start3A_114] : memref<2x32x80x128xi32, #tpu.memory_space<hbm>> -> memref<1x1x40x128xi32, #tpu.memory_space<hbm>>
      %dma_start3A_116 = tpu.memref_squeeze %dma_start3A_115 : memref<1x1x40x128xi32, #tpu.memory_space<hbm>> -> memref<40x128xi32, #tpu.memory_space<hbm>>
      %dma_start3A_117 = arith.constant 0 : i32
      %dma_start3A_118 = arith.constant 0 : i32
      %dma_start3A_119 = tpu.memref_slice %arg2[%run_scoped3A, %add3A, %dma_start3A_117, %dma_start3A_118] : memref<2x32x80x128xi32, #tpu.memory_space<hbm>> -> memref<1x1x40x128xi32, #tpu.memory_space<hbm>>
      %dma_start3A_120 = tpu.memref_squeeze %dma_start3A_119 : memref<1x1x40x128xi32, #tpu.memory_space<hbm>> -> memref<40x128xi32, #tpu.memory_space<hbm>>
      tpu.enqueue_dma source(%dma_start3A_120 : memref<40x128xi32, #tpu.memory_space<hbm>>) target(%arg5 : memref<40x128xi32, #tpu.memory_space<vmem>>) target_semaphore(%run_scoped3A_112 : memref<!tpu.dma_semaphore, #tpu.memory_space<semaphore_mem>>)
      %dma_wait3A_121 = arith.constant 0 : i32
      %dma_wait3A_122 = arith.constant 0 : i32
      %dma_wait3A_123 = tpu.memref_slice %arg2[%run_scoped3A, %add3A, %dma_wait3A_121, %dma_wait3A_122] : memref<2x32x80x128xi32, #tpu.memory_space<hbm>> -> memref<1x1x40x128xi32, #tpu.memory_space<hbm>>
      %dma_wait3A_124 = tpu.memref_squeeze %dma_wait3A_123 : memref<1x1x40x128xi32, #tpu.memory_space<hbm>> -> memref<40x128xi32, #tpu.memory_space<hbm>>
      %dma_wait3A_125 = arith.constant 0 : i32
      %dma_wait3A_126 = arith.constant 0 : i32
      %dma_wait3A_127 = tpu.memref_slice %arg2[%run_scoped3A, %add3A, %dma_wait3A_125, %dma_wait3A_126] : memref<2x32x80x128xi32, #tpu.memory_space<hbm>> -> memref<1x1x40x128xi32, #tpu.memory_space<hbm>>
      %dma_wait3A_128 = tpu.memref_squeeze %dma_wait3A_127 : memref<1x1x40x128xi32, #tpu.memory_space<hbm>> -> memref<40x128xi32, #tpu.memory_space<hbm>>
      tpu.wait_dma2 semaphore(%run_scoped3A_112 : memref<!tpu.dma_semaphore, #tpu.memory_space<semaphore_mem>>) src(%dma_wait3A_128 : memref<40x128xi32, #tpu.memory_space<hbm>>) dst(%arg5 : memref<40x128xi32, #tpu.memory_space<vmem>>)
      tpu.yield
    }) : () -> ()
    %run_scoped3A_18 = arith.constant 1 : i32
    "tpu.region"() ({
      %run_scoped3A_112 = tpu.sem_alloc : memref<!tpu.dma_semaphore, #tpu.memory_space<semaphore_mem>>
      %dma_start3A_113 = arith.constant 0 : i32
      %dma_start3A_114 = arith.constant 0 : i32
      %dma_start3A_115 = tpu.memref_slice %arg2[%run_scoped3A_18, %add3A, %dma_start3A_113, %dma_start3A_114] : memref<2x32x80x128xi32, #tpu.memory_space<hbm>> -> memref<1x1x40x128xi32, #tpu.memory_space<hbm>>
      %dma_start3A_116 = tpu.memref_squeeze %dma_start3A_115 : memref<1x1x40x128xi32, #tpu.memory_space<hbm>> -> memref<40x128xi32, #tpu.memory_space<hbm>>
      %dma_start3A_117 = arith.constant 0 : i32
      %dma_start3A_118 = arith.constant 0 : i32
      %dma_start3A_119 = tpu.memref_slice %arg2[%run_scoped3A_18, %add3A, %dma_start3A_117, %dma_start3A_118] : memref<2x32x80x128xi32, #tpu.memory_space<hbm>> -> memref<1x1x40x128xi32, #tpu.memory_space<hbm>>
      %dma_start3A_120 = tpu.memref_squeeze %dma_start3A_119 : memref<1x1x40x128xi32, #tpu.memory_space<hbm>> -> memref<40x128xi32, #tpu.memory_space<hbm>>
      tpu.enqueue_dma source(%dma_start3A_120 : memref<40x128xi32, #tpu.memory_space<hbm>>) target(%arg6 : memref<40x128xi32, #tpu.memory_space<vmem>>) target_semaphore(%run_scoped3A_112 : memref<!tpu.dma_semaphore, #tpu.memory_space<semaphore_mem>>)
      %dma_wait3A_121 = arith.constant 0 : i32
      %dma_wait3A_122 = arith.constant 0 : i32
      %dma_wait3A_123 = tpu.memref_slice %arg2[%run_scoped3A_18, %add3A, %dma_wait3A_121, %dma_wait3A_122] : memref<2x32x80x128xi32, #tpu.memory_space<hbm>> -> memref<1x1x40x128xi32, #tpu.memory_space<hbm>>
      %dma_wait3A_124 = tpu.memref_squeeze %dma_wait3A_123 : memref<1x1x40x128xi32, #tpu.memory_space<hbm>> -> memref<40x128xi32, #tpu.memory_space<hbm>>
      %dma_wait3A_125 = arith.constant 0 : i32
      %dma_wait3A_126 = arith.constant 0 : i32
      %dma_wait3A_127 = tpu.memref_slice %arg2[%run_scoped3A_18, %add3A, %dma_wait3A_125, %dma_wait3A_126] : memref<2x32x80x128xi32, #tpu.memory_space<hbm>> -> memref<1x1x40x128xi32, #tpu.memory_space<hbm>>
      %dma_wait3A_128 = tpu.memref_squeeze %dma_wait3A_127 : memref<1x1x40x128xi32, #tpu.memory_space<hbm>> -> memref<40x128xi32, #tpu.memory_space<hbm>>
      tpu.wait_dma2 semaphore(%run_scoped3A_112 : memref<!tpu.dma_semaphore, #tpu.memory_space<semaphore_mem>>) src(%dma_wait3A_128 : memref<40x128xi32, #tpu.memory_space<hbm>>) dst(%arg6 : memref<40x128xi32, #tpu.memory_space<vmem>>)
      tpu.yield
    }) : () -> ()
    %dma_start3A = arith.constant 0 : i32
    %dma_start3A_19 = arith.constant 0 : i32
    %dma_start3A_20 = tpu.memref_slice %arg5[%dma_start3A, %dma_start3A_19] : memref<40x128xi32, #tpu.memory_space<vmem>> -> memref<1x128xi32, #tpu.memory_space<vmem>>
    %dma_start3A_21 = tpu.memref_squeeze %dma_start3A_20 : memref<1x128xi32, #tpu.memory_space<vmem>> -> memref<128xi32, #tpu.memory_space<vmem>>
    %dma_start3A_22 = arith.constant 0 : i32
    %dma_start3A_23 = arith.constant 0 : i32
    %dma_start3A_24 = tpu.memref_slice %arg3[%dma_start3A_22, %dma_start3A_23] : memref<10000x128xf32, #tpu.memory_space<hbm>> -> memref<10000x128xf32, #tpu.memory_space<hbm>>
    tpu.enqueue_indirect_dma source(%dma_start3A_24 : memref<10000x128xf32, #tpu.memory_space<hbm>>) target(%arg7 : memref<128x128xf32, #tpu.memory_space<vmem>>) offsets(%dma_start3A_21 : memref<128xi32, #tpu.memory_space<vmem>>) semaphore(%arg10 : memref<!tpu.dma_semaphore, #tpu.memory_space<semaphore_mem>>)
    %dma_start3A_25 = arith.constant 1 : i32
    %dma_start3A_26 = arith.constant 0 : i32
    %dma_start3A_27 = tpu.memref_slice %arg5[%dma_start3A_25, %dma_start3A_26] : memref<40x128xi32, #tpu.memory_space<vmem>> -> memref<1x128xi32, #tpu.memory_space<vmem>>
    %dma_start3A_28 = tpu.memref_squeeze %dma_start3A_27 : memref<1x128xi32, #tpu.memory_space<vmem>> -> memref<128xi32, #tpu.memory_space<vmem>>
    %dma_start3A_29 = arith.constant 0 : i32
    %dma_start3A_30 = arith.constant 0 : i32
    %dma_start3A_31 = tpu.memref_slice %arg3[%dma_start3A_29, %dma_start3A_30] : memref<10000x128xf32, #tpu.memory_space<hbm>> -> memref<10000x128xf32, #tpu.memory_space<hbm>>
    tpu.enqueue_indirect_dma source(%dma_start3A_31 : memref<10000x128xf32, #tpu.memory_space<hbm>>) target(%arg8 : memref<128x128xf32, #tpu.memory_space<vmem>>) offsets(%dma_start3A_28 : memref<128xi32, #tpu.memory_space<vmem>>) semaphore(%arg11 : memref<!tpu.dma_semaphore, #tpu.memory_space<semaphore_mem>>)
    %scan3A_32 = arith.constant 0 : i32
    %scan3A_33 = arith.constant 0 : i32
    %scan3A_34 = arith.constant 19 : i32
    %scan3A_35 = arith.addi %scan3A_33, %scan3A_34 : i32
    %scan3A_36 = arith.constant 1 : i32
    scf.for %scan3A_112 = %scan3A_33 to %scan3A_35 step %scan3A_36  : i32 {
      %mul3A_113 = arith.constant 2 : i32
      %mul3A_114 = arith.muli %mul3A_113, %scan3A_112 : i32
      %dma_wait3A_115 = arith.constant 0 : i32
      %dma_wait3A_116 = tpu.memref_slice %arg5[%mul3A_114, %dma_wait3A_115] : memref<40x128xi32, #tpu.memory_space<vmem>> -> memref<1x128xi32, #tpu.memory_space<vmem>>
      %dma_wait3A_117 = tpu.memref_squeeze %dma_wait3A_116 : memref<1x128xi32, #tpu.memory_space<vmem>> -> memref<128xi32, #tpu.memory_space<vmem>>
      %dma_wait3A_118 = arith.constant 0 : i32
      %dma_wait3A_119 = arith.constant 0 : i32
      %dma_wait3A_120 = tpu.memref_slice %arg3[%dma_wait3A_118, %dma_wait3A_119] : memref<10000x128xf32, #tpu.memory_space<hbm>> -> memref<10000x128xf32, #tpu.memory_space<hbm>>
      tpu.wait_indirect_dma semaphore(%arg10 : memref<!tpu.dma_semaphore, #tpu.memory_space<semaphore_mem>>) src(%dma_wait3A_120 : memref<10000x128xf32, #tpu.memory_space<hbm>>) dst(%arg7 : memref<128x128xf32, #tpu.memory_space<vmem>>)
      "tpu.region"() ({
        %run_scoped3A_147 = tpu.sem_alloc : memref<!tpu.dma_semaphore, #tpu.memory_space<semaphore_mem>>
        %dma_start3A_148 = arith.constant 0 : i32
        %dma_start3A_149 = tpu.memref_slice %arg6[%mul3A_114, %dma_start3A_148] : memref<40x128xi32, #tpu.memory_space<vmem>> -> memref<1x128xi32, #tpu.memory_space<vmem>>
        %dma_start3A_150 = tpu.memref_squeeze %dma_start3A_149 : memref<1x128xi32, #tpu.memory_space<vmem>> -> memref<128xi32, #tpu.memory_space<vmem>>
        %dma_start3A_151 = arith.constant 0 : i32
        %dma_start3A_152 = arith.constant 0 : i32
        %dma_start3A_153 = tpu.memref_slice %arg9[%dma_start3A_151, %dma_start3A_152] : memref<10240x128xf32, #tpu.memory_space<vmem_shared>> -> memref<10240x128xf32, #tpu.memory_space<vmem_shared>>
        tpu.enqueue_indirect_dma source(%arg7 : memref<128x128xf32, #tpu.memory_space<vmem>>) target(%dma_start3A_153 : memref<10240x128xf32, #tpu.memory_space<vmem_shared>>) offsets(%dma_start3A_150 : memref<128xi32, #tpu.memory_space<vmem>>) semaphore(%run_scoped3A_147 : memref<!tpu.dma_semaphore, #tpu.memory_space<semaphore_mem>>) {add = true}
        %dma_wait3A_154 = arith.constant 0 : i32
        %dma_wait3A_155 = tpu.memref_slice %arg6[%mul3A_114, %dma_wait3A_154] : memref<40x128xi32, #tpu.memory_space<vmem>> -> memref<1x128xi32, #tpu.memory_space<vmem>>
        %dma_wait3A_156 = tpu.memref_squeeze %dma_wait3A_155 : memref<1x128xi32, #tpu.memory_space<vmem>> -> memref<128xi32, #tpu.memory_space<vmem>>
        %dma_wait3A_157 = arith.constant 0 : i32
        %dma_wait3A_158 = arith.constant 0 : i32
        %dma_wait3A_159 = tpu.memref_slice %arg9[%dma_wait3A_157, %dma_wait3A_158] : memref<10240x128xf32, #tpu.memory_space<vmem_shared>> -> memref<10240x128xf32, #tpu.memory_space<vmem_shared>>
        tpu.wait_indirect_dma semaphore(%run_scoped3A_147 : memref<!tpu.dma_semaphore, #tpu.memory_space<semaphore_mem>>) src(%arg7 : memref<128x128xf32, #tpu.memory_space<vmem>>) dst(%dma_wait3A_159 : memref<10240x128xf32, #tpu.memory_space<vmem_shared>>)
        tpu.yield
      }) : () -> ()
      %add3A_121 = arith.constant 2 : i32
      %add3A_122 = arith.addi %mul3A_114, %add3A_121 : i32
      %dma_start3A_123 = arith.constant 0 : i32
      %dma_start3A_124 = tpu.memref_slice %arg5[%add3A_122, %dma_start3A_123] : memref<40x128xi32, #tpu.memory_space<vmem>> -> memref<1x128xi32, #tpu.memory_space<vmem>>
      %dma_start3A_125 = tpu.memref_squeeze %dma_start3A_124 : memref<1x128xi32, #tpu.memory_space<vmem>> -> memref<128xi32, #tpu.memory_space<vmem>>
      %dma_start3A_126 = arith.constant 0 : i32
      %dma_start3A_127 = arith.constant 0 : i32
      %dma_start3A_128 = tpu.memref_slice %arg3[%dma_start3A_126, %dma_start3A_127] : memref<10000x128xf32, #tpu.memory_space<hbm>> -> memref<10000x128xf32, #tpu.memory_space<hbm>>
      tpu.enqueue_indirect_dma source(%dma_start3A_128 : memref<10000x128xf32, #tpu.memory_space<hbm>>) target(%arg7 : memref<128x128xf32, #tpu.memory_space<vmem>>) offsets(%dma_start3A_125 : memref<128xi32, #tpu.memory_space<vmem>>) semaphore(%arg10 : memref<!tpu.dma_semaphore, #tpu.memory_space<semaphore_mem>>)
      %add3A_129 = arith.constant 1 : i32
      %add3A_130 = arith.addi %mul3A_114, %add3A_129 : i32
      %dma_wait3A_131 = arith.constant 0 : i32
      %dma_wait3A_132 = tpu.memref_slice %arg5[%add3A_130, %dma_wait3A_131] : memref<40x128xi32, #tpu.memory_space<vmem>> -> memref<1x128xi32, #tpu.memory_space<vmem>>
      %dma_wait3A_133 = tpu.memref_squeeze %dma_wait3A_132 : memref<1x128xi32, #tpu.memory_space<vmem>> -> memref<128xi32, #tpu.memory_space<vmem>>
      %dma_wait3A_134 = arith.constant 0 : i32
      %dma_wait3A_135 = arith.constant 0 : i32
      %dma_wait3A_136 = tpu.memref_slice %arg3[%dma_wait3A_134, %dma_wait3A_135] : memref<10000x128xf32, #tpu.memory_space<hbm>> -> memref<10000x128xf32, #tpu.memory_space<hbm>>
      tpu.wait_indirect_dma semaphore(%arg11 : memref<!tpu.dma_semaphore, #tpu.memory_space<semaphore_mem>>) src(%dma_wait3A_136 : memref<10000x128xf32, #tpu.memory_space<hbm>>) dst(%arg8 : memref<128x128xf32, #tpu.memory_space<vmem>>)
      %add3A_137 = arith.constant 1 : i32
      %add3A_138 = arith.addi %mul3A_114, %add3A_137 : i32
      "tpu.region"() ({
        %run_scoped3A_147 = tpu.sem_alloc : memref<!tpu.dma_semaphore, #tpu.memory_space<semaphore_mem>>
        %dma_start3A_148 = arith.constant 0 : i32
        %dma_start3A_149 = tpu.memref_slice %arg6[%add3A_138, %dma_start3A_148] : memref<40x128xi32, #tpu.memory_space<vmem>> -> memref<1x128xi32, #tpu.memory_space<vmem>>
        %dma_start3A_150 = tpu.memref_squeeze %dma_start3A_149 : memref<1x128xi32, #tpu.memory_space<vmem>> -> memref<128xi32, #tpu.memory_space<vmem>>
        %dma_start3A_151 = arith.constant 0 : i32
        %dma_start3A_152 = arith.constant 0 : i32
        %dma_start3A_153 = tpu.memref_slice %arg9[%dma_start3A_151, %dma_start3A_152] : memref<10240x128xf32, #tpu.memory_space<vmem_shared>> -> memref<10240x128xf32, #tpu.memory_space<vmem_shared>>
        tpu.enqueue_indirect_dma source(%arg8 : memref<128x128xf32, #tpu.memory_space<vmem>>) target(%dma_start3A_153 : memref<10240x128xf32, #tpu.memory_space<vmem_shared>>) offsets(%dma_start3A_150 : memref<128xi32, #tpu.memory_space<vmem>>) semaphore(%run_scoped3A_147 : memref<!tpu.dma_semaphore, #tpu.memory_space<semaphore_mem>>) {add = true}
        %dma_wait3A_154 = arith.constant 0 : i32
        %dma_wait3A_155 = tpu.memref_slice %arg6[%add3A_138, %dma_wait3A_154] : memref<40x128xi32, #tpu.memory_space<vmem>> -> memref<1x128xi32, #tpu.memory_space<vmem>>
        %dma_wait3A_156 = tpu.memref_squeeze %dma_wait3A_155 : memref<1x128xi32, #tpu.memory_space<vmem>> -> memref<128xi32, #tpu.memory_space<vmem>>
        %dma_wait3A_157 = arith.constant 0 : i32
        %dma_wait3A_158 = arith.constant 0 : i32
        %dma_wait3A_159 = tpu.memref_slice %arg9[%dma_wait3A_157, %dma_wait3A_158] : memref<10240x128xf32, #tpu.memory_space<vmem_shared>> -> memref<10240x128xf32, #tpu.memory_space<vmem_shared>>
        tpu.wait_indirect_dma semaphore(%run_scoped3A_147 : memref<!tpu.dma_semaphore, #tpu.memory_space<semaphore_mem>>) src(%arg8 : memref<128x128xf32, #tpu.memory_space<vmem>>) dst(%dma_wait3A_159 : memref<10240x128xf32, #tpu.memory_space<vmem_shared>>)
        tpu.yield
      }) : () -> ()
      %add3A_139 = arith.constant 3 : i32
      %add3A_140 = arith.addi %mul3A_114, %add3A_139 : i32
      %dma_start3A_141 = arith.constant 0 : i32
      %dma_start3A_142 = tpu.memref_slice %arg5[%add3A_140, %dma_start3A_141] : memref<40x128xi32, #tpu.memory_space<vmem>> -> memref<1x128xi32, #tpu.memory_space<vmem>>
      %dma_start3A_143 = tpu.memref_squeeze %dma_start3A_142 : memref<1x128xi32, #tpu.memory_space<vmem>> -> memref<128xi32, #tpu.memory_space<vmem>>
      %dma_start3A_144 = arith.constant 0 : i32
      %dma_start3A_145 = arith.constant 0 : i32
      %dma_start3A_146 = tpu.memref_slice %arg3[%dma_start3A_144, %dma_start3A_145] : memref<10000x128xf32, #tpu.memory_space<hbm>> -> memref<10000x128xf32, #tpu.memory_space<hbm>>
      tpu.enqueue_indirect_dma source(%dma_start3A_146 : memref<10000x128xf32, #tpu.memory_space<hbm>>) target(%arg8 : memref<128x128xf32, #tpu.memory_space<vmem>>) offsets(%dma_start3A_143 : memref<128xi32, #tpu.memory_space<vmem>>) semaphore(%arg11 : memref<!tpu.dma_semaphore, #tpu.memory_space<semaphore_mem>>)
    }
    %scan3A_37 = arith.constant 19 : i32
    %dma_wait3A = arith.constant 38 : i32
    %dma_wait3A_38 = arith.constant 0 : i32
    %dma_wait3A_39 = tpu.memref_slice %arg5[%dma_wait3A, %dma_wait3A_38] : memref<40x128xi32, #tpu.memory_space<vmem>> -> memref<1x128xi32, #tpu.memory_space<vmem>>
    %dma_wait3A_40 = tpu.memref_squeeze %dma_wait3A_39 : memref<1x128xi32, #tpu.memory_space<vmem>> -> memref<128xi32, #tpu.memory_space<vmem>>
    %dma_wait3A_41 = arith.constant 0 : i32
    %dma_wait3A_42 = arith.constant 0 : i32
    %dma_wait3A_43 = tpu.memref_slice %arg3[%dma_wait3A_41, %dma_wait3A_42] : memref<10000x128xf32, #tpu.memory_space<hbm>> -> memref<10000x128xf32, #tpu.memory_space<hbm>>
    tpu.wait_indirect_dma semaphore(%arg10 : memref<!tpu.dma_semaphore, #tpu.memory_space<semaphore_mem>>) src(%dma_wait3A_43 : memref<10000x128xf32, #tpu.memory_space<hbm>>) dst(%arg7 : memref<128x128xf32, #tpu.memory_space<vmem>>)
    %run_scoped3A_44 = arith.constant 38 : i32
    "tpu.region"() ({
      %run_scoped3A_112 = tpu.sem_alloc : memref<!tpu.dma_semaphore, #tpu.memory_space<semaphore_mem>>
      %dma_start3A_113 = arith.constant 0 : i32
      %dma_start3A_114 = tpu.memref_slice %arg6[%run_scoped3A_44, %dma_start3A_113] : memref<40x128xi32, #tpu.memory_space<vmem>> -> memref<1x128xi32, #tpu.memory_space<vmem>>
      %dma_start3A_115 = tpu.memref_squeeze %dma_start3A_114 : memref<1x128xi32, #tpu.memory_space<vmem>> -> memref<128xi32, #tpu.memory_space<vmem>>
      %dma_start3A_116 = arith.constant 0 : i32
      %dma_start3A_117 = arith.constant 0 : i32
      %dma_start3A_118 = tpu.memref_slice %arg9[%dma_start3A_116, %dma_start3A_117] : memref<10240x128xf32, #tpu.memory_space<vmem_shared>> -> memref<10240x128xf32, #tpu.memory_space<vmem_shared>>
      tpu.enqueue_indirect_dma source(%arg7 : memref<128x128xf32, #tpu.memory_space<vmem>>) target(%dma_start3A_118 : memref<10240x128xf32, #tpu.memory_space<vmem_shared>>) offsets(%dma_start3A_115 : memref<128xi32, #tpu.memory_space<vmem>>) semaphore(%run_scoped3A_112 : memref<!tpu.dma_semaphore, #tpu.memory_space<semaphore_mem>>) {add = true}
      %dma_wait3A_119 = arith.constant 0 : i32
      %dma_wait3A_120 = tpu.memref_slice %arg6[%run_scoped3A_44, %dma_wait3A_119] : memref<40x128xi32, #tpu.memory_space<vmem>> -> memref<1x128xi32, #tpu.memory_space<vmem>>
      %dma_wait3A_121 = tpu.memref_squeeze %dma_wait3A_120 : memref<1x128xi32, #tpu.memory_space<vmem>> -> memref<128xi32, #tpu.memory_space<vmem>>
      %dma_wait3A_122 = arith.constant 0 : i32
      %dma_wait3A_123 = arith.constant 0 : i32
      %dma_wait3A_124 = tpu.memref_slice %arg9[%dma_wait3A_122, %dma_wait3A_123] : memref<10240x128xf32, #tpu.memory_space<vmem_shared>> -> memref<10240x128xf32, #tpu.memory_space<vmem_shared>>
      tpu.wait_indirect_dma semaphore(%run_scoped3A_112 : memref<!tpu.dma_semaphore, #tpu.memory_space<semaphore_mem>>) src(%arg7 : memref<128x128xf32, #tpu.memory_space<vmem>>) dst(%dma_wait3A_124 : memref<10240x128xf32, #tpu.memory_space<vmem_shared>>)
      tpu.yield
    }) : () -> ()
    %dma_wait3A_45 = arith.constant 39 : i32
    %dma_wait3A_46 = arith.constant 0 : i32
    %dma_wait3A_47 = tpu.memref_slice %arg5[%dma_wait3A_45, %dma_wait3A_46] : memref<40x128xi32, #tpu.memory_space<vmem>> -> memref<1x128xi32, #tpu.memory_space<vmem>>
    %dma_wait3A_48 = tpu.memref_squeeze %dma_wait3A_47 : memref<1x128xi32, #tpu.memory_space<vmem>> -> memref<128xi32, #tpu.memory_space<vmem>>
    %dma_wait3A_49 = arith.constant 0 : i32
    %dma_wait3A_50 = arith.constant 0 : i32
    %dma_wait3A_51 = tpu.memref_slice %arg3[%dma_wait3A_49, %dma_wait3A_50] : memref<10000x128xf32, #tpu.memory_space<hbm>> -> memref<10000x128xf32, #tpu.memory_space<hbm>>
    tpu.wait_indirect_dma semaphore(%arg11 : memref<!tpu.dma_semaphore, #tpu.memory_space<semaphore_mem>>) src(%dma_wait3A_51 : memref<10000x128xf32, #tpu.memory_space<hbm>>) dst(%arg8 : memref<128x128xf32, #tpu.memory_space<vmem>>)
    %run_scoped3A_52 = arith.constant 39 : i32
    "tpu.region"() ({
      %run_scoped3A_112 = tpu.sem_alloc : memref<!tpu.dma_semaphore, #tpu.memory_space<semaphore_mem>>
      %dma_start3A_113 = arith.constant 0 : i32
      %dma_start3A_114 = tpu.memref_slice %arg6[%run_scoped3A_52, %dma_start3A_113] : memref<40x128xi32, #tpu.memory_space<vmem>> -> memref<1x128xi32, #tpu.memory_space<vmem>>
      %dma_start3A_115 = tpu.memref_squeeze %dma_start3A_114 : memref<1x128xi32, #tpu.memory_space<vmem>> -> memref<128xi32, #tpu.memory_space<vmem>>
      %dma_start3A_116 = arith.constant 0 : i32
      %dma_start3A_117 = arith.constant 0 : i32
      %dma_start3A_118 = tpu.memref_slice %arg9[%dma_start3A_116, %dma_start3A_117] : memref<10240x128xf32, #tpu.memory_space<vmem_shared>> -> memref<10240x128xf32, #tpu.memory_space<vmem_shared>>
      tpu.enqueue_indirect_dma source(%arg8 : memref<128x128xf32, #tpu.memory_space<vmem>>) target(%dma_start3A_118 : memref<10240x128xf32, #tpu.memory_space<vmem_shared>>) offsets(%dma_start3A_115 : memref<128xi32, #tpu.memory_space<vmem>>) semaphore(%run_scoped3A_112 : memref<!tpu.dma_semaphore, #tpu.memory_space<semaphore_mem>>) {add = true}
      %dma_wait3A_119 = arith.constant 0 : i32
      %dma_wait3A_120 = tpu.memref_slice %arg6[%run_scoped3A_52, %dma_wait3A_119] : memref<40x128xi32, #tpu.memory_space<vmem>> -> memref<1x128xi32, #tpu.memory_space<vmem>>
      %dma_wait3A_121 = tpu.memref_squeeze %dma_wait3A_120 : memref<1x128xi32, #tpu.memory_space<vmem>> -> memref<128xi32, #tpu.memory_space<vmem>>
      %dma_wait3A_122 = arith.constant 0 : i32
      %dma_wait3A_123 = arith.constant 0 : i32
      %dma_wait3A_124 = tpu.memref_slice %arg9[%dma_wait3A_122, %dma_wait3A_123] : memref<10240x128xf32, #tpu.memory_space<vmem_shared>> -> memref<10240x128xf32, #tpu.memory_space<vmem_shared>>
      tpu.wait_indirect_dma semaphore(%run_scoped3A_112 : memref<!tpu.dma_semaphore, #tpu.memory_space<semaphore_mem>>) src(%arg8 : memref<128x128xf32, #tpu.memory_space<vmem>>) dst(%dma_wait3A_124 : memref<10240x128xf32, #tpu.memory_space<vmem_shared>>)
      tpu.yield
    }) : () -> ()
    %run_scoped3A_53 = arith.constant 0 : i32
    "tpu.region"() ({
      %run_scoped3A_112 = tpu.sem_alloc : memref<!tpu.dma_semaphore, #tpu.memory_space<semaphore_mem>>
      %dma_start3A_113 = arith.constant 40 : i32
      %dma_start3A_114 = arith.constant 0 : i32
      %dma_start3A_115 = tpu.memref_slice %arg2[%run_scoped3A_53, %add3A, %dma_start3A_113, %dma_start3A_114] : memref<2x32x80x128xi32, #tpu.memory_space<hbm>> -> memref<1x1x40x128xi32, #tpu.memory_space<hbm>>
      %dma_start3A_116 = tpu.memref_squeeze %dma_start3A_115 : memref<1x1x40x128xi32, #tpu.memory_space<hbm>> -> memref<40x128xi32, #tpu.memory_space<hbm>>
      %dma_start3A_117 = arith.constant 40 : i32
      %dma_start3A_118 = arith.constant 0 : i32
      %dma_start3A_119 = tpu.memref_slice %arg2[%run_scoped3A_53, %add3A, %dma_start3A_117, %dma_start3A_118] : memref<2x32x80x128xi32, #tpu.memory_space<hbm>> -> memref<1x1x40x128xi32, #tpu.memory_space<hbm>>
      %dma_start3A_120 = tpu.memref_squeeze %dma_start3A_119 : memref<1x1x40x128xi32, #tpu.memory_space<hbm>> -> memref<40x128xi32, #tpu.memory_space<hbm>>
      tpu.enqueue_dma source(%dma_start3A_120 : memref<40x128xi32, #tpu.memory_space<hbm>>) target(%arg5 : memref<40x128xi32, #tpu.memory_space<vmem>>) target_semaphore(%run_scoped3A_112 : memref<!tpu.dma_semaphore, #tpu.memory_space<semaphore_mem>>)
      %dma_wait3A_121 = arith.constant 40 : i32
      %dma_wait3A_122 = arith.constant 0 : i32
      %dma_wait3A_123 = tpu.memref_slice %arg2[%run_scoped3A_53, %add3A, %dma_wait3A_121, %dma_wait3A_122] : memref<2x32x80x128xi32, #tpu.memory_space<hbm>> -> memref<1x1x40x128xi32, #tpu.memory_space<hbm>>
      %dma_wait3A_124 = tpu.memref_squeeze %dma_wait3A_123 : memref<1x1x40x128xi32, #tpu.memory_space<hbm>> -> memref<40x128xi32, #tpu.memory_space<hbm>>
      %dma_wait3A_125 = arith.constant 40 : i32
      %dma_wait3A_126 = arith.constant 0 : i32
      %dma_wait3A_127 = tpu.memref_slice %arg2[%run_scoped3A_53, %add3A, %dma_wait3A_125, %dma_wait3A_126] : memref<2x32x80x128xi32, #tpu.memory_space<hbm>> -> memref<1x1x40x128xi32, #tpu.memory_space<hbm>>
      %dma_wait3A_128 = tpu.memref_squeeze %dma_wait3A_127 : memref<1x1x40x128xi32, #tpu.memory_space<hbm>> -> memref<40x128xi32, #tpu.memory_space<hbm>>
      tpu.wait_dma2 semaphore(%run_scoped3A_112 : memref<!tpu.dma_semaphore, #tpu.memory_space<semaphore_mem>>) src(%dma_wait3A_128 : memref<40x128xi32, #tpu.memory_space<hbm>>) dst(%arg5 : memref<40x128xi32, #tpu.memory_space<vmem>>)
      tpu.yield
    }) : () -> ()
    %run_scoped3A_54 = arith.constant 1 : i32
    "tpu.region"() ({
      %run_scoped3A_112 = tpu.sem_alloc : memref<!tpu.dma_semaphore, #tpu.memory_space<semaphore_mem>>
      %dma_start3A_113 = arith.constant 40 : i32
      %dma_start3A_114 = arith.constant 0 : i32
      %dma_start3A_115 = tpu.memref_slice %arg2[%run_scoped3A_54, %add3A, %dma_start3A_113, %dma_start3A_114] : memref<2x32x80x128xi32, #tpu.memory_space<hbm>> -> memref<1x1x40x128xi32, #tpu.memory_space<hbm>>
      %dma_start3A_116 = tpu.memref_squeeze %dma_start3A_115 : memref<1x1x40x128xi32, #tpu.memory_space<hbm>> -> memref<40x128xi32, #tpu.memory_space<hbm>>
      %dma_start3A_117 = arith.constant 40 : i32
      %dma_start3A_118 = arith.constant 0 : i32
      %dma_start3A_119 = tpu.memref_slice %arg2[%run_scoped3A_54, %add3A, %dma_start3A_117, %dma_start3A_118] : memref<2x32x80x128xi32, #tpu.memory_space<hbm>> -> memref<1x1x40x128xi32, #tpu.memory_space<hbm>>
      %dma_start3A_120 = tpu.memref_squeeze %dma_start3A_119 : memref<1x1x40x128xi32, #tpu.memory_space<hbm>> -> memref<40x128xi32, #tpu.memory_space<hbm>>
      tpu.enqueue_dma source(%dma_start3A_120 : memref<40x128xi32, #tpu.memory_space<hbm>>) target(%arg6 : memref<40x128xi32, #tpu.memory_space<vmem>>) target_semaphore(%run_scoped3A_112 : memref<!tpu.dma_semaphore, #tpu.memory_space<semaphore_mem>>)
      %dma_wait3A_121 = arith.constant 40 : i32
      %dma_wait3A_122 = arith.constant 0 : i32
      %dma_wait3A_123 = tpu.memref_slice %arg2[%run_scoped3A_54, %add3A, %dma_wait3A_121, %dma_wait3A_122] : memref<2x32x80x128xi32, #tpu.memory_space<hbm>> -> memref<1x1x40x128xi32, #tpu.memory_space<hbm>>
      %dma_wait3A_124 = tpu.memref_squeeze %dma_wait3A_123 : memref<1x1x40x128xi32, #tpu.memory_space<hbm>> -> memref<40x128xi32, #tpu.memory_space<hbm>>
      %dma_wait3A_125 = arith.constant 40 : i32
      %dma_wait3A_126 = arith.constant 0 : i32
      %dma_wait3A_127 = tpu.memref_slice %arg2[%run_scoped3A_54, %add3A, %dma_wait3A_125, %dma_wait3A_126] : memref<2x32x80x128xi32, #tpu.memory_space<hbm>> -> memref<1x1x40x128xi32, #tpu.memory_space<hbm>>
      %dma_wait3A_128 = tpu.memref_squeeze %dma_wait3A_127 : memref<1x1x40x128xi32, #tpu.memory_space<hbm>> -> memref<40x128xi32, #tpu.memory_space<hbm>>
      tpu.wait_dma2 semaphore(%run_scoped3A_112 : memref<!tpu.dma_semaphore, #tpu.memory_space<semaphore_mem>>) src(%dma_wait3A_128 : memref<40x128xi32, #tpu.memory_space<hbm>>) dst(%arg6 : memref<40x128xi32, #tpu.memory_space<vmem>>)
      tpu.yield
    }) : () -> ()
    %dma_start3A_55 = arith.constant 0 : i32
    %dma_start3A_56 = arith.constant 0 : i32
    %dma_start3A_57 = tpu.memref_slice %arg5[%dma_start3A_55, %dma_start3A_56] : memref<40x128xi32, #tpu.memory_space<vmem>> -> memref<1x128xi32, #tpu.memory_space<vmem>>
    %dma_start3A_58 = tpu.memref_squeeze %dma_start3A_57 : memref<1x128xi32, #tpu.memory_space<vmem>> -> memref<128xi32, #tpu.memory_space<vmem>>
    %dma_start3A_59 = arith.constant 0 : i32
    %dma_start3A_60 = arith.constant 0 : i32
    %dma_start3A_61 = tpu.memref_slice %arg3[%dma_start3A_59, %dma_start3A_60] : memref<10000x128xf32, #tpu.memory_space<hbm>> -> memref<10000x128xf32, #tpu.memory_space<hbm>>
    tpu.enqueue_indirect_dma source(%dma_start3A_61 : memref<10000x128xf32, #tpu.memory_space<hbm>>) target(%arg7 : memref<128x128xf32, #tpu.memory_space<vmem>>) offsets(%dma_start3A_58 : memref<128xi32, #tpu.memory_space<vmem>>) semaphore(%arg10 : memref<!tpu.dma_semaphore, #tpu.memory_space<semaphore_mem>>)
    %dma_start3A_62 = arith.constant 1 : i32
    %dma_start3A_63 = arith.constant 0 : i32
    %dma_start3A_64 = tpu.memref_slice %arg5[%dma_start3A_62, %dma_start3A_63] : memref<40x128xi32, #tpu.memory_space<vmem>> -> memref<1x128xi32, #tpu.memory_space<vmem>>
    %dma_start3A_65 = tpu.memref_squeeze %dma_start3A_64 : memref<1x128xi32, #tpu.memory_space<vmem>> -> memref<128xi32, #tpu.memory_space<vmem>>
    %dma_start3A_66 = arith.constant 0 : i32
    %dma_start3A_67 = arith.constant 0 : i32
    %dma_start3A_68 = tpu.memref_slice %arg3[%dma_start3A_66, %dma_start3A_67] : memref<10000x128xf32, #tpu.memory_space<hbm>> -> memref<10000x128xf32, #tpu.memory_space<hbm>>
    tpu.enqueue_indirect_dma source(%dma_start3A_68 : memref<10000x128xf32, #tpu.memory_space<hbm>>) target(%arg8 : memref<128x128xf32, #tpu.memory_space<vmem>>) offsets(%dma_start3A_65 : memref<128xi32, #tpu.memory_space<vmem>>) semaphore(%arg11 : memref<!tpu.dma_semaphore, #tpu.memory_space<semaphore_mem>>)
    %scan3A_69 = arith.constant 0 : i32
    %scan3A_70 = arith.constant 0 : i32
    %scan3A_71 = arith.constant 19 : i32
    %scan3A_72 = arith.addi %scan3A_70, %scan3A_71 : i32
    %scan3A_73 = arith.constant 1 : i32
    scf.for %scan3A_112 = %scan3A_70 to %scan3A_72 step %scan3A_73  : i32 {
      %mul3A_113 = arith.constant 2 : i32
      %mul3A_114 = arith.muli %mul3A_113, %scan3A_112 : i32
      %dma_wait3A_115 = arith.constant 0 : i32
      %dma_wait3A_116 = tpu.memref_slice %arg5[%mul3A_114, %dma_wait3A_115] : memref<40x128xi32, #tpu.memory_space<vmem>> -> memref<1x128xi32, #tpu.memory_space<vmem>>
      %dma_wait3A_117 = tpu.memref_squeeze %dma_wait3A_116 : memref<1x128xi32, #tpu.memory_space<vmem>> -> memref<128xi32, #tpu.memory_space<vmem>>
      %dma_wait3A_118 = arith.constant 0 : i32
      %dma_wait3A_119 = arith.constant 0 : i32
      %dma_wait3A_120 = tpu.memref_slice %arg3[%dma_wait3A_118, %dma_wait3A_119] : memref<10000x128xf32, #tpu.memory_space<hbm>> -> memref<10000x128xf32, #tpu.memory_space<hbm>>
      tpu.wait_indirect_dma semaphore(%arg10 : memref<!tpu.dma_semaphore, #tpu.memory_space<semaphore_mem>>) src(%dma_wait3A_120 : memref<10000x128xf32, #tpu.memory_space<hbm>>) dst(%arg7 : memref<128x128xf32, #tpu.memory_space<vmem>>)
      "tpu.region"() ({
        %run_scoped3A_147 = tpu.sem_alloc : memref<!tpu.dma_semaphore, #tpu.memory_space<semaphore_mem>>
        %dma_start3A_148 = arith.constant 0 : i32
        %dma_start3A_149 = tpu.memref_slice %arg6[%mul3A_114, %dma_start3A_148] : memref<40x128xi32, #tpu.memory_space<vmem>> -> memref<1x128xi32, #tpu.memory_space<vmem>>
        %dma_start3A_150 = tpu.memref_squeeze %dma_start3A_149 : memref<1x128xi32, #tpu.memory_space<vmem>> -> memref<128xi32, #tpu.memory_space<vmem>>
        %dma_start3A_151 = arith.constant 0 : i32
        %dma_start3A_152 = arith.constant 0 : i32
        %dma_start3A_153 = tpu.memref_slice %arg9[%dma_start3A_151, %dma_start3A_152] : memref<10240x128xf32, #tpu.memory_space<vmem_shared>> -> memref<10240x128xf32, #tpu.memory_space<vmem_shared>>
        tpu.enqueue_indirect_dma source(%arg7 : memref<128x128xf32, #tpu.memory_space<vmem>>) target(%dma_start3A_153 : memref<10240x128xf32, #tpu.memory_space<vmem_shared>>) offsets(%dma_start3A_150 : memref<128xi32, #tpu.memory_space<vmem>>) semaphore(%run_scoped3A_147 : memref<!tpu.dma_semaphore, #tpu.memory_space<semaphore_mem>>) {add = true}
        %dma_wait3A_154 = arith.constant 0 : i32
        %dma_wait3A_155 = tpu.memref_slice %arg6[%mul3A_114, %dma_wait3A_154] : memref<40x128xi32, #tpu.memory_space<vmem>> -> memref<1x128xi32, #tpu.memory_space<vmem>>
        %dma_wait3A_156 = tpu.memref_squeeze %dma_wait3A_155 : memref<1x128xi32, #tpu.memory_space<vmem>> -> memref<128xi32, #tpu.memory_space<vmem>>
        %dma_wait3A_157 = arith.constant 0 : i32
        %dma_wait3A_158 = arith.constant 0 : i32
        %dma_wait3A_159 = tpu.memref_slice %arg9[%dma_wait3A_157, %dma_wait3A_158] : memref<10240x128xf32, #tpu.memory_space<vmem_shared>> -> memref<10240x128xf32, #tpu.memory_space<vmem_shared>>
        tpu.wait_indirect_dma semaphore(%run_scoped3A_147 : memref<!tpu.dma_semaphore, #tpu.memory_space<semaphore_mem>>) src(%arg7 : memref<128x128xf32, #tpu.memory_space<vmem>>) dst(%dma_wait3A_159 : memref<10240x128xf32, #tpu.memory_space<vmem_shared>>)
        tpu.yield
      }) : () -> ()
      %add3A_121 = arith.constant 2 : i32
      %add3A_122 = arith.addi %mul3A_114, %add3A_121 : i32
      %dma_start3A_123 = arith.constant 0 : i32
      %dma_start3A_124 = tpu.memref_slice %arg5[%add3A_122, %dma_start3A_123] : memref<40x128xi32, #tpu.memory_space<vmem>> -> memref<1x128xi32, #tpu.memory_space<vmem>>
      %dma_start3A_125 = tpu.memref_squeeze %dma_start3A_124 : memref<1x128xi32, #tpu.memory_space<vmem>> -> memref<128xi32, #tpu.memory_space<vmem>>
      %dma_start3A_126 = arith.constant 0 : i32
      %dma_start3A_127 = arith.constant 0 : i32
      %dma_start3A_128 = tpu.memref_slice %arg3[%dma_start3A_126, %dma_start3A_127] : memref<10000x128xf32, #tpu.memory_space<hbm>> -> memref<10000x128xf32, #tpu.memory_space<hbm>>
      tpu.enqueue_indirect_dma source(%dma_start3A_128 : memref<10000x128xf32, #tpu.memory_space<hbm>>) target(%arg7 : memref<128x128xf32, #tpu.memory_space<vmem>>) offsets(%dma_start3A_125 : memref<128xi32, #tpu.memory_space<vmem>>) semaphore(%arg10 : memref<!tpu.dma_semaphore, #tpu.memory_space<semaphore_mem>>)
      %add3A_129 = arith.constant 1 : i32
      %add3A_130 = arith.addi %mul3A_114, %add3A_129 : i32
      %dma_wait3A_131 = arith.constant 0 : i32
      %dma_wait3A_132 = tpu.memref_slice %arg5[%add3A_130, %dma_wait3A_131] : memref<40x128xi32, #tpu.memory_space<vmem>> -> memref<1x128xi32, #tpu.memory_space<vmem>>
      %dma_wait3A_133 = tpu.memref_squeeze %dma_wait3A_132 : memref<1x128xi32, #tpu.memory_space<vmem>> -> memref<128xi32, #tpu.memory_space<vmem>>
      %dma_wait3A_134 = arith.constant 0 : i32
      %dma_wait3A_135 = arith.constant 0 : i32
      %dma_wait3A_136 = tpu.memref_slice %arg3[%dma_wait3A_134, %dma_wait3A_135] : memref<10000x128xf32, #tpu.memory_space<hbm>> -> memref<10000x128xf32, #tpu.memory_space<hbm>>
      tpu.wait_indirect_dma semaphore(%arg11 : memref<!tpu.dma_semaphore, #tpu.memory_space<semaphore_mem>>) src(%dma_wait3A_136 : memref<10000x128xf32, #tpu.memory_space<hbm>>) dst(%arg8 : memref<128x128xf32, #tpu.memory_space<vmem>>)
      %add3A_137 = arith.constant 1 : i32
      %add3A_138 = arith.addi %mul3A_114, %add3A_137 : i32
      "tpu.region"() ({
        %run_scoped3A_147 = tpu.sem_alloc : memref<!tpu.dma_semaphore, #tpu.memory_space<semaphore_mem>>
        %dma_start3A_148 = arith.constant 0 : i32
        %dma_start3A_149 = tpu.memref_slice %arg6[%add3A_138, %dma_start3A_148] : memref<40x128xi32, #tpu.memory_space<vmem>> -> memref<1x128xi32, #tpu.memory_space<vmem>>
        %dma_start3A_150 = tpu.memref_squeeze %dma_start3A_149 : memref<1x128xi32, #tpu.memory_space<vmem>> -> memref<128xi32, #tpu.memory_space<vmem>>
        %dma_start3A_151 = arith.constant 0 : i32
        %dma_start3A_152 = arith.constant 0 : i32
        %dma_start3A_153 = tpu.memref_slice %arg9[%dma_start3A_151, %dma_start3A_152] : memref<10240x128xf32, #tpu.memory_space<vmem_shared>> -> memref<10240x128xf32, #tpu.memory_space<vmem_shared>>
        tpu.enqueue_indirect_dma source(%arg8 : memref<128x128xf32, #tpu.memory_space<vmem>>) target(%dma_start3A_153 : memref<10240x128xf32, #tpu.memory_space<vmem_shared>>) offsets(%dma_start3A_150 : memref<128xi32, #tpu.memory_space<vmem>>) semaphore(%run_scoped3A_147 : memref<!tpu.dma_semaphore, #tpu.memory_space<semaphore_mem>>) {add = true}
        %dma_wait3A_154 = arith.constant 0 : i32
        %dma_wait3A_155 = tpu.memref_slice %arg6[%add3A_138, %dma_wait3A_154] : memref<40x128xi32, #tpu.memory_space<vmem>> -> memref<1x128xi32, #tpu.memory_space<vmem>>
        %dma_wait3A_156 = tpu.memref_squeeze %dma_wait3A_155 : memref<1x128xi32, #tpu.memory_space<vmem>> -> memref<128xi32, #tpu.memory_space<vmem>>
        %dma_wait3A_157 = arith.constant 0 : i32
        %dma_wait3A_158 = arith.constant 0 : i32
        %dma_wait3A_159 = tpu.memref_slice %arg9[%dma_wait3A_157, %dma_wait3A_158] : memref<10240x128xf32, #tpu.memory_space<vmem_shared>> -> memref<10240x128xf32, #tpu.memory_space<vmem_shared>>
        tpu.wait_indirect_dma semaphore(%run_scoped3A_147 : memref<!tpu.dma_semaphore, #tpu.memory_space<semaphore_mem>>) src(%arg8 : memref<128x128xf32, #tpu.memory_space<vmem>>) dst(%dma_wait3A_159 : memref<10240x128xf32, #tpu.memory_space<vmem_shared>>)
        tpu.yield
      }) : () -> ()
      %add3A_139 = arith.constant 3 : i32
      %add3A_140 = arith.addi %mul3A_114, %add3A_139 : i32
      %dma_start3A_141 = arith.constant 0 : i32
      %dma_start3A_142 = tpu.memref_slice %arg5[%add3A_140, %dma_start3A_141] : memref<40x128xi32, #tpu.memory_space<vmem>> -> memref<1x128xi32, #tpu.memory_space<vmem>>
      %dma_start3A_143 = tpu.memref_squeeze %dma_start3A_142 : memref<1x128xi32, #tpu.memory_space<vmem>> -> memref<128xi32, #tpu.memory_space<vmem>>
      %dma_start3A_144 = arith.constant 0 : i32
      %dma_start3A_145 = arith.constant 0 : i32
      %dma_start3A_146 = tpu.memref_slice %arg3[%dma_start3A_144, %dma_start3A_145] : memref<10000x128xf32, #tpu.memory_space<hbm>> -> memref<10000x128xf32, #tpu.memory_space<hbm>>
      tpu.enqueue_indirect_dma source(%dma_start3A_146 : memref<10000x128xf32, #tpu.memory_space<hbm>>) target(%arg8 : memref<128x128xf32, #tpu.memory_space<vmem>>) offsets(%dma_start3A_143 : memref<128xi32, #tpu.memory_space<vmem>>) semaphore(%arg11 : memref<!tpu.dma_semaphore, #tpu.memory_space<semaphore_mem>>)
    }
    %scan3A_74 = arith.constant 19 : i32
    %dma_wait3A_75 = arith.constant 38 : i32
    %dma_wait3A_76 = arith.constant 0 : i32
    %dma_wait3A_77 = tpu.memref_slice %arg5[%dma_wait3A_75, %dma_wait3A_76] : memref<40x128xi32, #tpu.memory_space<vmem>> -> memref<1x128xi32, #tpu.memory_space<vmem>>
    %dma_wait3A_78 = tpu.memref_squeeze %dma_wait3A_77 : memref<1x128xi32, #tpu.memory_space<vmem>> -> memref<128xi32, #tpu.memory_space<vmem>>
    %dma_wait3A_79 = arith.constant 0 : i32
    %dma_wait3A_80 = arith.constant 0 : i32
    %dma_wait3A_81 = tpu.memref_slice %arg3[%dma_wait3A_79, %dma_wait3A_80] : memref<10000x128xf32, #tpu.memory_space<hbm>> -> memref<10000x128xf32, #tpu.memory_space<hbm>>
    tpu.wait_indirect_dma semaphore(%arg10 : memref<!tpu.dma_semaphore, #tpu.memory_space<semaphore_mem>>) src(%dma_wait3A_81 : memref<10000x128xf32, #tpu.memory_space<hbm>>) dst(%arg7 : memref<128x128xf32, #tpu.memory_space<vmem>>)
    %run_scoped3A_82 = arith.constant 38 : i32
    "tpu.region"() ({
      %run_scoped3A_112 = tpu.sem_alloc : memref<!tpu.dma_semaphore, #tpu.memory_space<semaphore_mem>>
      %dma_start3A_113 = arith.constant 0 : i32
      %dma_start3A_114 = tpu.memref_slice %arg6[%run_scoped3A_82, %dma_start3A_113] : memref<40x128xi32, #tpu.memory_space<vmem>> -> memref<1x128xi32, #tpu.memory_space<vmem>>
      %dma_start3A_115 = tpu.memref_squeeze %dma_start3A_114 : memref<1x128xi32, #tpu.memory_space<vmem>> -> memref<128xi32, #tpu.memory_space<vmem>>
      %dma_start3A_116 = arith.constant 0 : i32
      %dma_start3A_117 = arith.constant 0 : i32
      %dma_start3A_118 = tpu.memref_slice %arg9[%dma_start3A_116, %dma_start3A_117] : memref<10240x128xf32, #tpu.memory_space<vmem_shared>> -> memref<10240x128xf32, #tpu.memory_space<vmem_shared>>
      tpu.enqueue_indirect_dma source(%arg7 : memref<128x128xf32, #tpu.memory_space<vmem>>) target(%dma_start3A_118 : memref<10240x128xf32, #tpu.memory_space<vmem_shared>>) offsets(%dma_start3A_115 : memref<128xi32, #tpu.memory_space<vmem>>) semaphore(%run_scoped3A_112 : memref<!tpu.dma_semaphore, #tpu.memory_space<semaphore_mem>>) {add = true}
      %dma_wait3A_119 = arith.constant 0 : i32
      %dma_wait3A_120 = tpu.memref_slice %arg6[%run_scoped3A_82, %dma_wait3A_119] : memref<40x128xi32, #tpu.memory_space<vmem>> -> memref<1x128xi32, #tpu.memory_space<vmem>>
      %dma_wait3A_121 = tpu.memref_squeeze %dma_wait3A_120 : memref<1x128xi32, #tpu.memory_space<vmem>> -> memref<128xi32, #tpu.memory_space<vmem>>
      %dma_wait3A_122 = arith.constant 0 : i32
      %dma_wait3A_123 = arith.constant 0 : i32
      %dma_wait3A_124 = tpu.memref_slice %arg9[%dma_wait3A_122, %dma_wait3A_123] : memref<10240x128xf32, #tpu.memory_space<vmem_shared>> -> memref<10240x128xf32, #tpu.memory_space<vmem_shared>>
      tpu.wait_indirect_dma semaphore(%run_scoped3A_112 : memref<!tpu.dma_semaphore, #tpu.memory_space<semaphore_mem>>) src(%arg7 : memref<128x128xf32, #tpu.memory_space<vmem>>) dst(%dma_wait3A_124 : memref<10240x128xf32, #tpu.memory_space<vmem_shared>>)
      tpu.yield
    }) : () -> ()
    %dma_wait3A_83 = arith.constant 39 : i32
    %dma_wait3A_84 = arith.constant 0 : i32
    %dma_wait3A_85 = tpu.memref_slice %arg5[%dma_wait3A_83, %dma_wait3A_84] : memref<40x128xi32, #tpu.memory_space<vmem>> -> memref<1x128xi32, #tpu.memory_space<vmem>>
    %dma_wait3A_86 = tpu.memref_squeeze %dma_wait3A_85 : memref<1x128xi32, #tpu.memory_space<vmem>> -> memref<128xi32, #tpu.memory_space<vmem>>
    %dma_wait3A_87 = arith.constant 0 : i32
    %dma_wait3A_88 = arith.constant 0 : i32
    %dma_wait3A_89 = tpu.memref_slice %arg3[%dma_wait3A_87, %dma_wait3A_88] : memref<10000x128xf32, #tpu.memory_space<hbm>> -> memref<10000x128xf32, #tpu.memory_space<hbm>>
    tpu.wait_indirect_dma semaphore(%arg11 : memref<!tpu.dma_semaphore, #tpu.memory_space<semaphore_mem>>) src(%dma_wait3A_89 : memref<10000x128xf32, #tpu.memory_space<hbm>>) dst(%arg8 : memref<128x128xf32, #tpu.memory_space<vmem>>)
    %run_scoped3A_90 = arith.constant 39 : i32
    "tpu.region"() ({
      %run_scoped3A_112 = tpu.sem_alloc : memref<!tpu.dma_semaphore, #tpu.memory_space<semaphore_mem>>
      %dma_start3A_113 = arith.constant 0 : i32
      %dma_start3A_114 = tpu.memref_slice %arg6[%run_scoped3A_90, %dma_start3A_113] : memref<40x128xi32, #tpu.memory_space<vmem>> -> memref<1x128xi32, #tpu.memory_space<vmem>>
      %dma_start3A_115 = tpu.memref_squeeze %dma_start3A_114 : memref<1x128xi32, #tpu.memory_space<vmem>> -> memref<128xi32, #tpu.memory_space<vmem>>
      %dma_start3A_116 = arith.constant 0 : i32
      %dma_start3A_117 = arith.constant 0 : i32
      %dma_start3A_118 = tpu.memref_slice %arg9[%dma_start3A_116, %dma_start3A_117] : memref<10240x128xf32, #tpu.memory_space<vmem_shared>> -> memref<10240x128xf32, #tpu.memory_space<vmem_shared>>
      tpu.enqueue_indirect_dma source(%arg8 : memref<128x128xf32, #tpu.memory_space<vmem>>) target(%dma_start3A_118 : memref<10240x128xf32, #tpu.memory_space<vmem_shared>>) offsets(%dma_start3A_115 : memref<128xi32, #tpu.memory_space<vmem>>) semaphore(%run_scoped3A_112 : memref<!tpu.dma_semaphore, #tpu.memory_space<semaphore_mem>>) {add = true}
      %dma_wait3A_119 = arith.constant 0 : i32
      %dma_wait3A_120 = tpu.memref_slice %arg6[%run_scoped3A_90, %dma_wait3A_119] : memref<40x128xi32, #tpu.memory_space<vmem>> -> memref<1x128xi32, #tpu.memory_space<vmem>>
      %dma_wait3A_121 = tpu.memref_squeeze %dma_wait3A_120 : memref<1x128xi32, #tpu.memory_space<vmem>> -> memref<128xi32, #tpu.memory_space<vmem>>
      %dma_wait3A_122 = arith.constant 0 : i32
      %dma_wait3A_123 = arith.constant 0 : i32
      %dma_wait3A_124 = tpu.memref_slice %arg9[%dma_wait3A_122, %dma_wait3A_123] : memref<10240x128xf32, #tpu.memory_space<vmem_shared>> -> memref<10240x128xf32, #tpu.memory_space<vmem_shared>>
      tpu.wait_indirect_dma semaphore(%run_scoped3A_112 : memref<!tpu.dma_semaphore, #tpu.memory_space<semaphore_mem>>) src(%arg8 : memref<128x128xf32, #tpu.memory_space<vmem>>) dst(%dma_wait3A_124 : memref<10240x128xf32, #tpu.memory_space<vmem_shared>>)
      tpu.yield
    }) : () -> ()
    %barrier3A_91 = arith.constant 0 : index
    tpu.barrier barrier_id(%barrier3A_91)
    %add3A_92 = arith.constant 0 : i32
    %add3A_93 = arith.addi %multiple_of3A, %add3A_92 : i32
    "tpu.region"() ({
      %run_scoped3A_112 = tpu.sem_alloc : memref<!tpu.dma_semaphore, #tpu.memory_space<semaphore_mem>>
      %dma_start3A_113 = arith.constant 0 : i32
      %dma_start3A_114 = tpu.memref_slice %arg9[%add3A_93, %dma_start3A_113] : memref<10240x128xf32, #tpu.memory_space<vmem_shared>> -> memref<128x128xf32, #tpu.memory_space<vmem_shared>>
      %dma_start3A_115 = arith.constant 0 : i32
      %dma_start3A_116 = tpu.memref_slice %arg9[%add3A_93, %dma_start3A_115] : memref<10240x128xf32, #tpu.memory_space<vmem_shared>> -> memref<128x128xf32, #tpu.memory_space<vmem_shared>>
      tpu.enqueue_dma source(%dma_start3A_116 : memref<128x128xf32, #tpu.memory_space<vmem_shared>>) target(%arg7 : memref<128x128xf32, #tpu.memory_space<vmem>>) target_semaphore(%run_scoped3A_112 : memref<!tpu.dma_semaphore, #tpu.memory_space<semaphore_mem>>)
      %dma_wait3A_117 = arith.constant 0 : i32
      %dma_wait3A_118 = tpu.memref_slice %arg9[%add3A_93, %dma_wait3A_117] : memref<10240x128xf32, #tpu.memory_space<vmem_shared>> -> memref<128x128xf32, #tpu.memory_space<vmem_shared>>
      %dma_wait3A_119 = arith.constant 0 : i32
      %dma_wait3A_120 = tpu.memref_slice %arg9[%add3A_93, %dma_wait3A_119] : memref<10240x128xf32, #tpu.memory_space<vmem_shared>> -> memref<128x128xf32, #tpu.memory_space<vmem_shared>>
      tpu.wait_dma2 semaphore(%run_scoped3A_112 : memref<!tpu.dma_semaphore, #tpu.memory_space<semaphore_mem>>) src(%dma_wait3A_120 : memref<128x128xf32, #tpu.memory_space<vmem_shared>>) dst(%arg7 : memref<128x128xf32, #tpu.memory_space<vmem>>)
      tpu.yield
    }) : () -> ()
    %add3A_94 = arith.constant 0 : i32
    %add3A_95 = arith.addi %multiple_of3A, %add3A_94 : i32
    "tpu.region"() ({
      %run_scoped3A_112 = tpu.sem_alloc : memref<!tpu.dma_semaphore, #tpu.memory_space<semaphore_mem>>
      %dma_start3A_113 = arith.constant 0 : i32
      %dma_start3A_114 = tpu.memref_slice %arg4[%arg0, %add3A_95, %dma_start3A_113] : memref<2x10240x128xf32, #tpu.memory_space<hbm>> -> memref<1x128x128xf32, #tpu.memory_space<hbm>>
      %dma_start3A_115 = tpu.memref_squeeze %dma_start3A_114 : memref<1x128x128xf32, #tpu.memory_space<hbm>> -> memref<128x128xf32, #tpu.memory_space<hbm>>
      %dma_start3A_116 = arith.constant 0 : i32
      %dma_start3A_117 = tpu.memref_slice %arg4[%arg0, %add3A_95, %dma_start3A_116] : memref<2x10240x128xf32, #tpu.memory_space<hbm>> -> memref<1x128x128xf32, #tpu.memory_space<hbm>>
      %dma_start3A_118 = tpu.memref_squeeze %dma_start3A_117 : memref<1x128x128xf32, #tpu.memory_space<hbm>> -> memref<128x128xf32, #tpu.memory_space<hbm>>
      tpu.enqueue_dma source(%arg7 : memref<128x128xf32, #tpu.memory_space<vmem>>) target(%dma_start3A_118 : memref<128x128xf32, #tpu.memory_space<hbm>>) target_semaphore(%run_scoped3A_112 : memref<!tpu.dma_semaphore, #tpu.memory_space<semaphore_mem>>)
      %dma_wait3A_119 = arith.constant 0 : i32
      %dma_wait3A_120 = tpu.memref_slice %arg4[%arg0, %add3A_95, %dma_wait3A_119] : memref<2x10240x128xf32, #tpu.memory_space<hbm>> -> memref<1x128x128xf32, #tpu.memory_space<hbm>>
      %dma_wait3A_121 = tpu.memref_squeeze %dma_wait3A_120 : memref<1x128x128xf32, #tpu.memory_space<hbm>> -> memref<128x128xf32, #tpu.memory_space<hbm>>
      %dma_wait3A_122 = arith.constant 0 : i32
      %dma_wait3A_123 = tpu.memref_slice %arg4[%arg0, %add3A_95, %dma_wait3A_122] : memref<2x10240x128xf32, #tpu.memory_space<hbm>> -> memref<1x128x128xf32, #tpu.memory_space<hbm>>
      %dma_wait3A_124 = tpu.memref_squeeze %dma_wait3A_123 : memref<1x128x128xf32, #tpu.memory_space<hbm>> -> memref<128x128xf32, #tpu.memory_space<hbm>>
      tpu.wait_dma2 semaphore(%run_scoped3A_112 : memref<!tpu.dma_semaphore, #tpu.memory_space<semaphore_mem>>) src(%arg7 : memref<128x128xf32, #tpu.memory_space<vmem>>) dst(%dma_wait3A_124 : memref<128x128xf32, #tpu.memory_space<hbm>>)
      tpu.yield
    }) : () -> ()
    %add3A_96 = arith.constant 128 : i32
    %add3A_97 = arith.addi %multiple_of3A, %add3A_96 : i32
    "tpu.region"() ({
      %run_scoped3A_112 = tpu.sem_alloc : memref<!tpu.dma_semaphore, #tpu.memory_space<semaphore_mem>>
      %dma_start3A_113 = arith.constant 0 : i32
      %dma_start3A_114 = tpu.memref_slice %arg9[%add3A_97, %dma_start3A_113] : memref<10240x128xf32, #tpu.memory_space<vmem_shared>> -> memref<128x128xf32, #tpu.memory_space<vmem_shared>>
      %dma_start3A_115 = arith.constant 0 : i32
      %dma_start3A_116 = tpu.memref_slice %arg9[%add3A_97, %dma_start3A_115] : memref<10240x128xf32, #tpu.memory_space<vmem_shared>> -> memref<128x128xf32, #tpu.memory_space<vmem_shared>>
      tpu.enqueue_dma source(%dma_start3A_116 : memref<128x128xf32, #tpu.memory_space<vmem_shared>>) target(%arg7 : memref<128x128xf32, #tpu.memory_space<vmem>>) target_semaphore(%run_scoped3A_112 : memref<!tpu.dma_semaphore, #tpu.memory_space<semaphore_mem>>)
      %dma_wait3A_117 = arith.constant 0 : i32
      %dma_wait3A_118 = tpu.memref_slice %arg9[%add3A_97, %dma_wait3A_117] : memref<10240x128xf32, #tpu.memory_space<vmem_shared>> -> memref<128x128xf32, #tpu.memory_space<vmem_shared>>
      %dma_wait3A_119 = arith.constant 0 : i32
      %dma_wait3A_120 = tpu.memref_slice %arg9[%add3A_97, %dma_wait3A_119] : memref<10240x128xf32, #tpu.memory_space<vmem_shared>> -> memref<128x128xf32, #tpu.memory_space<vmem_shared>>
      tpu.wait_dma2 semaphore(%run_scoped3A_112 : memref<!tpu.dma_semaphore, #tpu.memory_space<semaphore_mem>>) src(%dma_wait3A_120 : memref<128x128xf32, #tpu.memory_space<vmem_shared>>) dst(%arg7 : memref<128x128xf32, #tpu.memory_space<vmem>>)
      tpu.yield
    }) : () -> ()
    %add3A_98 = arith.constant 128 : i32
    %add3A_99 = arith.addi %multiple_of3A, %add3A_98 : i32
    "tpu.region"() ({
      %run_scoped3A_112 = tpu.sem_alloc : memref<!tpu.dma_semaphore, #tpu.memory_space<semaphore_mem>>
      %dma_start3A_113 = arith.constant 0 : i32
      %dma_start3A_114 = tpu.memref_slice %arg4[%arg0, %add3A_99, %dma_start3A_113] : memref<2x10240x128xf32, #tpu.memory_space<hbm>> -> memref<1x128x128xf32, #tpu.memory_space<hbm>>
      %dma_start3A_115 = tpu.memref_squeeze %dma_start3A_114 : memref<1x128x128xf32, #tpu.memory_space<hbm>> -> memref<128x128xf32, #tpu.memory_space<hbm>>
      %dma_start3A_116 = arith.constant 0 : i32
      %dma_start3A_117 = tpu.memref_slice %arg4[%arg0, %add3A_99, %dma_start3A_116] : memref<2x10240x128xf32, #tpu.memory_space<hbm>> -> memref<1x128x128xf32, #tpu.memory_space<hbm>>
      %dma_start3A_118 = tpu.memref_squeeze %dma_start3A_117 : memref<1x128x128xf32, #tpu.memory_space<hbm>> -> memref<128x128xf32, #tpu.memory_space<hbm>>
      tpu.enqueue_dma source(%arg7 : memref<128x128xf32, #tpu.memory_space<vmem>>) target(%dma_start3A_118 : memref<128x128xf32, #tpu.memory_space<hbm>>) target_semaphore(%run_scoped3A_112 : memref<!tpu.dma_semaphore, #tpu.memory_space<semaphore_mem>>)
      %dma_wait3A_119 = arith.constant 0 : i32
      %dma_wait3A_120 = tpu.memref_slice %arg4[%arg0, %add3A_99, %dma_wait3A_119] : memref<2x10240x128xf32, #tpu.memory_space<hbm>> -> memref<1x128x128xf32, #tpu.memory_space<hbm>>
      %dma_wait3A_121 = tpu.memref_squeeze %dma_wait3A_120 : memref<1x128x128xf32, #tpu.memory_space<hbm>> -> memref<128x128xf32, #tpu.memory_space<hbm>>
      %dma_wait3A_122 = arith.constant 0 : i32
      %dma_wait3A_123 = tpu.memref_slice %arg4[%arg0, %add3A_99, %dma_wait3A_122] : memref<2x10240x128xf32, #tpu.memory_space<hbm>> -> memref<1x128x128xf32, #tpu.memory_space<hbm>>
      %dma_wait3A_124 = tpu.memref_squeeze %dma_wait3A_123 : memref<1x128x128xf32, #tpu.memory_space<hbm>> -> memref<128x128xf32, #tpu.memory_space<hbm>>
      tpu.wait_dma2 semaphore(%run_scoped3A_112 : memref<!tpu.dma_semaphore, #tpu.memory_space<semaphore_mem>>) src(%arg7 : memref<128x128xf32, #tpu.memory_space<vmem>>) dst(%dma_wait3A_124 : memref<128x128xf32, #tpu.memory_space<hbm>>)
      tpu.yield
    }) : () -> ()
    %add3A_100 = arith.constant 256 : i32
    %add3A_101 = arith.addi %multiple_of3A, %add3A_100 : i32
    "tpu.region"() ({
      %run_scoped3A_112 = tpu.sem_alloc : memref<!tpu.dma_semaphore, #tpu.memory_space<semaphore_mem>>
      %dma_start3A_113 = arith.constant 0 : i32
      %dma_start3A_114 = tpu.memref_slice %arg9[%add3A_101, %dma_start3A_113] : memref<10240x128xf32, #tpu.memory_space<vmem_shared>> -> memref<128x128xf32, #tpu.memory_space<vmem_shared>>
      %dma_start3A_115 = arith.constant 0 : i32
      %dma_start3A_116 = tpu.memref_slice %arg9[%add3A_101, %dma_start3A_115] : memref<10240x128xf32, #tpu.memory_space<vmem_shared>> -> memref<128x128xf32, #tpu.memory_space<vmem_shared>>
      tpu.enqueue_dma source(%dma_start3A_116 : memref<128x128xf32, #tpu.memory_space<vmem_shared>>) target(%arg7 : memref<128x128xf32, #tpu.memory_space<vmem>>) target_semaphore(%run_scoped3A_112 : memref<!tpu.dma_semaphore, #tpu.memory_space<semaphore_mem>>)
      %dma_wait3A_117 = arith.constant 0 : i32
      %dma_wait3A_118 = tpu.memref_slice %arg9[%add3A_101, %dma_wait3A_117] : memref<10240x128xf32, #tpu.memory_space<vmem_shared>> -> memref<128x128xf32, #tpu.memory_space<vmem_shared>>
      %dma_wait3A_119 = arith.constant 0 : i32
      %dma_wait3A_120 = tpu.memref_slice %arg9[%add3A_101, %dma_wait3A_119] : memref<10240x128xf32, #tpu.memory_space<vmem_shared>> -> memref<128x128xf32, #tpu.memory_space<vmem_shared>>
      tpu.wait_dma2 semaphore(%run_scoped3A_112 : memref<!tpu.dma_semaphore, #tpu.memory_space<semaphore_mem>>) src(%dma_wait3A_120 : memref<128x128xf32, #tpu.memory_space<vmem_shared>>) dst(%arg7 : memref<128x128xf32, #tpu.memory_space<vmem>>)
      tpu.yield
    }) : () -> ()
    %add3A_102 = arith.constant 256 : i32
    %add3A_103 = arith.addi %multiple_of3A, %add3A_102 : i32
    "tpu.region"() ({
      %run_scoped3A_112 = tpu.sem_alloc : memref<!tpu.dma_semaphore, #tpu.memory_space<semaphore_mem>>
      %dma_start3A_113 = arith.constant 0 : i32
      %dma_start3A_114 = tpu.memref_slice %arg4[%arg0, %add3A_103, %dma_start3A_113] : memref<2x10240x128xf32, #tpu.memory_space<hbm>> -> memref<1x128x128xf32, #tpu.memory_space<hbm>>
      %dma_start3A_115 = tpu.memref_squeeze %dma_start3A_114 : memref<1x128x128xf32, #tpu.memory_space<hbm>> -> memref<128x128xf32, #tpu.memory_space<hbm>>
      %dma_start3A_116 = arith.constant 0 : i32
      %dma_start3A_117 = tpu.memref_slice %arg4[%arg0, %add3A_103, %dma_start3A_116] : memref<2x10240x128xf32, #tpu.memory_space<hbm>> -> memref<1x128x128xf32, #tpu.memory_space<hbm>>
      %dma_start3A_118 = tpu.memref_squeeze %dma_start3A_117 : memref<1x128x128xf32, #tpu.memory_space<hbm>> -> memref<128x128xf32, #tpu.memory_space<hbm>>
      tpu.enqueue_dma source(%arg7 : memref<128x128xf32, #tpu.memory_space<vmem>>) target(%dma_start3A_118 : memref<128x128xf32, #tpu.memory_space<hbm>>) target_semaphore(%run_scoped3A_112 : memref<!tpu.dma_semaphore, #tpu.memory_space<semaphore_mem>>)
      %dma_wait3A_119 = arith.constant 0 : i32
      %dma_wait3A_120 = tpu.memref_slice %arg4[%arg0, %add3A_103, %dma_wait3A_119] : memref<2x10240x128xf32, #tpu.memory_space<hbm>> -> memref<1x128x128xf32, #tpu.memory_space<hbm>>
      %dma_wait3A_121 = tpu.memref_squeeze %dma_wait3A_120 : memref<1x128x128xf32, #tpu.memory_space<hbm>> -> memref<128x128xf32, #tpu.memory_space<hbm>>
      %dma_wait3A_122 = arith.constant 0 : i32
      %dma_wait3A_123 = tpu.memref_slice %arg4[%arg0, %add3A_103, %dma_wait3A_122] : memref<2x10240x128xf32, #tpu.memory_space<hbm>> -> memref<1x128x128xf32, #tpu.memory_space<hbm>>
      %dma_wait3A_124 = tpu.memref_squeeze %dma_wait3A_123 : memref<1x128x128xf32, #tpu.memory_space<hbm>> -> memref<128x128xf32, #tpu.memory_space<hbm>>
      tpu.wait_dma2 semaphore(%run_scoped3A_112 : memref<!tpu.dma_semaphore, #tpu.memory_space<semaphore_mem>>) src(%arg7 : memref<128x128xf32, #tpu.memory_space<vmem>>) dst(%dma_wait3A_124 : memref<128x128xf32, #tpu.memory_space<hbm>>)
      tpu.yield
    }) : () -> ()
    %add3A_104 = arith.constant 384 : i32
    %add3A_105 = arith.addi %multiple_of3A, %add3A_104 : i32
    "tpu.region"() ({
      %run_scoped3A_112 = tpu.sem_alloc : memref<!tpu.dma_semaphore, #tpu.memory_space<semaphore_mem>>
      %dma_start3A_113 = arith.constant 0 : i32
      %dma_start3A_114 = tpu.memref_slice %arg9[%add3A_105, %dma_start3A_113] : memref<10240x128xf32, #tpu.memory_space<vmem_shared>> -> memref<128x128xf32, #tpu.memory_space<vmem_shared>>
      %dma_start3A_115 = arith.constant 0 : i32
      %dma_start3A_116 = tpu.memref_slice %arg9[%add3A_105, %dma_start3A_115] : memref<10240x128xf32, #tpu.memory_space<vmem_shared>> -> memref<128x128xf32, #tpu.memory_space<vmem_shared>>
      tpu.enqueue_dma source(%dma_start3A_116 : memref<128x128xf32, #tpu.memory_space<vmem_shared>>) target(%arg7 : memref<128x128xf32, #tpu.memory_space<vmem>>) target_semaphore(%run_scoped3A_112 : memref<!tpu.dma_semaphore, #tpu.memory_space<semaphore_mem>>)
      %dma_wait3A_117 = arith.constant 0 : i32
      %dma_wait3A_118 = tpu.memref_slice %arg9[%add3A_105, %dma_wait3A_117] : memref<10240x128xf32, #tpu.memory_space<vmem_shared>> -> memref<128x128xf32, #tpu.memory_space<vmem_shared>>
      %dma_wait3A_119 = arith.constant 0 : i32
      %dma_wait3A_120 = tpu.memref_slice %arg9[%add3A_105, %dma_wait3A_119] : memref<10240x128xf32, #tpu.memory_space<vmem_shared>> -> memref<128x128xf32, #tpu.memory_space<vmem_shared>>
      tpu.wait_dma2 semaphore(%run_scoped3A_112 : memref<!tpu.dma_semaphore, #tpu.memory_space<semaphore_mem>>) src(%dma_wait3A_120 : memref<128x128xf32, #tpu.memory_space<vmem_shared>>) dst(%arg7 : memref<128x128xf32, #tpu.memory_space<vmem>>)
      tpu.yield
    }) : () -> ()
    %add3A_106 = arith.constant 384 : i32
    %add3A_107 = arith.addi %multiple_of3A, %add3A_106 : i32
    "tpu.region"() ({
      %run_scoped3A_112 = tpu.sem_alloc : memref<!tpu.dma_semaphore, #tpu.memory_space<semaphore_mem>>
      %dma_start3A_113 = arith.constant 0 : i32
      %dma_start3A_114 = tpu.memref_slice %arg4[%arg0, %add3A_107, %dma_start3A_113] : memref<2x10240x128xf32, #tpu.memory_space<hbm>> -> memref<1x128x128xf32, #tpu.memory_space<hbm>>
      %dma_start3A_115 = tpu.memref_squeeze %dma_start3A_114 : memref<1x128x128xf32, #tpu.memory_space<hbm>> -> memref<128x128xf32, #tpu.memory_space<hbm>>
      %dma_start3A_116 = arith.constant 0 : i32
      %dma_start3A_117 = tpu.memref_slice %arg4[%arg0, %add3A_107, %dma_start3A_116] : memref<2x10240x128xf32, #tpu.memory_space<hbm>> -> memref<1x128x128xf32, #tpu.memory_space<hbm>>
      %dma_start3A_118 = tpu.memref_squeeze %dma_start3A_117 : memref<1x128x128xf32, #tpu.memory_space<hbm>> -> memref<128x128xf32, #tpu.memory_space<hbm>>
      tpu.enqueue_dma source(%arg7 : memref<128x128xf32, #tpu.memory_space<vmem>>) target(%dma_start3A_118 : memref<128x128xf32, #tpu.memory_space<hbm>>) target_semaphore(%run_scoped3A_112 : memref<!tpu.dma_semaphore, #tpu.memory_space<semaphore_mem>>)
      %dma_wait3A_119 = arith.constant 0 : i32
      %dma_wait3A_120 = tpu.memref_slice %arg4[%arg0, %add3A_107, %dma_wait3A_119] : memref<2x10240x128xf32, #tpu.memory_space<hbm>> -> memref<1x128x128xf32, #tpu.memory_space<hbm>>
      %dma_wait3A_121 = tpu.memref_squeeze %dma_wait3A_120 : memref<1x128x128xf32, #tpu.memory_space<hbm>> -> memref<128x128xf32, #tpu.memory_space<hbm>>
      %dma_wait3A_122 = arith.constant 0 : i32
      %dma_wait3A_123 = tpu.memref_slice %arg4[%arg0, %add3A_107, %dma_wait3A_122] : memref<2x10240x128xf32, #tpu.memory_space<hbm>> -> memref<1x128x128xf32, #tpu.memory_space<hbm>>
      %dma_wait3A_124 = tpu.memref_squeeze %dma_wait3A_123 : memref<1x128x128xf32, #tpu.memory_space<hbm>> -> memref<128x128xf32, #tpu.memory_space<hbm>>
      tpu.wait_dma2 semaphore(%run_scoped3A_112 : memref<!tpu.dma_semaphore, #tpu.memory_space<semaphore_mem>>) src(%arg7 : memref<128x128xf32, #tpu.memory_space<vmem>>) dst(%dma_wait3A_124 : memref<128x128xf32, #tpu.memory_space<hbm>>)
      tpu.yield
    }) : () -> ()
    %add3A_108 = arith.constant 512 : i32
    %add3A_109 = arith.addi %multiple_of3A, %add3A_108 : i32
    "tpu.region"() ({
      %run_scoped3A_112 = tpu.sem_alloc : memref<!tpu.dma_semaphore, #tpu.memory_space<semaphore_mem>>
      %dma_start3A_113 = arith.constant 0 : i32
      %dma_start3A_114 = tpu.memref_slice %arg9[%add3A_109, %dma_start3A_113] : memref<10240x128xf32, #tpu.memory_space<vmem_shared>> -> memref<128x128xf32, #tpu.memory_space<vmem_shared>>
      %dma_start3A_115 = arith.constant 0 : i32
      %dma_start3A_116 = tpu.memref_slice %arg9[%add3A_109, %dma_start3A_115] : memref<10240x128xf32, #tpu.memory_space<vmem_shared>> -> memref<128x128xf32, #tpu.memory_space<vmem_shared>>
      tpu.enqueue_dma source(%dma_start3A_116 : memref<128x128xf32, #tpu.memory_space<vmem_shared>>) target(%arg7 : memref<128x128xf32, #tpu.memory_space<vmem>>) target_semaphore(%run_scoped3A_112 : memref<!tpu.dma_semaphore, #tpu.memory_space<semaphore_mem>>)
      %dma_wait3A_117 = arith.constant 0 : i32
      %dma_wait3A_118 = tpu.memref_slice %arg9[%add3A_109, %dma_wait3A_117] : memref<10240x128xf32, #tpu.memory_space<vmem_shared>> -> memref<128x128xf32, #tpu.memory_space<vmem_shared>>
      %dma_wait3A_119 = arith.constant 0 : i32
      %dma_wait3A_120 = tpu.memref_slice %arg9[%add3A_109, %dma_wait3A_119] : memref<10240x128xf32, #tpu.memory_space<vmem_shared>> -> memref<128x128xf32, #tpu.memory_space<vmem_shared>>
      tpu.wait_dma2 semaphore(%run_scoped3A_112 : memref<!tpu.dma_semaphore, #tpu.memory_space<semaphore_mem>>) src(%dma_wait3A_120 : memref<128x128xf32, #tpu.memory_space<vmem_shared>>) dst(%arg7 : memref<128x128xf32, #tpu.memory_space<vmem>>)
      tpu.yield
    }) : () -> ()
    %add3A_110 = arith.constant 512 : i32
    %add3A_111 = arith.addi %multiple_of3A, %add3A_110 : i32
    "tpu.region"() ({
      %run_scoped3A_112 = tpu.sem_alloc : memref<!tpu.dma_semaphore, #tpu.memory_space<semaphore_mem>>
      %dma_start3A_113 = arith.constant 0 : i32
      %dma_start3A_114 = tpu.memref_slice %arg4[%arg0, %add3A_111, %dma_start3A_113] : memref<2x10240x128xf32, #tpu.memory_space<hbm>> -> memref<1x128x128xf32, #tpu.memory_space<hbm>>
      %dma_start3A_115 = tpu.memref_squeeze %dma_start3A_114 : memref<1x128x128xf32, #tpu.memory_space<hbm>> -> memref<128x128xf32, #tpu.memory_space<hbm>>
      %dma_start3A_116 = arith.constant 0 : i32
      %dma_start3A_117 = tpu.memref_slice %arg4[%arg0, %add3A_111, %dma_start3A_116] : memref<2x10240x128xf32, #tpu.memory_space<hbm>> -> memref<1x128x128xf32, #tpu.memory_space<hbm>>
      %dma_start3A_118 = tpu.memref_squeeze %dma_start3A_117 : memref<1x128x128xf32, #tpu.memory_space<hbm>> -> memref<128x128xf32, #tpu.memory_space<hbm>>
      tpu.enqueue_dma source(%arg7 : memref<128x128xf32, #tpu.memory_space<vmem>>) target(%dma_start3A_118 : memref<128x128xf32, #tpu.memory_space<hbm>>) target_semaphore(%run_scoped3A_112 : memref<!tpu.dma_semaphore, #tpu.memory_space<semaphore_mem>>)
      %dma_wait3A_119 = arith.constant 0 : i32
      %dma_wait3A_120 = tpu.memref_slice %arg4[%arg0, %add3A_111, %dma_wait3A_119] : memref<2x10240x128xf32, #tpu.memory_space<hbm>> -> memref<1x128x128xf32, #tpu.memory_space<hbm>>
      %dma_wait3A_121 = tpu.memref_squeeze %dma_wait3A_120 : memref<1x128x128xf32, #tpu.memory_space<hbm>> -> memref<128x128xf32, #tpu.memory_space<hbm>>
      %dma_wait3A_122 = arith.constant 0 : i32
      %dma_wait3A_123 = tpu.memref_slice %arg4[%arg0, %add3A_111, %dma_wait3A_122] : memref<2x10240x128xf32, #tpu.memory_space<hbm>> -> memref<1x128x128xf32, #tpu.memory_space<hbm>>
      %dma_wait3A_124 = tpu.memref_squeeze %dma_wait3A_123 : memref<1x128x128xf32, #tpu.memory_space<hbm>> -> memref<128x128xf32, #tpu.memory_space<hbm>>
      tpu.wait_dma2 semaphore(%run_scoped3A_112 : memref<!tpu.dma_semaphore, #tpu.memory_space<semaphore_mem>>) src(%arg7 : memref<128x128xf32, #tpu.memory_space<vmem>>) dst(%dma_wait3A_124 : memref<128x128xf32, #tpu.memory_space<hbm>>)
      tpu.yield
    }) : () -> ()
    return
  }
}

#map = affine_map<(d0, d1) -> (0, 0, 0, 0)>
#map1 = affine_map<(d0, d1) -> (0, 0)>
#map2 = affine_map<(d0, d1) -> (0, 0, 0)>
module attributes {stable_mosaic.version = 14 : i64} {
  func.func @_sc_scatter(%arg0: i32, %arg1: i32, %arg2: memref<2x32x80x128xi32, #tpu.memory_space<hbm>>, %arg3: memref<10000x128xf32, #tpu.memory_space<hbm>>, %arg4: memref<2x10240x128xf32, #tpu.memory_space<hbm>>, %arg5: memref<40x128xi32, #tpu.memory_space<vmem>>, %arg6: memref<40x128xi32, #tpu.memory_space<vmem>>, %arg7: memref<128x128xf32, #tpu.memory_space<vmem>>, %arg8: memref<128x128xf32, #tpu.memory_space<vmem>>, %arg9: memref<10240x128xf32, #tpu.memory_space<vmem_shared>>, %arg10: memref<!tpu.dma_semaphore, #tpu.memory_space<semaphore_mem>>, %arg11: memref<!tpu.dma_semaphore, #tpu.memory_space<semaphore_mem>>) attributes {dimension_semantics = [#tpu.dimension_semantics<core_parallel>, #tpu.dimension_semantics<subcore_parallel>], iteration_bounds = array<i64: 2, 16>, scalar_prefetch = 0 : i64, scratch_operands = 7 : i64, tpu.core_type = #tpu.core_type<sc_vector_subcore>, window_params = [{transform_indices = #map}, {transform_indices = #map1}, {transform_indices = #map2}]} {
    %mul3A = arith.constant 2 : i32
    %mul3A_0 = arith.muli %arg1, %mul3A : i32
    %add3A = arith.addi %mul3A_0, %arg0 : i32
    %scan3A = arith.constant 0 : i32
    %scan3A_1 = arith.constant 0 : i32
    %scan3A_2 = arith.constant 128 : i32
    %scan3A_3 = arith.addi %scan3A_1, %scan3A_2 : i32
    %scan3A_4 = arith.constant 1 : i32
    scf.for %scan3A_112 = %scan3A_1 to %scan3A_3 step %scan3A_4  : i32 {
      %broadcast_in_dim3A = arith.constant 0.000000e+00 : f32
      %broadcast_in_dim3A_113 = vector.broadcast %broadcast_in_dim3A : f32 to vector<16xf32>
      %swap3A = arith.index_cast %scan3A_112 : i32 to index
      %swap3A_114 = arith.constant 0 : index
      %swap3A_115 = tpu.vector_load %arg7[%swap3A, %swap3A_114] {strides = array<i32>} : memref<128x128xf32, #tpu.memory_space<vmem>>, vector<1x16xf32>,
      %swap3A_116 = vector.shape_cast %swap3A_115 : vector<1x16xf32> to vector<16xf32>
      %swap3A_117 = vector.shape_cast %broadcast_in_dim3A_113 : vector<16xf32> to vector<1x16xf32>
      tpu.vector_store %arg7[%swap3A, %swap3A_114], %swap3A_117 {strides = array<i32>} : memref<128x128xf32, #tpu.memory_space<vmem>>, vector<1x16xf32>,
      %broadcast_in_dim3A_118 = arith.constant 0.000000e+00 : f32
      %broadcast_in_dim3A_119 = vector.broadcast %broadcast_in_dim3A_118 : f32 to vector<16xf32>
      %swap3A_120 = arith.index_cast %scan3A_112 : i32 to index
      %swap3A_121 = arith.constant 16 : index
      %swap3A_122 = tpu.vector_load %arg7[%swap3A_120, %swap3A_121] {strides = array<i32>} : memref<128x128xf32, #tpu.memory_space<vmem>>, vector<1x16xf32>,
      %swap3A_123 = vector.shape_cast %swap3A_122 : vector<1x16xf32> to vector<16xf32>
      %swap3A_124 = vector.shape_cast %broadcast_in_dim3A_119 : vector<16xf32> to vector<1x16xf32>
      tpu.vector_store %arg7[%swap3A_120, %swap3A_121], %swap3A_124 {strides = array<i32>} : memref<128x128xf32, #tpu.memory_space<vmem>>, vector<1x16xf32>,
      %broadcast_in_dim3A_125 = arith.constant 0.000000e+00 : f32
      %broadcast_in_dim3A_126 = vector.broadcast %broadcast_in_dim3A_125 : f32 to vector<16xf32>
      %swap3A_127 = arith.index_cast %scan3A_112 : i32 to index
      %swap3A_128 = arith.constant 32 : index
      %swap3A_129 = tpu.vector_load %arg7[%swap3A_127, %swap3A_128] {strides = array<i32>} : memref<128x128xf32, #tpu.memory_space<vmem>>, vector<1x16xf32>,
      %swap3A_130 = vector.shape_cast %swap3A_129 : vector<1x16xf32> to vector<16xf32>
      %swap3A_131 = vector.shape_cast %broadcast_in_dim3A_126 : vector<16xf32> to vector<1x16xf32>
      tpu.vector_store %arg7[%swap3A_127, %swap3A_128], %swap3A_131 {strides = array<i32>} : memref<128x128xf32, #tpu.memory_space<vmem>>, vector<1x16xf32>,
      %broadcast_in_dim3A_132 = arith.constant 0.000000e+00 : f32
      %broadcast_in_dim3A_133 = vector.broadcast %broadcast_in_dim3A_132 : f32 to vector<16xf32>
      %swap3A_134 = arith.index_cast %scan3A_112 : i32 to index
      %swap3A_135 = arith.constant 48 : index
      %swap3A_136 = tpu.vector_load %arg7[%swap3A_134, %swap3A_135] {strides = array<i32>} : memref<128x128xf32, #tpu.memory_space<vmem>>, vector<1x16xf32>,
      %swap3A_137 = vector.shape_cast %swap3A_136 : vector<1x16xf32> to vector<16xf32>
      %swap3A_138 = vector.shape_cast %broadcast_in_dim3A_133 : vector<16xf32> to vector<1x16xf32>
      tpu.vector_store %arg7[%swap3A_134, %swap3A_135], %swap3A_138 {strides = array<i32>} : memref<128x128xf32, #tpu.memory_space<vmem>>, vector<1x16xf32>,
      %broadcast_in_dim3A_139 = arith.constant 0.000000e+00 : f32
      %broadcast_in_dim3A_140 = vector.broadcast %broadcast_in_dim3A_139 : f32 to vector<16xf32>
      %swap3A_141 = arith.index_cast %scan3A_112 : i32 to index
      %swap3A_142 = arith.constant 64 : index
      %swap3A_143 = tpu.vector_load %arg7[%swap3A_141, %swap3A_142] {strides = array<i32>} : memref<128x128xf32, #tpu.memory_space<vmem>>, vector<1x16xf32>,
      %swap3A_144 = vector.shape_cast %swap3A_143 : vector<1x16xf32> to vector<16xf32>
      %swap3A_145 = vector.shape_cast %broadcast_in_dim3A_140 : vector<16xf32> to vector<1x16xf32>
      tpu.vector_store %arg7[%swap3A_141, %swap3A_142], %swap3A_145 {strides = array<i32>} : memref<128x128xf32, #tpu.memory_space<vmem>>, vector<1x16xf32>,
      %broadcast_in_dim3A_146 = arith.constant 0.000000e+00 : f32
      %broadcast_in_dim3A_147 = vector.broadcast %broadcast_in_dim3A_146 : f32 to vector<16xf32>
      %swap3A_148 = arith.index_cast %scan3A_112 : i32 to index
      %swap3A_149 = arith.constant 80 : index
      %swap3A_150 = tpu.vector_load %arg7[%swap3A_148, %swap3A_149] {strides = array<i32>} : memref<128x128xf32, #tpu.memory_space<vmem>>, vector<1x16xf32>,
      %swap3A_151 = vector.shape_cast %swap3A_150 : vector<1x16xf32> to vector<16xf32>
      %swap3A_152 = vector.shape_cast %broadcast_in_dim3A_147 : vector<16xf32> to vector<1x16xf32>
      tpu.vector_store %arg7[%swap3A_148, %swap3A_149], %swap3A_152 {strides = array<i32>} : memref<128x128xf32, #tpu.memory_space<vmem>>, vector<1x16xf32>,
      %broadcast_in_dim3A_153 = arith.constant 0.000000e+00 : f32
      %broadcast_in_dim3A_154 = vector.broadcast %broadcast_in_dim3A_153 : f32 to vector<16xf32>
      %swap3A_155 = arith.index_cast %scan3A_112 : i32 to index
      %swap3A_156 = arith.constant 96 : index
      %swap3A_157 = tpu.vector_load %arg7[%swap3A_155, %swap3A_156] {strides = array<i32>} : memref<128x128xf32, #tpu.memory_space<vmem>>, vector<1x16xf32>,
      %swap3A_158 = vector.shape_cast %swap3A_157 : vector<1x16xf32> to vector<16xf32>
      %swap3A_159 = vector.shape_cast %broadcast_in_dim3A_154 : vector<16xf32> to vector<1x16xf32>
      tpu.vector_store %arg7[%swap3A_155, %swap3A_156], %swap3A_159 {strides = array<i32>} : memref<128x128xf32, #tpu.memory_space<vmem>>, vector<1x16xf32>,
      %broadcast_in_dim3A_160 = arith.constant 0.000000e+00 : f32
      %broadcast_in_dim3A_161 = vector.broadcast %broadcast_in_dim3A_160 : f32 to vector<16xf32>
      %swap3A_162 = arith.index_cast %scan3A_112 : i32 to index
      %swap3A_163 = arith.constant 112 : index
      %swap3A_164 = tpu.vector_load %arg7[%swap3A_162, %swap3A_163] {strides = array<i32>} : memref<128x128xf32, #tpu.memory_space<vmem>>, vector<1x16xf32>,
      %swap3A_165 = vector.shape_cast %swap3A_164 : vector<1x16xf32> to vector<16xf32>
      %swap3A_166 = vector.shape_cast %broadcast_in_dim3A_161 : vector<16xf32> to vector<1x16xf32>
      tpu.vector_store %arg7[%swap3A_162, %swap3A_163], %swap3A_166 {strides = array<i32>} : memref<128x128xf32, #tpu.memory_space<vmem>>, vector<1x16xf32>,
    }
    %scan3A_5 = arith.constant 128 : i32
    %mul3A_6 = arith.constant 640 : i32
    %mul3A_7 = arith.muli %arg1, %mul3A_6 : i32
    %multiple_of3A = tpu.assume_multiple %mul3A_7, 128 : i32
    %add3A_8 = arith.constant 0 : i32
    %add3A_9 = arith.addi %multiple_of3A, %add3A_8 : i32
    "tpu.region"() ({
      %run_scoped3A_112 = tpu.sem_alloc : memref<!tpu.dma_semaphore, #tpu.memory_space<semaphore_mem>>
      %dma_start3A_113 = arith.constant 0 : i32
      %dma_start3A_114 = tpu.memref_slice %arg9[%add3A_9, %dma_start3A_113] : memref<10240x128xf32, #tpu.memory_space<vmem_shared>> -> memref<128x128xf32, #tpu.memory_space<vmem_shared>>
      %dma_start3A_115 = arith.constant 0 : i32
      %dma_start3A_116 = tpu.memref_slice %arg9[%add3A_9, %dma_start3A_115] : memref<10240x128xf32, #tpu.memory_space<vmem_shared>> -> memref<128x128xf32, #tpu.memory_space<vmem_shared>>
      tpu.enqueue_dma source(%arg7 : memref<128x128xf32, #tpu.memory_space<vmem>>) target(%dma_start3A_116 : memref<128x128xf32, #tpu.memory_space<vmem_shared>>) target_semaphore(%run_scoped3A_112 : memref<!tpu.dma_semaphore, #tpu.memory_space<semaphore_mem>>)
      %dma_wait3A_117 = arith.constant 0 : i32
      %dma_wait3A_118 = tpu.memref_slice %arg9[%add3A_9, %dma_wait3A_117] : memref<10240x128xf32, #tpu.memory_space<vmem_shared>> -> memref<128x128xf32, #tpu.memory_space<vmem_shared>>
      %dma_wait3A_119 = arith.constant 0 : i32
      %dma_wait3A_120 = tpu.memref_slice %arg9[%add3A_9, %dma_wait3A_119] : memref<10240x128xf32, #tpu.memory_space<vmem_shared>> -> memref<128x128xf32, #tpu.memory_space<vmem_shared>>
      tpu.wait_dma2 semaphore(%run_scoped3A_112 : memref<!tpu.dma_semaphore, #tpu.memory_space<semaphore_mem>>) src(%arg7 : memref<128x128xf32, #tpu.memory_space<vmem>>) dst(%dma_wait3A_120 : memref<128x128xf32, #tpu.memory_space<vmem_shared>>)
      tpu.yield
    }) : () -> ()
    %add3A_10 = arith.constant 128 : i32
    %add3A_11 = arith.addi %multiple_of3A, %add3A_10 : i32
    "tpu.region"() ({
      %run_scoped3A_112 = tpu.sem_alloc : memref<!tpu.dma_semaphore, #tpu.memory_space<semaphore_mem>>
      %dma_start3A_113 = arith.constant 0 : i32
      %dma_start3A_114 = tpu.memref_slice %arg9[%add3A_11, %dma_start3A_113] : memref<10240x128xf32, #tpu.memory_space<vmem_shared>> -> memref<128x128xf32, #tpu.memory_space<vmem_shared>>
      %dma_start3A_115 = arith.constant 0 : i32
      %dma_start3A_116 = tpu.memref_slice %arg9[%add3A_11, %dma_start3A_115] : memref<10240x128xf32, #tpu.memory_space<vmem_shared>> -> memref<128x128xf32, #tpu.memory_space<vmem_shared>>
      tpu.enqueue_dma source(%arg7 : memref<128x128xf32, #tpu.memory_space<vmem>>) target(%dma_start3A_116 : memref<128x128xf32, #tpu.memory_space<vmem_shared>>) target_semaphore(%run_scoped3A_112 : memref<!tpu.dma_semaphore, #tpu.memory_space<semaphore_mem>>)
      %dma_wait3A_117 = arith.constant 0 : i32
      %dma_wait3A_118 = tpu.memref_slice %arg9[%add3A_11, %dma_wait3A_117] : memref<10240x128xf32, #tpu.memory_space<vmem_shared>> -> memref<128x128xf32, #tpu.memory_space<vmem_shared>>
      %dma_wait3A_119 = arith.constant 0 : i32
      %dma_wait3A_120 = tpu.memref_slice %arg9[%add3A_11, %dma_wait3A_119] : memref<10240x128xf32, #tpu.memory_space<vmem_shared>> -> memref<128x128xf32, #tpu.memory_space<vmem_shared>>
      tpu.wait_dma2 semaphore(%run_scoped3A_112 : memref<!tpu.dma_semaphore, #tpu.memory_space<semaphore_mem>>) src(%arg7 : memref<128x128xf32, #tpu.memory_space<vmem>>) dst(%dma_wait3A_120 : memref<128x128xf32, #tpu.memory_space<vmem_shared>>)
      tpu.yield
    }) : () -> ()
    %add3A_12 = arith.constant 256 : i32
    %add3A_13 = arith.addi %multiple_of3A, %add3A_12 : i32
    "tpu.region"() ({
      %run_scoped3A_112 = tpu.sem_alloc : memref<!tpu.dma_semaphore, #tpu.memory_space<semaphore_mem>>
      %dma_start3A_113 = arith.constant 0 : i32
      %dma_start3A_114 = tpu.memref_slice %arg9[%add3A_13, %dma_start3A_113] : memref<10240x128xf32, #tpu.memory_space<vmem_shared>> -> memref<128x128xf32, #tpu.memory_space<vmem_shared>>
      %dma_start3A_115 = arith.constant 0 : i32
      %dma_start3A_116 = tpu.memref_slice %arg9[%add3A_13, %dma_start3A_115] : memref<10240x128xf32, #tpu.memory_space<vmem_shared>> -> memref<128x128xf32, #tpu.memory_space<vmem_shared>>
      tpu.enqueue_dma source(%arg7 : memref<128x128xf32, #tpu.memory_space<vmem>>) target(%dma_start3A_116 : memref<128x128xf32, #tpu.memory_space<vmem_shared>>) target_semaphore(%run_scoped3A_112 : memref<!tpu.dma_semaphore, #tpu.memory_space<semaphore_mem>>)
      %dma_wait3A_117 = arith.constant 0 : i32
      %dma_wait3A_118 = tpu.memref_slice %arg9[%add3A_13, %dma_wait3A_117] : memref<10240x128xf32, #tpu.memory_space<vmem_shared>> -> memref<128x128xf32, #tpu.memory_space<vmem_shared>>
      %dma_wait3A_119 = arith.constant 0 : i32
      %dma_wait3A_120 = tpu.memref_slice %arg9[%add3A_13, %dma_wait3A_119] : memref<10240x128xf32, #tpu.memory_space<vmem_shared>> -> memref<128x128xf32, #tpu.memory_space<vmem_shared>>
      tpu.wait_dma2 semaphore(%run_scoped3A_112 : memref<!tpu.dma_semaphore, #tpu.memory_space<semaphore_mem>>) src(%arg7 : memref<128x128xf32, #tpu.memory_space<vmem>>) dst(%dma_wait3A_120 : memref<128x128xf32, #tpu.memory_space<vmem_shared>>)
      tpu.yield
    }) : () -> ()
    %add3A_14 = arith.constant 384 : i32
    %add3A_15 = arith.addi %multiple_of3A, %add3A_14 : i32
    "tpu.region"() ({
      %run_scoped3A_112 = tpu.sem_alloc : memref<!tpu.dma_semaphore, #tpu.memory_space<semaphore_mem>>
      %dma_start3A_113 = arith.constant 0 : i32
      %dma_start3A_114 = tpu.memref_slice %arg9[%add3A_15, %dma_start3A_113] : memref<10240x128xf32, #tpu.memory_space<vmem_shared>> -> memref<128x128xf32, #tpu.memory_space<vmem_shared>>
      %dma_start3A_115 = arith.constant 0 : i32
      %dma_start3A_116 = tpu.memref_slice %arg9[%add3A_15, %dma_start3A_115] : memref<10240x128xf32, #tpu.memory_space<vmem_shared>> -> memref<128x128xf32, #tpu.memory_space<vmem_shared>>
      tpu.enqueue_dma source(%arg7 : memref<128x128xf32, #tpu.memory_space<vmem>>) target(%dma_start3A_116 : memref<128x128xf32, #tpu.memory_space<vmem_shared>>) target_semaphore(%run_scoped3A_112 : memref<!tpu.dma_semaphore, #tpu.memory_space<semaphore_mem>>)
      %dma_wait3A_117 = arith.constant 0 : i32
      %dma_wait3A_118 = tpu.memref_slice %arg9[%add3A_15, %dma_wait3A_117] : memref<10240x128xf32, #tpu.memory_space<vmem_shared>> -> memref<128x128xf32, #tpu.memory_space<vmem_shared>>
      %dma_wait3A_119 = arith.constant 0 : i32
      %dma_wait3A_120 = tpu.memref_slice %arg9[%add3A_15, %dma_wait3A_119] : memref<10240x128xf32, #tpu.memory_space<vmem_shared>> -> memref<128x128xf32, #tpu.memory_space<vmem_shared>>
      tpu.wait_dma2 semaphore(%run_scoped3A_112 : memref<!tpu.dma_semaphore, #tpu.memory_space<semaphore_mem>>) src(%arg7 : memref<128x128xf32, #tpu.memory_space<vmem>>) dst(%dma_wait3A_120 : memref<128x128xf32, #tpu.memory_space<vmem_shared>>)
      tpu.yield
    }) : () -> ()
    %add3A_16 = arith.constant 512 : i32
    %add3A_17 = arith.addi %multiple_of3A, %add3A_16 : i32
    "tpu.region"() ({
      %run_scoped3A_112 = tpu.sem_alloc : memref<!tpu.dma_semaphore, #tpu.memory_space<semaphore_mem>>
      %dma_start3A_113 = arith.constant 0 : i32
      %dma_start3A_114 = tpu.memref_slice %arg9[%add3A_17, %dma_start3A_113] : memref<10240x128xf32, #tpu.memory_space<vmem_shared>> -> memref<128x128xf32, #tpu.memory_space<vmem_shared>>
      %dma_start3A_115 = arith.constant 0 : i32
      %dma_start3A_116 = tpu.memref_slice %arg9[%add3A_17, %dma_start3A_115] : memref<10240x128xf32, #tpu.memory_space<vmem_shared>> -> memref<128x128xf32, #tpu.memory_space<vmem_shared>>
      tpu.enqueue_dma source(%arg7 : memref<128x128xf32, #tpu.memory_space<vmem>>) target(%dma_start3A_116 : memref<128x128xf32, #tpu.memory_space<vmem_shared>>) target_semaphore(%run_scoped3A_112 : memref<!tpu.dma_semaphore, #tpu.memory_space<semaphore_mem>>)
      %dma_wait3A_117 = arith.constant 0 : i32
      %dma_wait3A_118 = tpu.memref_slice %arg9[%add3A_17, %dma_wait3A_117] : memref<10240x128xf32, #tpu.memory_space<vmem_shared>> -> memref<128x128xf32, #tpu.memory_space<vmem_shared>>
      %dma_wait3A_119 = arith.constant 0 : i32
      %dma_wait3A_120 = tpu.memref_slice %arg9[%add3A_17, %dma_wait3A_119] : memref<10240x128xf32, #tpu.memory_space<vmem_shared>> -> memref<128x128xf32, #tpu.memory_space<vmem_shared>>
      tpu.wait_dma2 semaphore(%run_scoped3A_112 : memref<!tpu.dma_semaphore, #tpu.memory_space<semaphore_mem>>) src(%arg7 : memref<128x128xf32, #tpu.memory_space<vmem>>) dst(%dma_wait3A_120 : memref<128x128xf32, #tpu.memory_space<vmem_shared>>)
      tpu.yield
    }) : () -> ()
    %barrier3A = arith.constant 0 : index
    tpu.barrier barrier_id(%barrier3A)
    %run_scoped3A = arith.constant 0 : i32
    "tpu.region"() ({
      %run_scoped3A_112 = tpu.sem_alloc : memref<!tpu.dma_semaphore, #tpu.memory_space<semaphore_mem>>
      %dma_start3A_113 = arith.constant 0 : i32
      %dma_start3A_114 = arith.constant 0 : i32
      %dma_start3A_115 = tpu.memref_slice %arg2[%run_scoped3A, %add3A, %dma_start3A_113, %dma_start3A_114] : memref<2x32x80x128xi32, #tpu.memory_space<hbm>> -> memref<1x1x40x128xi32, #tpu.memory_space<hbm>>
      %dma_start3A_116 = tpu.memref_squeeze %dma_start3A_115 : memref<1x1x40x128xi32, #tpu.memory_space<hbm>> -> memref<40x128xi32, #tpu.memory_space<hbm>>
      %dma_start3A_117 = arith.constant 0 : i32
      %dma_start3A_118 = arith.constant 0 : i32
      %dma_start3A_119 = tpu.memref_slice %arg2[%run_scoped3A, %add3A, %dma_start3A_117, %dma_start3A_118] : memref<2x32x80x128xi32, #tpu.memory_space<hbm>> -> memref<1x1x40x128xi32, #tpu.memory_space<hbm>>
      %dma_start3A_120 = tpu.memref_squeeze %dma_start3A_119 : memref<1x1x40x128xi32, #tpu.memory_space<hbm>> -> memref<40x128xi32, #tpu.memory_space<hbm>>
      tpu.enqueue_dma source(%dma_start3A_120 : memref<40x128xi32, #tpu.memory_space<hbm>>) target(%arg5 : memref<40x128xi32, #tpu.memory_space<vmem>>) target_semaphore(%run_scoped3A_112 : memref<!tpu.dma_semaphore, #tpu.memory_space<semaphore_mem>>)
      %dma_wait3A_121 = arith.constant 0 : i32
      %dma_wait3A_122 = arith.constant 0 : i32
      %dma_wait3A_123 = tpu.memref_slice %arg2[%run_scoped3A, %add3A, %dma_wait3A_121, %dma_wait3A_122] : memref<2x32x80x128xi32, #tpu.memory_space<hbm>> -> memref<1x1x40x128xi32, #tpu.memory_space<hbm>>
      %dma_wait3A_124 = tpu.memref_squeeze %dma_wait3A_123 : memref<1x1x40x128xi32, #tpu.memory_space<hbm>> -> memref<40x128xi32, #tpu.memory_space<hbm>>
      %dma_wait3A_125 = arith.constant 0 : i32
      %dma_wait3A_126 = arith.constant 0 : i32
      %dma_wait3A_127 = tpu.memref_slice %arg2[%run_scoped3A, %add3A, %dma_wait3A_125, %dma_wait3A_126] : memref<2x32x80x128xi32, #tpu.memory_space<hbm>> -> memref<1x1x40x128xi32, #tpu.memory_space<hbm>>
      %dma_wait3A_128 = tpu.memref_squeeze %dma_wait3A_127 : memref<1x1x40x128xi32, #tpu.memory_space<hbm>> -> memref<40x128xi32, #tpu.memory_space<hbm>>
      tpu.wait_dma2 semaphore(%run_scoped3A_112 : memref<!tpu.dma_semaphore, #tpu.memory_space<semaphore_mem>>) src(%dma_wait3A_128 : memref<40x128xi32, #tpu.memory_space<hbm>>) dst(%arg5 : memref<40x128xi32, #tpu.memory_space<vmem>>)
      tpu.yield
    }) : () -> ()
    %run_scoped3A_18 = arith.constant 1 : i32
    "tpu.region"() ({
      %run_scoped3A_112 = tpu.sem_alloc : memref<!tpu.dma_semaphore, #tpu.memory_space<semaphore_mem>>
      %dma_start3A_113 = arith.constant 0 : i32
      %dma_start3A_114 = arith.constant 0 : i32
      %dma_start3A_115 = tpu.memref_slice %arg2[%run_scoped3A_18, %add3A, %dma_start3A_113, %dma_start3A_114] : memref<2x32x80x128xi32, #tpu.memory_space<hbm>> -> memref<1x1x40x128xi32, #tpu.memory_space<hbm>>
      %dma_start3A_116 = tpu.memref_squeeze %dma_start3A_115 : memref<1x1x40x128xi32, #tpu.memory_space<hbm>> -> memref<40x128xi32, #tpu.memory_space<hbm>>
      %dma_start3A_117 = arith.constant 0 : i32
      %dma_start3A_118 = arith.constant 0 : i32
      %dma_start3A_119 = tpu.memref_slice %arg2[%run_scoped3A_18, %add3A, %dma_start3A_117, %dma_start3A_118] : memref<2x32x80x128xi32, #tpu.memory_space<hbm>> -> memref<1x1x40x128xi32, #tpu.memory_space<hbm>>
      %dma_start3A_120 = tpu.memref_squeeze %dma_start3A_119 : memref<1x1x40x128xi32, #tpu.memory_space<hbm>> -> memref<40x128xi32, #tpu.memory_space<hbm>>
      tpu.enqueue_dma source(%dma_start3A_120 : memref<40x128xi32, #tpu.memory_space<hbm>>) target(%arg6 : memref<40x128xi32, #tpu.memory_space<vmem>>) target_semaphore(%run_scoped3A_112 : memref<!tpu.dma_semaphore, #tpu.memory_space<semaphore_mem>>)
      %dma_wait3A_121 = arith.constant 0 : i32
      %dma_wait3A_122 = arith.constant 0 : i32
      %dma_wait3A_123 = tpu.memref_slice %arg2[%run_scoped3A_18, %add3A, %dma_wait3A_121, %dma_wait3A_122] : memref<2x32x80x128xi32, #tpu.memory_space<hbm>> -> memref<1x1x40x128xi32, #tpu.memory_space<hbm>>
      %dma_wait3A_124 = tpu.memref_squeeze %dma_wait3A_123 : memref<1x1x40x128xi32, #tpu.memory_space<hbm>> -> memref<40x128xi32, #tpu.memory_space<hbm>>
      %dma_wait3A_125 = arith.constant 0 : i32
      %dma_wait3A_126 = arith.constant 0 : i32
      %dma_wait3A_127 = tpu.memref_slice %arg2[%run_scoped3A_18, %add3A, %dma_wait3A_125, %dma_wait3A_126] : memref<2x32x80x128xi32, #tpu.memory_space<hbm>> -> memref<1x1x40x128xi32, #tpu.memory_space<hbm>>
      %dma_wait3A_128 = tpu.memref_squeeze %dma_wait3A_127 : memref<1x1x40x128xi32, #tpu.memory_space<hbm>> -> memref<40x128xi32, #tpu.memory_space<hbm>>
      tpu.wait_dma2 semaphore(%run_scoped3A_112 : memref<!tpu.dma_semaphore, #tpu.memory_space<semaphore_mem>>) src(%dma_wait3A_128 : memref<40x128xi32, #tpu.memory_space<hbm>>) dst(%arg6 : memref<40x128xi32, #tpu.memory_space<vmem>>)
      tpu.yield
    }) : () -> ()
    %dma_start3A = arith.constant 0 : i32
    %dma_start3A_19 = arith.constant 0 : i32
    %dma_start3A_20 = tpu.memref_slice %arg5[%dma_start3A, %dma_start3A_19] : memref<40x128xi32, #tpu.memory_space<vmem>> -> memref<1x128xi32, #tpu.memory_space<vmem>>
    %dma_start3A_21 = tpu.memref_squeeze %dma_start3A_20 : memref<1x128xi32, #tpu.memory_space<vmem>> -> memref<128xi32, #tpu.memory_space<vmem>>
    %dma_start3A_22 = arith.constant 0 : i32
    %dma_start3A_23 = arith.constant 0 : i32
    %dma_start3A_24 = tpu.memref_slice %arg3[%dma_start3A_22, %dma_start3A_23] : memref<10000x128xf32, #tpu.memory_space<hbm>> -> memref<10000x128xf32, #tpu.memory_space<hbm>>
    tpu.enqueue_indirect_dma source(%dma_start3A_24 : memref<10000x128xf32, #tpu.memory_space<hbm>>) target(%arg7 : memref<128x128xf32, #tpu.memory_space<vmem>>) offsets(%dma_start3A_21 : memref<128xi32, #tpu.memory_space<vmem>>) semaphore(%arg10 : memref<!tpu.dma_semaphore, #tpu.memory_space<semaphore_mem>>)
    %dma_start3A_25 = arith.constant 1 : i32
    %dma_start3A_26 = arith.constant 0 : i32
    %dma_start3A_27 = tpu.memref_slice %arg5[%dma_start3A_25, %dma_start3A_26] : memref<40x128xi32, #tpu.memory_space<vmem>> -> memref<1x128xi32, #tpu.memory_space<vmem>>
    %dma_start3A_28 = tpu.memref_squeeze %dma_start3A_27 : memref<1x128xi32, #tpu.memory_space<vmem>> -> memref<128xi32, #tpu.memory_space<vmem>>
    %dma_start3A_29 = arith.constant 0 : i32
    %dma_start3A_30 = arith.constant 0 : i32
    %dma_start3A_31 = tpu.memref_slice %arg3[%dma_start3A_29, %dma_start3A_30] : memref<10000x128xf32, #tpu.memory_space<hbm>> -> memref<10000x128xf32, #tpu.memory_space<hbm>>
    tpu.enqueue_indirect_dma source(%dma_start3A_31 : memref<10000x128xf32, #tpu.memory_space<hbm>>) target(%arg8 : memref<128x128xf32, #tpu.memory_space<vmem>>) offsets(%dma_start3A_28 : memref<128xi32, #tpu.memory_space<vmem>>) semaphore(%arg11 : memref<!tpu.dma_semaphore, #tpu.memory_space<semaphore_mem>>)
    %scan3A_32 = arith.constant 0 : i32
    %scan3A_33 = arith.constant 0 : i32
    %scan3A_34 = arith.constant 19 : i32
    %scan3A_35 = arith.addi %scan3A_33, %scan3A_34 : i32
    %scan3A_36 = arith.constant 1 : i32
    scf.for %scan3A_112 = %scan3A_33 to %scan3A_35 step %scan3A_36  : i32 {
      %mul3A_113 = arith.constant 2 : i32
      %mul3A_114 = arith.muli %mul3A_113, %scan3A_112 : i32
      %dma_wait3A_115 = arith.constant 0 : i32
      %dma_wait3A_116 = tpu.memref_slice %arg5[%mul3A_114, %dma_wait3A_115] : memref<40x128xi32, #tpu.memory_space<vmem>> -> memref<1x128xi32, #tpu.memory_space<vmem>>
      %dma_wait3A_117 = tpu.memref_squeeze %dma_wait3A_116 : memref<1x128xi32, #tpu.memory_space<vmem>> -> memref<128xi32, #tpu.memory_space<vmem>>
      %dma_wait3A_118 = arith.constant 0 : i32
      %dma_wait3A_119 = arith.constant 0 : i32
      %dma_wait3A_120 = tpu.memref_slice %arg3[%dma_wait3A_118, %dma_wait3A_119] : memref<10000x128xf32, #tpu.memory_space<hbm>> -> memref<10000x128xf32, #tpu.memory_space<hbm>>
      tpu.wait_indirect_dma semaphore(%arg10 : memref<!tpu.dma_semaphore, #tpu.memory_space<semaphore_mem>>) src(%dma_wait3A_120 : memref<10000x128xf32, #tpu.memory_space<hbm>>) dst(%arg7 : memref<128x128xf32, #tpu.memory_space<vmem>>)
      "tpu.region"() ({
        %run_scoped3A_147 = tpu.sem_alloc : memref<!tpu.dma_semaphore, #tpu.memory_space<semaphore_mem>>
        %dma_start3A_148 = arith.constant 0 : i32
        %dma_start3A_149 = tpu.memref_slice %arg6[%mul3A_114, %dma_start3A_148] : memref<40x128xi32, #tpu.memory_space<vmem>> -> memref<1x128xi32, #tpu.memory_space<vmem>>
        %dma_start3A_150 = tpu.memref_squeeze %dma_start3A_149 : memref<1x128xi32, #tpu.memory_space<vmem>> -> memref<128xi32, #tpu.memory_space<vmem>>
        %dma_start3A_151 = arith.constant 0 : i32
        %dma_start3A_152 = arith.constant 0 : i32
        %dma_start3A_153 = tpu.memref_slice %arg9[%dma_start3A_151, %dma_start3A_152] : memref<10240x128xf32, #tpu.memory_space<vmem_shared>> -> memref<10240x128xf32, #tpu.memory_space<vmem_shared>>
        tpu.enqueue_indirect_dma source(%arg7 : memref<128x128xf32, #tpu.memory_space<vmem>>) target(%dma_start3A_153 : memref<10240x128xf32, #tpu.memory_space<vmem_shared>>) offsets(%dma_start3A_150 : memref<128xi32, #tpu.memory_space<vmem>>) semaphore(%run_scoped3A_147 : memref<!tpu.dma_semaphore, #tpu.memory_space<semaphore_mem>>) {add = true}
        %dma_wait3A_154 = arith.constant 0 : i32
        %dma_wait3A_155 = tpu.memref_slice %arg6[%mul3A_114, %dma_wait3A_154] : memref<40x128xi32, #tpu.memory_space<vmem>> -> memref<1x128xi32, #tpu.memory_space<vmem>>
        %dma_wait3A_156 = tpu.memref_squeeze %dma_wait3A_155 : memref<1x128xi32, #tpu.memory_space<vmem>> -> memref<128xi32, #tpu.memory_space<vmem>>
        %dma_wait3A_157 = arith.constant 0 : i32
        %dma_wait3A_158 = arith.constant 0 : i32
        %dma_wait3A_159 = tpu.memref_slice %arg9[%dma_wait3A_157, %dma_wait3A_158] : memref<10240x128xf32, #tpu.memory_space<vmem_shared>> -> memref<10240x128xf32, #tpu.memory_space<vmem_shared>>
        tpu.wait_indirect_dma semaphore(%run_scoped3A_147 : memref<!tpu.dma_semaphore, #tpu.memory_space<semaphore_mem>>) src(%arg7 : memref<128x128xf32, #tpu.memory_space<vmem>>) dst(%dma_wait3A_159 : memref<10240x128xf32, #tpu.memory_space<vmem_shared>>)
        tpu.yield
      }) : () -> ()
      %add3A_121 = arith.constant 2 : i32
      %add3A_122 = arith.addi %mul3A_114, %add3A_121 : i32
      %dma_start3A_123 = arith.constant 0 : i32
      %dma_start3A_124 = tpu.memref_slice %arg5[%add3A_122, %dma_start3A_123] : memref<40x128xi32, #tpu.memory_space<vmem>> -> memref<1x128xi32, #tpu.memory_space<vmem>>
      %dma_start3A_125 = tpu.memref_squeeze %dma_start3A_124 : memref<1x128xi32, #tpu.memory_space<vmem>> -> memref<128xi32, #tpu.memory_space<vmem>>
      %dma_start3A_126 = arith.constant 0 : i32
      %dma_start3A_127 = arith.constant 0 : i32
      %dma_start3A_128 = tpu.memref_slice %arg3[%dma_start3A_126, %dma_start3A_127] : memref<10000x128xf32, #tpu.memory_space<hbm>> -> memref<10000x128xf32, #tpu.memory_space<hbm>>
      tpu.enqueue_indirect_dma source(%dma_start3A_128 : memref<10000x128xf32, #tpu.memory_space<hbm>>) target(%arg7 : memref<128x128xf32, #tpu.memory_space<vmem>>) offsets(%dma_start3A_125 : memref<128xi32, #tpu.memory_space<vmem>>) semaphore(%arg10 : memref<!tpu.dma_semaphore, #tpu.memory_space<semaphore_mem>>)
      %add3A_129 = arith.constant 1 : i32
      %add3A_130 = arith.addi %mul3A_114, %add3A_129 : i32
      %dma_wait3A_131 = arith.constant 0 : i32
      %dma_wait3A_132 = tpu.memref_slice %arg5[%add3A_130, %dma_wait3A_131] : memref<40x128xi32, #tpu.memory_space<vmem>> -> memref<1x128xi32, #tpu.memory_space<vmem>>
      %dma_wait3A_133 = tpu.memref_squeeze %dma_wait3A_132 : memref<1x128xi32, #tpu.memory_space<vmem>> -> memref<128xi32, #tpu.memory_space<vmem>>
      %dma_wait3A_134 = arith.constant 0 : i32
      %dma_wait3A_135 = arith.constant 0 : i32
      %dma_wait3A_136 = tpu.memref_slice %arg3[%dma_wait3A_134, %dma_wait3A_135] : memref<10000x128xf32, #tpu.memory_space<hbm>> -> memref<10000x128xf32, #tpu.memory_space<hbm>>
      tpu.wait_indirect_dma semaphore(%arg11 : memref<!tpu.dma_semaphore, #tpu.memory_space<semaphore_mem>>) src(%dma_wait3A_136 : memref<10000x128xf32, #tpu.memory_space<hbm>>) dst(%arg8 : memref<128x128xf32, #tpu.memory_space<vmem>>)
      %add3A_137 = arith.constant 1 : i32
      %add3A_138 = arith.addi %mul3A_114, %add3A_137 : i32
      "tpu.region"() ({
        %run_scoped3A_147 = tpu.sem_alloc : memref<!tpu.dma_semaphore, #tpu.memory_space<semaphore_mem>>
        %dma_start3A_148 = arith.constant 0 : i32
        %dma_start3A_149 = tpu.memref_slice %arg6[%add3A_138, %dma_start3A_148] : memref<40x128xi32, #tpu.memory_space<vmem>> -> memref<1x128xi32, #tpu.memory_space<vmem>>
        %dma_start3A_150 = tpu.memref_squeeze %dma_start3A_149 : memref<1x128xi32, #tpu.memory_space<vmem>> -> memref<128xi32, #tpu.memory_space<vmem>>
        %dma_start3A_151 = arith.constant 0 : i32
        %dma_start3A_152 = arith.constant 0 : i32
        %dma_start3A_153 = tpu.memref_slice %arg9[%dma_start3A_151, %dma_start3A_152] : memref<10240x128xf32, #tpu.memory_space<vmem_shared>> -> memref<10240x128xf32, #tpu.memory_space<vmem_shared>>
        tpu.enqueue_indirect_dma source(%arg8 : memref<128x128xf32, #tpu.memory_space<vmem>>) target(%dma_start3A_153 : memref<10240x128xf32, #tpu.memory_space<vmem_shared>>) offsets(%dma_start3A_150 : memref<128xi32, #tpu.memory_space<vmem>>) semaphore(%run_scoped3A_147 : memref<!tpu.dma_semaphore, #tpu.memory_space<semaphore_mem>>) {add = true}
        %dma_wait3A_154 = arith.constant 0 : i32
        %dma_wait3A_155 = tpu.memref_slice %arg6[%add3A_138, %dma_wait3A_154] : memref<40x128xi32, #tpu.memory_space<vmem>> -> memref<1x128xi32, #tpu.memory_space<vmem>>
        %dma_wait3A_156 = tpu.memref_squeeze %dma_wait3A_155 : memref<1x128xi32, #tpu.memory_space<vmem>> -> memref<128xi32, #tpu.memory_space<vmem>>
        %dma_wait3A_157 = arith.constant 0 : i32
        %dma_wait3A_158 = arith.constant 0 : i32
        %dma_wait3A_159 = tpu.memref_slice %arg9[%dma_wait3A_157, %dma_wait3A_158] : memref<10240x128xf32, #tpu.memory_space<vmem_shared>> -> memref<10240x128xf32, #tpu.memory_space<vmem_shared>>
        tpu.wait_indirect_dma semaphore(%run_scoped3A_147 : memref<!tpu.dma_semaphore, #tpu.memory_space<semaphore_mem>>) src(%arg8 : memref<128x128xf32, #tpu.memory_space<vmem>>) dst(%dma_wait3A_159 : memref<10240x128xf32, #tpu.memory_space<vmem_shared>>)
        tpu.yield
      }) : () -> ()
      %add3A_139 = arith.constant 3 : i32
      %add3A_140 = arith.addi %mul3A_114, %add3A_139 : i32
      %dma_start3A_141 = arith.constant 0 : i32
      %dma_start3A_142 = tpu.memref_slice %arg5[%add3A_140, %dma_start3A_141] : memref<40x128xi32, #tpu.memory_space<vmem>> -> memref<1x128xi32, #tpu.memory_space<vmem>>
      %dma_start3A_143 = tpu.memref_squeeze %dma_start3A_142 : memref<1x128xi32, #tpu.memory_space<vmem>> -> memref<128xi32, #tpu.memory_space<vmem>>
      %dma_start3A_144 = arith.constant 0 : i32
      %dma_start3A_145 = arith.constant 0 : i32
      %dma_start3A_146 = tpu.memref_slice %arg3[%dma_start3A_144, %dma_start3A_145] : memref<10000x128xf32, #tpu.memory_space<hbm>> -> memref<10000x128xf32, #tpu.memory_space<hbm>>
      tpu.enqueue_indirect_dma source(%dma_start3A_146 : memref<10000x128xf32, #tpu.memory_space<hbm>>) target(%arg8 : memref<128x128xf32, #tpu.memory_space<vmem>>) offsets(%dma_start3A_143 : memref<128xi32, #tpu.memory_space<vmem>>) semaphore(%arg11 : memref<!tpu.dma_semaphore, #tpu.memory_space<semaphore_mem>>)
    }
    %scan3A_37 = arith.constant 19 : i32
    %dma_wait3A = arith.constant 38 : i32
    %dma_wait3A_38 = arith.constant 0 : i32
    %dma_wait3A_39 = tpu.memref_slice %arg5[%dma_wait3A, %dma_wait3A_38] : memref<40x128xi32, #tpu.memory_space<vmem>> -> memref<1x128xi32, #tpu.memory_space<vmem>>
    %dma_wait3A_40 = tpu.memref_squeeze %dma_wait3A_39 : memref<1x128xi32, #tpu.memory_space<vmem>> -> memref<128xi32, #tpu.memory_space<vmem>>
    %dma_wait3A_41 = arith.constant 0 : i32
    %dma_wait3A_42 = arith.constant 0 : i32
    %dma_wait3A_43 = tpu.memref_slice %arg3[%dma_wait3A_41, %dma_wait3A_42] : memref<10000x128xf32, #tpu.memory_space<hbm>> -> memref<10000x128xf32, #tpu.memory_space<hbm>>
    tpu.wait_indirect_dma semaphore(%arg10 : memref<!tpu.dma_semaphore, #tpu.memory_space<semaphore_mem>>) src(%dma_wait3A_43 : memref<10000x128xf32, #tpu.memory_space<hbm>>) dst(%arg7 : memref<128x128xf32, #tpu.memory_space<vmem>>)
    %run_scoped3A_44 = arith.constant 38 : i32
    "tpu.region"() ({
      %run_scoped3A_112 = tpu.sem_alloc : memref<!tpu.dma_semaphore, #tpu.memory_space<semaphore_mem>>
      %dma_start3A_113 = arith.constant 0 : i32
      %dma_start3A_114 = tpu.memref_slice %arg6[%run_scoped3A_44, %dma_start3A_113] : memref<40x128xi32, #tpu.memory_space<vmem>> -> memref<1x128xi32, #tpu.memory_space<vmem>>
      %dma_start3A_115 = tpu.memref_squeeze %dma_start3A_114 : memref<1x128xi32, #tpu.memory_space<vmem>> -> memref<128xi32, #tpu.memory_space<vmem>>
      %dma_start3A_116 = arith.constant 0 : i32
      %dma_start3A_117 = arith.constant 0 : i32
      %dma_start3A_118 = tpu.memref_slice %arg9[%dma_start3A_116, %dma_start3A_117] : memref<10240x128xf32, #tpu.memory_space<vmem_shared>> -> memref<10240x128xf32, #tpu.memory_space<vmem_shared>>
      tpu.enqueue_indirect_dma source(%arg7 : memref<128x128xf32, #tpu.memory_space<vmem>>) target(%dma_start3A_118 : memref<10240x128xf32, #tpu.memory_space<vmem_shared>>) offsets(%dma_start3A_115 : memref<128xi32, #tpu.memory_space<vmem>>) semaphore(%run_scoped3A_112 : memref<!tpu.dma_semaphore, #tpu.memory_space<semaphore_mem>>) {add = true}
      %dma_wait3A_119 = arith.constant 0 : i32
      %dma_wait3A_120 = tpu.memref_slice %arg6[%run_scoped3A_44, %dma_wait3A_119] : memref<40x128xi32, #tpu.memory_space<vmem>> -> memref<1x128xi32, #tpu.memory_space<vmem>>
      %dma_wait3A_121 = tpu.memref_squeeze %dma_wait3A_120 : memref<1x128xi32, #tpu.memory_space<vmem>> -> memref<128xi32, #tpu.memory_space<vmem>>
      %dma_wait3A_122 = arith.constant 0 : i32
      %dma_wait3A_123 = arith.constant 0 : i32
      %dma_wait3A_124 = tpu.memref_slice %arg9[%dma_wait3A_122, %dma_wait3A_123] : memref<10240x128xf32, #tpu.memory_space<vmem_shared>> -> memref<10240x128xf32, #tpu.memory_space<vmem_shared>>
      tpu.wait_indirect_dma semaphore(%run_scoped3A_112 : memref<!tpu.dma_semaphore, #tpu.memory_space<semaphore_mem>>) src(%arg7 : memref<128x128xf32, #tpu.memory_space<vmem>>) dst(%dma_wait3A_124 : memref<10240x128xf32, #tpu.memory_space<vmem_shared>>)
      tpu.yield
    }) : () -> ()
    %dma_wait3A_45 = arith.constant 39 : i32
    %dma_wait3A_46 = arith.constant 0 : i32
    %dma_wait3A_47 = tpu.memref_slice %arg5[%dma_wait3A_45, %dma_wait3A_46] : memref<40x128xi32, #tpu.memory_space<vmem>> -> memref<1x128xi32, #tpu.memory_space<vmem>>
    %dma_wait3A_48 = tpu.memref_squeeze %dma_wait3A_47 : memref<1x128xi32, #tpu.memory_space<vmem>> -> memref<128xi32, #tpu.memory_space<vmem>>
    %dma_wait3A_49 = arith.constant 0 : i32
    %dma_wait3A_50 = arith.constant 0 : i32
    %dma_wait3A_51 = tpu.memref_slice %arg3[%dma_wait3A_49, %dma_wait3A_50] : memref<10000x128xf32, #tpu.memory_space<hbm>> -> memref<10000x128xf32, #tpu.memory_space<hbm>>
    tpu.wait_indirect_dma semaphore(%arg11 : memref<!tpu.dma_semaphore, #tpu.memory_space<semaphore_mem>>) src(%dma_wait3A_51 : memref<10000x128xf32, #tpu.memory_space<hbm>>) dst(%arg8 : memref<128x128xf32, #tpu.memory_space<vmem>>)
    %run_scoped3A_52 = arith.constant 39 : i32
    "tpu.region"() ({
      %run_scoped3A_112 = tpu.sem_alloc : memref<!tpu.dma_semaphore, #tpu.memory_space<semaphore_mem>>
      %dma_start3A_113 = arith.constant 0 : i32
      %dma_start3A_114 = tpu.memref_slice %arg6[%run_scoped3A_52, %dma_start3A_113] : memref<40x128xi32, #tpu.memory_space<vmem>> -> memref<1x128xi32, #tpu.memory_space<vmem>>
      %dma_start3A_115 = tpu.memref_squeeze %dma_start3A_114 : memref<1x128xi32, #tpu.memory_space<vmem>> -> memref<128xi32, #tpu.memory_space<vmem>>
      %dma_start3A_116 = arith.constant 0 : i32
      %dma_start3A_117 = arith.constant 0 : i32
      %dma_start3A_118 = tpu.memref_slice %arg9[%dma_start3A_116, %dma_start3A_117] : memref<10240x128xf32, #tpu.memory_space<vmem_shared>> -> memref<10240x128xf32, #tpu.memory_space<vmem_shared>>
      tpu.enqueue_indirect_dma source(%arg8 : memref<128x128xf32, #tpu.memory_space<vmem>>) target(%dma_start3A_118 : memref<10240x128xf32, #tpu.memory_space<vmem_shared>>) offsets(%dma_start3A_115 : memref<128xi32, #tpu.memory_space<vmem>>) semaphore(%run_scoped3A_112 : memref<!tpu.dma_semaphore, #tpu.memory_space<semaphore_mem>>) {add = true}
      %dma_wait3A_119 = arith.constant 0 : i32
      %dma_wait3A_120 = tpu.memref_slice %arg6[%run_scoped3A_52, %dma_wait3A_119] : memref<40x128xi32, #tpu.memory_space<vmem>> -> memref<1x128xi32, #tpu.memory_space<vmem>>
      %dma_wait3A_121 = tpu.memref_squeeze %dma_wait3A_120 : memref<1x128xi32, #tpu.memory_space<vmem>> -> memref<128xi32, #tpu.memory_space<vmem>>
      %dma_wait3A_122 = arith.constant 0 : i32
      %dma_wait3A_123 = arith.constant 0 : i32
      %dma_wait3A_124 = tpu.memref_slice %arg9[%dma_wait3A_122, %dma_wait3A_123] : memref<10240x128xf32, #tpu.memory_space<vmem_shared>> -> memref<10240x128xf32, #tpu.memory_space<vmem_shared>>
      tpu.wait_indirect_dma semaphore(%run_scoped3A_112 : memref<!tpu.dma_semaphore, #tpu.memory_space<semaphore_mem>>) src(%arg8 : memref<128x128xf32, #tpu.memory_space<vmem>>) dst(%dma_wait3A_124 : memref<10240x128xf32, #tpu.memory_space<vmem_shared>>)
      tpu.yield
    }) : () -> ()
    %run_scoped3A_53 = arith.constant 0 : i32
    "tpu.region"() ({
      %run_scoped3A_112 = tpu.sem_alloc : memref<!tpu.dma_semaphore, #tpu.memory_space<semaphore_mem>>
      %dma_start3A_113 = arith.constant 40 : i32
      %dma_start3A_114 = arith.constant 0 : i32
      %dma_start3A_115 = tpu.memref_slice %arg2[%run_scoped3A_53, %add3A, %dma_start3A_113, %dma_start3A_114] : memref<2x32x80x128xi32, #tpu.memory_space<hbm>> -> memref<1x1x40x128xi32, #tpu.memory_space<hbm>>
      %dma_start3A_116 = tpu.memref_squeeze %dma_start3A_115 : memref<1x1x40x128xi32, #tpu.memory_space<hbm>> -> memref<40x128xi32, #tpu.memory_space<hbm>>
      %dma_start3A_117 = arith.constant 40 : i32
      %dma_start3A_118 = arith.constant 0 : i32
      %dma_start3A_119 = tpu.memref_slice %arg2[%run_scoped3A_53, %add3A, %dma_start3A_117, %dma_start3A_118] : memref<2x32x80x128xi32, #tpu.memory_space<hbm>> -> memref<1x1x40x128xi32, #tpu.memory_space<hbm>>
      %dma_start3A_120 = tpu.memref_squeeze %dma_start3A_119 : memref<1x1x40x128xi32, #tpu.memory_space<hbm>> -> memref<40x128xi32, #tpu.memory_space<hbm>>
      tpu.enqueue_dma source(%dma_start3A_120 : memref<40x128xi32, #tpu.memory_space<hbm>>) target(%arg5 : memref<40x128xi32, #tpu.memory_space<vmem>>) target_semaphore(%run_scoped3A_112 : memref<!tpu.dma_semaphore, #tpu.memory_space<semaphore_mem>>)
      %dma_wait3A_121 = arith.constant 40 : i32
      %dma_wait3A_122 = arith.constant 0 : i32
      %dma_wait3A_123 = tpu.memref_slice %arg2[%run_scoped3A_53, %add3A, %dma_wait3A_121, %dma_wait3A_122] : memref<2x32x80x128xi32, #tpu.memory_space<hbm>> -> memref<1x1x40x128xi32, #tpu.memory_space<hbm>>
      %dma_wait3A_124 = tpu.memref_squeeze %dma_wait3A_123 : memref<1x1x40x128xi32, #tpu.memory_space<hbm>> -> memref<40x128xi32, #tpu.memory_space<hbm>>
      %dma_wait3A_125 = arith.constant 40 : i32
      %dma_wait3A_126 = arith.constant 0 : i32
      %dma_wait3A_127 = tpu.memref_slice %arg2[%run_scoped3A_53, %add3A, %dma_wait3A_125, %dma_wait3A_126] : memref<2x32x80x128xi32, #tpu.memory_space<hbm>> -> memref<1x1x40x128xi32, #tpu.memory_space<hbm>>
      %dma_wait3A_128 = tpu.memref_squeeze %dma_wait3A_127 : memref<1x1x40x128xi32, #tpu.memory_space<hbm>> -> memref<40x128xi32, #tpu.memory_space<hbm>>
      tpu.wait_dma2 semaphore(%run_scoped3A_112 : memref<!tpu.dma_semaphore, #tpu.memory_space<semaphore_mem>>) src(%dma_wait3A_128 : memref<40x128xi32, #tpu.memory_space<hbm>>) dst(%arg5 : memref<40x128xi32, #tpu.memory_space<vmem>>)
      tpu.yield
    }) : () -> ()
    %run_scoped3A_54 = arith.constant 1 : i32
    "tpu.region"() ({
      %run_scoped3A_112 = tpu.sem_alloc : memref<!tpu.dma_semaphore, #tpu.memory_space<semaphore_mem>>
      %dma_start3A_113 = arith.constant 40 : i32
      %dma_start3A_114 = arith.constant 0 : i32
      %dma_start3A_115 = tpu.memref_slice %arg2[%run_scoped3A_54, %add3A, %dma_start3A_113, %dma_start3A_114] : memref<2x32x80x128xi32, #tpu.memory_space<hbm>> -> memref<1x1x40x128xi32, #tpu.memory_space<hbm>>
      %dma_start3A_116 = tpu.memref_squeeze %dma_start3A_115 : memref<1x1x40x128xi32, #tpu.memory_space<hbm>> -> memref<40x128xi32, #tpu.memory_space<hbm>>
      %dma_start3A_117 = arith.constant 40 : i32
      %dma_start3A_118 = arith.constant 0 : i32
      %dma_start3A_119 = tpu.memref_slice %arg2[%run_scoped3A_54, %add3A, %dma_start3A_117, %dma_start3A_118] : memref<2x32x80x128xi32, #tpu.memory_space<hbm>> -> memref<1x1x40x128xi32, #tpu.memory_space<hbm>>
      %dma_start3A_120 = tpu.memref_squeeze %dma_start3A_119 : memref<1x1x40x128xi32, #tpu.memory_space<hbm>> -> memref<40x128xi32, #tpu.memory_space<hbm>>
      tpu.enqueue_dma source(%dma_start3A_120 : memref<40x128xi32, #tpu.memory_space<hbm>>) target(%arg6 : memref<40x128xi32, #tpu.memory_space<vmem>>) target_semaphore(%run_scoped3A_112 : memref<!tpu.dma_semaphore, #tpu.memory_space<semaphore_mem>>)
      %dma_wait3A_121 = arith.constant 40 : i32
      %dma_wait3A_122 = arith.constant 0 : i32
      %dma_wait3A_123 = tpu.memref_slice %arg2[%run_scoped3A_54, %add3A, %dma_wait3A_121, %dma_wait3A_122] : memref<2x32x80x128xi32, #tpu.memory_space<hbm>> -> memref<1x1x40x128xi32, #tpu.memory_space<hbm>>
      %dma_wait3A_124 = tpu.memref_squeeze %dma_wait3A_123 : memref<1x1x40x128xi32, #tpu.memory_space<hbm>> -> memref<40x128xi32, #tpu.memory_space<hbm>>
      %dma_wait3A_125 = arith.constant 40 : i32
      %dma_wait3A_126 = arith.constant 0 : i32
      %dma_wait3A_127 = tpu.memref_slice %arg2[%run_scoped3A_54, %add3A, %dma_wait3A_125, %dma_wait3A_126] : memref<2x32x80x128xi32, #tpu.memory_space<hbm>> -> memref<1x1x40x128xi32, #tpu.memory_space<hbm>>
      %dma_wait3A_128 = tpu.memref_squeeze %dma_wait3A_127 : memref<1x1x40x128xi32, #tpu.memory_space<hbm>> -> memref<40x128xi32, #tpu.memory_space<hbm>>
      tpu.wait_dma2 semaphore(%run_scoped3A_112 : memref<!tpu.dma_semaphore, #tpu.memory_space<semaphore_mem>>) src(%dma_wait3A_128 : memref<40x128xi32, #tpu.memory_space<hbm>>) dst(%arg6 : memref<40x128xi32, #tpu.memory_space<vmem>>)
      tpu.yield
    }) : () -> ()
    %dma_start3A_55 = arith.constant 0 : i32
    %dma_start3A_56 = arith.constant 0 : i32
    %dma_start3A_57 = tpu.memref_slice %arg5[%dma_start3A_55, %dma_start3A_56] : memref<40x128xi32, #tpu.memory_space<vmem>> -> memref<1x128xi32, #tpu.memory_space<vmem>>
    %dma_start3A_58 = tpu.memref_squeeze %dma_start3A_57 : memref<1x128xi32, #tpu.memory_space<vmem>> -> memref<128xi32, #tpu.memory_space<vmem>>
    %dma_start3A_59 = arith.constant 0 : i32
    %dma_start3A_60 = arith.constant 0 : i32
    %dma_start3A_61 = tpu.memref_slice %arg3[%dma_start3A_59, %dma_start3A_60] : memref<10000x128xf32, #tpu.memory_space<hbm>> -> memref<10000x128xf32, #tpu.memory_space<hbm>>
    tpu.enqueue_indirect_dma source(%dma_start3A_61 : memref<10000x128xf32, #tpu.memory_space<hbm>>) target(%arg7 : memref<128x128xf32, #tpu.memory_space<vmem>>) offsets(%dma_start3A_58 : memref<128xi32, #tpu.memory_space<vmem>>) semaphore(%arg10 : memref<!tpu.dma_semaphore, #tpu.memory_space<semaphore_mem>>)
    %dma_start3A_62 = arith.constant 1 : i32
    %dma_start3A_63 = arith.constant 0 : i32
    %dma_start3A_64 = tpu.memref_slice %arg5[%dma_start3A_62, %dma_start3A_63] : memref<40x128xi32, #tpu.memory_space<vmem>> -> memref<1x128xi32, #tpu.memory_space<vmem>>
    %dma_start3A_65 = tpu.memref_squeeze %dma_start3A_64 : memref<1x128xi32, #tpu.memory_space<vmem>> -> memref<128xi32, #tpu.memory_space<vmem>>
    %dma_start3A_66 = arith.constant 0 : i32
    %dma_start3A_67 = arith.constant 0 : i32
    %dma_start3A_68 = tpu.memref_slice %arg3[%dma_start3A_66, %dma_start3A_67] : memref<10000x128xf32, #tpu.memory_space<hbm>> -> memref<10000x128xf32, #tpu.memory_space<hbm>>
    tpu.enqueue_indirect_dma source(%dma_start3A_68 : memref<10000x128xf32, #tpu.memory_space<hbm>>) target(%arg8 : memref<128x128xf32, #tpu.memory_space<vmem>>) offsets(%dma_start3A_65 : memref<128xi32, #tpu.memory_space<vmem>>) semaphore(%arg11 : memref<!tpu.dma_semaphore, #tpu.memory_space<semaphore_mem>>)
    %scan3A_69 = arith.constant 0 : i32
    %scan3A_70 = arith.constant 0 : i32
    %scan3A_71 = arith.constant 19 : i32
    %scan3A_72 = arith.addi %scan3A_70, %scan3A_71 : i32
    %scan3A_73 = arith.constant 1 : i32
    scf.for %scan3A_112 = %scan3A_70 to %scan3A_72 step %scan3A_73  : i32 {
      %mul3A_113 = arith.constant 2 : i32
      %mul3A_114 = arith.muli %mul3A_113, %scan3A_112 : i32
      %dma_wait3A_115 = arith.constant 0 : i32
      %dma_wait3A_116 = tpu.memref_slice %arg5[%mul3A_114, %dma_wait3A_115] : memref<40x128xi32, #tpu.memory_space<vmem>> -> memref<1x128xi32, #tpu.memory_space<vmem>>
      %dma_wait3A_117 = tpu.memref_squeeze %dma_wait3A_116 : memref<1x128xi32, #tpu.memory_space<vmem>> -> memref<128xi32, #tpu.memory_space<vmem>>
      %dma_wait3A_118 = arith.constant 0 : i32
      %dma_wait3A_119 = arith.constant 0 : i32
      %dma_wait3A_120 = tpu.memref_slice %arg3[%dma_wait3A_118, %dma_wait3A_119] : memref<10000x128xf32, #tpu.memory_space<hbm>> -> memref<10000x128xf32, #tpu.memory_space<hbm>>
      tpu.wait_indirect_dma semaphore(%arg10 : memref<!tpu.dma_semaphore, #tpu.memory_space<semaphore_mem>>) src(%dma_wait3A_120 : memref<10000x128xf32, #tpu.memory_space<hbm>>) dst(%arg7 : memref<128x128xf32, #tpu.memory_space<vmem>>)
      "tpu.region"() ({
        %run_scoped3A_147 = tpu.sem_alloc : memref<!tpu.dma_semaphore, #tpu.memory_space<semaphore_mem>>
        %dma_start3A_148 = arith.constant 0 : i32
        %dma_start3A_149 = tpu.memref_slice %arg6[%mul3A_114, %dma_start3A_148] : memref<40x128xi32, #tpu.memory_space<vmem>> -> memref<1x128xi32, #tpu.memory_space<vmem>>
        %dma_start3A_150 = tpu.memref_squeeze %dma_start3A_149 : memref<1x128xi32, #tpu.memory_space<vmem>> -> memref<128xi32, #tpu.memory_space<vmem>>
        %dma_start3A_151 = arith.constant 0 : i32
        %dma_start3A_152 = arith.constant 0 : i32
        %dma_start3A_153 = tpu.memref_slice %arg9[%dma_start3A_151, %dma_start3A_152] : memref<10240x128xf32, #tpu.memory_space<vmem_shared>> -> memref<10240x128xf32, #tpu.memory_space<vmem_shared>>
        tpu.enqueue_indirect_dma source(%arg7 : memref<128x128xf32, #tpu.memory_space<vmem>>) target(%dma_start3A_153 : memref<10240x128xf32, #tpu.memory_space<vmem_shared>>) offsets(%dma_start3A_150 : memref<128xi32, #tpu.memory_space<vmem>>) semaphore(%run_scoped3A_147 : memref<!tpu.dma_semaphore, #tpu.memory_space<semaphore_mem>>) {add = true}
        %dma_wait3A_154 = arith.constant 0 : i32
        %dma_wait3A_155 = tpu.memref_slice %arg6[%mul3A_114, %dma_wait3A_154] : memref<40x128xi32, #tpu.memory_space<vmem>> -> memref<1x128xi32, #tpu.memory_space<vmem>>
        %dma_wait3A_156 = tpu.memref_squeeze %dma_wait3A_155 : memref<1x128xi32, #tpu.memory_space<vmem>> -> memref<128xi32, #tpu.memory_space<vmem>>
        %dma_wait3A_157 = arith.constant 0 : i32
        %dma_wait3A_158 = arith.constant 0 : i32
        %dma_wait3A_159 = tpu.memref_slice %arg9[%dma_wait3A_157, %dma_wait3A_158] : memref<10240x128xf32, #tpu.memory_space<vmem_shared>> -> memref<10240x128xf32, #tpu.memory_space<vmem_shared>>
        tpu.wait_indirect_dma semaphore(%run_scoped3A_147 : memref<!tpu.dma_semaphore, #tpu.memory_space<semaphore_mem>>) src(%arg7 : memref<128x128xf32, #tpu.memory_space<vmem>>) dst(%dma_wait3A_159 : memref<10240x128xf32, #tpu.memory_space<vmem_shared>>)
        tpu.yield
      }) : () -> ()
      %add3A_121 = arith.constant 2 : i32
      %add3A_122 = arith.addi %mul3A_114, %add3A_121 : i32
      %dma_start3A_123 = arith.constant 0 : i32
      %dma_start3A_124 = tpu.memref_slice %arg5[%add3A_122, %dma_start3A_123] : memref<40x128xi32, #tpu.memory_space<vmem>> -> memref<1x128xi32, #tpu.memory_space<vmem>>
      %dma_start3A_125 = tpu.memref_squeeze %dma_start3A_124 : memref<1x128xi32, #tpu.memory_space<vmem>> -> memref<128xi32, #tpu.memory_space<vmem>>
      %dma_start3A_126 = arith.constant 0 : i32
      %dma_start3A_127 = arith.constant 0 : i32
      %dma_start3A_128 = tpu.memref_slice %arg3[%dma_start3A_126, %dma_start3A_127] : memref<10000x128xf32, #tpu.memory_space<hbm>> -> memref<10000x128xf32, #tpu.memory_space<hbm>>
      tpu.enqueue_indirect_dma source(%dma_start3A_128 : memref<10000x128xf32, #tpu.memory_space<hbm>>) target(%arg7 : memref<128x128xf32, #tpu.memory_space<vmem>>) offsets(%dma_start3A_125 : memref<128xi32, #tpu.memory_space<vmem>>) semaphore(%arg10 : memref<!tpu.dma_semaphore, #tpu.memory_space<semaphore_mem>>)
      %add3A_129 = arith.constant 1 : i32
      %add3A_130 = arith.addi %mul3A_114, %add3A_129 : i32
      %dma_wait3A_131 = arith.constant 0 : i32
      %dma_wait3A_132 = tpu.memref_slice %arg5[%add3A_130, %dma_wait3A_131] : memref<40x128xi32, #tpu.memory_space<vmem>> -> memref<1x128xi32, #tpu.memory_space<vmem>>
      %dma_wait3A_133 = tpu.memref_squeeze %dma_wait3A_132 : memref<1x128xi32, #tpu.memory_space<vmem>> -> memref<128xi32, #tpu.memory_space<vmem>>
      %dma_wait3A_134 = arith.constant 0 : i32
      %dma_wait3A_135 = arith.constant 0 : i32
      %dma_wait3A_136 = tpu.memref_slice %arg3[%dma_wait3A_134, %dma_wait3A_135] : memref<10000x128xf32, #tpu.memory_space<hbm>> -> memref<10000x128xf32, #tpu.memory_space<hbm>>
      tpu.wait_indirect_dma semaphore(%arg11 : memref<!tpu.dma_semaphore, #tpu.memory_space<semaphore_mem>>) src(%dma_wait3A_136 : memref<10000x128xf32, #tpu.memory_space<hbm>>) dst(%arg8 : memref<128x128xf32, #tpu.memory_space<vmem>>)
      %add3A_137 = arith.constant 1 : i32
      %add3A_138 = arith.addi %mul3A_114, %add3A_137 : i32
      "tpu.region"() ({
        %run_scoped3A_147 = tpu.sem_alloc : memref<!tpu.dma_semaphore, #tpu.memory_space<semaphore_mem>>
        %dma_start3A_148 = arith.constant 0 : i32
        %dma_start3A_149 = tpu.memref_slice %arg6[%add3A_138, %dma_start3A_148] : memref<40x128xi32, #tpu.memory_space<vmem>> -> memref<1x128xi32, #tpu.memory_space<vmem>>
        %dma_start3A_150 = tpu.memref_squeeze %dma_start3A_149 : memref<1x128xi32, #tpu.memory_space<vmem>> -> memref<128xi32, #tpu.memory_space<vmem>>
        %dma_start3A_151 = arith.constant 0 : i32
        %dma_start3A_152 = arith.constant 0 : i32
        %dma_start3A_153 = tpu.memref_slice %arg9[%dma_start3A_151, %dma_start3A_152] : memref<10240x128xf32, #tpu.memory_space<vmem_shared>> -> memref<10240x128xf32, #tpu.memory_space<vmem_shared>>
        tpu.enqueue_indirect_dma source(%arg8 : memref<128x128xf32, #tpu.memory_space<vmem>>) target(%dma_start3A_153 : memref<10240x128xf32, #tpu.memory_space<vmem_shared>>) offsets(%dma_start3A_150 : memref<128xi32, #tpu.memory_space<vmem>>) semaphore(%run_scoped3A_147 : memref<!tpu.dma_semaphore, #tpu.memory_space<semaphore_mem>>) {add = true}
        %dma_wait3A_154 = arith.constant 0 : i32
        %dma_wait3A_155 = tpu.memref_slice %arg6[%add3A_138, %dma_wait3A_154] : memref<40x128xi32, #tpu.memory_space<vmem>> -> memref<1x128xi32, #tpu.memory_space<vmem>>
        %dma_wait3A_156 = tpu.memref_squeeze %dma_wait3A_155 : memref<1x128xi32, #tpu.memory_space<vmem>> -> memref<128xi32, #tpu.memory_space<vmem>>
        %dma_wait3A_157 = arith.constant 0 : i32
        %dma_wait3A_158 = arith.constant 0 : i32
        %dma_wait3A_159 = tpu.memref_slice %arg9[%dma_wait3A_157, %dma_wait3A_158] : memref<10240x128xf32, #tpu.memory_space<vmem_shared>> -> memref<10240x128xf32, #tpu.memory_space<vmem_shared>>
        tpu.wait_indirect_dma semaphore(%run_scoped3A_147 : memref<!tpu.dma_semaphore, #tpu.memory_space<semaphore_mem>>) src(%arg8 : memref<128x128xf32, #tpu.memory_space<vmem>>) dst(%dma_wait3A_159 : memref<10240x128xf32, #tpu.memory_space<vmem_shared>>)
        tpu.yield
      }) : () -> ()
      %add3A_139 = arith.constant 3 : i32
      %add3A_140 = arith.addi %mul3A_114, %add3A_139 : i32
      %dma_start3A_141 = arith.constant 0 : i32
      %dma_start3A_142 = tpu.memref_slice %arg5[%add3A_140, %dma_start3A_141] : memref<40x128xi32, #tpu.memory_space<vmem>> -> memref<1x128xi32, #tpu.memory_space<vmem>>
      %dma_start3A_143 = tpu.memref_squeeze %dma_start3A_142 : memref<1x128xi32, #tpu.memory_space<vmem>> -> memref<128xi32, #tpu.memory_space<vmem>>
      %dma_start3A_144 = arith.constant 0 : i32
      %dma_start3A_145 = arith.constant 0 : i32
      %dma_start3A_146 = tpu.memref_slice %arg3[%dma_start3A_144, %dma_start3A_145] : memref<10000x128xf32, #tpu.memory_space<hbm>> -> memref<10000x128xf32, #tpu.memory_space<hbm>>
      tpu.enqueue_indirect_dma source(%dma_start3A_146 : memref<10000x128xf32, #tpu.memory_space<hbm>>) target(%arg8 : memref<128x128xf32, #tpu.memory_space<vmem>>) offsets(%dma_start3A_143 : memref<128xi32, #tpu.memory_space<vmem>>) semaphore(%arg11 : memref<!tpu.dma_semaphore, #tpu.memory_space<semaphore_mem>>)
    }
    %scan3A_74 = arith.constant 19 : i32
    %dma_wait3A_75 = arith.constant 38 : i32
    %dma_wait3A_76 = arith.constant 0 : i32
    %dma_wait3A_77 = tpu.memref_slice %arg5[%dma_wait3A_75, %dma_wait3A_76] : memref<40x128xi32, #tpu.memory_space<vmem>> -> memref<1x128xi32, #tpu.memory_space<vmem>>
    %dma_wait3A_78 = tpu.memref_squeeze %dma_wait3A_77 : memref<1x128xi32, #tpu.memory_space<vmem>> -> memref<128xi32, #tpu.memory_space<vmem>>
    %dma_wait3A_79 = arith.constant 0 : i32
    %dma_wait3A_80 = arith.constant 0 : i32
    %dma_wait3A_81 = tpu.memref_slice %arg3[%dma_wait3A_79, %dma_wait3A_80] : memref<10000x128xf32, #tpu.memory_space<hbm>> -> memref<10000x128xf32, #tpu.memory_space<hbm>>
    tpu.wait_indirect_dma semaphore(%arg10 : memref<!tpu.dma_semaphore, #tpu.memory_space<semaphore_mem>>) src(%dma_wait3A_81 : memref<10000x128xf32, #tpu.memory_space<hbm>>) dst(%arg7 : memref<128x128xf32, #tpu.memory_space<vmem>>)
    %run_scoped3A_82 = arith.constant 38 : i32
    "tpu.region"() ({
      %run_scoped3A_112 = tpu.sem_alloc : memref<!tpu.dma_semaphore, #tpu.memory_space<semaphore_mem>>
      %dma_start3A_113 = arith.constant 0 : i32
      %dma_start3A_114 = tpu.memref_slice %arg6[%run_scoped3A_82, %dma_start3A_113] : memref<40x128xi32, #tpu.memory_space<vmem>> -> memref<1x128xi32, #tpu.memory_space<vmem>>
      %dma_start3A_115 = tpu.memref_squeeze %dma_start3A_114 : memref<1x128xi32, #tpu.memory_space<vmem>> -> memref<128xi32, #tpu.memory_space<vmem>>
      %dma_start3A_116 = arith.constant 0 : i32
      %dma_start3A_117 = arith.constant 0 : i32
      %dma_start3A_118 = tpu.memref_slice %arg9[%dma_start3A_116, %dma_start3A_117] : memref<10240x128xf32, #tpu.memory_space<vmem_shared>> -> memref<10240x128xf32, #tpu.memory_space<vmem_shared>>
      tpu.enqueue_indirect_dma source(%arg7 : memref<128x128xf32, #tpu.memory_space<vmem>>) target(%dma_start3A_118 : memref<10240x128xf32, #tpu.memory_space<vmem_shared>>) offsets(%dma_start3A_115 : memref<128xi32, #tpu.memory_space<vmem>>) semaphore(%run_scoped3A_112 : memref<!tpu.dma_semaphore, #tpu.memory_space<semaphore_mem>>) {add = true}
      %dma_wait3A_119 = arith.constant 0 : i32
      %dma_wait3A_120 = tpu.memref_slice %arg6[%run_scoped3A_82, %dma_wait3A_119] : memref<40x128xi32, #tpu.memory_space<vmem>> -> memref<1x128xi32, #tpu.memory_space<vmem>>
      %dma_wait3A_121 = tpu.memref_squeeze %dma_wait3A_120 : memref<1x128xi32, #tpu.memory_space<vmem>> -> memref<128xi32, #tpu.memory_space<vmem>>
      %dma_wait3A_122 = arith.constant 0 : i32
      %dma_wait3A_123 = arith.constant 0 : i32
      %dma_wait3A_124 = tpu.memref_slice %arg9[%dma_wait3A_122, %dma_wait3A_123] : memref<10240x128xf32, #tpu.memory_space<vmem_shared>> -> memref<10240x128xf32, #tpu.memory_space<vmem_shared>>
      tpu.wait_indirect_dma semaphore(%run_scoped3A_112 : memref<!tpu.dma_semaphore, #tpu.memory_space<semaphore_mem>>) src(%arg7 : memref<128x128xf32, #tpu.memory_space<vmem>>) dst(%dma_wait3A_124 : memref<10240x128xf32, #tpu.memory_space<vmem_shared>>)
      tpu.yield
    }) : () -> ()
    %dma_wait3A_83 = arith.constant 39 : i32
    %dma_wait3A_84 = arith.constant 0 : i32
    %dma_wait3A_85 = tpu.memref_slice %arg5[%dma_wait3A_83, %dma_wait3A_84] : memref<40x128xi32, #tpu.memory_space<vmem>> -> memref<1x128xi32, #tpu.memory_space<vmem>>
    %dma_wait3A_86 = tpu.memref_squeeze %dma_wait3A_85 : memref<1x128xi32, #tpu.memory_space<vmem>> -> memref<128xi32, #tpu.memory_space<vmem>>
    %dma_wait3A_87 = arith.constant 0 : i32
    %dma_wait3A_88 = arith.constant 0 : i32
    %dma_wait3A_89 = tpu.memref_slice %arg3[%dma_wait3A_87, %dma_wait3A_88] : memref<10000x128xf32, #tpu.memory_space<hbm>> -> memref<10000x128xf32, #tpu.memory_space<hbm>>
    tpu.wait_indirect_dma semaphore(%arg11 : memref<!tpu.dma_semaphore, #tpu.memory_space<semaphore_mem>>) src(%dma_wait3A_89 : memref<10000x128xf32, #tpu.memory_space<hbm>>) dst(%arg8 : memref<128x128xf32, #tpu.memory_space<vmem>>)
    %run_scoped3A_90 = arith.constant 39 : i32
    "tpu.region"() ({
      %run_scoped3A_112 = tpu.sem_alloc : memref<!tpu.dma_semaphore, #tpu.memory_space<semaphore_mem>>
      %dma_start3A_113 = arith.constant 0 : i32
      %dma_start3A_114 = tpu.memref_slice %arg6[%run_scoped3A_90, %dma_start3A_113] : memref<40x128xi32, #tpu.memory_space<vmem>> -> memref<1x128xi32, #tpu.memory_space<vmem>>
      %dma_start3A_115 = tpu.memref_squeeze %dma_start3A_114 : memref<1x128xi32, #tpu.memory_space<vmem>> -> memref<128xi32, #tpu.memory_space<vmem>>
      %dma_start3A_116 = arith.constant 0 : i32
      %dma_start3A_117 = arith.constant 0 : i32
      %dma_start3A_118 = tpu.memref_slice %arg9[%dma_start3A_116, %dma_start3A_117] : memref<10240x128xf32, #tpu.memory_space<vmem_shared>> -> memref<10240x128xf32, #tpu.memory_space<vmem_shared>>
      tpu.enqueue_indirect_dma source(%arg8 : memref<128x128xf32, #tpu.memory_space<vmem>>) target(%dma_start3A_118 : memref<10240x128xf32, #tpu.memory_space<vmem_shared>>) offsets(%dma_start3A_115 : memref<128xi32, #tpu.memory_space<vmem>>) semaphore(%run_scoped3A_112 : memref<!tpu.dma_semaphore, #tpu.memory_space<semaphore_mem>>) {add = true}
      %dma_wait3A_119 = arith.constant 0 : i32
      %dma_wait3A_120 = tpu.memref_slice %arg6[%run_scoped3A_90, %dma_wait3A_119] : memref<40x128xi32, #tpu.memory_space<vmem>> -> memref<1x128xi32, #tpu.memory_space<vmem>>
      %dma_wait3A_121 = tpu.memref_squeeze %dma_wait3A_120 : memref<1x128xi32, #tpu.memory_space<vmem>> -> memref<128xi32, #tpu.memory_space<vmem>>
      %dma_wait3A_122 = arith.constant 0 : i32
      %dma_wait3A_123 = arith.constant 0 : i32
      %dma_wait3A_124 = tpu.memref_slice %arg9[%dma_wait3A_122, %dma_wait3A_123] : memref<10240x128xf32, #tpu.memory_space<vmem_shared>> -> memref<10240x128xf32, #tpu.memory_space<vmem_shared>>
      tpu.wait_indirect_dma semaphore(%run_scoped3A_112 : memref<!tpu.dma_semaphore, #tpu.memory_space<semaphore_mem>>) src(%arg8 : memref<128x128xf32, #tpu.memory_space<vmem>>) dst(%dma_wait3A_124 : memref<10240x128xf32, #tpu.memory_space<vmem_shared>>)
      tpu.yield
    }) : () -> ()
    %barrier3A_91 = arith.constant 0 : index
    tpu.barrier barrier_id(%barrier3A_91)
    %add3A_92 = arith.constant 0 : i32
    %add3A_93 = arith.addi %multiple_of3A, %add3A_92 : i32
    "tpu.region"() ({
      %run_scoped3A_112 = tpu.sem_alloc : memref<!tpu.dma_semaphore, #tpu.memory_space<semaphore_mem>>
      %dma_start3A_113 = arith.constant 0 : i32
      %dma_start3A_114 = tpu.memref_slice %arg9[%add3A_93, %dma_start3A_113] : memref<10240x128xf32, #tpu.memory_space<vmem_shared>> -> memref<128x128xf32, #tpu.memory_space<vmem_shared>>
      %dma_start3A_115 = arith.constant 0 : i32
      %dma_start3A_116 = tpu.memref_slice %arg9[%add3A_93, %dma_start3A_115] : memref<10240x128xf32, #tpu.memory_space<vmem_shared>> -> memref<128x128xf32, #tpu.memory_space<vmem_shared>>
      tpu.enqueue_dma source(%dma_start3A_116 : memref<128x128xf32, #tpu.memory_space<vmem_shared>>) target(%arg7 : memref<128x128xf32, #tpu.memory_space<vmem>>) target_semaphore(%run_scoped3A_112 : memref<!tpu.dma_semaphore, #tpu.memory_space<semaphore_mem>>)
      %dma_wait3A_117 = arith.constant 0 : i32
      %dma_wait3A_118 = tpu.memref_slice %arg9[%add3A_93, %dma_wait3A_117] : memref<10240x128xf32, #tpu.memory_space<vmem_shared>> -> memref<128x128xf32, #tpu.memory_space<vmem_shared>>
      %dma_wait3A_119 = arith.constant 0 : i32
      %dma_wait3A_120 = tpu.memref_slice %arg9[%add3A_93, %dma_wait3A_119] : memref<10240x128xf32, #tpu.memory_space<vmem_shared>> -> memref<128x128xf32, #tpu.memory_space<vmem_shared>>
      tpu.wait_dma2 semaphore(%run_scoped3A_112 : memref<!tpu.dma_semaphore, #tpu.memory_space<semaphore_mem>>) src(%dma_wait3A_120 : memref<128x128xf32, #tpu.memory_space<vmem_shared>>) dst(%arg7 : memref<128x128xf32, #tpu.memory_space<vmem>>)
      tpu.yield
    }) : () -> ()
    %add3A_94 = arith.constant 0 : i32
    %add3A_95 = arith.addi %multiple_of3A, %add3A_94 : i32
    "tpu.region"() ({
      %run_scoped3A_112 = tpu.sem_alloc : memref<!tpu.dma_semaphore, #tpu.memory_space<semaphore_mem>>
      %dma_start3A_113 = arith.constant 0 : i32
      %dma_start3A_114 = tpu.memref_slice %arg4[%arg0, %add3A_95, %dma_start3A_113] : memref<2x10240x128xf32, #tpu.memory_space<hbm>> -> memref<1x128x128xf32, #tpu.memory_space<hbm>>
      %dma_start3A_115 = tpu.memref_squeeze %dma_start3A_114 : memref<1x128x128xf32, #tpu.memory_space<hbm>> -> memref<128x128xf32, #tpu.memory_space<hbm>>
      %dma_start3A_116 = arith.constant 0 : i32
      %dma_start3A_117 = tpu.memref_slice %arg4[%arg0, %add3A_95, %dma_start3A_116] : memref<2x10240x128xf32, #tpu.memory_space<hbm>> -> memref<1x128x128xf32, #tpu.memory_space<hbm>>
      %dma_start3A_118 = tpu.memref_squeeze %dma_start3A_117 : memref<1x128x128xf32, #tpu.memory_space<hbm>> -> memref<128x128xf32, #tpu.memory_space<hbm>>
      tpu.enqueue_dma source(%arg7 : memref<128x128xf32, #tpu.memory_space<vmem>>) target(%dma_start3A_118 : memref<128x128xf32, #tpu.memory_space<hbm>>) target_semaphore(%run_scoped3A_112 : memref<!tpu.dma_semaphore, #tpu.memory_space<semaphore_mem>>)
      %dma_wait3A_119 = arith.constant 0 : i32
      %dma_wait3A_120 = tpu.memref_slice %arg4[%arg0, %add3A_95, %dma_wait3A_119] : memref<2x10240x128xf32, #tpu.memory_space<hbm>> -> memref<1x128x128xf32, #tpu.memory_space<hbm>>
      %dma_wait3A_121 = tpu.memref_squeeze %dma_wait3A_120 : memref<1x128x128xf32, #tpu.memory_space<hbm>> -> memref<128x128xf32, #tpu.memory_space<hbm>>
      %dma_wait3A_122 = arith.constant 0 : i32
      %dma_wait3A_123 = tpu.memref_slice %arg4[%arg0, %add3A_95, %dma_wait3A_122] : memref<2x10240x128xf32, #tpu.memory_space<hbm>> -> memref<1x128x128xf32, #tpu.memory_space<hbm>>
      %dma_wait3A_124 = tpu.memref_squeeze %dma_wait3A_123 : memref<1x128x128xf32, #tpu.memory_space<hbm>> -> memref<128x128xf32, #tpu.memory_space<hbm>>
      tpu.wait_dma2 semaphore(%run_scoped3A_112 : memref<!tpu.dma_semaphore, #tpu.memory_space<semaphore_mem>>) src(%arg7 : memref<128x128xf32, #tpu.memory_space<vmem>>) dst(%dma_wait3A_124 : memref<128x128xf32, #tpu.memory_space<hbm>>)
      tpu.yield
    }) : () -> ()
    %add3A_96 = arith.constant 128 : i32
    %add3A_97 = arith.addi %multiple_of3A, %add3A_96 : i32
    "tpu.region"() ({
      %run_scoped3A_112 = tpu.sem_alloc : memref<!tpu.dma_semaphore, #tpu.memory_space<semaphore_mem>>
      %dma_start3A_113 = arith.constant 0 : i32
      %dma_start3A_114 = tpu.memref_slice %arg9[%add3A_97, %dma_start3A_113] : memref<10240x128xf32, #tpu.memory_space<vmem_shared>> -> memref<128x128xf32, #tpu.memory_space<vmem_shared>>
      %dma_start3A_115 = arith.constant 0 : i32
      %dma_start3A_116 = tpu.memref_slice %arg9[%add3A_97, %dma_start3A_115] : memref<10240x128xf32, #tpu.memory_space<vmem_shared>> -> memref<128x128xf32, #tpu.memory_space<vmem_shared>>
      tpu.enqueue_dma source(%dma_start3A_116 : memref<128x128xf32, #tpu.memory_space<vmem_shared>>) target(%arg7 : memref<128x128xf32, #tpu.memory_space<vmem>>) target_semaphore(%run_scoped3A_112 : memref<!tpu.dma_semaphore, #tpu.memory_space<semaphore_mem>>)
      %dma_wait3A_117 = arith.constant 0 : i32
      %dma_wait3A_118 = tpu.memref_slice %arg9[%add3A_97, %dma_wait3A_117] : memref<10240x128xf32, #tpu.memory_space<vmem_shared>> -> memref<128x128xf32, #tpu.memory_space<vmem_shared>>
      %dma_wait3A_119 = arith.constant 0 : i32
      %dma_wait3A_120 = tpu.memref_slice %arg9[%add3A_97, %dma_wait3A_119] : memref<10240x128xf32, #tpu.memory_space<vmem_shared>> -> memref<128x128xf32, #tpu.memory_space<vmem_shared>>
      tpu.wait_dma2 semaphore(%run_scoped3A_112 : memref<!tpu.dma_semaphore, #tpu.memory_space<semaphore_mem>>) src(%dma_wait3A_120 : memref<128x128xf32, #tpu.memory_space<vmem_shared>>) dst(%arg7 : memref<128x128xf32, #tpu.memory_space<vmem>>)
      tpu.yield
    }) : () -> ()
    %add3A_98 = arith.constant 128 : i32
    %add3A_99 = arith.addi %multiple_of3A, %add3A_98 : i32
    "tpu.region"() ({
      %run_scoped3A_112 = tpu.sem_alloc : memref<!tpu.dma_semaphore, #tpu.memory_space<semaphore_mem>>
      %dma_start3A_113 = arith.constant 0 : i32
      %dma_start3A_114 = tpu.memref_slice %arg4[%arg0, %add3A_99, %dma_start3A_113] : memref<2x10240x128xf32, #tpu.memory_space<hbm>> -> memref<1x128x128xf32, #tpu.memory_space<hbm>>
      %dma_start3A_115 = tpu.memref_squeeze %dma_start3A_114 : memref<1x128x128xf32, #tpu.memory_space<hbm>> -> memref<128x128xf32, #tpu.memory_space<hbm>>
      %dma_start3A_116 = arith.constant 0 : i32
      %dma_start3A_117 = tpu.memref_slice %arg4[%arg0, %add3A_99, %dma_start3A_116] : memref<2x10240x128xf32, #tpu.memory_space<hbm>> -> memref<1x128x128xf32, #tpu.memory_space<hbm>>
      %dma_start3A_118 = tpu.memref_squeeze %dma_start3A_117 : memref<1x128x128xf32, #tpu.memory_space<hbm>> -> memref<128x128xf32, #tpu.memory_space<hbm>>
      tpu.enqueue_dma source(%arg7 : memref<128x128xf32, #tpu.memory_space<vmem>>) target(%dma_start3A_118 : memref<128x128xf32, #tpu.memory_space<hbm>>) target_semaphore(%run_scoped3A_112 : memref<!tpu.dma_semaphore, #tpu.memory_space<semaphore_mem>>)
      %dma_wait3A_119 = arith.constant 0 : i32
      %dma_wait3A_120 = tpu.memref_slice %arg4[%arg0, %add3A_99, %dma_wait3A_119] : memref<2x10240x128xf32, #tpu.memory_space<hbm>> -> memref<1x128x128xf32, #tpu.memory_space<hbm>>
      %dma_wait3A_121 = tpu.memref_squeeze %dma_wait3A_120 : memref<1x128x128xf32, #tpu.memory_space<hbm>> -> memref<128x128xf32, #tpu.memory_space<hbm>>
      %dma_wait3A_122 = arith.constant 0 : i32
      %dma_wait3A_123 = tpu.memref_slice %arg4[%arg0, %add3A_99, %dma_wait3A_122] : memref<2x10240x128xf32, #tpu.memory_space<hbm>> -> memref<1x128x128xf32, #tpu.memory_space<hbm>>
      %dma_wait3A_124 = tpu.memref_squeeze %dma_wait3A_123 : memref<1x128x128xf32, #tpu.memory_space<hbm>> -> memref<128x128xf32, #tpu.memory_space<hbm>>
      tpu.wait_dma2 semaphore(%run_scoped3A_112 : memref<!tpu.dma_semaphore, #tpu.memory_space<semaphore_mem>>) src(%arg7 : memref<128x128xf32, #tpu.memory_space<vmem>>) dst(%dma_wait3A_124 : memref<128x128xf32, #tpu.memory_space<hbm>>)
      tpu.yield
    }) : () -> ()
    %add3A_100 = arith.constant 256 : i32
    %add3A_101 = arith.addi %multiple_of3A, %add3A_100 : i32
    "tpu.region"() ({
      %run_scoped3A_112 = tpu.sem_alloc : memref<!tpu.dma_semaphore, #tpu.memory_space<semaphore_mem>>
      %dma_start3A_113 = arith.constant 0 : i32
      %dma_start3A_114 = tpu.memref_slice %arg9[%add3A_101, %dma_start3A_113] : memref<10240x128xf32, #tpu.memory_space<vmem_shared>> -> memref<128x128xf32, #tpu.memory_space<vmem_shared>>
      %dma_start3A_115 = arith.constant 0 : i32
      %dma_start3A_116 = tpu.memref_slice %arg9[%add3A_101, %dma_start3A_115] : memref<10240x128xf32, #tpu.memory_space<vmem_shared>> -> memref<128x128xf32, #tpu.memory_space<vmem_shared>>
      tpu.enqueue_dma source(%dma_start3A_116 : memref<128x128xf32, #tpu.memory_space<vmem_shared>>) target(%arg7 : memref<128x128xf32, #tpu.memory_space<vmem>>) target_semaphore(%run_scoped3A_112 : memref<!tpu.dma_semaphore, #tpu.memory_space<semaphore_mem>>)
      %dma_wait3A_117 = arith.constant 0 : i32
      %dma_wait3A_118 = tpu.memref_slice %arg9[%add3A_101, %dma_wait3A_117] : memref<10240x128xf32, #tpu.memory_space<vmem_shared>> -> memref<128x128xf32, #tpu.memory_space<vmem_shared>>
      %dma_wait3A_119 = arith.constant 0 : i32
      %dma_wait3A_120 = tpu.memref_slice %arg9[%add3A_101, %dma_wait3A_119] : memref<10240x128xf32, #tpu.memory_space<vmem_shared>> -> memref<128x128xf32, #tpu.memory_space<vmem_shared>>
      tpu.wait_dma2 semaphore(%run_scoped3A_112 : memref<!tpu.dma_semaphore, #tpu.memory_space<semaphore_mem>>) src(%dma_wait3A_120 : memref<128x128xf32, #tpu.memory_space<vmem_shared>>) dst(%arg7 : memref<128x128xf32, #tpu.memory_space<vmem>>)
      tpu.yield
    }) : () -> ()
    %add3A_102 = arith.constant 256 : i32
    %add3A_103 = arith.addi %multiple_of3A, %add3A_102 : i32
    "tpu.region"() ({
      %run_scoped3A_112 = tpu.sem_alloc : memref<!tpu.dma_semaphore, #tpu.memory_space<semaphore_mem>>
      %dma_start3A_113 = arith.constant 0 : i32
      %dma_start3A_114 = tpu.memref_slice %arg4[%arg0, %add3A_103, %dma_start3A_113] : memref<2x10240x128xf32, #tpu.memory_space<hbm>> -> memref<1x128x128xf32, #tpu.memory_space<hbm>>
      %dma_start3A_115 = tpu.memref_squeeze %dma_start3A_114 : memref<1x128x128xf32, #tpu.memory_space<hbm>> -> memref<128x128xf32, #tpu.memory_space<hbm>>
      %dma_start3A_116 = arith.constant 0 : i32
      %dma_start3A_117 = tpu.memref_slice %arg4[%arg0, %add3A_103, %dma_start3A_116] : memref<2x10240x128xf32, #tpu.memory_space<hbm>> -> memref<1x128x128xf32, #tpu.memory_space<hbm>>
      %dma_start3A_118 = tpu.memref_squeeze %dma_start3A_117 : memref<1x128x128xf32, #tpu.memory_space<hbm>> -> memref<128x128xf32, #tpu.memory_space<hbm>>
      tpu.enqueue_dma source(%arg7 : memref<128x128xf32, #tpu.memory_space<vmem>>) target(%dma_start3A_118 : memref<128x128xf32, #tpu.memory_space<hbm>>) target_semaphore(%run_scoped3A_112 : memref<!tpu.dma_semaphore, #tpu.memory_space<semaphore_mem>>)
      %dma_wait3A_119 = arith.constant 0 : i32
      %dma_wait3A_120 = tpu.memref_slice %arg4[%arg0, %add3A_103, %dma_wait3A_119] : memref<2x10240x128xf32, #tpu.memory_space<hbm>> -> memref<1x128x128xf32, #tpu.memory_space<hbm>>
      %dma_wait3A_121 = tpu.memref_squeeze %dma_wait3A_120 : memref<1x128x128xf32, #tpu.memory_space<hbm>> -> memref<128x128xf32, #tpu.memory_space<hbm>>
      %dma_wait3A_122 = arith.constant 0 : i32
      %dma_wait3A_123 = tpu.memref_slice %arg4[%arg0, %add3A_103, %dma_wait3A_122] : memref<2x10240x128xf32, #tpu.memory_space<hbm>> -> memref<1x128x128xf32, #tpu.memory_space<hbm>>
      %dma_wait3A_124 = tpu.memref_squeeze %dma_wait3A_123 : memref<1x128x128xf32, #tpu.memory_space<hbm>> -> memref<128x128xf32, #tpu.memory_space<hbm>>
      tpu.wait_dma2 semaphore(%run_scoped3A_112 : memref<!tpu.dma_semaphore, #tpu.memory_space<semaphore_mem>>) src(%arg7 : memref<128x128xf32, #tpu.memory_space<vmem>>) dst(%dma_wait3A_124 : memref<128x128xf32, #tpu.memory_space<hbm>>)
      tpu.yield
    }) : () -> ()
    %add3A_104 = arith.constant 384 : i32
    %add3A_105 = arith.addi %multiple_of3A, %add3A_104 : i32
    "tpu.region"() ({
      %run_scoped3A_112 = tpu.sem_alloc : memref<!tpu.dma_semaphore, #tpu.memory_space<semaphore_mem>>
      %dma_start3A_113 = arith.constant 0 : i32
      %dma_start3A_114 = tpu.memref_slice %arg9[%add3A_105, %dma_start3A_113] : memref<10240x128xf32, #tpu.memory_space<vmem_shared>> -> memref<128x128xf32, #tpu.memory_space<vmem_shared>>
      %dma_start3A_115 = arith.constant 0 : i32
      %dma_start3A_116 = tpu.memref_slice %arg9[%add3A_105, %dma_start3A_115] : memref<10240x128xf32, #tpu.memory_space<vmem_shared>> -> memref<128x128xf32, #tpu.memory_space<vmem_shared>>
      tpu.enqueue_dma source(%dma_start3A_116 : memref<128x128xf32, #tpu.memory_space<vmem_shared>>) target(%arg7 : memref<128x128xf32, #tpu.memory_space<vmem>>) target_semaphore(%run_scoped3A_112 : memref<!tpu.dma_semaphore, #tpu.memory_space<semaphore_mem>>)
      %dma_wait3A_117 = arith.constant 0 : i32
      %dma_wait3A_118 = tpu.memref_slice %arg9[%add3A_105, %dma_wait3A_117] : memref<10240x128xf32, #tpu.memory_space<vmem_shared>> -> memref<128x128xf32, #tpu.memory_space<vmem_shared>>
      %dma_wait3A_119 = arith.constant 0 : i32
      %dma_wait3A_120 = tpu.memref_slice %arg9[%add3A_105, %dma_wait3A_119] : memref<10240x128xf32, #tpu.memory_space<vmem_shared>> -> memref<128x128xf32, #tpu.memory_space<vmem_shared>>
      tpu.wait_dma2 semaphore(%run_scoped3A_112 : memref<!tpu.dma_semaphore, #tpu.memory_space<semaphore_mem>>) src(%dma_wait3A_120 : memref<128x128xf32, #tpu.memory_space<vmem_shared>>) dst(%arg7 : memref<128x128xf32, #tpu.memory_space<vmem>>)
      tpu.yield
    }) : () -> ()
    %add3A_106 = arith.constant 384 : i32
    %add3A_107 = arith.addi %multiple_of3A, %add3A_106 : i32
    "tpu.region"() ({
      %run_scoped3A_112 = tpu.sem_alloc : memref<!tpu.dma_semaphore, #tpu.memory_space<semaphore_mem>>
      %dma_start3A_113 = arith.constant 0 : i32
      %dma_start3A_114 = tpu.memref_slice %arg4[%arg0, %add3A_107, %dma_start3A_113] : memref<2x10240x128xf32, #tpu.memory_space<hbm>> -> memref<1x128x128xf32, #tpu.memory_space<hbm>>
      %dma_start3A_115 = tpu.memref_squeeze %dma_start3A_114 : memref<1x128x128xf32, #tpu.memory_space<hbm>> -> memref<128x128xf32, #tpu.memory_space<hbm>>
      %dma_start3A_116 = arith.constant 0 : i32
      %dma_start3A_117 = tpu.memref_slice %arg4[%arg0, %add3A_107, %dma_start3A_116] : memref<2x10240x128xf32, #tpu.memory_space<hbm>> -> memref<1x128x128xf32, #tpu.memory_space<hbm>>
      %dma_start3A_118 = tpu.memref_squeeze %dma_start3A_117 : memref<1x128x128xf32, #tpu.memory_space<hbm>> -> memref<128x128xf32, #tpu.memory_space<hbm>>
      tpu.enqueue_dma source(%arg7 : memref<128x128xf32, #tpu.memory_space<vmem>>) target(%dma_start3A_118 : memref<128x128xf32, #tpu.memory_space<hbm>>) target_semaphore(%run_scoped3A_112 : memref<!tpu.dma_semaphore, #tpu.memory_space<semaphore_mem>>)
      %dma_wait3A_119 = arith.constant 0 : i32
      %dma_wait3A_120 = tpu.memref_slice %arg4[%arg0, %add3A_107, %dma_wait3A_119] : memref<2x10240x128xf32, #tpu.memory_space<hbm>> -> memref<1x128x128xf32, #tpu.memory_space<hbm>>
      %dma_wait3A_121 = tpu.memref_squeeze %dma_wait3A_120 : memref<1x128x128xf32, #tpu.memory_space<hbm>> -> memref<128x128xf32, #tpu.memory_space<hbm>>
      %dma_wait3A_122 = arith.constant 0 : i32
      %dma_wait3A_123 = tpu.memref_slice %arg4[%arg0, %add3A_107, %dma_wait3A_122] : memref<2x10240x128xf32, #tpu.memory_space<hbm>> -> memref<1x128x128xf32, #tpu.memory_space<hbm>>
      %dma_wait3A_124 = tpu.memref_squeeze %dma_wait3A_123 : memref<1x128x128xf32, #tpu.memory_space<hbm>> -> memref<128x128xf32, #tpu.memory_space<hbm>>
      tpu.wait_dma2 semaphore(%run_scoped3A_112 : memref<!tpu.dma_semaphore, #tpu.memory_space<semaphore_mem>>) src(%arg7 : memref<128x128xf32, #tpu.memory_space<vmem>>) dst(%dma_wait3A_124 : memref<128x128xf32, #tpu.memory_space<hbm>>)
      tpu.yield
    }) : () -> ()
    %add3A_108 = arith.constant 512 : i32
    %add3A_109 = arith.addi %multiple_of3A, %add3A_108 : i32
    "tpu.region"() ({
      %run_scoped3A_112 = tpu.sem_alloc : memref<!tpu.dma_semaphore, #tpu.memory_space<semaphore_mem>>
      %dma_start3A_113 = arith.constant 0 : i32
      %dma_start3A_114 = tpu.memref_slice %arg9[%add3A_109, %dma_start3A_113] : memref<10240x128xf32, #tpu.memory_space<vmem_shared>> -> memref<128x128xf32, #tpu.memory_space<vmem_shared>>
      %dma_start3A_115 = arith.constant 0 : i32
      %dma_start3A_116 = tpu.memref_slice %arg9[%add3A_109, %dma_start3A_115] : memref<10240x128xf32, #tpu.memory_space<vmem_shared>> -> memref<128x128xf32, #tpu.memory_space<vmem_shared>>
      tpu.enqueue_dma source(%dma_start3A_116 : memref<128x128xf32, #tpu.memory_space<vmem_shared>>) target(%arg7 : memref<128x128xf32, #tpu.memory_space<vmem>>) target_semaphore(%run_scoped3A_112 : memref<!tpu.dma_semaphore, #tpu.memory_space<semaphore_mem>>)
      %dma_wait3A_117 = arith.constant 0 : i32
      %dma_wait3A_118 = tpu.memref_slice %arg9[%add3A_109, %dma_wait3A_117] : memref<10240x128xf32, #tpu.memory_space<vmem_shared>> -> memref<128x128xf32, #tpu.memory_space<vmem_shared>>
      %dma_wait3A_119 = arith.constant 0 : i32
      %dma_wait3A_120 = tpu.memref_slice %arg9[%add3A_109, %dma_wait3A_119] : memref<10240x128xf32, #tpu.memory_space<vmem_shared>> -> memref<128x128xf32, #tpu.memory_space<vmem_shared>>
      tpu.wait_dma2 semaphore(%run_scoped3A_112 : memref<!tpu.dma_semaphore, #tpu.memory_space<semaphore_mem>>) src(%dma_wait3A_120 : memref<128x128xf32, #tpu.memory_space<vmem_shared>>) dst(%arg7 : memref<128x128xf32, #tpu.memory_space<vmem>>)
      tpu.yield
    }) : () -> ()
    %add3A_110 = arith.constant 512 : i32
    %add3A_111 = arith.addi %multiple_of3A, %add3A_110 : i32
    "tpu.region"() ({
      %run_scoped3A_112 = tpu.sem_alloc : memref<!tpu.dma_semaphore, #tpu.memory_space<semaphore_mem>>
      %dma_start3A_113 = arith.constant 0 : i32
      %dma_start3A_114 = tpu.memref_slice %arg4[%arg0, %add3A_111, %dma_start3A_113] : memref<2x10240x128xf32, #tpu.memory_space<hbm>> -> memref<1x128x128xf32, #tpu.memory_space<hbm>>
      %dma_start3A_115 = tpu.memref_squeeze %dma_start3A_114 : memref<1x128x128xf32, #tpu.memory_space<hbm>> -> memref<128x128xf32, #tpu.memory_space<hbm>>
      %dma_start3A_116 = arith.constant 0 : i32
      %dma_start3A_117 = tpu.memref_slice %arg4[%arg0, %add3A_111, %dma_start3A_116] : memref<2x10240x128xf32, #tpu.memory_space<hbm>> -> memref<1x128x128xf32, #tpu.memory_space<hbm>>
      %dma_start3A_118 = tpu.memref_squeeze %dma_start3A_117 : memref<1x128x128xf32, #tpu.memory_space<hbm>> -> memref<128x128xf32, #tpu.memory_space<hbm>>
      tpu.enqueue_dma source(%arg7 : memref<128x128xf32, #tpu.memory_space<vmem>>) target(%dma_start3A_118 : memref<128x128xf32, #tpu.memory_space<hbm>>) target_semaphore(%run_scoped3A_112 : memref<!tpu.dma_semaphore, #tpu.memory_space<semaphore_mem>>)
      %dma_wait3A_119 = arith.constant 0 : i32
      %dma_wait3A_120 = tpu.memref_slice %arg4[%arg0, %add3A_111, %dma_wait3A_119] : memref<2x10240x128xf32, #tpu.memory_space<hbm>> -> memref<1x128x128xf32, #tpu.memory_space<hbm>>
      %dma_wait3A_121 = tpu.memref_squeeze %dma_wait3A_120 : memref<1x128x128xf32, #tpu.memory_space<hbm>> -> memref<128x128xf32, #tpu.memory_space<hbm>>
      %dma_wait3A_122 = arith.constant 0 : i32
      %dma_wait3A_123 = tpu.memref_slice %arg4[%arg0, %add3A_111, %dma_wait3A_122] : memref<2x10240x128xf32, #tpu.memory_space<hbm>> -> memref<1x128x128xf32, #tpu.memory_space<hbm>>
      %dma_wait3A_124 = tpu.memref_squeeze %dma_wait3A_123 : memref<1x128x128xf32, #tpu.memory_space<hbm>> -> memref<128x128xf32, #tpu.memory_space<hbm>>
      tpu.wait_dma2 semaphore(%run_scoped3A_112 : memref<!tpu.dma_semaphore, #tpu.memory_space<semaphore_mem>>) src(%arg7 : memref<128x128xf32, #tpu.memory_space<vmem>>) dst(%dma_wait3A_124 : memref<128x128xf32, #tpu.memory_space<hbm>>)
      tpu.yield
    }) : () -> ()
    return
  }
}

module attributes {stable_mosaic.version = 14 : i64} {
  func.func @_pre_body(%arg0: i32, %arg1: memref<1000x128xf32, #tpu.memory_space<vmem>>, %arg2: memref<128x128xf32, #tpu.memory_space<vmem>>, %arg3: memref<384x128xf32, #tpu.memory_space<vmem>>, %arg4: memref<1x384xf32, #tpu.memory_space<vmem>>, %arg5: memref<1000x128xf32, #tpu.memory_space<vmem>>, %arg6: memref<1000x384xf32, #tpu.memory_space<vmem>>) attributes {dimension_semantics = [#tpu.dimension_semantics<arbitrary>], iteration_bounds = array<i64: 10>, scalar_prefetch = 0 : i64, scratch_operands = 0 : i64, tpu.core_type = #tpu.core_type<tc>, window_params = [{transform_indices = @transform_0, window_bounds = array<i64: 1000, 128>}, {pipeline_mode = #tpu.pipeline_mode<synchronous>, transform_indices = @transform_1, window_bounds = array<i64: 128, 128>}, {pipeline_mode = #tpu.pipeline_mode<synchronous>, transform_indices = @transform_2, window_bounds = array<i64: 384, 128>}, {pipeline_mode = #tpu.pipeline_mode<synchronous>, transform_indices = @transform_3, window_bounds = array<i64: 1, 384>}, {transform_indices = @transform_4, window_bounds = array<i64: 1000, 128>}, {transform_indices = @transform_5, window_bounds = array<i64: 1000, 384>}]} {
    %get3A = arith.constant 0 : index
    %get3A_0 = arith.constant 0 : index
    %get3A_1 = vector.load %arg1[%get3A, %get3A_0] : memref<1000x128xf32, #tpu.memory_space<vmem>>, vector<1000x128xf32>
    %get3A_2 = arith.constant 0 : index
    %get3A_3 = arith.constant 0 : index
    %get3A_4 = vector.load %arg2[%get3A_2, %get3A_3] : memref<128x128xf32, #tpu.memory_space<vmem>>, vector<128x128xf32>
    %dot_general3A = arith.constant dense<0.000000e+00> : vector<1000x128xf32>
    %dot_general3A_5 = tpu.matmul %get3A_1, %get3A_4, %dot_general3A {dimension_numbers = #tpu.dot_dimension_numbers<[1], [0], [0], [1], [0, 0, 1, 1], [], []>, transpose_lhs_hint = false} : vector<1000x128xf32>, vector<128x128xf32>, vector<1000x128xf32> -> vector<1000x128xf32>
    %swap3A = arith.constant 0 : index
    %swap3A_6 = arith.constant 0 : index
    %swap3A_7 = vector.load %arg5[%swap3A, %swap3A_6] : memref<1000x128xf32, #tpu.memory_space<vmem>>, vector<1000x128xf32>
    tpu.vector_store %arg5[%swap3A, %swap3A_6], %dot_general3A_5 {strides = array<i32>} : memref<1000x128xf32, #tpu.memory_space<vmem>>, vector<1000x128xf32>,
    %get3A_8 = arith.constant 0 : index
    %get3A_9 = arith.constant 0 : index
    %get3A_10 = vector.load %arg3[%get3A_8, %get3A_9] : memref<384x128xf32, #tpu.memory_space<vmem>>, vector<384x128xf32>
    %dot_general3A_11 = arith.constant dense<0.000000e+00> : vector<1000x384xf32>
    %dot_general3A_12 = tpu.matmul %get3A_1, %get3A_10, %dot_general3A_11 {dimension_numbers = #tpu.dot_dimension_numbers<[1], [1], [0], [0], [0, 0, 1, 0], [], []>, transpose_lhs_hint = false} : vector<1000x128xf32>, vector<384x128xf32>, vector<1000x384xf32> -> vector<1000x384xf32>
    %get3A_13 = arith.constant 0 : index
    %get3A_14 = arith.constant 0 : index
    %get3A_15 = vector.load %arg4[%get3A_13, %get3A_14] : memref<1x384xf32, #tpu.memory_space<vmem>>, vector<1x384xf32>
    %add3A = vector.broadcast %get3A_15 : vector<1x384xf32> to vector<1000x384xf32>
    %add3A_16 = arith.addf %dot_general3A_12, %add3A : vector<1000x384xf32>
    %swap3A_17 = arith.constant 0 : index
    %swap3A_18 = arith.constant 0 : index
    %swap3A_19 = vector.load %arg6[%swap3A_17, %swap3A_18] : memref<1000x384xf32, #tpu.memory_space<vmem>>, vector<1000x384xf32>
    tpu.vector_store %arg6[%swap3A_17, %swap3A_18], %add3A_16 {strides = array<i32>} : memref<1000x384xf32, #tpu.memory_space<vmem>>, vector<1000x384xf32>,
    return
  }
  func.func @transform_0(%arg0: i32) -> (i32, i32) {
    %c0_i32 = arith.constant 0 : i32
    %c0_i32_0 = arith.constant 0 : i32
    return %arg0, %c0_i32 : i32, i32
  }
  func.func @transform_1(%arg0: i32) -> (i32, i32) {
    %c0_i32 = arith.constant 0 : i32
    %c0_i32_0 = arith.constant 0 : i32
    %c0_i32_1 = arith.constant 0 : i32
    return %c0_i32, %c0_i32_0 : i32, i32
  }
  func.func @transform_2(%arg0: i32) -> (i32, i32) {
    %c0_i32 = arith.constant 0 : i32
    %c0_i32_0 = arith.constant 0 : i32
    %c0_i32_1 = arith.constant 0 : i32
    return %c0_i32, %c0_i32_0 : i32, i32
  }
  func.func @transform_3(%arg0: i32) -> (i32, i32) {
    %c0_i32 = arith.constant 0 : i32
    %c0_i32_0 = arith.constant 0 : i32
    %c0_i32_1 = arith.constant 0 : i32
    return %c0_i32, %c0_i32_0 : i32, i32
  }
  func.func @transform_4(%arg0: i32) -> (i32, i32) {
    %c0_i32 = arith.constant 0 : i32
    %c0_i32_0 = arith.constant 0 : i32
    return %arg0, %c0_i32 : i32, i32
  }
  func.func @transform_5(%arg0: i32) -> (i32, i32) {
    %c0_i32 = arith.constant 0 : i32
    %c0_i32_0 = arith.constant 0 : i32
    return %arg0, %c0_i32 : i32, i32
  }
}

module attributes {stable_mosaic.version = 14 : i64} {
  func.func @_gru_body(%arg0: i32, %arg1: memref<1x1000x128xf32, #tpu.memory_space<vmem>>, %arg2: memref<1x1000x128xf32, #tpu.memory_space<vmem>>, %arg3: memref<1000x128xf32, #tpu.memory_space<vmem>>, %arg4: memref<1000x384xf32, #tpu.memory_space<vmem>>, %arg5: memref<384x128xf32, #tpu.memory_space<vmem>>, %arg6: memref<1x384xf32, #tpu.memory_space<vmem>>, %arg7: memref<1x128xf32, #tpu.memory_space<vmem>>, %arg8: memref<1x128xf32, #tpu.memory_space<vmem>>, %arg9: memref<1000x128xf32, #tpu.memory_space<vmem>>, %arg10: memref<1000x128xf32, #tpu.memory_space<vmem>>) attributes {dimension_semantics = [#tpu.dimension_semantics<arbitrary>], iteration_bounds = array<i64: 10>, scalar_prefetch = 0 : i64, scratch_operands = 0 : i64, tpu.core_type = #tpu.core_type<tc>, window_params = [{transform_indices = @transform_0, window_bounds = array<i64: 1, 1000, 128>}, {transform_indices = @transform_1, window_bounds = array<i64: 1, 1000, 128>}, {transform_indices = @transform_2, window_bounds = array<i64: 1000, 128>}, {transform_indices = @transform_3, window_bounds = array<i64: 1000, 384>}, {pipeline_mode = #tpu.pipeline_mode<synchronous>, transform_indices = @transform_4, window_bounds = array<i64: 384, 128>}, {pipeline_mode = #tpu.pipeline_mode<synchronous>, transform_indices = @transform_5, window_bounds = array<i64: 1, 384>}, {pipeline_mode = #tpu.pipeline_mode<synchronous>, transform_indices = @transform_6, window_bounds = array<i64: 1, 128>}, {pipeline_mode = #tpu.pipeline_mode<synchronous>, transform_indices = @transform_7, window_bounds = array<i64: 1, 128>}, {transform_indices = @transform_8, window_bounds = array<i64: 1000, 128>}, {transform_indices = @transform_9, window_bounds = array<i64: 1000, 128>}]} {
    %get3A = arith.constant 0 : index
    %get3A_0 = arith.constant 0 : index
    %get3A_1 = arith.constant 0 : index
    %get3A_2 = vector.load %arg1[%get3A, %get3A_0, %get3A_1] : memref<1x1000x128xf32, #tpu.memory_space<vmem>>, vector<1x1000x128xf32>
    %get3A_3 = vector.shape_cast %get3A_2 : vector<1x1000x128xf32> to vector<1000x128xf32>
    %get3A_4 = arith.constant 0 : index
    %get3A_5 = arith.constant 0 : index
    %get3A_6 = arith.constant 0 : index
    %get3A_7 = vector.load %arg2[%get3A_4, %get3A_5, %get3A_6] : memref<1x1000x128xf32, #tpu.memory_space<vmem>>, vector<1x1000x128xf32>
    %get3A_8 = vector.shape_cast %get3A_7 : vector<1x1000x128xf32> to vector<1000x128xf32>
    %add3A = arith.addf %get3A_3, %get3A_8 : vector<1000x128xf32>
    %get3A_9 = arith.constant 0 : index
    %get3A_10 = arith.constant 0 : index
    %get3A_11 = vector.load %arg5[%get3A_9, %get3A_10] : memref<384x128xf32, #tpu.memory_space<vmem>>, vector<384x128xf32>
    %dot_general3A = arith.constant dense<0.000000e+00> : vector<1000x384xf32>
    %dot_general3A_12 = tpu.matmul %add3A, %get3A_11, %dot_general3A {dimension_numbers = #tpu.dot_dimension_numbers<[1], [1], [0], [0], [0, 0, 1, 0], [], []>, transpose_lhs_hint = false} : vector<1000x128xf32>, vector<384x128xf32>, vector<1000x384xf32> -> vector<1000x384xf32>
    %get3A_13 = arith.constant 0 : index
    %get3A_14 = arith.constant 0 : index
    %get3A_15 = vector.load %arg6[%get3A_13, %get3A_14] : memref<1x384xf32, #tpu.memory_space<vmem>>, vector<1x384xf32>
    %add3A_16 = vector.broadcast %get3A_15 : vector<1x384xf32> to vector<1000x384xf32>
    %add3A_17 = arith.addf %dot_general3A_12, %add3A_16 : vector<1000x384xf32>
    %get3A_18 = arith.constant 0 : index
    %get3A_19 = arith.constant 0 : index
    %get3A_20 = vector.load %arg4[%get3A_18, %get3A_19] : memref<1000x384xf32, #tpu.memory_space<vmem>>, vector<1000x384xf32>
    %get3A_21 = arith.constant 0 : index
    %get3A_22 = arith.constant 0 : index
    %get3A_23 = vector.load %arg3[%get3A_21, %get3A_22] : memref<1000x128xf32, #tpu.memory_space<vmem>>, vector<1000x128xf32>
    %slice3A = vector.extract_strided_slice %add3A_17 {offsets = [0, 0], sizes = [1000, 128], strides = [1, 1]} : vector<1000x384xf32> to vector<1000x128xf32>
    %slice3A_24 = vector.extract_strided_slice %get3A_20 {offsets = [0, 0], sizes = [1000, 128], strides = [1, 1]} : vector<1000x384xf32> to vector<1000x128xf32>
    %add3A_25 = arith.addf %slice3A, %slice3A_24 : vector<1000x128xf32>
    %logistic3A = arith.negf %add3A_25 : vector<1000x128xf32>
    %logistic3A_26 = math.exp %logistic3A : vector<1000x128xf32>
    %logistic3A_27 = arith.constant 1.000000e+00 : f32
    %logistic3A_28 = vector.broadcast %logistic3A_27 : f32 to vector<1000x128xf32>
    %logistic3A_29 = arith.addf %logistic3A_28, %logistic3A_26 : vector<1000x128xf32>
    %logistic3A_30 = arith.divf %logistic3A_28, %logistic3A_29 : vector<1000x128xf32>
    %slice3A_31 = vector.extract_strided_slice %add3A_17 {offsets = [0, 128], sizes = [1000, 128], strides = [1, 1]} : vector<1000x384xf32> to vector<1000x128xf32>
    %slice3A_32 = vector.extract_strided_slice %get3A_20 {offsets = [0, 128], sizes = [1000, 128], strides = [1, 1]} : vector<1000x384xf32> to vector<1000x128xf32>
    %add3A_33 = arith.addf %slice3A_31, %slice3A_32 : vector<1000x128xf32>
    %logistic3A_34 = arith.negf %add3A_33 : vector<1000x128xf32>
    %logistic3A_35 = math.exp %logistic3A_34 : vector<1000x128xf32>
    %logistic3A_36 = arith.constant 1.000000e+00 : f32
    %logistic3A_37 = vector.broadcast %logistic3A_36 : f32 to vector<1000x128xf32>
    %logistic3A_38 = arith.addf %logistic3A_37, %logistic3A_35 : vector<1000x128xf32>
    %logistic3A_39 = arith.divf %logistic3A_37, %logistic3A_38 : vector<1000x128xf32>
    %slice3A_40 = vector.extract_strided_slice %add3A_17 {offsets = [0, 256], sizes = [1000, 128], strides = [1, 1]} : vector<1000x384xf32> to vector<1000x128xf32>
    %slice3A_41 = vector.extract_strided_slice %get3A_20 {offsets = [0, 256], sizes = [1000, 128], strides = [1, 1]} : vector<1000x384xf32> to vector<1000x128xf32>
    %mul3A = arith.mulf %logistic3A_30, %slice3A_41 : vector<1000x128xf32>
    %add3A_42 = arith.addf %slice3A_40, %mul3A : vector<1000x128xf32>
    %tanh3A = math.tanh %add3A_42 : vector<1000x128xf32>
    %sub3A = arith.constant 1.000000e+00 : f32
    %sub3A_43 = vector.broadcast %sub3A : f32 to vector<1000x128xf32>
    %sub3A_44 = arith.subf %sub3A_43, %logistic3A_39 : vector<1000x128xf32>
    %mul3A_45 = arith.mulf %sub3A_44, %tanh3A : vector<1000x128xf32>
    %mul3A_46 = arith.mulf %logistic3A_39, %get3A_23 : vector<1000x128xf32>
    %add3A_47 = arith.addf %mul3A_45, %mul3A_46 : vector<1000x128xf32>
    %swap3A = arith.constant 0 : index
    %swap3A_48 = arith.constant 0 : index
    %swap3A_49 = vector.load %arg10[%swap3A, %swap3A_48] : memref<1000x128xf32, #tpu.memory_space<vmem>>, vector<1000x128xf32>
    tpu.vector_store %arg10[%swap3A, %swap3A_48], %add3A_47 {strides = array<i32>} : memref<1000x128xf32, #tpu.memory_space<vmem>>, vector<1000x128xf32>,
    return
  }
  func.func @transform_0(%arg0: i32) -> (i32, i32, i32) {
    %c0_i32 = arith.constant 0 : i32
    %c0_i32_0 = arith.constant 0 : i32
    %c0_i32_1 = arith.constant 0 : i32
    return %c0_i32, %arg0, %c0_i32_0 : i32, i32, i32
  }
  func.func @transform_1(%arg0: i32) -> (i32, i32, i32) {
    %c1_i32 = arith.constant 1 : i32
    %c0_i32 = arith.constant 0 : i32
    %c0_i32_0 = arith.constant 0 : i32
    return %c1_i32, %arg0, %c0_i32 : i32, i32, i32
  }
  func.func @transform_2(%arg0: i32) -> (i32, i32) {
    %c0_i32 = arith.constant 0 : i32
    %c0_i32_0 = arith.constant 0 : i32
    return %arg0, %c0_i32 : i32, i32
  }
  func.func @transform_3(%arg0: i32) -> (i32, i32) {
    %c0_i32 = arith.constant 0 : i32
    %c0_i32_0 = arith.constant 0 : i32
    return %arg0, %c0_i32 : i32, i32
  }
  func.func @transform_4(%arg0: i32) -> (i32, i32) {
    %c0_i32 = arith.constant 0 : i32
    %c0_i32_0 = arith.constant 0 : i32
    %c0_i32_1 = arith.constant 0 : i32
    return %c0_i32, %c0_i32_0 : i32, i32
  }
  func.func @transform_5(%arg0: i32) -> (i32, i32) {
    %c0_i32 = arith.constant 0 : i32
    %c0_i32_0 = arith.constant 0 : i32
    %c0_i32_1 = arith.constant 0 : i32
    return %c0_i32, %c0_i32_0 : i32, i32
  }
  func.func @transform_6(%arg0: i32) -> (i32, i32) {
    %c0_i32 = arith.constant 0 : i32
    %c0_i32_0 = arith.constant 0 : i32
    %c0_i32_1 = arith.constant 0 : i32
    return %c0_i32, %c0_i32_0 : i32, i32
  }
  func.func @transform_7(%arg0: i32) -> (i32, i32) {
    %c0_i32 = arith.constant 0 : i32
    %c0_i32_0 = arith.constant 0 : i32
    %c0_i32_1 = arith.constant 0 : i32
    return %c0_i32, %c0_i32_0 : i32, i32
  }
  func.func @transform_8(%arg0: i32) -> (i32, i32) {
    %c0_i32 = arith.constant 0 : i32
    %c0_i32_0 = arith.constant 0 : i32
    return %arg0, %c0_i32 : i32, i32
  }
  func.func @transform_9(%arg0: i32) -> (i32, i32) {
    %c0_i32 = arith.constant 0 : i32
    %c0_i32_0 = arith.constant 0 : i32
    return %arg0, %c0_i32 : i32, i32
  }
}

module attributes {stable_mosaic.version = 14 : i64} {
  func.func @_gru_body(%arg0: i32, %arg1: memref<1x1000x128xf32, #tpu.memory_space<vmem>>, %arg2: memref<1x1000x128xf32, #tpu.memory_space<vmem>>, %arg3: memref<1000x128xf32, #tpu.memory_space<vmem>>, %arg4: memref<1000x384xf32, #tpu.memory_space<vmem>>, %arg5: memref<384x128xf32, #tpu.memory_space<vmem>>, %arg6: memref<1x384xf32, #tpu.memory_space<vmem>>, %arg7: memref<1x128xf32, #tpu.memory_space<vmem>>, %arg8: memref<1x128xf32, #tpu.memory_space<vmem>>, %arg9: memref<1000x128xf32, #tpu.memory_space<vmem>>, %arg10: memref<1000x128xf32, #tpu.memory_space<vmem>>) attributes {dimension_semantics = [#tpu.dimension_semantics<arbitrary>], iteration_bounds = array<i64: 10>, scalar_prefetch = 0 : i64, scratch_operands = 0 : i64, tpu.core_type = #tpu.core_type<tc>, window_params = [{transform_indices = @transform_0, window_bounds = array<i64: 1, 1000, 128>}, {transform_indices = @transform_1, window_bounds = array<i64: 1, 1000, 128>}, {transform_indices = @transform_2, window_bounds = array<i64: 1000, 128>}, {transform_indices = @transform_3, window_bounds = array<i64: 1000, 384>}, {pipeline_mode = #tpu.pipeline_mode<synchronous>, transform_indices = @transform_4, window_bounds = array<i64: 384, 128>}, {pipeline_mode = #tpu.pipeline_mode<synchronous>, transform_indices = @transform_5, window_bounds = array<i64: 1, 384>}, {pipeline_mode = #tpu.pipeline_mode<synchronous>, transform_indices = @transform_6, window_bounds = array<i64: 1, 128>}, {pipeline_mode = #tpu.pipeline_mode<synchronous>, transform_indices = @transform_7, window_bounds = array<i64: 1, 128>}, {transform_indices = @transform_8, window_bounds = array<i64: 1000, 128>}, {transform_indices = @transform_9, window_bounds = array<i64: 1000, 128>}]} {
    %get3A = arith.constant 0 : index
    %get3A_0 = arith.constant 0 : index
    %get3A_1 = arith.constant 0 : index
    %get3A_2 = vector.load %arg1[%get3A, %get3A_0, %get3A_1] : memref<1x1000x128xf32, #tpu.memory_space<vmem>>, vector<1x1000x128xf32>
    %get3A_3 = vector.shape_cast %get3A_2 : vector<1x1000x128xf32> to vector<1000x128xf32>
    %get3A_4 = arith.constant 0 : index
    %get3A_5 = arith.constant 0 : index
    %get3A_6 = arith.constant 0 : index
    %get3A_7 = vector.load %arg2[%get3A_4, %get3A_5, %get3A_6] : memref<1x1000x128xf32, #tpu.memory_space<vmem>>, vector<1x1000x128xf32>
    %get3A_8 = vector.shape_cast %get3A_7 : vector<1x1000x128xf32> to vector<1000x128xf32>
    %add3A = arith.addf %get3A_3, %get3A_8 : vector<1000x128xf32>
    %get3A_9 = arith.constant 0 : index
    %get3A_10 = arith.constant 0 : index
    %get3A_11 = vector.load %arg5[%get3A_9, %get3A_10] : memref<384x128xf32, #tpu.memory_space<vmem>>, vector<384x128xf32>
    %dot_general3A = arith.constant dense<0.000000e+00> : vector<1000x384xf32>
    %dot_general3A_12 = tpu.matmul %add3A, %get3A_11, %dot_general3A {dimension_numbers = #tpu.dot_dimension_numbers<[1], [1], [0], [0], [0, 0, 1, 0], [], []>, transpose_lhs_hint = false} : vector<1000x128xf32>, vector<384x128xf32>, vector<1000x384xf32> -> vector<1000x384xf32>
    %get3A_13 = arith.constant 0 : index
    %get3A_14 = arith.constant 0 : index
    %get3A_15 = vector.load %arg6[%get3A_13, %get3A_14] : memref<1x384xf32, #tpu.memory_space<vmem>>, vector<1x384xf32>
    %add3A_16 = vector.broadcast %get3A_15 : vector<1x384xf32> to vector<1000x384xf32>
    %add3A_17 = arith.addf %dot_general3A_12, %add3A_16 : vector<1000x384xf32>
    %get3A_18 = arith.constant 0 : index
    %get3A_19 = arith.constant 0 : index
    %get3A_20 = vector.load %arg4[%get3A_18, %get3A_19] : memref<1000x384xf32, #tpu.memory_space<vmem>>, vector<1000x384xf32>
    %get3A_21 = arith.constant 0 : index
    %get3A_22 = arith.constant 0 : index
    %get3A_23 = vector.load %arg3[%get3A_21, %get3A_22] : memref<1000x128xf32, #tpu.memory_space<vmem>>, vector<1000x128xf32>
    %slice3A = vector.extract_strided_slice %add3A_17 {offsets = [0, 0], sizes = [1000, 128], strides = [1, 1]} : vector<1000x384xf32> to vector<1000x128xf32>
    %slice3A_24 = vector.extract_strided_slice %get3A_20 {offsets = [0, 0], sizes = [1000, 128], strides = [1, 1]} : vector<1000x384xf32> to vector<1000x128xf32>
    %add3A_25 = arith.addf %slice3A, %slice3A_24 : vector<1000x128xf32>
    %logistic3A = arith.negf %add3A_25 : vector<1000x128xf32>
    %logistic3A_26 = math.exp %logistic3A : vector<1000x128xf32>
    %logistic3A_27 = arith.constant 1.000000e+00 : f32
    %logistic3A_28 = vector.broadcast %logistic3A_27 : f32 to vector<1000x128xf32>
    %logistic3A_29 = arith.addf %logistic3A_28, %logistic3A_26 : vector<1000x128xf32>
    %logistic3A_30 = arith.divf %logistic3A_28, %logistic3A_29 : vector<1000x128xf32>
    %slice3A_31 = vector.extract_strided_slice %add3A_17 {offsets = [0, 128], sizes = [1000, 128], strides = [1, 1]} : vector<1000x384xf32> to vector<1000x128xf32>
    %slice3A_32 = vector.extract_strided_slice %get3A_20 {offsets = [0, 128], sizes = [1000, 128], strides = [1, 1]} : vector<1000x384xf32> to vector<1000x128xf32>
    %add3A_33 = arith.addf %slice3A_31, %slice3A_32 : vector<1000x128xf32>
    %logistic3A_34 = arith.negf %add3A_33 : vector<1000x128xf32>
    %logistic3A_35 = math.exp %logistic3A_34 : vector<1000x128xf32>
    %logistic3A_36 = arith.constant 1.000000e+00 : f32
    %logistic3A_37 = vector.broadcast %logistic3A_36 : f32 to vector<1000x128xf32>
    %logistic3A_38 = arith.addf %logistic3A_37, %logistic3A_35 : vector<1000x128xf32>
    %logistic3A_39 = arith.divf %logistic3A_37, %logistic3A_38 : vector<1000x128xf32>
    %slice3A_40 = vector.extract_strided_slice %add3A_17 {offsets = [0, 256], sizes = [1000, 128], strides = [1, 1]} : vector<1000x384xf32> to vector<1000x128xf32>
    %slice3A_41 = vector.extract_strided_slice %get3A_20 {offsets = [0, 256], sizes = [1000, 128], strides = [1, 1]} : vector<1000x384xf32> to vector<1000x128xf32>
    %mul3A = arith.mulf %logistic3A_30, %slice3A_41 : vector<1000x128xf32>
    %add3A_42 = arith.addf %slice3A_40, %mul3A : vector<1000x128xf32>
    %tanh3A = math.tanh %add3A_42 : vector<1000x128xf32>
    %sub3A = arith.constant 1.000000e+00 : f32
    %sub3A_43 = vector.broadcast %sub3A : f32 to vector<1000x128xf32>
    %sub3A_44 = arith.subf %sub3A_43, %logistic3A_39 : vector<1000x128xf32>
    %mul3A_45 = arith.mulf %sub3A_44, %tanh3A : vector<1000x128xf32>
    %mul3A_46 = arith.mulf %logistic3A_39, %get3A_23 : vector<1000x128xf32>
    %add3A_47 = arith.addf %mul3A_45, %mul3A_46 : vector<1000x128xf32>
    %swap3A = arith.constant 0 : index
    %swap3A_48 = arith.constant 0 : index
    %swap3A_49 = vector.load %arg10[%swap3A, %swap3A_48] : memref<1000x128xf32, #tpu.memory_space<vmem>>, vector<1000x128xf32>
    tpu.vector_store %arg10[%swap3A, %swap3A_48], %add3A_47 {strides = array<i32>} : memref<1000x128xf32, #tpu.memory_space<vmem>>, vector<1000x128xf32>,
    return
  }
  func.func @transform_0(%arg0: i32) -> (i32, i32, i32) {
    %c0_i32 = arith.constant 0 : i32
    %c0_i32_0 = arith.constant 0 : i32
    %c0_i32_1 = arith.constant 0 : i32
    return %c0_i32, %arg0, %c0_i32_0 : i32, i32, i32
  }
  func.func @transform_1(%arg0: i32) -> (i32, i32, i32) {
    %c1_i32 = arith.constant 1 : i32
    %c0_i32 = arith.constant 0 : i32
    %c0_i32_0 = arith.constant 0 : i32
    return %c1_i32, %arg0, %c0_i32 : i32, i32, i32
  }
  func.func @transform_2(%arg0: i32) -> (i32, i32) {
    %c0_i32 = arith.constant 0 : i32
    %c0_i32_0 = arith.constant 0 : i32
    return %arg0, %c0_i32 : i32, i32
  }
  func.func @transform_3(%arg0: i32) -> (i32, i32) {
    %c0_i32 = arith.constant 0 : i32
    %c0_i32_0 = arith.constant 0 : i32
    return %arg0, %c0_i32 : i32, i32
  }
  func.func @transform_4(%arg0: i32) -> (i32, i32) {
    %c0_i32 = arith.constant 0 : i32
    %c0_i32_0 = arith.constant 0 : i32
    %c0_i32_1 = arith.constant 0 : i32
    return %c0_i32, %c0_i32_0 : i32, i32
  }
  func.func @transform_5(%arg0: i32) -> (i32, i32) {
    %c0_i32 = arith.constant 0 : i32
    %c0_i32_0 = arith.constant 0 : i32
    %c0_i32_1 = arith.constant 0 : i32
    return %c0_i32, %c0_i32_0 : i32, i32
  }
  func.func @transform_6(%arg0: i32) -> (i32, i32) {
    %c0_i32 = arith.constant 0 : i32
    %c0_i32_0 = arith.constant 0 : i32
    %c0_i32_1 = arith.constant 0 : i32
    return %c0_i32, %c0_i32_0 : i32, i32
  }
  func.func @transform_7(%arg0: i32) -> (i32, i32) {
    %c0_i32 = arith.constant 0 : i32
    %c0_i32_0 = arith.constant 0 : i32
    %c0_i32_1 = arith.constant 0 : i32
    return %c0_i32, %c0_i32_0 : i32, i32
  }
  func.func @transform_8(%arg0: i32) -> (i32, i32) {
    %c0_i32 = arith.constant 0 : i32
    %c0_i32_0 = arith.constant 0 : i32
    return %arg0, %c0_i32 : i32, i32
  }
  func.func @transform_9(%arg0: i32) -> (i32, i32) {
    %c0_i32 = arith.constant 0 : i32
    %c0_i32_0 = arith.constant 0 : i32
    return %arg0, %c0_i32 : i32, i32
  }
}

module attributes {stable_mosaic.version = 14 : i64} {
  func.func @_gru_body(%arg0: i32, %arg1: memref<1x1000x128xf32, #tpu.memory_space<vmem>>, %arg2: memref<1x1000x128xf32, #tpu.memory_space<vmem>>, %arg3: memref<1000x128xf32, #tpu.memory_space<vmem>>, %arg4: memref<1000x384xf32, #tpu.memory_space<vmem>>, %arg5: memref<384x128xf32, #tpu.memory_space<vmem>>, %arg6: memref<1x384xf32, #tpu.memory_space<vmem>>, %arg7: memref<1x128xf32, #tpu.memory_space<vmem>>, %arg8: memref<1x128xf32, #tpu.memory_space<vmem>>, %arg9: memref<1000x128xf32, #tpu.memory_space<vmem>>, %arg10: memref<1000x128xf32, #tpu.memory_space<vmem>>) attributes {dimension_semantics = [#tpu.dimension_semantics<arbitrary>], iteration_bounds = array<i64: 10>, scalar_prefetch = 0 : i64, scratch_operands = 0 : i64, tpu.core_type = #tpu.core_type<tc>, window_params = [{transform_indices = @transform_0, window_bounds = array<i64: 1, 1000, 128>}, {transform_indices = @transform_1, window_bounds = array<i64: 1, 1000, 128>}, {transform_indices = @transform_2, window_bounds = array<i64: 1000, 128>}, {transform_indices = @transform_3, window_bounds = array<i64: 1000, 384>}, {pipeline_mode = #tpu.pipeline_mode<synchronous>, transform_indices = @transform_4, window_bounds = array<i64: 384, 128>}, {pipeline_mode = #tpu.pipeline_mode<synchronous>, transform_indices = @transform_5, window_bounds = array<i64: 1, 384>}, {pipeline_mode = #tpu.pipeline_mode<synchronous>, transform_indices = @transform_6, window_bounds = array<i64: 1, 128>}, {pipeline_mode = #tpu.pipeline_mode<synchronous>, transform_indices = @transform_7, window_bounds = array<i64: 1, 128>}, {transform_indices = @transform_8, window_bounds = array<i64: 1000, 128>}, {transform_indices = @transform_9, window_bounds = array<i64: 1000, 128>}]} {
    %get3A = arith.constant 0 : index
    %get3A_0 = arith.constant 0 : index
    %get3A_1 = arith.constant 0 : index
    %get3A_2 = vector.load %arg1[%get3A, %get3A_0, %get3A_1] : memref<1x1000x128xf32, #tpu.memory_space<vmem>>, vector<1x1000x128xf32>
    %get3A_3 = vector.shape_cast %get3A_2 : vector<1x1000x128xf32> to vector<1000x128xf32>
    %get3A_4 = arith.constant 0 : index
    %get3A_5 = arith.constant 0 : index
    %get3A_6 = arith.constant 0 : index
    %get3A_7 = vector.load %arg2[%get3A_4, %get3A_5, %get3A_6] : memref<1x1000x128xf32, #tpu.memory_space<vmem>>, vector<1x1000x128xf32>
    %get3A_8 = vector.shape_cast %get3A_7 : vector<1x1000x128xf32> to vector<1000x128xf32>
    %add3A = arith.addf %get3A_3, %get3A_8 : vector<1000x128xf32>
    %get3A_9 = arith.constant 0 : index
    %get3A_10 = arith.constant 0 : index
    %get3A_11 = vector.load %arg5[%get3A_9, %get3A_10] : memref<384x128xf32, #tpu.memory_space<vmem>>, vector<384x128xf32>
    %dot_general3A = arith.constant dense<0.000000e+00> : vector<1000x384xf32>
    %dot_general3A_12 = tpu.matmul %add3A, %get3A_11, %dot_general3A {dimension_numbers = #tpu.dot_dimension_numbers<[1], [1], [0], [0], [0, 0, 1, 0], [], []>, transpose_lhs_hint = false} : vector<1000x128xf32>, vector<384x128xf32>, vector<1000x384xf32> -> vector<1000x384xf32>
    %get3A_13 = arith.constant 0 : index
    %get3A_14 = arith.constant 0 : index
    %get3A_15 = vector.load %arg6[%get3A_13, %get3A_14] : memref<1x384xf32, #tpu.memory_space<vmem>>, vector<1x384xf32>
    %add3A_16 = vector.broadcast %get3A_15 : vector<1x384xf32> to vector<1000x384xf32>
    %add3A_17 = arith.addf %dot_general3A_12, %add3A_16 : vector<1000x384xf32>
    %get3A_18 = arith.constant 0 : index
    %get3A_19 = arith.constant 0 : index
    %get3A_20 = vector.load %arg4[%get3A_18, %get3A_19] : memref<1000x384xf32, #tpu.memory_space<vmem>>, vector<1000x384xf32>
    %get3A_21 = arith.constant 0 : index
    %get3A_22 = arith.constant 0 : index
    %get3A_23 = vector.load %arg3[%get3A_21, %get3A_22] : memref<1000x128xf32, #tpu.memory_space<vmem>>, vector<1000x128xf32>
    %slice3A = vector.extract_strided_slice %add3A_17 {offsets = [0, 0], sizes = [1000, 128], strides = [1, 1]} : vector<1000x384xf32> to vector<1000x128xf32>
    %slice3A_24 = vector.extract_strided_slice %get3A_20 {offsets = [0, 0], sizes = [1000, 128], strides = [1, 1]} : vector<1000x384xf32> to vector<1000x128xf32>
    %add3A_25 = arith.addf %slice3A, %slice3A_24 : vector<1000x128xf32>
    %logistic3A = arith.negf %add3A_25 : vector<1000x128xf32>
    %logistic3A_26 = math.exp %logistic3A : vector<1000x128xf32>
    %logistic3A_27 = arith.constant 1.000000e+00 : f32
    %logistic3A_28 = vector.broadcast %logistic3A_27 : f32 to vector<1000x128xf32>
    %logistic3A_29 = arith.addf %logistic3A_28, %logistic3A_26 : vector<1000x128xf32>
    %logistic3A_30 = arith.divf %logistic3A_28, %logistic3A_29 : vector<1000x128xf32>
    %slice3A_31 = vector.extract_strided_slice %add3A_17 {offsets = [0, 128], sizes = [1000, 128], strides = [1, 1]} : vector<1000x384xf32> to vector<1000x128xf32>
    %slice3A_32 = vector.extract_strided_slice %get3A_20 {offsets = [0, 128], sizes = [1000, 128], strides = [1, 1]} : vector<1000x384xf32> to vector<1000x128xf32>
    %add3A_33 = arith.addf %slice3A_31, %slice3A_32 : vector<1000x128xf32>
    %logistic3A_34 = arith.negf %add3A_33 : vector<1000x128xf32>
    %logistic3A_35 = math.exp %logistic3A_34 : vector<1000x128xf32>
    %logistic3A_36 = arith.constant 1.000000e+00 : f32
    %logistic3A_37 = vector.broadcast %logistic3A_36 : f32 to vector<1000x128xf32>
    %logistic3A_38 = arith.addf %logistic3A_37, %logistic3A_35 : vector<1000x128xf32>
    %logistic3A_39 = arith.divf %logistic3A_37, %logistic3A_38 : vector<1000x128xf32>
    %slice3A_40 = vector.extract_strided_slice %add3A_17 {offsets = [0, 256], sizes = [1000, 128], strides = [1, 1]} : vector<1000x384xf32> to vector<1000x128xf32>
    %slice3A_41 = vector.extract_strided_slice %get3A_20 {offsets = [0, 256], sizes = [1000, 128], strides = [1, 1]} : vector<1000x384xf32> to vector<1000x128xf32>
    %mul3A = arith.mulf %logistic3A_30, %slice3A_41 : vector<1000x128xf32>
    %add3A_42 = arith.addf %slice3A_40, %mul3A : vector<1000x128xf32>
    %tanh3A = math.tanh %add3A_42 : vector<1000x128xf32>
    %sub3A = arith.constant 1.000000e+00 : f32
    %sub3A_43 = vector.broadcast %sub3A : f32 to vector<1000x128xf32>
    %sub3A_44 = arith.subf %sub3A_43, %logistic3A_39 : vector<1000x128xf32>
    %mul3A_45 = arith.mulf %sub3A_44, %tanh3A : vector<1000x128xf32>
    %mul3A_46 = arith.mulf %logistic3A_39, %get3A_23 : vector<1000x128xf32>
    %add3A_47 = arith.addf %mul3A_45, %mul3A_46 : vector<1000x128xf32>
    %reduce_sum3A = arith.constant dense<0.000000e+00> : vector<1000xf32>
    %reduce_sum3A_48 = vector.multi_reduction <add>, %add3A_47, %reduce_sum3A [1] : vector<1000x128xf32> to vector<1000xf32>
    %broadcast_in_dim3A = vector.shape_cast %reduce_sum3A_48 : vector<1000xf32> to vector<1000x1xf32>
    %div3A = arith.constant 1.280000e+02 : f32
    %div3A_49 = vector.broadcast %div3A : f32 to vector<1000x1xf32>
    %div3A_50 = arith.divf %broadcast_in_dim3A, %div3A_49 : vector<1000x1xf32>
    %sub3A_51 = vector.broadcast %div3A_50 : vector<1000x1xf32> to vector<1000x128xf32>
    %sub3A_52 = arith.subf %add3A_47, %sub3A_51 : vector<1000x128xf32>
    %integer_pow3A = arith.mulf %sub3A_52, %sub3A_52 : vector<1000x128xf32>
    %reduce_sum3A_53 = arith.constant dense<0.000000e+00> : vector<1000xf32>
    %reduce_sum3A_54 = vector.multi_reduction <add>, %integer_pow3A, %reduce_sum3A_53 [1] : vector<1000x128xf32> to vector<1000xf32>
    %broadcast_in_dim3A_55 = vector.shape_cast %reduce_sum3A_54 : vector<1000xf32> to vector<1000x1xf32>
    %div3A_56 = arith.constant 1.280000e+02 : f32
    %div3A_57 = vector.broadcast %div3A_56 : f32 to vector<1000x1xf32>
    %div3A_58 = arith.divf %broadcast_in_dim3A_55, %div3A_57 : vector<1000x1xf32>
    %sub3A_59 = vector.broadcast %div3A_50 : vector<1000x1xf32> to vector<1000x128xf32>
    %sub3A_60 = arith.subf %add3A_47, %sub3A_59 : vector<1000x128xf32>
    %add3A_61 = arith.constant 9.99999974E-6 : f32
    %add3A_62 = vector.broadcast %add3A_61 : f32 to vector<1000x1xf32>
    %add3A_63 = arith.addf %div3A_58, %add3A_62 : vector<1000x1xf32>
    %rsqrt3A = math.rsqrt %add3A_63 : vector<1000x1xf32>
    %mul3A_64 = vector.broadcast %rsqrt3A : vector<1000x1xf32> to vector<1000x128xf32>
    %mul3A_65 = arith.mulf %sub3A_60, %mul3A_64 : vector<1000x128xf32>
    %get3A_66 = arith.constant 0 : index
    %get3A_67 = arith.constant 0 : index
    %get3A_68 = vector.load %arg7[%get3A_66, %get3A_67] : memref<1x128xf32, #tpu.memory_space<vmem>>, vector<1x128xf32>
    %mul3A_69 = vector.broadcast %get3A_68 : vector<1x128xf32> to vector<1000x128xf32>
    %mul3A_70 = arith.mulf %mul3A_65, %mul3A_69 : vector<1000x128xf32>
    %get3A_71 = arith.constant 0 : index
    %get3A_72 = arith.constant 0 : index
    %get3A_73 = vector.load %arg8[%get3A_71, %get3A_72] : memref<1x128xf32, #tpu.memory_space<vmem>>, vector<1x128xf32>
    %add3A_74 = vector.broadcast %get3A_73 : vector<1x128xf32> to vector<1000x128xf32>
    %add3A_75 = arith.addf %mul3A_70, %add3A_74 : vector<1000x128xf32>
    %get3A_76 = arith.constant 0 : index
    %get3A_77 = arith.constant 0 : index
    %get3A_78 = vector.load %arg9[%get3A_76, %get3A_77] : memref<1000x128xf32, #tpu.memory_space<vmem>>, vector<1000x128xf32>
    %add3A_79 = arith.addf %add3A_75, %get3A_78 : vector<1000x128xf32>
    %swap3A = arith.constant 0 : index
    %swap3A_80 = arith.constant 0 : index
    %swap3A_81 = vector.load %arg10[%swap3A, %swap3A_80] : memref<1000x128xf32, #tpu.memory_space<vmem>>, vector<1000x128xf32>
    tpu.vector_store %arg10[%swap3A, %swap3A_80], %add3A_79 {strides = array<i32>} : memref<1000x128xf32, #tpu.memory_space<vmem>>, vector<1000x128xf32>,
    return
  }
  func.func @transform_0(%arg0: i32) -> (i32, i32, i32) {
    %c0_i32 = arith.constant 0 : i32
    %c0_i32_0 = arith.constant 0 : i32
    %c0_i32_1 = arith.constant 0 : i32
    return %c0_i32, %arg0, %c0_i32_0 : i32, i32, i32
  }
  func.func @transform_1(%arg0: i32) -> (i32, i32, i32) {
    %c1_i32 = arith.constant 1 : i32
    %c0_i32 = arith.constant 0 : i32
    %c0_i32_0 = arith.constant 0 : i32
    return %c1_i32, %arg0, %c0_i32 : i32, i32, i32
  }
  func.func @transform_2(%arg0: i32) -> (i32, i32) {
    %c0_i32 = arith.constant 0 : i32
    %c0_i32_0 = arith.constant 0 : i32
    return %arg0, %c0_i32 : i32, i32
  }
  func.func @transform_3(%arg0: i32) -> (i32, i32) {
    %c0_i32 = arith.constant 0 : i32
    %c0_i32_0 = arith.constant 0 : i32
    return %arg0, %c0_i32 : i32, i32
  }
  func.func @transform_4(%arg0: i32) -> (i32, i32) {
    %c0_i32 = arith.constant 0 : i32
    %c0_i32_0 = arith.constant 0 : i32
    %c0_i32_1 = arith.constant 0 : i32
    return %c0_i32, %c0_i32_0 : i32, i32
  }
  func.func @transform_5(%arg0: i32) -> (i32, i32) {
    %c0_i32 = arith.constant 0 : i32
    %c0_i32_0 = arith.constant 0 : i32
    %c0_i32_1 = arith.constant 0 : i32
    return %c0_i32, %c0_i32_0 : i32, i32
  }
  func.func @transform_6(%arg0: i32) -> (i32, i32) {
    %c0_i32 = arith.constant 0 : i32
    %c0_i32_0 = arith.constant 0 : i32
    %c0_i32_1 = arith.constant 0 : i32
    return %c0_i32, %c0_i32_0 : i32, i32
  }
  func.func @transform_7(%arg0: i32) -> (i32, i32) {
    %c0_i32 = arith.constant 0 : i32
    %c0_i32_0 = arith.constant 0 : i32
    %c0_i32_1 = arith.constant 0 : i32
    return %c0_i32, %c0_i32_0 : i32, i32
  }
  func.func @transform_8(%arg0: i32) -> (i32, i32) {
    %c0_i32 = arith.constant 0 : i32
    %c0_i32_0 = arith.constant 0 : i32
    return %arg0, %c0_i32 : i32, i32
  }
  func.func @transform_9(%arg0: i32) -> (i32, i32) {
    %c0_i32 = arith.constant 0 : i32
    %c0_i32_0 = arith.constant 0 : i32
    return %arg0, %c0_i32 : i32, i32
  }
}

</mosaic_0001>

<sc_bundles>
// kernel: kernel.14.cloned.1.call-start
scs
__scs_entry_jumppad:
0x0: {  	(pc) =	sbr.rel $0x88, $3  }
0x1: {  	(tag) =	ssettag $0x0;
	lr =	simm.s32 $0x1  }
0x2: {  	[smem:$0x3F98] =	sst lr;
	_ =	strace $0xD0000000  }
0x3: {  	_ = 	snop  }
0x4: {  	_ = 	snop  }
0x5: {  	_ = 	snop  }
0x6: {  	_ = 	snop  }
0x7: {  	_ = 	snop  }
__scs_overlays_trampoline_lowered:
0x8: {  	[smem:$0x3FA7] =	sst s0  }
0x9: {  	[smem:$0x3FA8] =	sst s1  }
0xa: {  	[smem:$0x3FA9] =	sst s2  }
0xb: {  	[smem:$0x3FAA] =	sst s3  }
0xc: {  	[smem:$0x3FAB] =	sst s4  }
0xd: {  	[smem:$0x3FAC] =	sst s5  }
0xe: {  	[smem:$0x3FAD] =	sst s6  }
0xf: {  	[smem:$0x3FAE] =	sst s7  }
0x10: {  	[smem:$0x3FAF] =	sst s8  }
0x11: {  	[smem:$0x3FB0] =	sst s9;
	s0 =	simm.s32 @!p0 $0x0  }
0x12: {  	s1 =	sld [smem:$0x3F96];
	s0 =	simm.s32 @p0 $0x1  }
0x13: {  	[smem:$0x3FB1] =	sst s0;
	s0 =	simm.s32 @!p1 $0x0  }
0x14: {  	s2 =	sld [smem:$0x3F95];
	s0 =	simm.s32 @p1 $0x1  }
0x15: {  	[smem:$0x3FB2] =	sst s0;
	s0 =	simm.s32 @!p2 $0x0  }
0x16: {  	s3 =	sld [smem:$0x3FDB];
	s0 =	simm.s32 @p2 $0x1  }
0x17: {  	s4 =	simm.s32 $0x1BF5;
	[smem:$0x3FB4] =	sst s0  }
0x18: {  	s0 =	sld [smem:$0x3F97];
	_ =	swait.ge [sflag:s4], $0x0  }
0x19: {  	s7 =	sld [smem:$0x3F98]  }
0x1a: {  	s8 =	sadd.s32 $0xFFFFE003, lr  }
0x1b: {  	s9 =	sadd.s32 $0xFFFFFEF7, lr;
	s5 =	simm.s32 $0xFFFFFFFF;
	p2 =	slt.u32 s8, $0xFFFFF086  }
0x1c: {  	p1 =	slt.u32 s9, $0xF7A;
	s5 =	simm.s32 @!p2 $0x0  }
0x1d: {  	s5 =	simm.s32 @p1 $0x1;
	p0 =	seq.s32 s7, s2  }
0x1e: {  	s7 =	smul.u32 @!p0 $0xF7A, s2;
	p2 =	seq.s32 @!p0 s5, $0x0  }
0x1f: {  	s9 =	smul.u32 $0xF7A, s1;
	s8 =	simm.s32 @!p0 $0x1BF5;
	p2 =	por !p2, p0  }
0x20: {  	[sflag:s8] =	ssyncset.s32 @!p0 $0xFFFFF086;
	s6 =	sadd.s32 @!p0 s3, s7;
	s7 =	simm.s32 @!p0 $0x108  }
0x21: {  	s3 =	sadd.s32 s3, s9;
	s6 =	sadd.s32 @!p0 $0x88, s6;
	s7 =	simm.s32 @p2 $0x1082  }
0x22: {  	[simem:s7], [sflag:s8] =	dma.local @!p0 [hbm:s6], $0xF7A  }
0x23: {  	s9 =	sor.u32 $0xD0000000, s2;
	s6 =	simm.s32 $0x108;
	_ =	swait.ge @!p0 [sflag:s8], $0x0  }
0x24: {  	s3 =	sadd.s32 $0x88, s3;
	s6 =	simm.s32 @!p1 $0x1082;
	[sflag:s4] =	ssyncset.s32 $0xFFFFF086  }
0x25: {  	[simem:s6], [sflag:s4] =	dma.local [hbm:s3], $0xF7A  }
0x26: {  	[smem:$0x3F98] =	sst s1;
	(tag) =	ssettag s2;
	_ =	strace s9  }
0x27: {  	s1 =	sld [smem:$0x3FA8]  }
0x28: {  	s2 =	sld [smem:$0x3FA9]  }
0x29: {  	s4 =	sld [smem:$0x3FAB]  }
0x2a: {  	p0 =	seq.s32 s5, $0x0;
	s5 =	sld [smem:$0x3FAC]  }
0x2b: {  	s6 =	sld [smem:$0x3FAD]  }
0x2c: {  	s7 =	sld [smem:$0x3FAE]  }
0x2d: {  	s3 =	simm.s32 $0x108;
	s8 =	sld [smem:$0x3FAF]  }
0x2e: {  	s3 =	simm.s32 @!p0 $0x1082;
	s9 =	sld [smem:$0x3FB0]  }
0x2f: {  	lr =	sadd.s32 s0, s3;
	s0 =	sld [smem:$0x3FA7]  }
0x30: {  	s3 =	sld [smem:$0x3FAA]  }
0x31: {  	[smem:$0x3FB3] =	sst s10  }
0x32: {  	s10 =	sld [smem:$0x3FB1];
	_ =	sdelay $0x3  }
0x33: {  	p0 =	seq.s32 s10, $0x1;
	s10 =	sld [smem:$0x3FB3];
	_ =	sdelay $0x3  }
0x34: {  	[smem:$0x3FB3] =	sst s10  }
0x35: {  	s10 =	sld [smem:$0x3FB2];
	_ =	sdelay $0x3  }
0x36: {  	p1 =	seq.s32 s10, $0x1;
	s10 =	sld [smem:$0x3FB3];
	_ =	sdelay $0x3  }
0x37: {  	[smem:$0x3FB3] =	sst s10  }
0x38: {  	s10 =	sld [smem:$0x3FB4]  }
0x39: {  	_ = 	snop;
	(pc) =	sbr.ind lr, $3  }
0x3a: {  	_ = 	snop  }
0x3b: {  	_ = 	snop  }
0x3c: {  	p2 =	seq.s32 s10, $0x1;
	s10 =	sld [smem:$0x3FB3]  }
0x3d: {  	_ =	shalt  }
0x3e: {  	_ =	shalt  }
0x3f: {  	_ =	shalt  }
0x40: {  	_ =	shalt  }
0x41: {  	_ =	shalt  }
0x42: {  	_ =	shalt  }
0x43: {  	_ =	shalt  }
0x44: {  	_ =	shalt  }
0x45: {  	_ =	shalt  }
0x46: {  	_ =	shalt  }
0x47: {  	_ =	shalt  }
0x48: {  	_ =	shalt  }
0x49: {  	_ =	shalt  }
0x4a: {  	_ =	shalt  }
0x4b: {  	_ =	shalt  }
0x4c: {  	_ =	shalt  }
0x4d: {  	_ =	shalt  }
0x4e: {  	_ =	shalt  }
0x4f: {  	_ =	shalt  }
0x50: {  	_ =	shalt  }
0x51: {  	_ =	shalt  }
0x52: {  	_ =	shalt  }
0x53: {  	_ =	shalt  }
0x54: {  	_ =	shalt  }
0x55: {  	_ =	shalt  }
0x56: {  	_ =	shalt  }
0x57: {  	_ =	shalt  }
0x58: {  	_ =	shalt  }
0x59: {  	_ =	shalt  }
0x5a: {  	_ =	shalt  }
0x5b: {  	_ =	shalt  }
0x5c: {  	_ =	shalt  }
0x5d: {  	_ =	shalt  }
0x5e: {  	_ =	shalt  }
0x5f: {  	_ =	shalt  }
0x60: {  	_ =	shalt  }
0x61: {  	_ =	shalt  }
0x62: {  	_ =	shalt  }
0x63: {  	_ =	shalt  }
0x64: {  	_ =	shalt  }
0x65: {  	_ =	shalt  }
0x66: {  	_ =	shalt  }
0x67: {  	_ =	shalt  }
0x68: {  	_ =	shalt  }
0x69: {  	_ =	shalt  }
0x6a: {  	_ =	shalt  }
0x6b: {  	_ =	shalt  }
0x6c: {  	_ =	shalt  }
0x6d: {  	_ =	shalt  }
0x6e: {  	_ =	shalt  }
0x6f: {  	_ =	shalt  }
0x70: {  	_ =	shalt  }
0x71: {  	_ =	shalt  }
0x72: {  	_ =	shalt  }
0x73: {  	_ =	shalt  }
0x74: {  	_ =	shalt  }
0x75: {  	_ =	shalt  }
0x76: {  	_ =	shalt  }
0x77: {  	_ =	shalt  }
0x78: {  	_ =	shalt  }
0x79: {  	_ =	shalt  }
0x7a: {  	_ =	shalt  }
0x7b: {  	_ =	shalt  }
0x7c: {  	_ =	shalt  }
0x7d: {  	_ =	shalt  }
0x7e: {  	_ =	shalt  }
0x7f: {  	_ =	shalt  }
0x80: {  	_ =	shalt  }
0x81: {  	_ =	shalt  }
0x82: {  	_ =	shalt  }
0x83: {  	_ =	shalt  }
0x84: {  	_ =	shalt  }
0x85: {  	_ =	shalt  }
0x86: {  	_ =	shalt  }
0x87: {  	_ =	shalt  }
.Lfunc_end0:
.L_simem_size_0:
called_computation_lowered:
.L_overlay_start_0:
0x88: {  	s2 =	sld [smem:$0x3FD9]  }
0x89: {  	s3 =	sld [smem:$0x3FFE];
	_ =	sdelay $0x1  }
0x8a: {  	s1 =	srdreg.scid  }
0x8b: {  	s0 =	sand.u32 $0x1, s1  }
0x8c: {  	s17 =	sshll.u32 s0, $0xA;
	s2 =	sadd.s32 s3, s2  }
0x8d: {  	s2 =	sadd.s32 s2, s17  }
0x8e: {  	[smem:$0x3FBF] =	sst s2  }
0x8f: {  	_ = 	snop  }
0x90: {  	s2 =	sld [smem:$0x3FD0];
	(tm) =	ssettm $0x1  }
0x91: {  	s18 =	sld [smem:$0x3FFB];
	_ =	sdelay $0x3  }
0x92: {  	_ =	strace s18  }
0x93: {  	s3 =	sld [smem:$0x3FFC];
	_ =	sdelay $0x3  }
0x94: {  	_ =	strace s3  }
0x95: {  	s3 =	sld [smem:$0x3FFD];
	_ =	sdelay $0x3  }
0x96: {  	_ =	strace s3  }
0x97: {  	_ =	strace $0x8FFFFFFF  }
0x98: {  	s19 =	sld [smem:$0x3FDB];
	_ =	sdelay $0x1  }
0x99: {  	s4 =	simm.s32 $_scs_section_size  }
0x9a: {  	s5 =	simm.s32 $_size__tile_overlayer_lowered;
	s6 =	simm.s32 $_tile_overlayer_lowered  }
0x9b: {  	s22 =	simm.s32 $0x1BFF;
	s21 =	sshll.u32 s6, $0x1;
	s3 =	sadd.s32 s4, s19  }
0x9c: {  	s7 =	simm.s32 $0x0;
	s20 =	sshll.u32 s5, $0x1;
	s5 =	sadd.s32 s21, s3  }
0x9d: {  	[timem:s7], [sflag:s22] =	dma.local [hbm:s5], s20  }
0x9e: {  	_ =	swait.ge [sflag:s22], s20  }
0x9f: {  	s4 =	ssub.s32 $0x0, s20;
	[sflag:s22] =	ssyncset.done $0x0  }
0xa0: {  	[sflag:s22] =	ssyncadd.s32 s4;
	_ =	sdelay $0x1  }
0xa1: {  	s23 =	simm.s32 $0x1B8B  }
0xa2: {  	_ =	swait.ge [sflag:s23], $0x1  }
0xa3: {  	[sflag:s23] =	ssyncset.done $0x0  }
0xa4: {  	s25 =	simm.s32 $0x1B8E;
	s24 =	sld [smem:$0x3FFE];
	[sflag:s23] =	ssyncadd.s32 $0xFFFFFFFF  }
0xa5: {  	s26 =	simm.s32 $execute0_lowered;
	[smem:$0x3FD2] =	sst s25  }
0xa6: {  	s5 =	sshll.u32 s26, $0x1;
	_ =	strace $0x80000046;
	[dreg:$0x1] =	wrdreg $0xFFFFFFFF  }
0xa7: {  	s28 =	simm.s32 $_size_execute0_lowered;
	s3 =	sadd.s32 s3, s5;
	[dreg:$0x0] =	wrdreg $0x0  }
0xa8: {  	s5 =	sshll.u32 s28, $0x1;
	[dreg:$0x2] =	wrdreg s3  }
0xa9: {  	[dreg:$0x3] =	wrdreg s5  }
0xaa: {  	[dreg:$0x4] =	wrdreg $0xC0  }
0xab: {  	_ =	task [dreg:s7], $0x5FFFF  }
0xac: {  	[dreg:$0x1] =	wrdreg $0xFFFFFFFF  }
0xad: {  	[dreg:$0x0] =	wrdreg $0x60  }
0xae: {  	[dreg:$0x2] =	wrdreg s24  }
0xaf: {  	[dreg:$0x3] =	wrdreg s2  }
0xb0: {  	[dreg:$0x4] =	wrdreg $0xA8000  }
0xb1: {  	[dreg:$0x5] =	wrdreg $0x9  }
0xb2: {  	_ =	task.clear_ibuf [dreg:s7], $0x6FFFF;
	_ =	strace $0x90000046  }
0xb3: {  	s29 =	simm.s32 $0x9;
	_ =	strace $0x80000048  }
0xb4: {  	_ =	swait.ge [sflag:s29], $0x1  }
0xb5: {  	[sflag:s29] =	ssyncadd.s32 $0xFFFFFFFF  }
0xb6: {  	_ =	strace $0x90000048  }
0xb7: {  	_ =	sfence  }
0xb8: {  	s30 =	sld [smem:$0x0];
	_ =	sdelay $0x2  }
0xb9: {  	s31 =	sshll.u32 s1, $0xD;
	s1 =	sshrl.u32 s1, $0x2  }
0xba: {  	s3 =	sand.u32 $0x4000, s31;
	s1 =	sadd.s32 s1, s30  }
0xbb: {  	s0 =	sor.u32 s3, s0;
	s1 =	sshll.u32 s1, $0x11  }
0xbc: {  	s0 =	sor.u32 s1, s0  }
0xbd: {  	s0 =	sadd.s32 $0x8F2B, s0  }
0xbe: {  	[sflag:s0] =	ssyncadd.remote.s32 $0x1  }
0xbf: {  	_ =	sfence.sel $0xFFFF  }
0xc0: {  	[dreg:$0x0] =	wrdreg $0xFFFFFFFF;
	(pc) =	sbr.abs _section_cstart, $3  }
0xc1: {  	[dreg:$0x1] =	wrdreg $0xFFFFFFFF  }
0xc2: {  	_ =	task.clear_ibuf [dreg:s7], $0x2FFFF;
	_ =	strace $0x9FFFFFFF  }
0xc3: {  	(tm) =	ssettm $0x7FFFFFFF  }
tec
execute0_lowered:
.L_overlay_start_1:
0x0: {  	(tag) =	ssettag $0x1  }
0x1: {  	s1 =	rddreg [dreg:$0x0]  }
0x2: {  	s2 =	rddreg [dreg:$0x1]  }
0x3: {  	s4 =	srdreg.scid;
	s0 =	stileid.u32  }
0x4: {  	s3 =	rddreg [dreg:$0x2];
	s22 =	simm.s32 $0x1400;
	s23 =	simm.s32 $0x80  }
0x5: {  	s24 =	simm.s32 $0x6800;
	s28 =	simm.s32 $0x2700;
	s29 =	simm.s32 $0x2780  }
0x6: {  	s30 =	simm.s32 $0x0;
	s7 =	sand.u32 $0x1, s4;
	s6 =	smul.u32 $0x50000, s0  }
0x7: {  	s5 =	sshll.u32 s0, $0x1;
	s4 =	simm.s32 $0x0;
	s12 =	smul.u32 $0x14000, s0  }
0x8: {  	s5 =	sor.u32 s7, s5;
	[smem:$0x7FF] =	sst s4;
	s20 =	smul.u32 $0x140000, s7  }
0x9: {  	s8 =	ssub.s32 $0x2, s7;
	s5 =	smul.u32 $0x2800, s5;
	_ =	strace $0x80000047  }
0xa: {  	s25 =	sshrl.u32 s8, $0x1;
	s26 =	sshrl.u32 s6, $0x2;
	s14 =	sadd.s32 $0x4000, s12  }
0xb: {  	s16 =	sadd.s32 $0x8000, s12;
	s17 =	sadd.s32 $0xC000, s12;
	s18 =	sadd.s32 $0x10000, s12  }
0xc: {  	s19 =	ssub.s32 s8, s25;
	s6 =	sadd.s32 s14, s3;
	s7 =	sadd.s32 s16, s3  }
0xd: {  	s8 =	sadd.s32 s17, s3;
	s9 =	sadd.s32 s18, s3;
	s15 =	sadd.s32 s12, s20  }
0xe: {  	s21 =	sadd.s32 s20, s14;
	s16 =	sadd.s32 s20, s16;
	s17 =	sadd.s32 s20, s17  }
0xf: {  	s18 =	sadd.s32 s20, s18;
	s20 =	simm.s32 $0x2800;
	s25 =	simm.s32 $0x1  }
0x10: {  	s5 =	sshrl.u32 s5, $0x3;
	s15 =	sshrl.u32 s15, $0x3;
	s31 =	sshrl.u32 s21, $0x3  }
0x11: {  	s16 =	sshrl.u32 s16, $0x3;
	s17 =	sshrl.u32 s17, $0x3;
	s18 =	sshrl.u32 s18, $0x3  }
0x12: {  	s19 =	smax.u32 s19, $0x1;
	s21 =	simm.s32 $0x3;
	s13 =	sadd.s32 s5, s1  }
0x13: {  	s1 =	sadd.s32 $0x8CC00, s1;
	s5 =	sadd.s32 s26, s3;
	s26 =	simm.s32 $0x2  }
0x14: {  	s10 =	sadd.s32 $0x3800, s13;
	s11 =	sadd.s32 $0xD800, s13;
	s12 =	sadd.s32 $0x3A80, s13  }
0x15: {  	s13 =	sadd.s32 $0xDA80, s13;
	s14 =	sadd.s32 s1, s15;
	s15 =	sadd.s32 s1, s31  }
0x16: {  	v0 =	vimm.f32 $0.0e+00;
	s16 =	sadd.s32 s1, s16;
	s17 =	sadd.s32 s1, s17;
	s18 =	sadd.s32 s1, s18  }
.LBB2_1:
0x17: {  	s31 =	simm.s32 $0x0;
	s1 =	simm.s32 $0x200  }
.LBB2_2:
0x18: {  	p0 =	sne.s32 s1, $0xFE00;
	[tilespmem:s31+$0x2870] =	vst v0  }
0x19: {  	[tilespmem:s31+$0x2800] =	vst v0  }
0x1a: {  	[tilespmem:s31+$0x2810] =	vst v0  }
.Ltmp0:
0x1b: {  	[tilespmem:s31+$0x2820] =	vst v0;
	(pc) =	sbr.rel @p0 .LBB2_2-.Ltmp0, $4  }
0x1c: {  	[tilespmem:s31+$0x2830] =	vst v0  }
0x1d: {  	[tilespmem:s31+$0x2840] =	vst v0  }
0x1e: {  	[tilespmem:s31+$0x2850] =	vst v0  }
0x1f: {  	[tilespmem:s31+$0x2860] =	vst v0;
	s31 =	sshra.s32 s1, $0x2;
	s1 =	sadd.s32 $0x200, s1  }
0x20: {  	[tilespmem:s31+$0x2870] =	vst v0  }
0x21: {  	[tilespmem:s31+$0x2800] =	vst v0  }
0x22: {  	[tilespmem:s31+$0x2810] =	vst v0  }
0x23: {  	[tilespmem:s31+$0x2820] =	vst v0  }
0x24: {  	[tilespmem:s31+$0x2830] =	vst v0  }
0x25: {  	[tilespmem:s31+$0x2840] =	vst v0  }
0x26: {  	[tilespmem:s31+$0x2850] =	vst v0  }
0x27: {  	[tilespmem:s31+$0x2860] =	vst v0  }
0x28: {  	[spmem:s5] =	stream.linear.scatter [tilespmem:s20], [sflag:$0x3], $0x4000, $0x38;
	[tilespmem:$0x1E800] =	vst v63  }
0x29: {  	_ =	swait.ge [sflag:s21], $0x4000  }
0x2a: {  	[sflag:s21] =	ssyncset.done $0x0  }
0x2b: {  	[sflag:s21] =	ssyncadd.s32 $0xFFFFC000  }
0x2c: {  	[spmem:s6] =	stream.linear.scatter [tilespmem:s20], [sflag:$0x3], $0x4000, $0x38;
	[tilespmem:$0x1E800] =	vst v63  }
0x2d: {  	_ =	swait.ge [sflag:s21], $0x4000  }
0x2e: {  	[sflag:s21] =	ssyncset.done $0x0  }
0x2f: {  	[sflag:s21] =	ssyncadd.s32 $0xFFFFC000  }
0x30: {  	[spmem:s7] =	stream.linear.scatter [tilespmem:s20], [sflag:$0x3], $0x4000, $0x38;
	[tilespmem:$0x1E800] =	vst v63  }
0x31: {  	_ =	swait.ge [sflag:s21], $0x4000  }
0x32: {  	[sflag:s21] =	ssyncset.done $0x0  }
0x33: {  	[sflag:s21] =	ssyncadd.s32 $0xFFFFC000  }
0x34: {  	[spmem:s8] =	stream.linear.scatter [tilespmem:s20], [sflag:$0x3], $0x4000, $0x38;
	[tilespmem:$0x1E800] =	vst v63  }
0x35: {  	_ =	swait.ge [sflag:s21], $0x4000  }
0x36: {  	[sflag:s21] =	ssyncset.done $0x0  }
0x37: {  	[sflag:s21] =	ssyncadd.s32 $0xFFFFC000  }
0x38: {  	[spmem:s9] =	stream.linear.scatter [tilespmem:s20], [sflag:$0x3], $0x4000, $0x38;
	[tilespmem:$0x1E800] =	vst v63  }
0x39: {  	_ =	swait.ge [sflag:s21], $0x4000  }
0x3a: {  	[sflag:s21] =	ssyncset.done $0x0  }
0x3b: {  	[sflag:s21] =	ssyncadd.s32 $0xFFFFC000  }
0x3c: {  	s1 =	simm.s32 $0x0;
	[bflag:$0x0] =	sbarrier.arrive $0xFFFF  }
0x3d: {  	[tilespmem:s1], [sflag:$0x3] =	stream.linear.gather [hbm4b:s10+s1], $0x1400, $0x38;
	[tilespmem:$0x1E800] =	vst v63  }
0x3e: {  	_ =	swait.ge [sflag:s21], $0x1400  }
0x3f: {  	[sflag:s21] =	ssyncset.done $0x0  }
0x40: {  	[sflag:s21] =	ssyncadd.s32 $0xFFFFEC00  }
0x41: {  	[tilespmem:s22], [sflag:$0x3] =	stream.linear.gather [hbm4b:s11+s1], $0x1400, $0x38;
	[tilespmem:$0x1E800] =	vst v63  }
0x42: {  	_ =	swait.ge [sflag:s21], $0x1400  }
0x43: {  	[sflag:s21] =	ssyncset.done $0x0  }
0x44: {  	[sflag:s21] =	ssyncadd.s32 $0xFFFFEC00  }
0x45: {  	[tilespmem:s20], [sflag:$0x1] =	stream.indirect.gather [hbm4b:s2+s23], $0x80, s1, s23, $0xb8;
	[tilespmem:$0x1E800] =	vst v63  }
0x46: {  	_ = 	snop  }
0x47: {  	[tilespmem:s24], [sflag:$0x2] =	stream.indirect.gather [hbm4b:s2+s23], $0x80, s23, s23, $0xb8;
	[tilespmem:$0x1E800] =	vst v63  }
0x48: {  	_ =	swait.ge [sflag:s25], $0x4000  }
0x49: {  	[sflag:s25] =	ssyncset.done $0x0  }
0x4a: {  	s0 =	simm.s32 $0x1400;
	[sflag:s25] =	ssyncadd.s32 $0xFFFFC000  }
0x4b: {  	[spmem:s3] =	stream.indirect.scatter.add.f32 [tilespmem:s20], [sflag:$0x3], $0x80, s0, s23, $0xb8;
	[tilespmem:$0x1E800] =	vst v63  }
0x4c: {  	_ =	swait.ge [sflag:s21], $0x4000  }
0x4d: {  	[sflag:s21] =	ssyncset.done $0x0  }
0x4e: {  	s0 =	simm.s32 $0x100;
	[sflag:s21] =	ssyncadd.s32 $0xFFFFC000  }
0x4f: {  	[tilespmem:s20], [sflag:$0x1] =	stream.indirect.gather [hbm4b:s2+s23], $0x80, s0, s23, $0xb8;
	[tilespmem:$0x1E800] =	vst v63  }
0x50: {  	_ =	swait.ge [sflag:s26], $0x4000  }
0x51: {  	[sflag:s26] =	ssyncset.done $0x0  }
0x52: {  	s0 =	simm.s32 $0x1480;
	[sflag:s26] =	ssyncadd.s32 $0xFFFFC000  }
0x53: {  	[spmem:s3] =	stream.indirect.scatter.add.f32 [tilespmem:s24], [sflag:$0x3], $0x80, s0, s23, $0xb8;
	[tilespmem:$0x1E800] =	vst v63  }
0x54: {  	_ =	swait.ge [sflag:s21], $0x4000  }
0x55: {  	[sflag:s21] =	ssyncset.done $0x0  }
0x56: {  	s31 =	simm.s32 $0x400;
	s1 =	simm.s32 $0x180;
	[sflag:s21] =	ssyncadd.s32 $0xFFFFC000  }
.LBB2_4:
0x57: {  	[tilespmem:s24], [sflag:$0x2] =	stream.indirect.gather [hbm4b:s2+s23], $0x80, s1, s23, $0xb8;
	[tilespmem:$0x1E800] =	vst v63  }
0x58: {  	s1 =	smov.u32 s31  }
0x59: {  	p0 =	sne.s32 s31, $0x4800;
	s31 =	sadd.s32 $0x400, s31;
	_ =	swait.ge [sflag:s25], $0x4000  }
0x5a: {  	s1 =	sshra.s32 s1, $0x2;
	[sflag:s25] =	ssyncset.done $0x0  }
0x5b: {  	s0 =	sadd.s32 $0x1400, s1;
	[sflag:s25] =	ssyncadd.s32 $0xFFFFC000  }
0x5c: {  	[spmem:s3] =	stream.indirect.scatter.add.f32 [tilespmem:s20], [sflag:$0x3], $0x80, s0, s23, $0xb8;
	[tilespmem:$0x1E800] =	vst v63  }
0x5d: {  	_ =	swait.ge [sflag:s21], $0x4000  }
0x5e: {  	[sflag:s21] =	ssyncset.done $0x0  }
0x5f: {  	s0 =	sadd.s32 $0x100, s1;
	[sflag:s21] =	ssyncadd.s32 $0xFFFFC000  }
0x60: {  	[tilespmem:s20], [sflag:$0x1] =	stream.indirect.gather [hbm4b:s2+s23], $0x80, s0, s23, $0xb8;
	[tilespmem:$0x1E800] =	vst v63  }
0x61: {  	_ =	swait.ge [sflag:s26], $0x4000  }
0x62: {  	[sflag:s26] =	ssyncset.done $0x0  }
.Ltmp1:
0x63: {  	s0 =	sadd.s32 $0x1480, s1;
	[sflag:s26] =	ssyncadd.s32 $0xFFFFC000;
	(pc) =	sbr.rel @p0 .LBB2_4-.Ltmp1, $4  }
0x64: {  	[spmem:s3] =	stream.indirect.scatter.add.f32 [tilespmem:s24], [sflag:$0x3], $0x80, s0, s23, $0xb8;
	[tilespmem:$0x1E800] =	vst v63  }
0x65: {  	_ =	swait.ge [sflag:s21], $0x4000  }
0x66: {  	[sflag:s21] =	ssyncset.done $0x0  }
0x67: {  	s1 =	sadd.s32 $0x180, s1;
	[sflag:s21] =	ssyncadd.s32 $0xFFFFC000  }
0x68: {  	[tilespmem:s24], [sflag:$0x2] =	stream.indirect.gather [hbm4b:s2+s23], $0x80, s1, s23, $0xb8;
	[tilespmem:$0x1E800] =	vst v63  }
0x69: {  	_ =	swait.ge [sflag:s25], $0x4000  }
0x6a: {  	[sflag:s25] =	ssyncset.done $0x0  }
0x6b: {  	[sflag:s25] =	ssyncadd.s32 $0xFFFFC000  }
0x6c: {  	[spmem:s3] =	stream.indirect.scatter.add.f32 [tilespmem:s20], [sflag:$0x3], $0x80, s28, s23, $0xb8;
	[tilespmem:$0x1E800] =	vst v63  }
0x6d: {  	_ =	swait.ge [sflag:s21], $0x4000  }
0x6e: {  	[sflag:s21] =	ssyncset.done $0x0  }
0x6f: {  	[sflag:s21] =	ssyncadd.s32 $0xFFFFC000  }
0x70: {  	_ =	swait.ge [sflag:s26], $0x4000  }
0x71: {  	[sflag:s26] =	ssyncset.done $0x0  }
0x72: {  	[sflag:s26] =	ssyncadd.s32 $0xFFFFC000  }
0x73: {  	[spmem:s3] =	stream.indirect.scatter.add.f32 [tilespmem:s24], [sflag:$0x3], $0x80, s29, s23, $0xb8;
	[tilespmem:$0x1E800] =	vst v63  }
0x74: {  	_ =	swait.ge [sflag:s21], $0x4000  }
0x75: {  	[sflag:s21] =	ssyncset.done $0x0  }
0x76: {  	s0 =	simm.s32 $0x0;
	[sflag:s21] =	ssyncadd.s32 $0xFFFFC000  }
0x77: {  	[tilespmem:s0], [sflag:$0x3] =	stream.linear.gather [hbm4b:s12+s0], $0x1400, $0x38;
	[tilespmem:$0x1E800] =	vst v63  }
0x78: {  	_ =	swait.ge [sflag:s21], $0x1400  }
0x79: {  	[sflag:s21] =	ssyncset.done $0x0  }
0x7a: {  	[sflag:s21] =	ssyncadd.s32 $0xFFFFEC00  }
0x7b: {  	[tilespmem:s22], [sflag:$0x3] =	stream.linear.gather [hbm4b:s13+s0], $0x1400, $0x38;
	[tilespmem:$0x1E800] =	vst v63  }
0x7c: {  	_ =	swait.ge [sflag:s21], $0x1400  }
0x7d: {  	[sflag:s21] =	ssyncset.done $0x0  }
0x7e: {  	[sflag:s21] =	ssyncadd.s32 $0xFFFFEC00  }
0x7f: {  	[tilespmem:s20], [sflag:$0x1] =	stream.indirect.gather [hbm4b:s2+s23], $0x80, s0, s23, $0xb8;
	[tilespmem:$0x1E800] =	vst v63  }
0x80: {  	_ = 	snop  }
0x81: {  	[tilespmem:s24], [sflag:$0x2] =	stream.indirect.gather [hbm4b:s2+s23], $0x80, s23, s23, $0xb8;
	[tilespmem:$0x1E800] =	vst v63  }
0x82: {  	_ =	swait.ge [sflag:s25], $0x4000  }
0x83: {  	[sflag:s25] =	ssyncset.done $0x0  }
0x84: {  	s1 =	simm.s32 $0x1400;
	[sflag:s25] =	ssyncadd.s32 $0xFFFFC000  }
0x85: {  	[spmem:s3] =	stream.indirect.scatter.add.f32 [tilespmem:s20], [sflag:$0x3], $0x80, s1, s23, $0xb8;
	[tilespmem:$0x1E800] =	vst v63  }
0x86: {  	_ =	swait.ge [sflag:s21], $0x4000  }
0x87: {  	[sflag:s21] =	ssyncset.done $0x0  }
0x88: {  	s1 =	simm.s32 $0x100;
	[sflag:s21] =	ssyncadd.s32 $0xFFFFC000  }
0x89: {  	[tilespmem:s20], [sflag:$0x1] =	stream.indirect.gather [hbm4b:s2+s23], $0x80, s1, s23, $0xb8;
	[tilespmem:$0x1E800] =	vst v63  }
0x8a: {  	_ =	swait.ge [sflag:s26], $0x4000  }
0x8b: {  	[sflag:s26] =	ssyncset.done $0x0  }
0x8c: {  	s1 =	simm.s32 $0x1480;
	[sflag:s26] =	ssyncadd.s32 $0xFFFFC000  }
0x8d: {  	[spmem:s3] =	stream.indirect.scatter.add.f32 [tilespmem:s24], [sflag:$0x3], $0x80, s1, s23, $0xb8;
	[tilespmem:$0x1E800] =	vst v63  }
0x8e: {  	_ =	swait.ge [sflag:s21], $0x4000  }
0x8f: {  	[sflag:s21] =	ssyncset.done $0x0  }
0x90: {  	s31 =	simm.s32 $0x400;
	s1 =	simm.s32 $0x180;
	[sflag:s21] =	ssyncadd.s32 $0xFFFFC000  }
.LBB2_6:
0x91: {  	[tilespmem:s24], [sflag:$0x2] =	stream.indirect.gather [hbm4b:s2+s23], $0x80, s1, s23, $0xb8;
	[tilespmem:$0x1E800] =	vst v63  }
0x92: {  	s0 =	smov.u32 s31  }
0x93: {  	p0 =	sne.s32 s31, $0x4800;
	s31 =	sadd.s32 $0x400, s31;
	_ =	swait.ge [sflag:s25], $0x4000  }
0x94: {  	s0 =	sshra.s32 s0, $0x2;
	[sflag:s25] =	ssyncset.done $0x0  }
0x95: {  	s1 =	sadd.s32 $0x1400, s0;
	[sflag:s25] =	ssyncadd.s32 $0xFFFFC000  }
0x96: {  	[spmem:s3] =	stream.indirect.scatter.add.f32 [tilespmem:s20], [sflag:$0x3], $0x80, s1, s23, $0xb8;
	[tilespmem:$0x1E800] =	vst v63  }
0x97: {  	_ =	swait.ge [sflag:s21], $0x4000  }
0x98: {  	[sflag:s21] =	ssyncset.done $0x0  }
0x99: {  	s1 =	sadd.s32 $0x100, s0;
	[sflag:s21] =	ssyncadd.s32 $0xFFFFC000  }
0x9a: {  	[tilespmem:s20], [sflag:$0x1] =	stream.indirect.gather [hbm4b:s2+s23], $0x80, s1, s23, $0xb8;
	[tilespmem:$0x1E800] =	vst v63  }
0x9b: {  	_ =	swait.ge [sflag:s26], $0x4000  }
0x9c: {  	[sflag:s26] =	ssyncset.done $0x0  }
.Ltmp2:
0x9d: {  	s1 =	sadd.s32 $0x1480, s0;
	[sflag:s26] =	ssyncadd.s32 $0xFFFFC000;
	(pc) =	sbr.rel @p0 .LBB2_6-.Ltmp2, $4  }
0x9e: {  	[spmem:s3] =	stream.indirect.scatter.add.f32 [tilespmem:s24], [sflag:$0x3], $0x80, s1, s23, $0xb8;
	[tilespmem:$0x1E800] =	vst v63  }
0x9f: {  	_ =	swait.ge [sflag:s21], $0x4000  }
0xa0: {  	[sflag:s21] =	ssyncset.done $0x0  }
0xa1: {  	s1 =	sadd.s32 $0x180, s0;
	[sflag:s21] =	ssyncadd.s32 $0xFFFFC000  }
0xa2: {  	[tilespmem:s24], [sflag:$0x2] =	stream.indirect.gather [hbm4b:s2+s23], $0x80, s1, s23, $0xb8;
	[tilespmem:$0x1E800] =	vst v63  }
0xa3: {  	_ =	swait.ge [sflag:s25], $0x4000  }
0xa4: {  	[sflag:s25] =	ssyncset.done $0x0  }
0xa5: {  	[sflag:s25] =	ssyncadd.s32 $0xFFFFC000  }
0xa6: {  	[spmem:s3] =	stream.indirect.scatter.add.f32 [tilespmem:s20], [sflag:$0x3], $0x80, s28, s23, $0xb8;
	[tilespmem:$0x1E800] =	vst v63  }
0xa7: {  	_ =	swait.ge [sflag:s21], $0x4000  }
0xa8: {  	[sflag:s21] =	ssyncset.done $0x0  }
0xa9: {  	[sflag:s21] =	ssyncadd.s32 $0xFFFFC000  }
0xaa: {  	_ =	swait.ge [sflag:s26], $0x4000  }
0xab: {  	[sflag:s26] =	ssyncset.done $0x0  }
0xac: {  	[sflag:s26] =	ssyncadd.s32 $0xFFFFC000  }
0xad: {  	[spmem:s3] =	stream.indirect.scatter.add.f32 [tilespmem:s24], [sflag:$0x3], $0x80, s29, s23, $0xb8;
	[tilespmem:$0x1E800] =	vst v63  }
0xae: {  	_ =	swait.ge [sflag:s21], $0x4000  }
0xaf: {  	[sflag:s21] =	ssyncset.done $0x0  }
0xb0: {  	[sflag:s21] =	ssyncadd.s32 $0xFFFFC000  }
0xb1: {  	[bflag:$0x0] =	sbarrier.arrive $0xFFFF  }
0xb2: {  	[tilespmem:s20], [sflag:$0x3] =	stream.linear.gather [spmem:s5], $0x4000, $0x38;
	[tilespmem:$0x1E800] =	vst v63  }
0xb3: {  	_ =	swait.ge [sflag:s21], $0x4000  }
0xb4: {  	[sflag:s21] =	ssyncset.done $0x0  }
0xb5: {  	[sflag:s21] =	ssyncadd.s32 $0xFFFFC000  }
0xb6: {  	[hbm4b:s14+s4] =	stream.linear.scatter [tilespmem:s20], [sflag:$0x3], $0x4000, $0x38;
	[tilespmem:$0x1E800] =	vst v63  }
0xb7: {  	_ =	swait.ge [sflag:s21], $0x4000  }
0xb8: {  	[sflag:s21] =	ssyncset.done $0x0  }
0xb9: {  	[sflag:s21] =	ssyncadd.s32 $0xFFFFC000  }
0xba: {  	[tilespmem:s20], [sflag:$0x3] =	stream.linear.gather [spmem:s6], $0x4000, $0x38;
	[tilespmem:$0x1E800] =	vst v63  }
0xbb: {  	_ =	swait.ge [sflag:s21], $0x4000  }
0xbc: {  	[sflag:s21] =	ssyncset.done $0x0  }
0xbd: {  	[sflag:s21] =	ssyncadd.s32 $0xFFFFC000  }
0xbe: {  	[hbm4b:s15+s4] =	stream.linear.scatter [tilespmem:s20], [sflag:$0x3], $0x4000, $0x38;
	[tilespmem:$0x1E800] =	vst v63  }
0xbf: {  	_ =	swait.ge [sflag:s21], $0x4000  }
0xc0: {  	[sflag:s21] =	ssyncset.done $0x0  }
0xc1: {  	[sflag:s21] =	ssyncadd.s32 $0xFFFFC000  }
0xc2: {  	[tilespmem:s20], [sflag:$0x3] =	stream.linear.gather [spmem:s7], $0x4000, $0x38;
	[tilespmem:$0x1E800] =	vst v63  }
0xc3: {  	_ =	swait.ge [sflag:s21], $0x4000  }
0xc4: {  	[sflag:s21] =	ssyncset.done $0x0  }
0xc5: {  	[sflag:s21] =	ssyncadd.s32 $0xFFFFC000  }
0xc6: {  	[hbm4b:s16+s4] =	stream.linear.scatter [tilespmem:s20], [sflag:$0x3], $0x4000, $0x38;
	[tilespmem:$0x1E800] =	vst v63  }
0xc7: {  	_ =	swait.ge [sflag:s21], $0x4000  }
0xc8: {  	[sflag:s21] =	ssyncset.done $0x0  }
0xc9: {  	[sflag:s21] =	ssyncadd.s32 $0xFFFFC000  }
0xca: {  	[tilespmem:s20], [sflag:$0x3] =	stream.linear.gather [spmem:s8], $0x4000, $0x38;
	[tilespmem:$0x1E800] =	vst v63  }
0xcb: {  	_ =	swait.ge [sflag:s21], $0x4000  }
0xcc: {  	[sflag:s21] =	ssyncset.done $0x0  }
0xcd: {  	[sflag:s21] =	ssyncadd.s32 $0xFFFFC000  }
0xce: {  	[hbm4b:s17+s4] =	stream.linear.scatter [tilespmem:s20], [sflag:$0x3], $0x4000, $0x38;
	[tilespmem:$0x1E800] =	vst v63  }
0xcf: {  	_ =	swait.ge [sflag:s21], $0x4000  }
0xd0: {  	[sflag:s21] =	ssyncset.done $0x0  }
0xd1: {  	[sflag:s21] =	ssyncadd.s32 $0xFFFFC000  }
0xd2: {  	[tilespmem:s20], [sflag:$0x3] =	stream.linear.gather [spmem:s9], $0x4000, $0x38;
	[tilespmem:$0x1E800] =	vst v63  }
0xd3: {  	s30 =	sadd.s32 $0x1, s30;
	_ =	swait.ge [sflag:s21], $0x4000  }
0xd4: {  	p0 =	sne.s32 s30, s19;
	[sflag:s21] =	ssyncset.done $0x0  }
.Ltmp3:
0xd5: {  	[sflag:s21] =	ssyncadd.s32 $0xFFFFC000;
	(pc) =	sbr.rel @p0 .LBB2_1-.Ltmp3, $4  }
0xd6: {  	[hbm4b:s18+s4] =	stream.linear.scatter [tilespmem:s20], [sflag:$0x3], $0x4000, $0x38;
	[tilespmem:$0x1E800] =	vst v63  }
0xd7: {  	_ =	swait.ge [sflag:s21], $0x4000  }
0xd8: {  	[sflag:s21] =	ssyncset.done $0x0  }
0xd9: {  	[sflag:s21] =	ssyncadd.s32 $0xFFFFC000  }
0xda: {  	_ =	sfence.sel $0x180000  }
0xdb: {  	[bflag:$0x0] =	sbarrier.arrive $0xFFFF  }
0xdc: {  	_ =	strace $0x90000047  }
0xdd: {  	s0 =	stileid.u32;
	[bflag:$0x2] =	sbarrier.arrive $0xFFFF  }
0xde: {  	p0 =	sne.s32 s0, $0x0;
	s0 =	rddreg [dreg:$0x3]  }
0xdf: {  	s0 =	sadd.s32 @!p0 $0x100000, s0  }
0xe0: {  	[sflag:s0] =	ssyncadd.tile.s32 @!p0 $0x1;
	_ =	shalt  }
.Lfunc_end2:
_tile_overlayer_lowered:
.L_overlay_start_2:
0xe1: {  	(tag) =	ssettag $0x2  }
0xe2: {  	s0 =	rddreg [dreg:$0x0];
	s2 =	stileid.u32  }
0xe3: {  	s1 =	rddreg [dreg:$0x1];
	p0 =	sne.s32 s2, $0x0  }
0xe4: {  	s3 =	rddreg [dreg:$0x2];
	[bflag:$0x3] =	sbarrier.arrive $0xFFFF;
	s2 =	simm.s32 @!p0 $0x1C03  }
0xe5: {  	[timem:s3], [sflag:s2] =	dma.local @!p0 [hbm:s0], s1  }
0xe6: {  	s0 =	simm.s32 @!p0 $0x3  }
0xe7: {  	_ =	swait.ge @!p0 [sflag:s0], s1  }
0xe8: {  	s1 =	ssub.s32 @!p0 $0x0, s1;
	[sflag:s0] =	ssyncset.done @!p0 $0x0  }
0xe9: {  	[sflag:s0] =	ssyncadd.s32 @!p0 s1  }
0xea: {  	[bflag:$0x3] =	sbarrier.arrive $0xFFFF  }
0xeb: {  	_ =	shalt  }

// kernel: kernel.17.cloned.1.call-start
scs
__scs_entry_jumppad:
0x0: {  	(pc) =	sbr.rel $0x88, $3  }
0x1: {  	(tag) =	ssettag $0x0;
	lr =	simm.s32 $0x1  }
0x2: {  	[smem:$0x3F98] =	sst lr;
	_ =	strace $0xD0000000  }
0x3: {  	_ = 	snop  }
0x4: {  	_ = 	snop  }
0x5: {  	_ = 	snop  }
0x6: {  	_ = 	snop  }
0x7: {  	_ = 	snop  }
__scs_overlays_trampoline_lowered:
0x8: {  	[smem:$0x3FA7] =	sst s0  }
0x9: {  	[smem:$0x3FA8] =	sst s1  }
0xa: {  	[smem:$0x3FA9] =	sst s2  }
0xb: {  	[smem:$0x3FAA] =	sst s3  }
0xc: {  	[smem:$0x3FAB] =	sst s4  }
0xd: {  	[smem:$0x3FAC] =	sst s5  }
0xe: {  	[smem:$0x3FAD] =	sst s6  }
0xf: {  	[smem:$0x3FAE] =	sst s7  }
0x10: {  	[smem:$0x3FAF] =	sst s8  }
0x11: {  	[smem:$0x3FB0] =	sst s9;
	s0 =	simm.s32 @!p0 $0x0  }
0x12: {  	s1 =	sld [smem:$0x3F96];
	s0 =	simm.s32 @p0 $0x1  }
0x13: {  	[smem:$0x3FB1] =	sst s0;
	s0 =	simm.s32 @!p1 $0x0  }
0x14: {  	s2 =	sld [smem:$0x3F95];
	s0 =	simm.s32 @p1 $0x1  }
0x15: {  	[smem:$0x3FB2] =	sst s0;
	s0 =	simm.s32 @!p2 $0x0  }
0x16: {  	s3 =	sld [smem:$0x3FDB];
	s0 =	simm.s32 @p2 $0x1  }
0x17: {  	s4 =	simm.s32 $0x1BF5;
	[smem:$0x3FB4] =	sst s0  }
0x18: {  	s0 =	sld [smem:$0x3F97];
	_ =	swait.ge [sflag:s4], $0x0  }
0x19: {  	s7 =	sld [smem:$0x3F98]  }
0x1a: {  	s8 =	sadd.s32 $0xFFFFE003, lr  }
0x1b: {  	s9 =	sadd.s32 $0xFFFFFEF7, lr;
	s5 =	simm.s32 $0xFFFFFFFF;
	p2 =	slt.u32 s8, $0xFFFFF086  }
0x1c: {  	p1 =	slt.u32 s9, $0xF7A;
	s5 =	simm.s32 @!p2 $0x0  }
0x1d: {  	s5 =	simm.s32 @p1 $0x1;
	p0 =	seq.s32 s7, s2  }
0x1e: {  	s7 =	smul.u32 @!p0 $0xF7A, s2;
	p2 =	seq.s32 @!p0 s5, $0x0  }
0x1f: {  	s9 =	smul.u32 $0xF7A, s1;
	s8 =	simm.s32 @!p0 $0x1BF5;
	p2 =	por !p2, p0  }
0x20: {  	[sflag:s8] =	ssyncset.s32 @!p0 $0xFFFFF086;
	s6 =	sadd.s32 @!p0 s3, s7;
	s7 =	simm.s32 @!p0 $0x108  }
0x21: {  	s3 =	sadd.s32 s3, s9;
	s6 =	sadd.s32 @!p0 $0x88, s6;
	s7 =	simm.s32 @p2 $0x1082  }
0x22: {  	[simem:s7], [sflag:s8] =	dma.local @!p0 [hbm:s6], $0xF7A  }
0x23: {  	s9 =	sor.u32 $0xD0000000, s2;
	s6 =	simm.s32 $0x108;
	_ =	swait.ge @!p0 [sflag:s8], $0x0  }
0x24: {  	s3 =	sadd.s32 $0x88, s3;
	s6 =	simm.s32 @!p1 $0x1082;
	[sflag:s4] =	ssyncset.s32 $0xFFFFF086  }
0x25: {  	[simem:s6], [sflag:s4] =	dma.local [hbm:s3], $0xF7A  }
0x26: {  	[smem:$0x3F98] =	sst s1;
	(tag) =	ssettag s2;
	_ =	strace s9  }
0x27: {  	s1 =	sld [smem:$0x3FA8]  }
0x28: {  	s2 =	sld [smem:$0x3FA9]  }
0x29: {  	s4 =	sld [smem:$0x3FAB]  }
0x2a: {  	p0 =	seq.s32 s5, $0x0;
	s5 =	sld [smem:$0x3FAC]  }
0x2b: {  	s6 =	sld [smem:$0x3FAD]  }
0x2c: {  	s7 =	sld [smem:$0x3FAE]  }
0x2d: {  	s3 =	simm.s32 $0x108;
	s8 =	sld [smem:$0x3FAF]  }
0x2e: {  	s3 =	simm.s32 @!p0 $0x1082;
	s9 =	sld [smem:$0x3FB0]  }
0x2f: {  	lr =	sadd.s32 s0, s3;
	s0 =	sld [smem:$0x3FA7]  }
0x30: {  	s3 =	sld [smem:$0x3FAA]  }
0x31: {  	[smem:$0x3FB3] =	sst s10  }
0x32: {  	s10 =	sld [smem:$0x3FB1];
	_ =	sdelay $0x3  }
0x33: {  	p0 =	seq.s32 s10, $0x1;
	s10 =	sld [smem:$0x3FB3];
	_ =	sdelay $0x3  }
0x34: {  	[smem:$0x3FB3] =	sst s10  }
0x35: {  	s10 =	sld [smem:$0x3FB2];
	_ =	sdelay $0x3  }
0x36: {  	p1 =	seq.s32 s10, $0x1;
	s10 =	sld [smem:$0x3FB3];
	_ =	sdelay $0x3  }
0x37: {  	[smem:$0x3FB3] =	sst s10  }
0x38: {  	s10 =	sld [smem:$0x3FB4]  }
0x39: {  	_ = 	snop;
	(pc) =	sbr.ind lr, $3  }
0x3a: {  	_ = 	snop  }
0x3b: {  	_ = 	snop  }
0x3c: {  	p2 =	seq.s32 s10, $0x1;
	s10 =	sld [smem:$0x3FB3]  }
0x3d: {  	_ =	shalt  }
0x3e: {  	_ =	shalt  }
0x3f: {  	_ =	shalt  }
0x40: {  	_ =	shalt  }
0x41: {  	_ =	shalt  }
0x42: {  	_ =	shalt  }
0x43: {  	_ =	shalt  }
0x44: {  	_ =	shalt  }
0x45: {  	_ =	shalt  }
0x46: {  	_ =	shalt  }
0x47: {  	_ =	shalt  }
0x48: {  	_ =	shalt  }
0x49: {  	_ =	shalt  }
0x4a: {  	_ =	shalt  }
0x4b: {  	_ =	shalt  }
0x4c: {  	_ =	shalt  }
0x4d: {  	_ =	shalt  }
0x4e: {  	_ =	shalt  }
0x4f: {  	_ =	shalt  }
0x50: {  	_ =	shalt  }
0x51: {  	_ =	shalt  }
0x52: {  	_ =	shalt  }
0x53: {  	_ =	shalt  }
0x54: {  	_ =	shalt  }
0x55: {  	_ =	shalt  }
0x56: {  	_ =	shalt  }
0x57: {  	_ =	shalt  }
0x58: {  	_ =	shalt  }
0x59: {  	_ =	shalt  }
0x5a: {  	_ =	shalt  }
0x5b: {  	_ =	shalt  }
0x5c: {  	_ =	shalt  }
0x5d: {  	_ =	shalt  }
0x5e: {  	_ =	shalt  }
0x5f: {  	_ =	shalt  }
0x60: {  	_ =	shalt  }
0x61: {  	_ =	shalt  }
0x62: {  	_ =	shalt  }
0x63: {  	_ =	shalt  }
0x64: {  	_ =	shalt  }
0x65: {  	_ =	shalt  }
0x66: {  	_ =	shalt  }
0x67: {  	_ =	shalt  }
0x68: {  	_ =	shalt  }
0x69: {  	_ =	shalt  }
0x6a: {  	_ =	shalt  }
0x6b: {  	_ =	shalt  }
0x6c: {  	_ =	shalt  }
0x6d: {  	_ =	shalt  }
0x6e: {  	_ =	shalt  }
0x6f: {  	_ =	shalt  }
0x70: {  	_ =	shalt  }
0x71: {  	_ =	shalt  }
0x72: {  	_ =	shalt  }
0x73: {  	_ =	shalt  }
0x74: {  	_ =	shalt  }
0x75: {  	_ =	shalt  }
0x76: {  	_ =	shalt  }
0x77: {  	_ =	shalt  }
0x78: {  	_ =	shalt  }
0x79: {  	_ =	shalt  }
0x7a: {  	_ =	shalt  }
0x7b: {  	_ =	shalt  }
0x7c: {  	_ =	shalt  }
0x7d: {  	_ =	shalt  }
0x7e: {  	_ =	shalt  }
0x7f: {  	_ =	shalt  }
0x80: {  	_ =	shalt  }
0x81: {  	_ =	shalt  }
0x82: {  	_ =	shalt  }
0x83: {  	_ =	shalt  }
0x84: {  	_ =	shalt  }
0x85: {  	_ =	shalt  }
0x86: {  	_ =	shalt  }
0x87: {  	_ =	shalt  }
.Lfunc_end0:
.L_simem_size_0:
called_computation.1_lowered:
.L_overlay_start_0:
0x88: {  	s2 =	sld [smem:$0x3FD9]  }
0x89: {  	s3 =	sld [smem:$0x3FFE];
	_ =	sdelay $0x1  }
0x8a: {  	s1 =	srdreg.scid  }
0x8b: {  	s0 =	sand.u32 $0x1, s1  }
0x8c: {  	s17 =	sshll.u32 s0, $0xA;
	s2 =	sadd.s32 s3, s2  }
0x8d: {  	s2 =	sadd.s32 s2, s17  }
0x8e: {  	[smem:$0x3FBF] =	sst s2  }
0x8f: {  	_ = 	snop  }
0x90: {  	s2 =	sld [smem:$0x3FD0];
	(tm) =	ssettm $0x1  }
0x91: {  	s18 =	sld [smem:$0x3FFB];
	_ =	sdelay $0x3  }
0x92: {  	_ =	strace s18  }
0x93: {  	s3 =	sld [smem:$0x3FFC];
	_ =	sdelay $0x3  }
0x94: {  	_ =	strace s3  }
0x95: {  	s3 =	sld [smem:$0x3FFD];
	_ =	sdelay $0x3  }
0x96: {  	_ =	strace s3  }
0x97: {  	_ =	strace $0x8FFFFFFF  }
0x98: {  	s19 =	sld [smem:$0x3FDB];
	_ =	sdelay $0x1  }
0x99: {  	s4 =	simm.s32 $_scs_section_size  }
0x9a: {  	s5 =	simm.s32 $_size__tile_overlayer_lowered;
	s6 =	simm.s32 $_tile_overlayer_lowered  }
0x9b: {  	s22 =	simm.s32 $0x1BFF;
	s21 =	sshll.u32 s6, $0x1;
	s3 =	sadd.s32 s4, s19  }
0x9c: {  	s7 =	simm.s32 $0x0;
	s20 =	sshll.u32 s5, $0x1;
	s5 =	sadd.s32 s21, s3  }
0x9d: {  	[timem:s7], [sflag:s22] =	dma.local [hbm:s5], s20  }
0x9e: {  	_ =	swait.ge [sflag:s22], s20  }
0x9f: {  	s4 =	ssub.s32 $0x0, s20;
	[sflag:s22] =	ssyncset.done $0x0  }
0xa0: {  	[sflag:s22] =	ssyncadd.s32 s4;
	_ =	sdelay $0x1  }
0xa1: {  	s23 =	simm.s32 $0x1B8B  }
0xa2: {  	_ =	swait.ge [sflag:s23], $0x1  }
0xa3: {  	[sflag:s23] =	ssyncset.done $0x0  }
0xa4: {  	s25 =	simm.s32 $0x1B8E;
	s24 =	sld [smem:$0x3FFE];
	[sflag:s23] =	ssyncadd.s32 $0xFFFFFFFF  }
0xa5: {  	s26 =	simm.s32 $execute0_lowered;
	[smem:$0x3FD2] =	sst s25  }
0xa6: {  	s5 =	sshll.u32 s26, $0x1;
	_ =	strace $0x80000049;
	[dreg:$0x1] =	wrdreg $0xFFFFFFFF  }
0xa7: {  	s28 =	simm.s32 $_size_execute0_lowered;
	s3 =	sadd.s32 s3, s5;
	[dreg:$0x0] =	wrdreg $0x0  }
0xa8: {  	s5 =	sshll.u32 s28, $0x1;
	[dreg:$0x2] =	wrdreg s3  }
0xa9: {  	[dreg:$0x3] =	wrdreg s5  }
0xaa: {  	[dreg:$0x4] =	wrdreg $0xC0  }
0xab: {  	_ =	task [dreg:s7], $0x5FFFF  }
0xac: {  	[dreg:$0x1] =	wrdreg $0xFFFFFFFF  }
0xad: {  	[dreg:$0x0] =	wrdreg $0x60  }
0xae: {  	[dreg:$0x2] =	wrdreg s24  }
0xaf: {  	[dreg:$0x3] =	wrdreg s2  }
0xb0: {  	[dreg:$0x4] =	wrdreg $0xA8000  }
0xb1: {  	[dreg:$0x5] =	wrdreg $0x9  }
0xb2: {  	_ =	task.clear_ibuf [dreg:s7], $0x6FFFF;
	_ =	strace $0x90000049  }
0xb3: {  	s29 =	simm.s32 $0x9;
	_ =	strace $0x8000004B  }
0xb4: {  	_ =	swait.ge [sflag:s29], $0x1  }
0xb5: {  	[sflag:s29] =	ssyncadd.s32 $0xFFFFFFFF  }
0xb6: {  	_ =	strace $0x9000004B  }
0xb7: {  	_ =	sfence  }
0xb8: {  	s30 =	sld [smem:$0x0];
	_ =	sdelay $0x2  }
0xb9: {  	s31 =	sshll.u32 s1, $0xD;
	s1 =	sshrl.u32 s1, $0x2  }
0xba: {  	s3 =	sand.u32 $0x4000, s31;
	s1 =	sadd.s32 s1, s30  }
0xbb: {  	s0 =	sor.u32 s3, s0;
	s1 =	sshll.u32 s1, $0x11  }
0xbc: {  	s0 =	sor.u32 s1, s0  }
0xbd: {  	s0 =	sadd.s32 $0x8F2B, s0  }
0xbe: {  	[sflag:s0] =	ssyncadd.remote.s32 $0x1  }
0xbf: {  	_ =	sfence.sel $0xFFFF  }
0xc0: {  	[dreg:$0x0] =	wrdreg $0xFFFFFFFF;
	(pc) =	sbr.abs _section_cstart, $3  }
0xc1: {  	[dreg:$0x1] =	wrdreg $0xFFFFFFFF  }
0xc2: {  	_ =	task.clear_ibuf [dreg:s7], $0x2FFFF;
	_ =	strace $0x9FFFFFFF  }
0xc3: {  	(tm) =	ssettm $0x7FFFFFFF  }
tec
execute0_lowered:
.L_overlay_start_1:
0x0: {  	(tag) =	ssettag $0x1  }
0x1: {  	s1 =	rddreg [dreg:$0x0]  }
0x2: {  	s2 =	rddreg [dreg:$0x1]  }
0x3: {  	s4 =	srdreg.scid;
	s0 =	stileid.u32  }
0x4: {  	s3 =	rddreg [dreg:$0x2];
	s22 =	simm.s32 $0x1400;
	s23 =	simm.s32 $0x80  }
0x5: {  	s24 =	simm.s32 $0x6800;
	s28 =	simm.s32 $0x2700;
	s29 =	simm.s32 $0x2780  }
0x6: {  	s30 =	simm.s32 $0x0;
	s7 =	sand.u32 $0x1, s4;
	s6 =	smul.u32 $0x50000, s0  }
0x7: {  	s5 =	sshll.u32 s0, $0x1;
	s4 =	simm.s32 $0x0;
	s12 =	smul.u32 $0x14000, s0  }
0x8: {  	s5 =	sor.u32 s7, s5;
	[smem:$0x7FF] =	sst s4;
	s20 =	smul.u32 $0x140000, s7  }
0x9: {  	s8 =	ssub.s32 $0x2, s7;
	s5 =	smul.u32 $0x2800, s5;
	_ =	strace $0x8000004A  }
0xa: {  	s25 =	sshrl.u32 s8, $0x1;
	s26 =	sshrl.u32 s6, $0x2;
	s14 =	sadd.s32 $0x4000, s12  }
0xb: {  	s16 =	sadd.s32 $0x8000, s12;
	s17 =	sadd.s32 $0xC000, s12;
	s18 =	sadd.s32 $0x10000, s12  }
0xc: {  	s19 =	ssub.s32 s8, s25;
	s6 =	sadd.s32 s14, s3;
	s7 =	sadd.s32 s16, s3  }
0xd: {  	s8 =	sadd.s32 s17, s3;
	s9 =	sadd.s32 s18, s3;
	s15 =	sadd.s32 s12, s20  }
0xe: {  	s21 =	sadd.s32 s20, s14;
	s16 =	sadd.s32 s20, s16;
	s17 =	sadd.s32 s20, s17  }
0xf: {  	s18 =	sadd.s32 s20, s18;
	s20 =	simm.s32 $0x2800;
	s25 =	simm.s32 $0x1  }
0x10: {  	s5 =	sshrl.u32 s5, $0x3;
	s15 =	sshrl.u32 s15, $0x3;
	s31 =	sshrl.u32 s21, $0x3  }
0x11: {  	s16 =	sshrl.u32 s16, $0x3;
	s17 =	sshrl.u32 s17, $0x3;
	s18 =	sshrl.u32 s18, $0x3  }
0x12: {  	s19 =	smax.u32 s19, $0x1;
	s21 =	simm.s32 $0x3;
	s13 =	sadd.s32 s5, s1  }
0x13: {  	s1 =	sadd.s32 $0x8CC00, s1;
	s5 =	sadd.s32 s26, s3;
	s26 =	simm.s32 $0x2  }
0x14: {  	s10 =	sadd.s32 $0x3800, s13;
	s11 =	sadd.s32 $0xD800, s13;
	s12 =	sadd.s32 $0x3A80, s13  }
0x15: {  	s13 =	sadd.s32 $0xDA80, s13;
	s14 =	sadd.s32 s1, s15;
	s15 =	sadd.s32 s1, s31  }
0x16: {  	v0 =	vimm.f32 $0.0e+00;
	s16 =	sadd.s32 s1, s16;
	s17 =	sadd.s32 s1, s17;
	s18 =	sadd.s32 s1, s18  }
.LBB2_1:
0x17: {  	s31 =	simm.s32 $0x0;
	s1 =	simm.s32 $0x200  }
.LBB2_2:
0x18: {  	p0 =	sne.s32 s1, $0xFE00;
	[tilespmem:s31+$0x2870] =	vst v0  }
0x19: {  	[tilespmem:s31+$0x2800] =	vst v0  }
0x1a: {  	[tilespmem:s31+$0x2810] =	vst v0  }
.Ltmp0:
0x1b: {  	[tilespmem:s31+$0x2820] =	vst v0;
	(pc) =	sbr.rel @p0 .LBB2_2-.Ltmp0, $4  }
0x1c: {  	[tilespmem:s31+$0x2830] =	vst v0  }
0x1d: {  	[tilespmem:s31+$0x2840] =	vst v0  }
0x1e: {  	[tilespmem:s31+$0x2850] =	vst v0  }
0x1f: {  	[tilespmem:s31+$0x2860] =	vst v0;
	s31 =	sshra.s32 s1, $0x2;
	s1 =	sadd.s32 $0x200, s1  }
0x20: {  	[tilespmem:s31+$0x2870] =	vst v0  }
0x21: {  	[tilespmem:s31+$0x2800] =	vst v0  }
0x22: {  	[tilespmem:s31+$0x2810] =	vst v0  }
0x23: {  	[tilespmem:s31+$0x2820] =	vst v0  }
0x24: {  	[tilespmem:s31+$0x2830] =	vst v0  }
0x25: {  	[tilespmem:s31+$0x2840] =	vst v0  }
0x26: {  	[tilespmem:s31+$0x2850] =	vst v0  }
0x27: {  	[tilespmem:s31+$0x2860] =	vst v0  }
0x28: {  	[spmem:s5] =	stream.linear.scatter [tilespmem:s20], [sflag:$0x3], $0x4000, $0x38;
	[tilespmem:$0x1E800] =	vst v63  }
0x29: {  	_ =	swait.ge [sflag:s21], $0x4000  }
0x2a: {  	[sflag:s21] =	ssyncset.done $0x0  }
0x2b: {  	[sflag:s21] =	ssyncadd.s32 $0xFFFFC000  }
0x2c: {  	[spmem:s6] =	stream.linear.scatter [tilespmem:s20], [sflag:$0x3], $0x4000, $0x38;
	[tilespmem:$0x1E800] =	vst v63  }
0x2d: {  	_ =	swait.ge [sflag:s21], $0x4000  }
0x2e: {  	[sflag:s21] =	ssyncset.done $0x0  }
0x2f: {  	[sflag:s21] =	ssyncadd.s32 $0xFFFFC000  }
0x30: {  	[spmem:s7] =	stream.linear.scatter [tilespmem:s20], [sflag:$0x3], $0x4000, $0x38;
	[tilespmem:$0x1E800] =	vst v63  }
0x31: {  	_ =	swait.ge [sflag:s21], $0x4000  }
0x32: {  	[sflag:s21] =	ssyncset.done $0x0  }
0x33: {  	[sflag:s21] =	ssyncadd.s32 $0xFFFFC000  }
0x34: {  	[spmem:s8] =	stream.linear.scatter [tilespmem:s20], [sflag:$0x3], $0x4000, $0x38;
	[tilespmem:$0x1E800] =	vst v63  }
0x35: {  	_ =	swait.ge [sflag:s21], $0x4000  }
0x36: {  	[sflag:s21] =	ssyncset.done $0x0  }
0x37: {  	[sflag:s21] =	ssyncadd.s32 $0xFFFFC000  }
0x38: {  	[spmem:s9] =	stream.linear.scatter [tilespmem:s20], [sflag:$0x3], $0x4000, $0x38;
	[tilespmem:$0x1E800] =	vst v63  }
0x39: {  	_ =	swait.ge [sflag:s21], $0x4000  }
0x3a: {  	[sflag:s21] =	ssyncset.done $0x0  }
0x3b: {  	[sflag:s21] =	ssyncadd.s32 $0xFFFFC000  }
0x3c: {  	s1 =	simm.s32 $0x0;
	[bflag:$0x0] =	sbarrier.arrive $0xFFFF  }
0x3d: {  	[tilespmem:s1], [sflag:$0x3] =	stream.linear.gather [hbm4b:s10+s1], $0x1400, $0x38;
	[tilespmem:$0x1E800] =	vst v63  }
0x3e: {  	_ =	swait.ge [sflag:s21], $0x1400  }
0x3f: {  	[sflag:s21] =	ssyncset.done $0x0  }
0x40: {  	[sflag:s21] =	ssyncadd.s32 $0xFFFFEC00  }
0x41: {  	[tilespmem:s22], [sflag:$0x3] =	stream.linear.gather [hbm4b:s11+s1], $0x1400, $0x38;
	[tilespmem:$0x1E800] =	vst v63  }
0x42: {  	_ =	swait.ge [sflag:s21], $0x1400  }
0x43: {  	[sflag:s21] =	ssyncset.done $0x0  }
0x44: {  	[sflag:s21] =	ssyncadd.s32 $0xFFFFEC00  }
0x45: {  	[tilespmem:s20], [sflag:$0x1] =	stream.indirect.gather [hbm4b:s2+s23], $0x80, s1, s23, $0xb8;
	[tilespmem:$0x1E800] =	vst v63  }
0x46: {  	_ = 	snop  }
0x47: {  	[tilespmem:s24], [sflag:$0x2] =	stream.indirect.gather [hbm4b:s2+s23], $0x80, s23, s23, $0xb8;
	[tilespmem:$0x1E800] =	vst v63  }
0x48: {  	_ =	swait.ge [sflag:s25], $0x4000  }
0x49: {  	[sflag:s25] =	ssyncset.done $0x0  }
0x4a: {  	s0 =	simm.s32 $0x1400;
	[sflag:s25] =	ssyncadd.s32 $0xFFFFC000  }
0x4b: {  	[spmem:s3] =	stream.indirect.scatter.add.f32 [tilespmem:s20], [sflag:$0x3], $0x80, s0, s23, $0xb8;
	[tilespmem:$0x1E800] =	vst v63  }
0x4c: {  	_ =	swait.ge [sflag:s21], $0x4000  }
0x4d: {  	[sflag:s21] =	ssyncset.done $0x0  }
0x4e: {  	s0 =	simm.s32 $0x100;
	[sflag:s21] =	ssyncadd.s32 $0xFFFFC000  }
0x4f: {  	[tilespmem:s20], [sflag:$0x1] =	stream.indirect.gather [hbm4b:s2+s23], $0x80, s0, s23, $0xb8;
	[tilespmem:$0x1E800] =	vst v63  }
0x50: {  	_ =	swait.ge [sflag:s26], $0x4000  }
0x51: {  	[sflag:s26] =	ssyncset.done $0x0  }
0x52: {  	s0 =	simm.s32 $0x1480;
	[sflag:s26] =	ssyncadd.s32 $0xFFFFC000  }
0x53: {  	[spmem:s3] =	stream.indirect.scatter.add.f32 [tilespmem:s24], [sflag:$0x3], $0x80, s0, s23, $0xb8;
	[tilespmem:$0x1E800] =	vst v63  }
0x54: {  	_ =	swait.ge [sflag:s21], $0x4000  }
0x55: {  	[sflag:s21] =	ssyncset.done $0x0  }
0x56: {  	s31 =	simm.s32 $0x400;
	s1 =	simm.s32 $0x180;
	[sflag:s21] =	ssyncadd.s32 $0xFFFFC000  }
.LBB2_4:
0x57: {  	[tilespmem:s24], [sflag:$0x2] =	stream.indirect.gather [hbm4b:s2+s23], $0x80, s1, s23, $0xb8;
	[tilespmem:$0x1E800] =	vst v63  }
0x58: {  	s1 =	smov.u32 s31  }
0x59: {  	p0 =	sne.s32 s31, $0x4800;
	s31 =	sadd.s32 $0x400, s31;
	_ =	swait.ge [sflag:s25], $0x4000  }
0x5a: {  	s1 =	sshra.s32 s1, $0x2;
	[sflag:s25] =	ssyncset.done $0x0  }
0x5b: {  	s0 =	sadd.s32 $0x1400, s1;
	[sflag:s25] =	ssyncadd.s32 $0xFFFFC000  }
0x5c: {  	[spmem:s3] =	stream.indirect.scatter.add.f32 [tilespmem:s20], [sflag:$0x3], $0x80, s0, s23, $0xb8;
	[tilespmem:$0x1E800] =	vst v63  }
0x5d: {  	_ =	swait.ge [sflag:s21], $0x4000  }
0x5e: {  	[sflag:s21] =	ssyncset.done $0x0  }
0x5f: {  	s0 =	sadd.s32 $0x100, s1;
	[sflag:s21] =	ssyncadd.s32 $0xFFFFC000  }
0x60: {  	[tilespmem:s20], [sflag:$0x1] =	stream.indirect.gather [hbm4b:s2+s23], $0x80, s0, s23, $0xb8;
	[tilespmem:$0x1E800] =	vst v63  }
0x61: {  	_ =	swait.ge [sflag:s26], $0x4000  }
0x62: {  	[sflag:s26] =	ssyncset.done $0x0  }
.Ltmp1:
0x63: {  	s0 =	sadd.s32 $0x1480, s1;
	[sflag:s26] =	ssyncadd.s32 $0xFFFFC000;
	(pc) =	sbr.rel @p0 .LBB2_4-.Ltmp1, $4  }
0x64: {  	[spmem:s3] =	stream.indirect.scatter.add.f32 [tilespmem:s24], [sflag:$0x3], $0x80, s0, s23, $0xb8;
	[tilespmem:$0x1E800] =	vst v63  }
0x65: {  	_ =	swait.ge [sflag:s21], $0x4000  }
0x66: {  	[sflag:s21] =	ssyncset.done $0x0  }
0x67: {  	s1 =	sadd.s32 $0x180, s1;
	[sflag:s21] =	ssyncadd.s32 $0xFFFFC000  }
0x68: {  	[tilespmem:s24], [sflag:$0x2] =	stream.indirect.gather [hbm4b:s2+s23], $0x80, s1, s23, $0xb8;
	[tilespmem:$0x1E800] =	vst v63  }
0x69: {  	_ =	swait.ge [sflag:s25], $0x4000  }
0x6a: {  	[sflag:s25] =	ssyncset.done $0x0  }
0x6b: {  	[sflag:s25] =	ssyncadd.s32 $0xFFFFC000  }
0x6c: {  	[spmem:s3] =	stream.indirect.scatter.add.f32 [tilespmem:s20], [sflag:$0x3], $0x80, s28, s23, $0xb8;
	[tilespmem:$0x1E800] =	vst v63  }
0x6d: {  	_ =	swait.ge [sflag:s21], $0x4000  }
0x6e: {  	[sflag:s21] =	ssyncset.done $0x0  }
0x6f: {  	[sflag:s21] =	ssyncadd.s32 $0xFFFFC000  }
0x70: {  	_ =	swait.ge [sflag:s26], $0x4000  }
0x71: {  	[sflag:s26] =	ssyncset.done $0x0  }
0x72: {  	[sflag:s26] =	ssyncadd.s32 $0xFFFFC000  }
0x73: {  	[spmem:s3] =	stream.indirect.scatter.add.f32 [tilespmem:s24], [sflag:$0x3], $0x80, s29, s23, $0xb8;
	[tilespmem:$0x1E800] =	vst v63  }
0x74: {  	_ =	swait.ge [sflag:s21], $0x4000  }
0x75: {  	[sflag:s21] =	ssyncset.done $0x0  }
0x76: {  	s0 =	simm.s32 $0x0;
	[sflag:s21] =	ssyncadd.s32 $0xFFFFC000  }
0x77: {  	[tilespmem:s0], [sflag:$0x3] =	stream.linear.gather [hbm4b:s12+s0], $0x1400, $0x38;
	[tilespmem:$0x1E800] =	vst v63  }
0x78: {  	_ =	swait.ge [sflag:s21], $0x1400  }
0x79: {  	[sflag:s21] =	ssyncset.done $0x0  }
0x7a: {  	[sflag:s21] =	ssyncadd.s32 $0xFFFFEC00  }
0x7b: {  	[tilespmem:s22], [sflag:$0x3] =	stream.linear.gather [hbm4b:s13+s0], $0x1400, $0x38;
	[tilespmem:$0x1E800] =	vst v63  }
0x7c: {  	_ =	swait.ge [sflag:s21], $0x1400  }
0x7d: {  	[sflag:s21] =	ssyncset.done $0x0  }
0x7e: {  	[sflag:s21] =	ssyncadd.s32 $0xFFFFEC00  }
0x7f: {  	[tilespmem:s20], [sflag:$0x1] =	stream.indirect.gather [hbm4b:s2+s23], $0x80, s0, s23, $0xb8;
	[tilespmem:$0x1E800] =	vst v63  }
0x80: {  	_ = 	snop  }
0x81: {  	[tilespmem:s24], [sflag:$0x2] =	stream.indirect.gather [hbm4b:s2+s23], $0x80, s23, s23, $0xb8;
	[tilespmem:$0x1E800] =	vst v63  }
0x82: {  	_ =	swait.ge [sflag:s25], $0x4000  }
0x83: {  	[sflag:s25] =	ssyncset.done $0x0  }
0x84: {  	s1 =	simm.s32 $0x1400;
	[sflag:s25] =	ssyncadd.s32 $0xFFFFC000  }
0x85: {  	[spmem:s3] =	stream.indirect.scatter.add.f32 [tilespmem:s20], [sflag:$0x3], $0x80, s1, s23, $0xb8;
	[tilespmem:$0x1E800] =	vst v63  }
0x86: {  	_ =	swait.ge [sflag:s21], $0x4000  }
0x87: {  	[sflag:s21] =	ssyncset.done $0x0  }
0x88: {  	s1 =	simm.s32 $0x100;
	[sflag:s21] =	ssyncadd.s32 $0xFFFFC000  }
0x89: {  	[tilespmem:s20], [sflag:$0x1] =	stream.indirect.gather [hbm4b:s2+s23], $0x80, s1, s23, $0xb8;
	[tilespmem:$0x1E800] =	vst v63  }
0x8a: {  	_ =	swait.ge [sflag:s26], $0x4000  }
0x8b: {  	[sflag:s26] =	ssyncset.done $0x0  }
0x8c: {  	s1 =	simm.s32 $0x1480;
	[sflag:s26] =	ssyncadd.s32 $0xFFFFC000  }
0x8d: {  	[spmem:s3] =	stream.indirect.scatter.add.f32 [tilespmem:s24], [sflag:$0x3], $0x80, s1, s23, $0xb8;
	[tilespmem:$0x1E800] =	vst v63  }
0x8e: {  	_ =	swait.ge [sflag:s21], $0x4000  }
0x8f: {  	[sflag:s21] =	ssyncset.done $0x0  }
0x90: {  	s31 =	simm.s32 $0x400;
	s1 =	simm.s32 $0x180;
	[sflag:s21] =	ssyncadd.s32 $0xFFFFC000  }
.LBB2_6:
0x91: {  	[tilespmem:s24], [sflag:$0x2] =	stream.indirect.gather [hbm4b:s2+s23], $0x80, s1, s23, $0xb8;
	[tilespmem:$0x1E800] =	vst v63  }
0x92: {  	s0 =	smov.u32 s31  }
0x93: {  	p0 =	sne.s32 s31, $0x4800;
	s31 =	sadd.s32 $0x400, s31;
	_ =	swait.ge [sflag:s25], $0x4000  }
0x94: {  	s0 =	sshra.s32 s0, $0x2;
	[sflag:s25] =	ssyncset.done $0x0  }
0x95: {  	s1 =	sadd.s32 $0x1400, s0;
	[sflag:s25] =	ssyncadd.s32 $0xFFFFC000  }
0x96: {  	[spmem:s3] =	stream.indirect.scatter.add.f32 [tilespmem:s20], [sflag:$0x3], $0x80, s1, s23, $0xb8;
	[tilespmem:$0x1E800] =	vst v63  }
0x97: {  	_ =	swait.ge [sflag:s21], $0x4000  }
0x98: {  	[sflag:s21] =	ssyncset.done $0x0  }
0x99: {  	s1 =	sadd.s32 $0x100, s0;
	[sflag:s21] =	ssyncadd.s32 $0xFFFFC000  }
0x9a: {  	[tilespmem:s20], [sflag:$0x1] =	stream.indirect.gather [hbm4b:s2+s23], $0x80, s1, s23, $0xb8;
	[tilespmem:$0x1E800] =	vst v63  }
0x9b: {  	_ =	swait.ge [sflag:s26], $0x4000  }
0x9c: {  	[sflag:s26] =	ssyncset.done $0x0  }
.Ltmp2:
0x9d: {  	s1 =	sadd.s32 $0x1480, s0;
	[sflag:s26] =	ssyncadd.s32 $0xFFFFC000;
	(pc) =	sbr.rel @p0 .LBB2_6-.Ltmp2, $4  }
0x9e: {  	[spmem:s3] =	stream.indirect.scatter.add.f32 [tilespmem:s24], [sflag:$0x3], $0x80, s1, s23, $0xb8;
	[tilespmem:$0x1E800] =	vst v63  }
0x9f: {  	_ =	swait.ge [sflag:s21], $0x4000  }
0xa0: {  	[sflag:s21] =	ssyncset.done $0x0  }
0xa1: {  	s1 =	sadd.s32 $0x180, s0;
	[sflag:s21] =	ssyncadd.s32 $0xFFFFC000  }
0xa2: {  	[tilespmem:s24], [sflag:$0x2] =	stream.indirect.gather [hbm4b:s2+s23], $0x80, s1, s23, $0xb8;
	[tilespmem:$0x1E800] =	vst v63  }
0xa3: {  	_ =	swait.ge [sflag:s25], $0x4000  }
0xa4: {  	[sflag:s25] =	ssyncset.done $0x0  }
0xa5: {  	[sflag:s25] =	ssyncadd.s32 $0xFFFFC000  }
0xa6: {  	[spmem:s3] =	stream.indirect.scatter.add.f32 [tilespmem:s20], [sflag:$0x3], $0x80, s28, s23, $0xb8;
	[tilespmem:$0x1E800] =	vst v63  }
0xa7: {  	_ =	swait.ge [sflag:s21], $0x4000  }
0xa8: {  	[sflag:s21] =	ssyncset.done $0x0  }
0xa9: {  	[sflag:s21] =	ssyncadd.s32 $0xFFFFC000  }
0xaa: {  	_ =	swait.ge [sflag:s26], $0x4000  }
0xab: {  	[sflag:s26] =	ssyncset.done $0x0  }
0xac: {  	[sflag:s26] =	ssyncadd.s32 $0xFFFFC000  }
0xad: {  	[spmem:s3] =	stream.indirect.scatter.add.f32 [tilespmem:s24], [sflag:$0x3], $0x80, s29, s23, $0xb8;
	[tilespmem:$0x1E800] =	vst v63  }
0xae: {  	_ =	swait.ge [sflag:s21], $0x4000  }
0xaf: {  	[sflag:s21] =	ssyncset.done $0x0  }
0xb0: {  	[sflag:s21] =	ssyncadd.s32 $0xFFFFC000  }
0xb1: {  	[bflag:$0x0] =	sbarrier.arrive $0xFFFF  }
0xb2: {  	[tilespmem:s20], [sflag:$0x3] =	stream.linear.gather [spmem:s5], $0x4000, $0x38;
	[tilespmem:$0x1E800] =	vst v63  }
0xb3: {  	_ =	swait.ge [sflag:s21], $0x4000  }
0xb4: {  	[sflag:s21] =	ssyncset.done $0x0  }
0xb5: {  	[sflag:s21] =	ssyncadd.s32 $0xFFFFC000  }
0xb6: {  	[hbm4b:s14+s4] =	stream.linear.scatter [tilespmem:s20], [sflag:$0x3], $0x4000, $0x38;
	[tilespmem:$0x1E800] =	vst v63  }
0xb7: {  	_ =	swait.ge [sflag:s21], $0x4000  }
0xb8: {  	[sflag:s21] =	ssyncset.done $0x0  }
0xb9: {  	[sflag:s21] =	ssyncadd.s32 $0xFFFFC000  }
0xba: {  	[tilespmem:s20], [sflag:$0x3] =	stream.linear.gather [spmem:s6], $0x4000, $0x38;
	[tilespmem:$0x1E800] =	vst v63  }
0xbb: {  	_ =	swait.ge [sflag:s21], $0x4000  }
0xbc: {  	[sflag:s21] =	ssyncset.done $0x0  }
0xbd: {  	[sflag:s21] =	ssyncadd.s32 $0xFFFFC000  }
0xbe: {  	[hbm4b:s15+s4] =	stream.linear.scatter [tilespmem:s20], [sflag:$0x3], $0x4000, $0x38;
	[tilespmem:$0x1E800] =	vst v63  }
0xbf: {  	_ =	swait.ge [sflag:s21], $0x4000  }
0xc0: {  	[sflag:s21] =	ssyncset.done $0x0  }
0xc1: {  	[sflag:s21] =	ssyncadd.s32 $0xFFFFC000  }
0xc2: {  	[tilespmem:s20], [sflag:$0x3] =	stream.linear.gather [spmem:s7], $0x4000, $0x38;
	[tilespmem:$0x1E800] =	vst v63  }
0xc3: {  	_ =	swait.ge [sflag:s21], $0x4000  }
0xc4: {  	[sflag:s21] =	ssyncset.done $0x0  }
0xc5: {  	[sflag:s21] =	ssyncadd.s32 $0xFFFFC000  }
0xc6: {  	[hbm4b:s16+s4] =	stream.linear.scatter [tilespmem:s20], [sflag:$0x3], $0x4000, $0x38;
	[tilespmem:$0x1E800] =	vst v63  }
0xc7: {  	_ =	swait.ge [sflag:s21], $0x4000  }
0xc8: {  	[sflag:s21] =	ssyncset.done $0x0  }
0xc9: {  	[sflag:s21] =	ssyncadd.s32 $0xFFFFC000  }
0xca: {  	[tilespmem:s20], [sflag:$0x3] =	stream.linear.gather [spmem:s8], $0x4000, $0x38;
	[tilespmem:$0x1E800] =	vst v63  }
0xcb: {  	_ =	swait.ge [sflag:s21], $0x4000  }
0xcc: {  	[sflag:s21] =	ssyncset.done $0x0  }
0xcd: {  	[sflag:s21] =	ssyncadd.s32 $0xFFFFC000  }
0xce: {  	[hbm4b:s17+s4] =	stream.linear.scatter [tilespmem:s20], [sflag:$0x3], $0x4000, $0x38;
	[tilespmem:$0x1E800] =	vst v63  }
0xcf: {  	_ =	swait.ge [sflag:s21], $0x4000  }
0xd0: {  	[sflag:s21] =	ssyncset.done $0x0  }
0xd1: {  	[sflag:s21] =	ssyncadd.s32 $0xFFFFC000  }
0xd2: {  	[tilespmem:s20], [sflag:$0x3] =	stream.linear.gather [spmem:s9], $0x4000, $0x38;
	[tilespmem:$0x1E800] =	vst v63  }
0xd3: {  	s30 =	sadd.s32 $0x1, s30;
	_ =	swait.ge [sflag:s21], $0x4000  }
0xd4: {  	p0 =	sne.s32 s30, s19;
	[sflag:s21] =	ssyncset.done $0x0  }
.Ltmp3:
0xd5: {  	[sflag:s21] =	ssyncadd.s32 $0xFFFFC000;
	(pc) =	sbr.rel @p0 .LBB2_1-.Ltmp3, $4  }
0xd6: {  	[hbm4b:s18+s4] =	stream.linear.scatter [tilespmem:s20], [sflag:$0x3], $0x4000, $0x38;
	[tilespmem:$0x1E800] =	vst v63  }
0xd7: {  	_ =	swait.ge [sflag:s21], $0x4000  }
0xd8: {  	[sflag:s21] =	ssyncset.done $0x0  }
0xd9: {  	[sflag:s21] =	ssyncadd.s32 $0xFFFFC000  }
0xda: {  	_ =	sfence.sel $0x180000  }
0xdb: {  	[bflag:$0x0] =	sbarrier.arrive $0xFFFF  }
0xdc: {  	_ =	strace $0x9000004A  }
0xdd: {  	s0 =	stileid.u32;
	[bflag:$0x2] =	sbarrier.arrive $0xFFFF  }
0xde: {  	p0 =	sne.s32 s0, $0x0;
	s0 =	rddreg [dreg:$0x3]  }
0xdf: {  	s0 =	sadd.s32 @!p0 $0x100000, s0  }
0xe0: {  	[sflag:s0] =	ssyncadd.tile.s32 @!p0 $0x1;
	_ =	shalt  }
.Lfunc_end2:
_tile_overlayer_lowered:
.L_overlay_start_2:
0xe1: {  	(tag) =	ssettag $0x2  }
0xe2: {  	s0 =	rddreg [dreg:$0x0];
	s2 =	stileid.u32  }
0xe3: {  	s1 =	rddreg [dreg:$0x1];
	p0 =	sne.s32 s2, $0x0  }
0xe4: {  	s3 =	rddreg [dreg:$0x2];
	[bflag:$0x3] =	sbarrier.arrive $0xFFFF;
	s2 =	simm.s32 @!p0 $0x1C03  }
0xe5: {  	[timem:s3], [sflag:s2] =	dma.local @!p0 [hbm:s0], s1  }
0xe6: {  	s0 =	simm.s32 @!p0 $0x3  }
0xe7: {  	_ =	swait.ge @!p0 [sflag:s0], s1  }
0xe8: {  	s1 =	ssub.s32 @!p0 $0x0, s1;
	[sflag:s0] =	ssyncset.done @!p0 $0x0  }
0xe9: {  	[sflag:s0] =	ssyncadd.s32 @!p0 s1  }
0xea: {  	[bflag:$0x3] =	sbarrier.arrive $0xFFFF  }
0xeb: {  	_ =	shalt  }

// kernel: kernel.20.cloned.1.call-start
scs
__scs_entry_jumppad:
0x0: {  	(pc) =	sbr.rel $0x88, $3  }
0x1: {  	(tag) =	ssettag $0x0;
	lr =	simm.s32 $0x1  }
0x2: {  	[smem:$0x3F98] =	sst lr;
	_ =	strace $0xD0000000  }
0x3: {  	_ = 	snop  }
0x4: {  	_ = 	snop  }
0x5: {  	_ = 	snop  }
0x6: {  	_ = 	snop  }
0x7: {  	_ = 	snop  }
__scs_overlays_trampoline_lowered:
0x8: {  	[smem:$0x3FA7] =	sst s0  }
0x9: {  	[smem:$0x3FA8] =	sst s1  }
0xa: {  	[smem:$0x3FA9] =	sst s2  }
0xb: {  	[smem:$0x3FAA] =	sst s3  }
0xc: {  	[smem:$0x3FAB] =	sst s4  }
0xd: {  	[smem:$0x3FAC] =	sst s5  }
0xe: {  	[smem:$0x3FAD] =	sst s6  }
0xf: {  	[smem:$0x3FAE] =	sst s7  }
0x10: {  	[smem:$0x3FAF] =	sst s8  }
0x11: {  	[smem:$0x3FB0] =	sst s9;
	s0 =	simm.s32 @!p0 $0x0  }
0x12: {  	s1 =	sld [smem:$0x3F96];
	s0 =	simm.s32 @p0 $0x1  }
0x13: {  	[smem:$0x3FB1] =	sst s0;
	s0 =	simm.s32 @!p1 $0x0  }
0x14: {  	s2 =	sld [smem:$0x3F95];
	s0 =	simm.s32 @p1 $0x1  }
0x15: {  	[smem:$0x3FB2] =	sst s0;
	s0 =	simm.s32 @!p2 $0x0  }
0x16: {  	s3 =	sld [smem:$0x3FDB];
	s0 =	simm.s32 @p2 $0x1  }
0x17: {  	s4 =	simm.s32 $0x1BF5;
	[smem:$0x3FB4] =	sst s0  }
0x18: {  	s0 =	sld [smem:$0x3F97];
	_ =	swait.ge [sflag:s4], $0x0  }
0x19: {  	s7 =	sld [smem:$0x3F98]  }
0x1a: {  	s8 =	sadd.s32 $0xFFFFE003, lr  }
0x1b: {  	s9 =	sadd.s32 $0xFFFFFEF7, lr;
	s5 =	simm.s32 $0xFFFFFFFF;
	p2 =	slt.u32 s8, $0xFFFFF086  }
0x1c: {  	p1 =	slt.u32 s9, $0xF7A;
	s5 =	simm.s32 @!p2 $0x0  }
0x1d: {  	s5 =	simm.s32 @p1 $0x1;
	p0 =	seq.s32 s7, s2  }
0x1e: {  	s7 =	smul.u32 @!p0 $0xF7A, s2;
	p2 =	seq.s32 @!p0 s5, $0x0  }
0x1f: {  	s9 =	smul.u32 $0xF7A, s1;
	s8 =	simm.s32 @!p0 $0x1BF5;
	p2 =	por !p2, p0  }
0x20: {  	[sflag:s8] =	ssyncset.s32 @!p0 $0xFFFFF086;
	s6 =	sadd.s32 @!p0 s3, s7;
	s7 =	simm.s32 @!p0 $0x108  }
0x21: {  	s3 =	sadd.s32 s3, s9;
	s6 =	sadd.s32 @!p0 $0x88, s6;
	s7 =	simm.s32 @p2 $0x1082  }
0x22: {  	[simem:s7], [sflag:s8] =	dma.local @!p0 [hbm:s6], $0xF7A  }
0x23: {  	s9 =	sor.u32 $0xD0000000, s2;
	s6 =	simm.s32 $0x108;
	_ =	swait.ge @!p0 [sflag:s8], $0x0  }
0x24: {  	s3 =	sadd.s32 $0x88, s3;
	s6 =	simm.s32 @!p1 $0x1082;
	[sflag:s4] =	ssyncset.s32 $0xFFFFF086  }
0x25: {  	[simem:s6], [sflag:s4] =	dma.local [hbm:s3], $0xF7A  }
0x26: {  	[smem:$0x3F98] =	sst s1;
	(tag) =	ssettag s2;
	_ =	strace s9  }
0x27: {  	s1 =	sld [smem:$0x3FA8]  }
0x28: {  	s2 =	sld [smem:$0x3FA9]  }
0x29: {  	s4 =	sld [smem:$0x3FAB]  }
0x2a: {  	p0 =	seq.s32 s5, $0x0;
	s5 =	sld [smem:$0x3FAC]  }
0x2b: {  	s6 =	sld [smem:$0x3FAD]  }
0x2c: {  	s7 =	sld [smem:$0x3FAE]  }
0x2d: {  	s3 =	simm.s32 $0x108;
	s8 =	sld [smem:$0x3FAF]  }
0x2e: {  	s3 =	simm.s32 @!p0 $0x1082;
	s9 =	sld [smem:$0x3FB0]  }
0x2f: {  	lr =	sadd.s32 s0, s3;
	s0 =	sld [smem:$0x3FA7]  }
0x30: {  	s3 =	sld [smem:$0x3FAA]  }
0x31: {  	[smem:$0x3FB3] =	sst s10  }
0x32: {  	s10 =	sld [smem:$0x3FB1];
	_ =	sdelay $0x3  }
0x33: {  	p0 =	seq.s32 s10, $0x1;
	s10 =	sld [smem:$0x3FB3];
	_ =	sdelay $0x3  }
0x34: {  	[smem:$0x3FB3] =	sst s10  }
0x35: {  	s10 =	sld [smem:$0x3FB2];
	_ =	sdelay $0x3  }
0x36: {  	p1 =	seq.s32 s10, $0x1;
	s10 =	sld [smem:$0x3FB3];
	_ =	sdelay $0x3  }
0x37: {  	[smem:$0x3FB3] =	sst s10  }
0x38: {  	s10 =	sld [smem:$0x3FB4]  }
0x39: {  	_ = 	snop;
	(pc) =	sbr.ind lr, $3  }
0x3a: {  	_ = 	snop  }
0x3b: {  	_ = 	snop  }
0x3c: {  	p2 =	seq.s32 s10, $0x1;
	s10 =	sld [smem:$0x3FB3]  }
0x3d: {  	_ =	shalt  }
0x3e: {  	_ =	shalt  }
0x3f: {  	_ =	shalt  }
0x40: {  	_ =	shalt  }
0x41: {  	_ =	shalt  }
0x42: {  	_ =	shalt  }
0x43: {  	_ =	shalt  }
0x44: {  	_ =	shalt  }
0x45: {  	_ =	shalt  }
0x46: {  	_ =	shalt  }
0x47: {  	_ =	shalt  }
0x48: {  	_ =	shalt  }
0x49: {  	_ =	shalt  }
0x4a: {  	_ =	shalt  }
0x4b: {  	_ =	shalt  }
0x4c: {  	_ =	shalt  }
0x4d: {  	_ =	shalt  }
0x4e: {  	_ =	shalt  }
0x4f: {  	_ =	shalt  }
0x50: {  	_ =	shalt  }
0x51: {  	_ =	shalt  }
0x52: {  	_ =	shalt  }
0x53: {  	_ =	shalt  }
0x54: {  	_ =	shalt  }
0x55: {  	_ =	shalt  }
0x56: {  	_ =	shalt  }
0x57: {  	_ =	shalt  }
0x58: {  	_ =	shalt  }
0x59: {  	_ =	shalt  }
0x5a: {  	_ =	shalt  }
0x5b: {  	_ =	shalt  }
0x5c: {  	_ =	shalt  }
0x5d: {  	_ =	shalt  }
0x5e: {  	_ =	shalt  }
0x5f: {  	_ =	shalt  }
0x60: {  	_ =	shalt  }
0x61: {  	_ =	shalt  }
0x62: {  	_ =	shalt  }
0x63: {  	_ =	shalt  }
0x64: {  	_ =	shalt  }
0x65: {  	_ =	shalt  }
0x66: {  	_ =	shalt  }
0x67: {  	_ =	shalt  }
0x68: {  	_ =	shalt  }
0x69: {  	_ =	shalt  }
0x6a: {  	_ =	shalt  }
0x6b: {  	_ =	shalt  }
0x6c: {  	_ =	shalt  }
0x6d: {  	_ =	shalt  }
0x6e: {  	_ =	shalt  }
0x6f: {  	_ =	shalt  }
0x70: {  	_ =	shalt  }
0x71: {  	_ =	shalt  }
0x72: {  	_ =	shalt  }
0x73: {  	_ =	shalt  }
0x74: {  	_ =	shalt  }
0x75: {  	_ =	shalt  }
0x76: {  	_ =	shalt  }
0x77: {  	_ =	shalt  }
0x78: {  	_ =	shalt  }
0x79: {  	_ =	shalt  }
0x7a: {  	_ =	shalt  }
0x7b: {  	_ =	shalt  }
0x7c: {  	_ =	shalt  }
0x7d: {  	_ =	shalt  }
0x7e: {  	_ =	shalt  }
0x7f: {  	_ =	shalt  }
0x80: {  	_ =	shalt  }
0x81: {  	_ =	shalt  }
0x82: {  	_ =	shalt  }
0x83: {  	_ =	shalt  }
0x84: {  	_ =	shalt  }
0x85: {  	_ =	shalt  }
0x86: {  	_ =	shalt  }
0x87: {  	_ =	shalt  }
.Lfunc_end0:
.L_simem_size_0:
called_computation.2_lowered:
.L_overlay_start_0:
0x88: {  	s2 =	sld [smem:$0x3FD9]  }
0x89: {  	s3 =	sld [smem:$0x3FFE];
	_ =	sdelay $0x1  }
0x8a: {  	s1 =	srdreg.scid  }
0x8b: {  	s0 =	sand.u32 $0x1, s1  }
0x8c: {  	s17 =	sshll.u32 s0, $0xA;
	s2 =	sadd.s32 s3, s2  }
0x8d: {  	s2 =	sadd.s32 s2, s17  }
0x8e: {  	[smem:$0x3FBF] =	sst s2  }
0x8f: {  	_ = 	snop  }
0x90: {  	s2 =	sld [smem:$0x3FD0];
	(tm) =	ssettm $0x1  }
0x91: {  	s18 =	sld [smem:$0x3FFB];
	_ =	sdelay $0x3  }
0x92: {  	_ =	strace s18  }
0x93: {  	s3 =	sld [smem:$0x3FFC];
	_ =	sdelay $0x3  }
0x94: {  	_ =	strace s3  }
0x95: {  	s3 =	sld [smem:$0x3FFD];
	_ =	sdelay $0x3  }
0x96: {  	_ =	strace s3  }
0x97: {  	_ =	strace $0x8FFFFFFF  }
0x98: {  	s19 =	sld [smem:$0x3FDB];
	_ =	sdelay $0x1  }
0x99: {  	s4 =	simm.s32 $_scs_section_size  }
0x9a: {  	s5 =	simm.s32 $_size__tile_overlayer_lowered;
	s6 =	simm.s32 $_tile_overlayer_lowered  }
0x9b: {  	s22 =	simm.s32 $0x1BFF;
	s21 =	sshll.u32 s6, $0x1;
	s3 =	sadd.s32 s4, s19  }
0x9c: {  	s7 =	simm.s32 $0x0;
	s20 =	sshll.u32 s5, $0x1;
	s5 =	sadd.s32 s21, s3  }
0x9d: {  	[timem:s7], [sflag:s22] =	dma.local [hbm:s5], s20  }
0x9e: {  	_ =	swait.ge [sflag:s22], s20  }
0x9f: {  	s4 =	ssub.s32 $0x0, s20;
	[sflag:s22] =	ssyncset.done $0x0  }
0xa0: {  	[sflag:s22] =	ssyncadd.s32 s4;
	_ =	sdelay $0x1  }
0xa1: {  	s23 =	simm.s32 $0x1B8B  }
0xa2: {  	_ =	swait.ge [sflag:s23], $0x1  }
0xa3: {  	[sflag:s23] =	ssyncset.done $0x0  }
0xa4: {  	s25 =	simm.s32 $0x1B8E;
	s24 =	sld [smem:$0x3FFE];
	[sflag:s23] =	ssyncadd.s32 $0xFFFFFFFF  }
0xa5: {  	s26 =	simm.s32 $execute0_lowered;
	[smem:$0x3FD2] =	sst s25  }
0xa6: {  	s5 =	sshll.u32 s26, $0x1;
	_ =	strace $0x8000004C;
	[dreg:$0x1] =	wrdreg $0xFFFFFFFF  }
0xa7: {  	s28 =	simm.s32 $_size_execute0_lowered;
	s3 =	sadd.s32 s3, s5;
	[dreg:$0x0] =	wrdreg $0x0  }
0xa8: {  	s5 =	sshll.u32 s28, $0x1;
	[dreg:$0x2] =	wrdreg s3  }
0xa9: {  	[dreg:$0x3] =	wrdreg s5  }
0xaa: {  	[dreg:$0x4] =	wrdreg $0xC0  }
0xab: {  	_ =	task [dreg:s7], $0x5FFFF  }
0xac: {  	[dreg:$0x1] =	wrdreg $0xFFFFFFFF  }
0xad: {  	[dreg:$0x0] =	wrdreg $0x60  }
0xae: {  	[dreg:$0x2] =	wrdreg s24  }
0xaf: {  	[dreg:$0x3] =	wrdreg s2  }
0xb0: {  	[dreg:$0x4] =	wrdreg $0xA8000  }
0xb1: {  	[dreg:$0x5] =	wrdreg $0x9  }
0xb2: {  	_ =	task.clear_ibuf [dreg:s7], $0x6FFFF;
	_ =	strace $0x9000004C  }
0xb3: {  	s29 =	simm.s32 $0x9;
	_ =	strace $0x8000004E  }
0xb4: {  	_ =	swait.ge [sflag:s29], $0x1  }
0xb5: {  	[sflag:s29] =	ssyncadd.s32 $0xFFFFFFFF  }
0xb6: {  	_ =	strace $0x9000004E  }
0xb7: {  	_ =	sfence  }
0xb8: {  	s30 =	sld [smem:$0x0];
	_ =	sdelay $0x2  }
0xb9: {  	s31 =	sshll.u32 s1, $0xD;
	s1 =	sshrl.u32 s1, $0x2  }
0xba: {  	s3 =	sand.u32 $0x4000, s31;
	s1 =	sadd.s32 s1, s30  }
0xbb: {  	s0 =	sor.u32 s3, s0;
	s1 =	sshll.u32 s1, $0x11  }
0xbc: {  	s0 =	sor.u32 s1, s0  }
0xbd: {  	s0 =	sadd.s32 $0x8F2B, s0  }
0xbe: {  	[sflag:s0] =	ssyncadd.remote.s32 $0x1  }
0xbf: {  	_ =	sfence.sel $0xFFFF  }
0xc0: {  	[dreg:$0x0] =	wrdreg $0xFFFFFFFF;
	(pc) =	sbr.abs _section_cstart, $3  }
0xc1: {  	[dreg:$0x1] =	wrdreg $0xFFFFFFFF  }
0xc2: {  	_ =	task.clear_ibuf [dreg:s7], $0x2FFFF;
	_ =	strace $0x9FFFFFFF  }
0xc3: {  	(tm) =	ssettm $0x7FFFFFFF  }
tec
execute0_lowered:
.L_overlay_start_1:
0x0: {  	(tag) =	ssettag $0x1  }
0x1: {  	s1 =	rddreg [dreg:$0x0]  }
0x2: {  	s2 =	rddreg [dreg:$0x1]  }
0x3: {  	s4 =	srdreg.scid;
	s0 =	stileid.u32  }
0x4: {  	s3 =	rddreg [dreg:$0x2];
	s22 =	simm.s32 $0x1400;
	s23 =	simm.s32 $0x80  }
0x5: {  	s24 =	simm.s32 $0x6800;
	s28 =	simm.s32 $0x2700;
	s29 =	simm.s32 $0x2780  }
0x6: {  	s30 =	simm.s32 $0x0;
	s7 =	sand.u32 $0x1, s4;
	s6 =	smul.u32 $0x50000, s0  }
0x7: {  	s5 =	sshll.u32 s0, $0x1;
	s4 =	simm.s32 $0x0;
	s12 =	smul.u32 $0x14000, s0  }
0x8: {  	s5 =	sor.u32 s7, s5;
	[smem:$0x7FF] =	sst s4;
	s20 =	smul.u32 $0x140000, s7  }
0x9: {  	s8 =	ssub.s32 $0x2, s7;
	s5 =	smul.u32 $0x2800, s5;
	_ =	strace $0x8000004D  }
0xa: {  	s25 =	sshrl.u32 s8, $0x1;
	s26 =	sshrl.u32 s6, $0x2;
	s14 =	sadd.s32 $0x4000, s12  }
0xb: {  	s16 =	sadd.s32 $0x8000, s12;
	s17 =	sadd.s32 $0xC000, s12;
	s18 =	sadd.s32 $0x10000, s12  }
0xc: {  	s19 =	ssub.s32 s8, s25;
	s6 =	sadd.s32 s14, s3;
	s7 =	sadd.s32 s16, s3  }
0xd: {  	s8 =	sadd.s32 s17, s3;
	s9 =	sadd.s32 s18, s3;
	s15 =	sadd.s32 s12, s20  }
0xe: {  	s21 =	sadd.s32 s20, s14;
	s16 =	sadd.s32 s20, s16;
	s17 =	sadd.s32 s20, s17  }
0xf: {  	s18 =	sadd.s32 s20, s18;
	s20 =	simm.s32 $0x2800;
	s25 =	simm.s32 $0x1  }
0x10: {  	s5 =	sshrl.u32 s5, $0x3;
	s15 =	sshrl.u32 s15, $0x3;
	s31 =	sshrl.u32 s21, $0x3  }
0x11: {  	s16 =	sshrl.u32 s16, $0x3;
	s17 =	sshrl.u32 s17, $0x3;
	s18 =	sshrl.u32 s18, $0x3  }
0x12: {  	s19 =	smax.u32 s19, $0x1;
	s21 =	simm.s32 $0x3;
	s13 =	sadd.s32 s5, s1  }
0x13: {  	s1 =	sadd.s32 $0x8CC00, s1;
	s5 =	sadd.s32 s26, s3;
	s26 =	simm.s32 $0x2  }
0x14: {  	s10 =	sadd.s32 $0x3800, s13;
	s11 =	sadd.s32 $0xD800, s13;
	s12 =	sadd.s32 $0x3A80, s13  }
0x15: {  	s13 =	sadd.s32 $0xDA80, s13;
	s14 =	sadd.s32 s1, s15;
	s15 =	sadd.s32 s1, s31  }
0x16: {  	v0 =	vimm.f32 $0.0e+00;
	s16 =	sadd.s32 s1, s16;
	s17 =	sadd.s32 s1, s17;
	s18 =	sadd.s32 s1, s18  }
.LBB2_1:
0x17: {  	s31 =	simm.s32 $0x0;
	s1 =	simm.s32 $0x200  }
.LBB2_2:
0x18: {  	p0 =	sne.s32 s1, $0xFE00;
	[tilespmem:s31+$0x2870] =	vst v0  }
0x19: {  	[tilespmem:s31+$0x2800] =	vst v0  }
0x1a: {  	[tilespmem:s31+$0x2810] =	vst v0  }
.Ltmp0:
0x1b: {  	[tilespmem:s31+$0x2820] =	vst v0;
	(pc) =	sbr.rel @p0 .LBB2_2-.Ltmp0, $4  }
0x1c: {  	[tilespmem:s31+$0x2830] =	vst v0  }
0x1d: {  	[tilespmem:s31+$0x2840] =	vst v0  }
0x1e: {  	[tilespmem:s31+$0x2850] =	vst v0  }
0x1f: {  	[tilespmem:s31+$0x2860] =	vst v0;
	s31 =	sshra.s32 s1, $0x2;
	s1 =	sadd.s32 $0x200, s1  }
0x20: {  	[tilespmem:s31+$0x2870] =	vst v0  }
0x21: {  	[tilespmem:s31+$0x2800] =	vst v0  }
0x22: {  	[tilespmem:s31+$0x2810] =	vst v0  }
0x23: {  	[tilespmem:s31+$0x2820] =	vst v0  }
0x24: {  	[tilespmem:s31+$0x2830] =	vst v0  }
0x25: {  	[tilespmem:s31+$0x2840] =	vst v0  }
0x26: {  	[tilespmem:s31+$0x2850] =	vst v0  }
0x27: {  	[tilespmem:s31+$0x2860] =	vst v0  }
0x28: {  	[spmem:s5] =	stream.linear.scatter [tilespmem:s20], [sflag:$0x3], $0x4000, $0x38;
	[tilespmem:$0x1E800] =	vst v63  }
0x29: {  	_ =	swait.ge [sflag:s21], $0x4000  }
0x2a: {  	[sflag:s21] =	ssyncset.done $0x0  }
0x2b: {  	[sflag:s21] =	ssyncadd.s32 $0xFFFFC000  }
0x2c: {  	[spmem:s6] =	stream.linear.scatter [tilespmem:s20], [sflag:$0x3], $0x4000, $0x38;
	[tilespmem:$0x1E800] =	vst v63  }
0x2d: {  	_ =	swait.ge [sflag:s21], $0x4000  }
0x2e: {  	[sflag:s21] =	ssyncset.done $0x0  }
0x2f: {  	[sflag:s21] =	ssyncadd.s32 $0xFFFFC000  }
0x30: {  	[spmem:s7] =	stream.linear.scatter [tilespmem:s20], [sflag:$0x3], $0x4000, $0x38;
	[tilespmem:$0x1E800] =	vst v63  }
0x31: {  	_ =	swait.ge [sflag:s21], $0x4000  }
0x32: {  	[sflag:s21] =	ssyncset.done $0x0  }
0x33: {  	[sflag:s21] =	ssyncadd.s32 $0xFFFFC000  }
0x34: {  	[spmem:s8] =	stream.linear.scatter [tilespmem:s20], [sflag:$0x3], $0x4000, $0x38;
	[tilespmem:$0x1E800] =	vst v63  }
0x35: {  	_ =	swait.ge [sflag:s21], $0x4000  }
0x36: {  	[sflag:s21] =	ssyncset.done $0x0  }
0x37: {  	[sflag:s21] =	ssyncadd.s32 $0xFFFFC000  }
0x38: {  	[spmem:s9] =	stream.linear.scatter [tilespmem:s20], [sflag:$0x3], $0x4000, $0x38;
	[tilespmem:$0x1E800] =	vst v63  }
0x39: {  	_ =	swait.ge [sflag:s21], $0x4000  }
0x3a: {  	[sflag:s21] =	ssyncset.done $0x0  }
0x3b: {  	[sflag:s21] =	ssyncadd.s32 $0xFFFFC000  }
0x3c: {  	s1 =	simm.s32 $0x0;
	[bflag:$0x0] =	sbarrier.arrive $0xFFFF  }
0x3d: {  	[tilespmem:s1], [sflag:$0x3] =	stream.linear.gather [hbm4b:s10+s1], $0x1400, $0x38;
	[tilespmem:$0x1E800] =	vst v63  }
0x3e: {  	_ =	swait.ge [sflag:s21], $0x1400  }
0x3f: {  	[sflag:s21] =	ssyncset.done $0x0  }
0x40: {  	[sflag:s21] =	ssyncadd.s32 $0xFFFFEC00  }
0x41: {  	[tilespmem:s22], [sflag:$0x3] =	stream.linear.gather [hbm4b:s11+s1], $0x1400, $0x38;
	[tilespmem:$0x1E800] =	vst v63  }
0x42: {  	_ =	swait.ge [sflag:s21], $0x1400  }
0x43: {  	[sflag:s21] =	ssyncset.done $0x0  }
0x44: {  	[sflag:s21] =	ssyncadd.s32 $0xFFFFEC00  }
0x45: {  	[tilespmem:s20], [sflag:$0x1] =	stream.indirect.gather [hbm4b:s2+s23], $0x80, s1, s23, $0xb8;
	[tilespmem:$0x1E800] =	vst v63  }
0x46: {  	_ = 	snop  }
0x47: {  	[tilespmem:s24], [sflag:$0x2] =	stream.indirect.gather [hbm4b:s2+s23], $0x80, s23, s23, $0xb8;
	[tilespmem:$0x1E800] =	vst v63  }
0x48: {  	_ =	swait.ge [sflag:s25], $0x4000  }
0x49: {  	[sflag:s25] =	ssyncset.done $0x0  }
0x4a: {  	s0 =	simm.s32 $0x1400;
	[sflag:s25] =	ssyncadd.s32 $0xFFFFC000  }
0x4b: {  	[spmem:s3] =	stream.indirect.scatter.add.f32 [tilespmem:s20], [sflag:$0x3], $0x80, s0, s23, $0xb8;
	[tilespmem:$0x1E800] =	vst v63  }
0x4c: {  	_ =	swait.ge [sflag:s21], $0x4000  }
0x4d: {  	[sflag:s21] =	ssyncset.done $0x0  }
0x4e: {  	s0 =	simm.s32 $0x100;
	[sflag:s21] =	ssyncadd.s32 $0xFFFFC000  }
0x4f: {  	[tilespmem:s20], [sflag:$0x1] =	stream.indirect.gather [hbm4b:s2+s23], $0x80, s0, s23, $0xb8;
	[tilespmem:$0x1E800] =	vst v63  }
0x50: {  	_ =	swait.ge [sflag:s26], $0x4000  }
0x51: {  	[sflag:s26] =	ssyncset.done $0x0  }
0x52: {  	s0 =	simm.s32 $0x1480;
	[sflag:s26] =	ssyncadd.s32 $0xFFFFC000  }
0x53: {  	[spmem:s3] =	stream.indirect.scatter.add.f32 [tilespmem:s24], [sflag:$0x3], $0x80, s0, s23, $0xb8;
	[tilespmem:$0x1E800] =	vst v63  }
0x54: {  	_ =	swait.ge [sflag:s21], $0x4000  }
0x55: {  	[sflag:s21] =	ssyncset.done $0x0  }
0x56: {  	s31 =	simm.s32 $0x400;
	s1 =	simm.s32 $0x180;
	[sflag:s21] =	ssyncadd.s32 $0xFFFFC000  }
.LBB2_4:
0x57: {  	[tilespmem:s24], [sflag:$0x2] =	stream.indirect.gather [hbm4b:s2+s23], $0x80, s1, s23, $0xb8;
	[tilespmem:$0x1E800] =	vst v63  }
0x58: {  	s1 =	smov.u32 s31  }
0x59: {  	p0 =	sne.s32 s31, $0x4800;
	s31 =	sadd.s32 $0x400, s31;
	_ =	swait.ge [sflag:s25], $0x4000  }
0x5a: {  	s1 =	sshra.s32 s1, $0x2;
	[sflag:s25] =	ssyncset.done $0x0  }
0x5b: {  	s0 =	sadd.s32 $0x1400, s1;
	[sflag:s25] =	ssyncadd.s32 $0xFFFFC000  }
0x5c: {  	[spmem:s3] =	stream.indirect.scatter.add.f32 [tilespmem:s20], [sflag:$0x3], $0x80, s0, s23, $0xb8;
	[tilespmem:$0x1E800] =	vst v63  }
0x5d: {  	_ =	swait.ge [sflag:s21], $0x4000  }
0x5e: {  	[sflag:s21] =	ssyncset.done $0x0  }
0x5f: {  	s0 =	sadd.s32 $0x100, s1;
	[sflag:s21] =	ssyncadd.s32 $0xFFFFC000  }
0x60: {  	[tilespmem:s20], [sflag:$0x1] =	stream.indirect.gather [hbm4b:s2+s23], $0x80, s0, s23, $0xb8;
	[tilespmem:$0x1E800] =	vst v63  }
0x61: {  	_ =	swait.ge [sflag:s26], $0x4000  }
0x62: {  	[sflag:s26] =	ssyncset.done $0x0  }
.Ltmp1:
0x63: {  	s0 =	sadd.s32 $0x1480, s1;
	[sflag:s26] =	ssyncadd.s32 $0xFFFFC000;
	(pc) =	sbr.rel @p0 .LBB2_4-.Ltmp1, $4  }
0x64: {  	[spmem:s3] =	stream.indirect.scatter.add.f32 [tilespmem:s24], [sflag:$0x3], $0x80, s0, s23, $0xb8;
	[tilespmem:$0x1E800] =	vst v63  }
0x65: {  	_ =	swait.ge [sflag:s21], $0x4000  }
0x66: {  	[sflag:s21] =	ssyncset.done $0x0  }
0x67: {  	s1 =	sadd.s32 $0x180, s1;
	[sflag:s21] =	ssyncadd.s32 $0xFFFFC000  }
0x68: {  	[tilespmem:s24], [sflag:$0x2] =	stream.indirect.gather [hbm4b:s2+s23], $0x80, s1, s23, $0xb8;
	[tilespmem:$0x1E800] =	vst v63  }
0x69: {  	_ =	swait.ge [sflag:s25], $0x4000  }
0x6a: {  	[sflag:s25] =	ssyncset.done $0x0  }
0x6b: {  	[sflag:s25] =	ssyncadd.s32 $0xFFFFC000  }
0x6c: {  	[spmem:s3] =	stream.indirect.scatter.add.f32 [tilespmem:s20], [sflag:$0x3], $0x80, s28, s23, $0xb8;
	[tilespmem:$0x1E800] =	vst v63  }
0x6d: {  	_ =	swait.ge [sflag:s21], $0x4000  }
0x6e: {  	[sflag:s21] =	ssyncset.done $0x0  }
0x6f: {  	[sflag:s21] =	ssyncadd.s32 $0xFFFFC000  }
0x70: {  	_ =	swait.ge [sflag:s26], $0x4000  }
0x71: {  	[sflag:s26] =	ssyncset.done $0x0  }
0x72: {  	[sflag:s26] =	ssyncadd.s32 $0xFFFFC000  }
0x73: {  	[spmem:s3] =	stream.indirect.scatter.add.f32 [tilespmem:s24], [sflag:$0x3], $0x80, s29, s23, $0xb8;
	[tilespmem:$0x1E800] =	vst v63  }
0x74: {  	_ =	swait.ge [sflag:s21], $0x4000  }
0x75: {  	[sflag:s21] =	ssyncset.done $0x0  }
0x76: {  	s0 =	simm.s32 $0x0;
	[sflag:s21] =	ssyncadd.s32 $0xFFFFC000  }
0x77: {  	[tilespmem:s0], [sflag:$0x3] =	stream.linear.gather [hbm4b:s12+s0], $0x1400, $0x38;
	[tilespmem:$0x1E800] =	vst v63  }
0x78: {  	_ =	swait.ge [sflag:s21], $0x1400  }
0x79: {  	[sflag:s21] =	ssyncset.done $0x0  }
0x7a: {  	[sflag:s21] =	ssyncadd.s32 $0xFFFFEC00  }
0x7b: {  	[tilespmem:s22], [sflag:$0x3] =	stream.linear.gather [hbm4b:s13+s0], $0x1400, $0x38;
	[tilespmem:$0x1E800] =	vst v63  }
0x7c: {  	_ =	swait.ge [sflag:s21], $0x1400  }
0x7d: {  	[sflag:s21] =	ssyncset.done $0x0  }
0x7e: {  	[sflag:s21] =	ssyncadd.s32 $0xFFFFEC00  }
0x7f: {  	[tilespmem:s20], [sflag:$0x1] =	stream.indirect.gather [hbm4b:s2+s23], $0x80, s0, s23, $0xb8;
	[tilespmem:$0x1E800] =	vst v63  }
0x80: {  	_ = 	snop  }
0x81: {  	[tilespmem:s24], [sflag:$0x2] =	stream.indirect.gather [hbm4b:s2+s23], $0x80, s23, s23, $0xb8;
	[tilespmem:$0x1E800] =	vst v63  }
0x82: {  	_ =	swait.ge [sflag:s25], $0x4000  }
0x83: {  	[sflag:s25] =	ssyncset.done $0x0  }
0x84: {  	s1 =	simm.s32 $0x1400;
	[sflag:s25] =	ssyncadd.s32 $0xFFFFC000  }
0x85: {  	[spmem:s3] =	stream.indirect.scatter.add.f32 [tilespmem:s20], [sflag:$0x3], $0x80, s1, s23, $0xb8;
	[tilespmem:$0x1E800] =	vst v63  }
0x86: {  	_ =	swait.ge [sflag:s21], $0x4000  }
0x87: {  	[sflag:s21] =	ssyncset.done $0x0  }
0x88: {  	s1 =	simm.s32 $0x100;
	[sflag:s21] =	ssyncadd.s32 $0xFFFFC000  }
0x89: {  	[tilespmem:s20], [sflag:$0x1] =	stream.indirect.gather [hbm4b:s2+s23], $0x80, s1, s23, $0xb8;
	[tilespmem:$0x1E800] =	vst v63  }
0x8a: {  	_ =	swait.ge [sflag:s26], $0x4000  }
0x8b: {  	[sflag:s26] =	ssyncset.done $0x0  }
0x8c: {  	s1 =	simm.s32 $0x1480;
	[sflag:s26] =	ssyncadd.s32 $0xFFFFC000  }
0x8d: {  	[spmem:s3] =	stream.indirect.scatter.add.f32 [tilespmem:s24], [sflag:$0x3], $0x80, s1, s23, $0xb8;
	[tilespmem:$0x1E800] =	vst v63  }
0x8e: {  	_ =	swait.ge [sflag:s21], $0x4000  }
0x8f: {  	[sflag:s21] =	ssyncset.done $0x0  }
0x90: {  	s31 =	simm.s32 $0x400;
	s1 =	simm.s32 $0x180;
	[sflag:s21] =	ssyncadd.s32 $0xFFFFC000  }
.LBB2_6:
0x91: {  	[tilespmem:s24], [sflag:$0x2] =	stream.indirect.gather [hbm4b:s2+s23], $0x80, s1, s23, $0xb8;
	[tilespmem:$0x1E800] =	vst v63  }
0x92: {  	s0 =	smov.u32 s31  }
0x93: {  	p0 =	sne.s32 s31, $0x4800;
	s31 =	sadd.s32 $0x400, s31;
	_ =	swait.ge [sflag:s25], $0x4000  }
0x94: {  	s0 =	sshra.s32 s0, $0x2;
	[sflag:s25] =	ssyncset.done $0x0  }
0x95: {  	s1 =	sadd.s32 $0x1400, s0;
	[sflag:s25] =	ssyncadd.s32 $0xFFFFC000  }
0x96: {  	[spmem:s3] =	stream.indirect.scatter.add.f32 [tilespmem:s20], [sflag:$0x3], $0x80, s1, s23, $0xb8;
	[tilespmem:$0x1E800] =	vst v63  }
0x97: {  	_ =	swait.ge [sflag:s21], $0x4000  }
0x98: {  	[sflag:s21] =	ssyncset.done $0x0  }
0x99: {  	s1 =	sadd.s32 $0x100, s0;
	[sflag:s21] =	ssyncadd.s32 $0xFFFFC000  }
0x9a: {  	[tilespmem:s20], [sflag:$0x1] =	stream.indirect.gather [hbm4b:s2+s23], $0x80, s1, s23, $0xb8;
	[tilespmem:$0x1E800] =	vst v63  }
0x9b: {  	_ =	swait.ge [sflag:s26], $0x4000  }
0x9c: {  	[sflag:s26] =	ssyncset.done $0x0  }
.Ltmp2:
0x9d: {  	s1 =	sadd.s32 $0x1480, s0;
	[sflag:s26] =	ssyncadd.s32 $0xFFFFC000;
	(pc) =	sbr.rel @p0 .LBB2_6-.Ltmp2, $4  }
0x9e: {  	[spmem:s3] =	stream.indirect.scatter.add.f32 [tilespmem:s24], [sflag:$0x3], $0x80, s1, s23, $0xb8;
	[tilespmem:$0x1E800] =	vst v63  }
0x9f: {  	_ =	swait.ge [sflag:s21], $0x4000  }
0xa0: {  	[sflag:s21] =	ssyncset.done $0x0  }
0xa1: {  	s1 =	sadd.s32 $0x180, s0;
	[sflag:s21] =	ssyncadd.s32 $0xFFFFC000  }
0xa2: {  	[tilespmem:s24], [sflag:$0x2] =	stream.indirect.gather [hbm4b:s2+s23], $0x80, s1, s23, $0xb8;
	[tilespmem:$0x1E800] =	vst v63  }
0xa3: {  	_ =	swait.ge [sflag:s25], $0x4000  }
0xa4: {  	[sflag:s25] =	ssyncset.done $0x0  }
0xa5: {  	[sflag:s25] =	ssyncadd.s32 $0xFFFFC000  }
0xa6: {  	[spmem:s3] =	stream.indirect.scatter.add.f32 [tilespmem:s20], [sflag:$0x3], $0x80, s28, s23, $0xb8;
	[tilespmem:$0x1E800] =	vst v63  }
0xa7: {  	_ =	swait.ge [sflag:s21], $0x4000  }
0xa8: {  	[sflag:s21] =	ssyncset.done $0x0  }
0xa9: {  	[sflag:s21] =	ssyncadd.s32 $0xFFFFC000  }
0xaa: {  	_ =	swait.ge [sflag:s26], $0x4000  }
0xab: {  	[sflag:s26] =	ssyncset.done $0x0  }
0xac: {  	[sflag:s26] =	ssyncadd.s32 $0xFFFFC000  }
0xad: {  	[spmem:s3] =	stream.indirect.scatter.add.f32 [tilespmem:s24], [sflag:$0x3], $0x80, s29, s23, $0xb8;
	[tilespmem:$0x1E800] =	vst v63  }
0xae: {  	_ =	swait.ge [sflag:s21], $0x4000  }
0xaf: {  	[sflag:s21] =	ssyncset.done $0x0  }
0xb0: {  	[sflag:s21] =	ssyncadd.s32 $0xFFFFC000  }
0xb1: {  	[bflag:$0x0] =	sbarrier.arrive $0xFFFF  }
0xb2: {  	[tilespmem:s20], [sflag:$0x3] =	stream.linear.gather [spmem:s5], $0x4000, $0x38;
	[tilespmem:$0x1E800] =	vst v63  }
0xb3: {  	_ =	swait.ge [sflag:s21], $0x4000  }
0xb4: {  	[sflag:s21] =	ssyncset.done $0x0  }
0xb5: {  	[sflag:s21] =	ssyncadd.s32 $0xFFFFC000  }
0xb6: {  	[hbm4b:s14+s4] =	stream.linear.scatter [tilespmem:s20], [sflag:$0x3], $0x4000, $0x38;
	[tilespmem:$0x1E800] =	vst v63  }
0xb7: {  	_ =	swait.ge [sflag:s21], $0x4000  }
0xb8: {  	[sflag:s21] =	ssyncset.done $0x0  }
0xb9: {  	[sflag:s21] =	ssyncadd.s32 $0xFFFFC000  }
0xba: {  	[tilespmem:s20], [sflag:$0x3] =	stream.linear.gather [spmem:s6], $0x4000, $0x38;
	[tilespmem:$0x1E800] =	vst v63  }
0xbb: {  	_ =	swait.ge [sflag:s21], $0x4000  }
0xbc: {  	[sflag:s21] =	ssyncset.done $0x0  }
0xbd: {  	[sflag:s21] =	ssyncadd.s32 $0xFFFFC000  }
0xbe: {  	[hbm4b:s15+s4] =	stream.linear.scatter [tilespmem:s20], [sflag:$0x3], $0x4000, $0x38;
	[tilespmem:$0x1E800] =	vst v63  }
0xbf: {  	_ =	swait.ge [sflag:s21], $0x4000  }
0xc0: {  	[sflag:s21] =	ssyncset.done $0x0  }
0xc1: {  	[sflag:s21] =	ssyncadd.s32 $0xFFFFC000  }
0xc2: {  	[tilespmem:s20], [sflag:$0x3] =	stream.linear.gather [spmem:s7], $0x4000, $0x38;
	[tilespmem:$0x1E800] =	vst v63  }
0xc3: {  	_ =	swait.ge [sflag:s21], $0x4000  }
0xc4: {  	[sflag:s21] =	ssyncset.done $0x0  }
0xc5: {  	[sflag:s21] =	ssyncadd.s32 $0xFFFFC000  }
0xc6: {  	[hbm4b:s16+s4] =	stream.linear.scatter [tilespmem:s20], [sflag:$0x3], $0x4000, $0x38;
	[tilespmem:$0x1E800] =	vst v63  }
0xc7: {  	_ =	swait.ge [sflag:s21], $0x4000  }
0xc8: {  	[sflag:s21] =	ssyncset.done $0x0  }
0xc9: {  	[sflag:s21] =	ssyncadd.s32 $0xFFFFC000  }
0xca: {  	[tilespmem:s20], [sflag:$0x3] =	stream.linear.gather [spmem:s8], $0x4000, $0x38;
	[tilespmem:$0x1E800] =	vst v63  }
0xcb: {  	_ =	swait.ge [sflag:s21], $0x4000  }
0xcc: {  	[sflag:s21] =	ssyncset.done $0x0  }
0xcd: {  	[sflag:s21] =	ssyncadd.s32 $0xFFFFC000  }
0xce: {  	[hbm4b:s17+s4] =	stream.linear.scatter [tilespmem:s20], [sflag:$0x3], $0x4000, $0x38;
	[tilespmem:$0x1E800] =	vst v63  }
0xcf: {  	_ =	swait.ge [sflag:s21], $0x4000  }
0xd0: {  	[sflag:s21] =	ssyncset.done $0x0  }
0xd1: {  	[sflag:s21] =	ssyncadd.s32 $0xFFFFC000  }
0xd2: {  	[tilespmem:s20], [sflag:$0x3] =	stream.linear.gather [spmem:s9], $0x4000, $0x38;
	[tilespmem:$0x1E800] =	vst v63  }
0xd3: {  	s30 =	sadd.s32 $0x1, s30;
	_ =	swait.ge [sflag:s21], $0x4000  }
0xd4: {  	p0 =	sne.s32 s30, s19;
	[sflag:s21] =	ssyncset.done $0x0  }
.Ltmp3:
0xd5: {  	[sflag:s21] =	ssyncadd.s32 $0xFFFFC000;
	(pc) =	sbr.rel @p0 .LBB2_1-.Ltmp3, $4  }
0xd6: {  	[hbm4b:s18+s4] =	stream.linear.scatter [tilespmem:s20], [sflag:$0x3], $0x4000, $0x38;
	[tilespmem:$0x1E800] =	vst v63  }
0xd7: {  	_ =	swait.ge [sflag:s21], $0x4000  }
0xd8: {  	[sflag:s21] =	ssyncset.done $0x0  }
0xd9: {  	[sflag:s21] =	ssyncadd.s32 $0xFFFFC000  }
0xda: {  	_ =	sfence.sel $0x180000  }
0xdb: {  	[bflag:$0x0] =	sbarrier.arrive $0xFFFF  }
0xdc: {  	_ =	strace $0x9000004D  }
0xdd: {  	s0 =	stileid.u32;
	[bflag:$0x2] =	sbarrier.arrive $0xFFFF  }
0xde: {  	p0 =	sne.s32 s0, $0x0;
	s0 =	rddreg [dreg:$0x3]  }
0xdf: {  	s0 =	sadd.s32 @!p0 $0x100000, s0  }
0xe0: {  	[sflag:s0] =	ssyncadd.tile.s32 @!p0 $0x1;
	_ =	shalt  }
.Lfunc_end2:
_tile_overlayer_lowered:
.L_overlay_start_2:
0xe1: {  	(tag) =	ssettag $0x2  }
0xe2: {  	s0 =	rddreg [dreg:$0x0];
	s2 =	stileid.u32  }
0xe3: {  	s1 =	rddreg [dreg:$0x1];
	p0 =	sne.s32 s2, $0x0  }
0xe4: {  	s3 =	rddreg [dreg:$0x2];
	[bflag:$0x3] =	sbarrier.arrive $0xFFFF;
	s2 =	simm.s32 @!p0 $0x1C03  }
0xe5: {  	[timem:s3], [sflag:s2] =	dma.local @!p0 [hbm:s0], s1  }
0xe6: {  	s0 =	simm.s32 @!p0 $0x3  }
0xe7: {  	_ =	swait.ge @!p0 [sflag:s0], s1  }
0xe8: {  	s1 =	ssub.s32 @!p0 $0x0, s1;
	[sflag:s0] =	ssyncset.done @!p0 $0x0  }
0xe9: {  	[sflag:s0] =	ssyncadd.s32 @!p0 s1  }
0xea: {  	[bflag:$0x3] =	sbarrier.arrive $0xFFFF  }
0xeb: {  	_ =	shalt  }

// kernel: kernel.23.cloned.1.call-start
scs
__scs_entry_jumppad:
0x0: {  	(pc) =	sbr.rel $0x88, $3  }
0x1: {  	(tag) =	ssettag $0x0;
	lr =	simm.s32 $0x1  }
0x2: {  	[smem:$0x3F98] =	sst lr;
	_ =	strace $0xD0000000  }
0x3: {  	_ = 	snop  }
0x4: {  	_ = 	snop  }
0x5: {  	_ = 	snop  }
0x6: {  	_ = 	snop  }
0x7: {  	_ = 	snop  }
__scs_overlays_trampoline_lowered:
0x8: {  	[smem:$0x3FA7] =	sst s0  }
0x9: {  	[smem:$0x3FA8] =	sst s1  }
0xa: {  	[smem:$0x3FA9] =	sst s2  }
0xb: {  	[smem:$0x3FAA] =	sst s3  }
0xc: {  	[smem:$0x3FAB] =	sst s4  }
0xd: {  	[smem:$0x3FAC] =	sst s5  }
0xe: {  	[smem:$0x3FAD] =	sst s6  }
0xf: {  	[smem:$0x3FAE] =	sst s7  }
0x10: {  	[smem:$0x3FAF] =	sst s8  }
0x11: {  	[smem:$0x3FB0] =	sst s9;
	s0 =	simm.s32 @!p0 $0x0  }
0x12: {  	s1 =	sld [smem:$0x3F96];
	s0 =	simm.s32 @p0 $0x1  }
0x13: {  	[smem:$0x3FB1] =	sst s0;
	s0 =	simm.s32 @!p1 $0x0  }
0x14: {  	s2 =	sld [smem:$0x3F95];
	s0 =	simm.s32 @p1 $0x1  }
0x15: {  	[smem:$0x3FB2] =	sst s0;
	s0 =	simm.s32 @!p2 $0x0  }
0x16: {  	s3 =	sld [smem:$0x3FDB];
	s0 =	simm.s32 @p2 $0x1  }
0x17: {  	s4 =	simm.s32 $0x1BF5;
	[smem:$0x3FB4] =	sst s0  }
0x18: {  	s0 =	sld [smem:$0x3F97];
	_ =	swait.ge [sflag:s4], $0x0  }
0x19: {  	s7 =	sld [smem:$0x3F98]  }
0x1a: {  	s8 =	sadd.s32 $0xFFFFE003, lr  }
0x1b: {  	s9 =	sadd.s32 $0xFFFFFEF7, lr;
	s5 =	simm.s32 $0xFFFFFFFF;
	p2 =	slt.u32 s8, $0xFFFFF086  }
0x1c: {  	p1 =	slt.u32 s9, $0xF7A;
	s5 =	simm.s32 @!p2 $0x0  }
0x1d: {  	s5 =	simm.s32 @p1 $0x1;
	p0 =	seq.s32 s7, s2  }
0x1e: {  	s7 =	smul.u32 @!p0 $0xF7A, s2;
	p2 =	seq.s32 @!p0 s5, $0x0  }
0x1f: {  	s9 =	smul.u32 $0xF7A, s1;
	s8 =	simm.s32 @!p0 $0x1BF5;
	p2 =	por !p2, p0  }
0x20: {  	[sflag:s8] =	ssyncset.s32 @!p0 $0xFFFFF086;
	s6 =	sadd.s32 @!p0 s3, s7;
	s7 =	simm.s32 @!p0 $0x108  }
0x21: {  	s3 =	sadd.s32 s3, s9;
	s6 =	sadd.s32 @!p0 $0x88, s6;
	s7 =	simm.s32 @p2 $0x1082  }
0x22: {  	[simem:s7], [sflag:s8] =	dma.local @!p0 [hbm:s6], $0xF7A  }
0x23: {  	s9 =	sor.u32 $0xD0000000, s2;
	s6 =	simm.s32 $0x108;
	_ =	swait.ge @!p0 [sflag:s8], $0x0  }
0x24: {  	s3 =	sadd.s32 $0x88, s3;
	s6 =	simm.s32 @!p1 $0x1082;
	[sflag:s4] =	ssyncset.s32 $0xFFFFF086  }
0x25: {  	[simem:s6], [sflag:s4] =	dma.local [hbm:s3], $0xF7A  }
0x26: {  	[smem:$0x3F98] =	sst s1;
	(tag) =	ssettag s2;
	_ =	strace s9  }
0x27: {  	s1 =	sld [smem:$0x3FA8]  }
0x28: {  	s2 =	sld [smem:$0x3FA9]  }
0x29: {  	s4 =	sld [smem:$0x3FAB]  }
0x2a: {  	p0 =	seq.s32 s5, $0x0;
	s5 =	sld [smem:$0x3FAC]  }
0x2b: {  	s6 =	sld [smem:$0x3FAD]  }
0x2c: {  	s7 =	sld [smem:$0x3FAE]  }
0x2d: {  	s3 =	simm.s32 $0x108;
	s8 =	sld [smem:$0x3FAF]  }
0x2e: {  	s3 =	simm.s32 @!p0 $0x1082;
	s9 =	sld [smem:$0x3FB0]  }
0x2f: {  	lr =	sadd.s32 s0, s3;
	s0 =	sld [smem:$0x3FA7]  }
0x30: {  	s3 =	sld [smem:$0x3FAA]  }
0x31: {  	[smem:$0x3FB3] =	sst s10  }
0x32: {  	s10 =	sld [smem:$0x3FB1];
	_ =	sdelay $0x3  }
0x33: {  	p0 =	seq.s32 s10, $0x1;
	s10 =	sld [smem:$0x3FB3];
	_ =	sdelay $0x3  }
0x34: {  	[smem:$0x3FB3] =	sst s10  }
0x35: {  	s10 =	sld [smem:$0x3FB2];
	_ =	sdelay $0x3  }
0x36: {  	p1 =	seq.s32 s10, $0x1;
	s10 =	sld [smem:$0x3FB3];
	_ =	sdelay $0x3  }
0x37: {  	[smem:$0x3FB3] =	sst s10  }
0x38: {  	s10 =	sld [smem:$0x3FB4]  }
0x39: {  	_ = 	snop;
	(pc) =	sbr.ind lr, $3  }
0x3a: {  	_ = 	snop  }
0x3b: {  	_ = 	snop  }
0x3c: {  	p2 =	seq.s32 s10, $0x1;
	s10 =	sld [smem:$0x3FB3]  }
0x3d: {  	_ =	shalt  }
0x3e: {  	_ =	shalt  }
0x3f: {  	_ =	shalt  }
0x40: {  	_ =	shalt  }
0x41: {  	_ =	shalt  }
0x42: {  	_ =	shalt  }
0x43: {  	_ =	shalt  }
0x44: {  	_ =	shalt  }
0x45: {  	_ =	shalt  }
0x46: {  	_ =	shalt  }
0x47: {  	_ =	shalt  }
0x48: {  	_ =	shalt  }
0x49: {  	_ =	shalt  }
0x4a: {  	_ =	shalt  }
0x4b: {  	_ =	shalt  }
0x4c: {  	_ =	shalt  }
0x4d: {  	_ =	shalt  }
0x4e: {  	_ =	shalt  }
0x4f: {  	_ =	shalt  }
0x50: {  	_ =	shalt  }
0x51: {  	_ =	shalt  }
0x52: {  	_ =	shalt  }
0x53: {  	_ =	shalt  }
0x54: {  	_ =	shalt  }
0x55: {  	_ =	shalt  }
0x56: {  	_ =	shalt  }
0x57: {  	_ =	shalt  }
0x58: {  	_ =	shalt  }
0x59: {  	_ =	shalt  }
0x5a: {  	_ =	shalt  }
0x5b: {  	_ =	shalt  }
0x5c: {  	_ =	shalt  }
0x5d: {  	_ =	shalt  }
0x5e: {  	_ =	shalt  }
0x5f: {  	_ =	shalt  }
0x60: {  	_ =	shalt  }
0x61: {  	_ =	shalt  }
0x62: {  	_ =	shalt  }
0x63: {  	_ =	shalt  }
0x64: {  	_ =	shalt  }
0x65: {  	_ =	shalt  }
0x66: {  	_ =	shalt  }
0x67: {  	_ =	shalt  }
0x68: {  	_ =	shalt  }
0x69: {  	_ =	shalt  }
0x6a: {  	_ =	shalt  }
0x6b: {  	_ =	shalt  }
0x6c: {  	_ =	shalt  }
0x6d: {  	_ =	shalt  }
0x6e: {  	_ =	shalt  }
0x6f: {  	_ =	shalt  }
0x70: {  	_ =	shalt  }
0x71: {  	_ =	shalt  }
0x72: {  	_ =	shalt  }
0x73: {  	_ =	shalt  }
0x74: {  	_ =	shalt  }
0x75: {  	_ =	shalt  }
0x76: {  	_ =	shalt  }
0x77: {  	_ =	shalt  }
0x78: {  	_ =	shalt  }
0x79: {  	_ =	shalt  }
0x7a: {  	_ =	shalt  }
0x7b: {  	_ =	shalt  }
0x7c: {  	_ =	shalt  }
0x7d: {  	_ =	shalt  }
0x7e: {  	_ =	shalt  }
0x7f: {  	_ =	shalt  }
0x80: {  	_ =	shalt  }
0x81: {  	_ =	shalt  }
0x82: {  	_ =	shalt  }
0x83: {  	_ =	shalt  }
0x84: {  	_ =	shalt  }
0x85: {  	_ =	shalt  }
0x86: {  	_ =	shalt  }
0x87: {  	_ =	shalt  }
.Lfunc_end0:
.L_simem_size_0:
called_computation.3_lowered:
.L_overlay_start_0:
0x88: {  	s2 =	sld [smem:$0x3FD9]  }
0x89: {  	s3 =	sld [smem:$0x3FFE];
	_ =	sdelay $0x1  }
0x8a: {  	s1 =	srdreg.scid  }
0x8b: {  	s0 =	sand.u32 $0x1, s1  }
0x8c: {  	s17 =	sshll.u32 s0, $0xA;
	s2 =	sadd.s32 s3, s2  }
0x8d: {  	s2 =	sadd.s32 s2, s17  }
0x8e: {  	[smem:$0x3FBF] =	sst s2  }
0x8f: {  	_ = 	snop  }
0x90: {  	s2 =	sld [smem:$0x3FD0];
	(tm) =	ssettm $0x1  }
0x91: {  	s18 =	sld [smem:$0x3FFB];
	_ =	sdelay $0x3  }
0x92: {  	_ =	strace s18  }
0x93: {  	s3 =	sld [smem:$0x3FFC];
	_ =	sdelay $0x3  }
0x94: {  	_ =	strace s3  }
0x95: {  	s3 =	sld [smem:$0x3FFD];
	_ =	sdelay $0x3  }
0x96: {  	_ =	strace s3  }
0x97: {  	_ =	strace $0x8FFFFFFF  }
0x98: {  	s19 =	sld [smem:$0x3FDB];
	_ =	sdelay $0x1  }
0x99: {  	s4 =	simm.s32 $_scs_section_size  }
0x9a: {  	s5 =	simm.s32 $_size__tile_overlayer_lowered;
	s6 =	simm.s32 $_tile_overlayer_lowered  }
0x9b: {  	s22 =	simm.s32 $0x1BFF;
	s21 =	sshll.u32 s6, $0x1;
	s3 =	sadd.s32 s4, s19  }
0x9c: {  	s7 =	simm.s32 $0x0;
	s20 =	sshll.u32 s5, $0x1;
	s5 =	sadd.s32 s21, s3  }
0x9d: {  	[timem:s7], [sflag:s22] =	dma.local [hbm:s5], s20  }
0x9e: {  	_ =	swait.ge [sflag:s22], s20  }
0x9f: {  	s4 =	ssub.s32 $0x0, s20;
	[sflag:s22] =	ssyncset.done $0x0  }
0xa0: {  	[sflag:s22] =	ssyncadd.s32 s4;
	_ =	sdelay $0x1  }
0xa1: {  	s23 =	simm.s32 $0x1B8B  }
0xa2: {  	_ =	swait.ge [sflag:s23], $0x1  }
0xa3: {  	[sflag:s23] =	ssyncset.done $0x0  }
0xa4: {  	s25 =	simm.s32 $0x1B8E;
	s24 =	sld [smem:$0x3FFE];
	[sflag:s23] =	ssyncadd.s32 $0xFFFFFFFF  }
0xa5: {  	s26 =	simm.s32 $execute0_lowered;
	[smem:$0x3FD2] =	sst s25  }
0xa6: {  	s5 =	sshll.u32 s26, $0x1;
	_ =	strace $0x8000004F;
	[dreg:$0x1] =	wrdreg $0xFFFFFFFF  }
0xa7: {  	s28 =	simm.s32 $_size_execute0_lowered;
	s3 =	sadd.s32 s3, s5;
	[dreg:$0x0] =	wrdreg $0x0  }
0xa8: {  	s5 =	sshll.u32 s28, $0x1;
	[dreg:$0x2] =	wrdreg s3  }
0xa9: {  	[dreg:$0x3] =	wrdreg s5  }
0xaa: {  	[dreg:$0x4] =	wrdreg $0xC0  }
0xab: {  	_ =	task [dreg:s7], $0x5FFFF  }
0xac: {  	[dreg:$0x1] =	wrdreg $0xFFFFFFFF  }
0xad: {  	[dreg:$0x0] =	wrdreg $0x60  }
0xae: {  	[dreg:$0x2] =	wrdreg s24  }
0xaf: {  	[dreg:$0x3] =	wrdreg s2  }
0xb0: {  	[dreg:$0x4] =	wrdreg $0xA8000  }
0xb1: {  	[dreg:$0x5] =	wrdreg $0x9  }
0xb2: {  	_ =	task.clear_ibuf [dreg:s7], $0x6FFFF;
	_ =	strace $0x9000004F  }
0xb3: {  	s29 =	simm.s32 $0x9;
	_ =	strace $0x80000051  }
0xb4: {  	_ =	swait.ge [sflag:s29], $0x1  }
0xb5: {  	[sflag:s29] =	ssyncadd.s32 $0xFFFFFFFF  }
0xb6: {  	_ =	strace $0x90000051  }
0xb7: {  	_ =	sfence  }
0xb8: {  	s30 =	sld [smem:$0x0];
	_ =	sdelay $0x2  }
0xb9: {  	s31 =	sshll.u32 s1, $0xD;
	s1 =	sshrl.u32 s1, $0x2  }
0xba: {  	s3 =	sand.u32 $0x4000, s31;
	s1 =	sadd.s32 s1, s30  }
0xbb: {  	s0 =	sor.u32 s3, s0;
	s1 =	sshll.u32 s1, $0x11  }
0xbc: {  	s0 =	sor.u32 s1, s0  }
0xbd: {  	s0 =	sadd.s32 $0x8F2B, s0  }
0xbe: {  	[sflag:s0] =	ssyncadd.remote.s32 $0x1  }
0xbf: {  	_ =	sfence.sel $0xFFFF  }
0xc0: {  	[dreg:$0x0] =	wrdreg $0xFFFFFFFF;
	(pc) =	sbr.abs _section_cstart, $3  }
0xc1: {  	[dreg:$0x1] =	wrdreg $0xFFFFFFFF  }
0xc2: {  	_ =	task.clear_ibuf [dreg:s7], $0x2FFFF;
	_ =	strace $0x9FFFFFFF  }
0xc3: {  	(tm) =	ssettm $0x7FFFFFFF  }
tec
execute0_lowered:
.L_overlay_start_1:
0x0: {  	(tag) =	ssettag $0x1  }
0x1: {  	s1 =	rddreg [dreg:$0x0]  }
0x2: {  	s2 =	rddreg [dreg:$0x1]  }
0x3: {  	s4 =	srdreg.scid;
	s0 =	stileid.u32  }
0x4: {  	s3 =	rddreg [dreg:$0x2];
	s22 =	simm.s32 $0x1400;
	s23 =	simm.s32 $0x80  }
0x5: {  	s24 =	simm.s32 $0x6800;
	s28 =	simm.s32 $0x2700;
	s29 =	simm.s32 $0x2780  }
0x6: {  	s30 =	simm.s32 $0x0;
	s7 =	sand.u32 $0x1, s4;
	s6 =	smul.u32 $0x50000, s0  }
0x7: {  	s5 =	sshll.u32 s0, $0x1;
	s4 =	simm.s32 $0x0;
	s12 =	smul.u32 $0x14000, s0  }
0x8: {  	s5 =	sor.u32 s7, s5;
	[smem:$0x7FF] =	sst s4;
	s20 =	smul.u32 $0x140000, s7  }
0x9: {  	s8 =	ssub.s32 $0x2, s7;
	s5 =	smul.u32 $0x2800, s5;
	_ =	strace $0x80000050  }
0xa: {  	s25 =	sshrl.u32 s8, $0x1;
	s26 =	sshrl.u32 s6, $0x2;
	s14 =	sadd.s32 $0x4000, s12  }
0xb: {  	s16 =	sadd.s32 $0x8000, s12;
	s17 =	sadd.s32 $0xC000, s12;
	s18 =	sadd.s32 $0x10000, s12  }
0xc: {  	s19 =	ssub.s32 s8, s25;
	s6 =	sadd.s32 s14, s3;
	s7 =	sadd.s32 s16, s3  }
0xd: {  	s8 =	sadd.s32 s17, s3;
	s9 =	sadd.s32 s18, s3;
	s15 =	sadd.s32 s12, s20  }
0xe: {  	s21 =	sadd.s32 s20, s14;
	s16 =	sadd.s32 s20, s16;
	s17 =	sadd.s32 s20, s17  }
0xf: {  	s18 =	sadd.s32 s20, s18;
	s20 =	simm.s32 $0x2800;
	s25 =	simm.s32 $0x1  }
0x10: {  	s5 =	sshrl.u32 s5, $0x3;
	s15 =	sshrl.u32 s15, $0x3;
	s31 =	sshrl.u32 s21, $0x3  }
0x11: {  	s16 =	sshrl.u32 s16, $0x3;
	s17 =	sshrl.u32 s17, $0x3;
	s18 =	sshrl.u32 s18, $0x3  }
0x12: {  	s19 =	smax.u32 s19, $0x1;
	s21 =	simm.s32 $0x3;
	s13 =	sadd.s32 s5, s1  }
0x13: {  	s1 =	sadd.s32 $0x8CC00, s1;
	s5 =	sadd.s32 s26, s3;
	s26 =	simm.s32 $0x2  }
0x14: {  	s10 =	sadd.s32 $0x3800, s13;
	s11 =	sadd.s32 $0xD800, s13;
	s12 =	sadd.s32 $0x3A80, s13  }
0x15: {  	s13 =	sadd.s32 $0xDA80, s13;
	s14 =	sadd.s32 s1, s15;
	s15 =	sadd.s32 s1, s31  }
0x16: {  	v0 =	vimm.f32 $0.0e+00;
	s16 =	sadd.s32 s1, s16;
	s17 =	sadd.s32 s1, s17;
	s18 =	sadd.s32 s1, s18  }
.LBB2_1:
0x17: {  	s31 =	simm.s32 $0x0;
	s1 =	simm.s32 $0x200  }
.LBB2_2:
0x18: {  	p0 =	sne.s32 s1, $0xFE00;
	[tilespmem:s31+$0x2870] =	vst v0  }
0x19: {  	[tilespmem:s31+$0x2800] =	vst v0  }
0x1a: {  	[tilespmem:s31+$0x2810] =	vst v0  }
.Ltmp0:
0x1b: {  	[tilespmem:s31+$0x2820] =	vst v0;
	(pc) =	sbr.rel @p0 .LBB2_2-.Ltmp0, $4  }
0x1c: {  	[tilespmem:s31+$0x2830] =	vst v0  }
0x1d: {  	[tilespmem:s31+$0x2840] =	vst v0  }
0x1e: {  	[tilespmem:s31+$0x2850] =	vst v0  }
0x1f: {  	[tilespmem:s31+$0x2860] =	vst v0;
	s31 =	sshra.s32 s1, $0x2;
	s1 =	sadd.s32 $0x200, s1  }
0x20: {  	[tilespmem:s31+$0x2870] =	vst v0  }
0x21: {  	[tilespmem:s31+$0x2800] =	vst v0  }
0x22: {  	[tilespmem:s31+$0x2810] =	vst v0  }
0x23: {  	[tilespmem:s31+$0x2820] =	vst v0  }
0x24: {  	[tilespmem:s31+$0x2830] =	vst v0  }
0x25: {  	[tilespmem:s31+$0x2840] =	vst v0  }
0x26: {  	[tilespmem:s31+$0x2850] =	vst v0  }
0x27: {  	[tilespmem:s31+$0x2860] =	vst v0  }
0x28: {  	[spmem:s5] =	stream.linear.scatter [tilespmem:s20], [sflag:$0x3], $0x4000, $0x38;
	[tilespmem:$0x1E800] =	vst v63  }
0x29: {  	_ =	swait.ge [sflag:s21], $0x4000  }
0x2a: {  	[sflag:s21] =	ssyncset.done $0x0  }
0x2b: {  	[sflag:s21] =	ssyncadd.s32 $0xFFFFC000  }
0x2c: {  	[spmem:s6] =	stream.linear.scatter [tilespmem:s20], [sflag:$0x3], $0x4000, $0x38;
	[tilespmem:$0x1E800] =	vst v63  }
0x2d: {  	_ =	swait.ge [sflag:s21], $0x4000  }
0x2e: {  	[sflag:s21] =	ssyncset.done $0x0  }
0x2f: {  	[sflag:s21] =	ssyncadd.s32 $0xFFFFC000  }
0x30: {  	[spmem:s7] =	stream.linear.scatter [tilespmem:s20], [sflag:$0x3], $0x4000, $0x38;
	[tilespmem:$0x1E800] =	vst v63  }
0x31: {  	_ =	swait.ge [sflag:s21], $0x4000  }
0x32: {  	[sflag:s21] =	ssyncset.done $0x0  }
0x33: {  	[sflag:s21] =	ssyncadd.s32 $0xFFFFC000  }
0x34: {  	[spmem:s8] =	stream.linear.scatter [tilespmem:s20], [sflag:$0x3], $0x4000, $0x38;
	[tilespmem:$0x1E800] =	vst v63  }
0x35: {  	_ =	swait.ge [sflag:s21], $0x4000  }
0x36: {  	[sflag:s21] =	ssyncset.done $0x0  }
0x37: {  	[sflag:s21] =	ssyncadd.s32 $0xFFFFC000  }
0x38: {  	[spmem:s9] =	stream.linear.scatter [tilespmem:s20], [sflag:$0x3], $0x4000, $0x38;
	[tilespmem:$0x1E800] =	vst v63  }
0x39: {  	_ =	swait.ge [sflag:s21], $0x4000  }
0x3a: {  	[sflag:s21] =	ssyncset.done $0x0  }
0x3b: {  	[sflag:s21] =	ssyncadd.s32 $0xFFFFC000  }
0x3c: {  	s1 =	simm.s32 $0x0;
	[bflag:$0x0] =	sbarrier.arrive $0xFFFF  }
0x3d: {  	[tilespmem:s1], [sflag:$0x3] =	stream.linear.gather [hbm4b:s10+s1], $0x1400, $0x38;
	[tilespmem:$0x1E800] =	vst v63  }
0x3e: {  	_ =	swait.ge [sflag:s21], $0x1400  }
0x3f: {  	[sflag:s21] =	ssyncset.done $0x0  }
0x40: {  	[sflag:s21] =	ssyncadd.s32 $0xFFFFEC00  }
0x41: {  	[tilespmem:s22], [sflag:$0x3] =	stream.linear.gather [hbm4b:s11+s1], $0x1400, $0x38;
	[tilespmem:$0x1E800] =	vst v63  }
0x42: {  	_ =	swait.ge [sflag:s21], $0x1400  }
0x43: {  	[sflag:s21] =	ssyncset.done $0x0  }
0x44: {  	[sflag:s21] =	ssyncadd.s32 $0xFFFFEC00  }
0x45: {  	[tilespmem:s20], [sflag:$0x1] =	stream.indirect.gather [hbm4b:s2+s23], $0x80, s1, s23, $0xb8;
	[tilespmem:$0x1E800] =	vst v63  }
0x46: {  	_ = 	snop  }
0x47: {  	[tilespmem:s24], [sflag:$0x2] =	stream.indirect.gather [hbm4b:s2+s23], $0x80, s23, s23, $0xb8;
	[tilespmem:$0x1E800] =	vst v63  }
0x48: {  	_ =	swait.ge [sflag:s25], $0x4000  }
0x49: {  	[sflag:s25] =	ssyncset.done $0x0  }
0x4a: {  	s0 =	simm.s32 $0x1400;
	[sflag:s25] =	ssyncadd.s32 $0xFFFFC000  }
0x4b: {  	[spmem:s3] =	stream.indirect.scatter.add.f32 [tilespmem:s20], [sflag:$0x3], $0x80, s0, s23, $0xb8;
	[tilespmem:$0x1E800] =	vst v63  }
0x4c: {  	_ =	swait.ge [sflag:s21], $0x4000  }
0x4d: {  	[sflag:s21] =	ssyncset.done $0x0  }
0x4e: {  	s0 =	simm.s32 $0x100;
	[sflag:s21] =	ssyncadd.s32 $0xFFFFC000  }
0x4f: {  	[tilespmem:s20], [sflag:$0x1] =	stream.indirect.gather [hbm4b:s2+s23], $0x80, s0, s23, $0xb8;
	[tilespmem:$0x1E800] =	vst v63  }
0x50: {  	_ =	swait.ge [sflag:s26], $0x4000  }
0x51: {  	[sflag:s26] =	ssyncset.done $0x0  }
0x52: {  	s0 =	simm.s32 $0x1480;
	[sflag:s26] =	ssyncadd.s32 $0xFFFFC000  }
0x53: {  	[spmem:s3] =	stream.indirect.scatter.add.f32 [tilespmem:s24], [sflag:$0x3], $0x80, s0, s23, $0xb8;
	[tilespmem:$0x1E800] =	vst v63  }
0x54: {  	_ =	swait.ge [sflag:s21], $0x4000  }
0x55: {  	[sflag:s21] =	ssyncset.done $0x0  }
0x56: {  	s31 =	simm.s32 $0x400;
	s1 =	simm.s32 $0x180;
	[sflag:s21] =	ssyncadd.s32 $0xFFFFC000  }
.LBB2_4:
0x57: {  	[tilespmem:s24], [sflag:$0x2] =	stream.indirect.gather [hbm4b:s2+s23], $0x80, s1, s23, $0xb8;
	[tilespmem:$0x1E800] =	vst v63  }
0x58: {  	s1 =	smov.u32 s31  }
0x59: {  	p0 =	sne.s32 s31, $0x4800;
	s31 =	sadd.s32 $0x400, s31;
	_ =	swait.ge [sflag:s25], $0x4000  }
0x5a: {  	s1 =	sshra.s32 s1, $0x2;
	[sflag:s25] =	ssyncset.done $0x0  }
0x5b: {  	s0 =	sadd.s32 $0x1400, s1;
	[sflag:s25] =	ssyncadd.s32 $0xFFFFC000  }
0x5c: {  	[spmem:s3] =	stream.indirect.scatter.add.f32 [tilespmem:s20], [sflag:$0x3], $0x80, s0, s23, $0xb8;
	[tilespmem:$0x1E800] =	vst v63  }
0x5d: {  	_ =	swait.ge [sflag:s21], $0x4000  }
0x5e: {  	[sflag:s21] =	ssyncset.done $0x0  }
0x5f: {  	s0 =	sadd.s32 $0x100, s1;
	[sflag:s21] =	ssyncadd.s32 $0xFFFFC000  }
0x60: {  	[tilespmem:s20], [sflag:$0x1] =	stream.indirect.gather [hbm4b:s2+s23], $0x80, s0, s23, $0xb8;
	[tilespmem:$0x1E800] =	vst v63  }
0x61: {  	_ =	swait.ge [sflag:s26], $0x4000  }
0x62: {  	[sflag:s26] =	ssyncset.done $0x0  }
.Ltmp1:
0x63: {  	s0 =	sadd.s32 $0x1480, s1;
	[sflag:s26] =	ssyncadd.s32 $0xFFFFC000;
	(pc) =	sbr.rel @p0 .LBB2_4-.Ltmp1, $4  }
0x64: {  	[spmem:s3] =	stream.indirect.scatter.add.f32 [tilespmem:s24], [sflag:$0x3], $0x80, s0, s23, $0xb8;
	[tilespmem:$0x1E800] =	vst v63  }
0x65: {  	_ =	swait.ge [sflag:s21], $0x4000  }
0x66: {  	[sflag:s21] =	ssyncset.done $0x0  }
0x67: {  	s1 =	sadd.s32 $0x180, s1;
	[sflag:s21] =	ssyncadd.s32 $0xFFFFC000  }
0x68: {  	[tilespmem:s24], [sflag:$0x2] =	stream.indirect.gather [hbm4b:s2+s23], $0x80, s1, s23, $0xb8;
	[tilespmem:$0x1E800] =	vst v63  }
0x69: {  	_ =	swait.ge [sflag:s25], $0x4000  }
0x6a: {  	[sflag:s25] =	ssyncset.done $0x0  }
0x6b: {  	[sflag:s25] =	ssyncadd.s32 $0xFFFFC000  }
0x6c: {  	[spmem:s3] =	stream.indirect.scatter.add.f32 [tilespmem:s20], [sflag:$0x3], $0x80, s28, s23, $0xb8;
	[tilespmem:$0x1E800] =	vst v63  }
0x6d: {  	_ =	swait.ge [sflag:s21], $0x4000  }
0x6e: {  	[sflag:s21] =	ssyncset.done $0x0  }
0x6f: {  	[sflag:s21] =	ssyncadd.s32 $0xFFFFC000  }
0x70: {  	_ =	swait.ge [sflag:s26], $0x4000  }
0x71: {  	[sflag:s26] =	ssyncset.done $0x0  }
0x72: {  	[sflag:s26] =	ssyncadd.s32 $0xFFFFC000  }
0x73: {  	[spmem:s3] =	stream.indirect.scatter.add.f32 [tilespmem:s24], [sflag:$0x3], $0x80, s29, s23, $0xb8;
	[tilespmem:$0x1E800] =	vst v63  }
0x74: {  	_ =	swait.ge [sflag:s21], $0x4000  }
0x75: {  	[sflag:s21] =	ssyncset.done $0x0  }
0x76: {  	s0 =	simm.s32 $0x0;
	[sflag:s21] =	ssyncadd.s32 $0xFFFFC000  }
0x77: {  	[tilespmem:s0], [sflag:$0x3] =	stream.linear.gather [hbm4b:s12+s0], $0x1400, $0x38;
	[tilespmem:$0x1E800] =	vst v63  }
0x78: {  	_ =	swait.ge [sflag:s21], $0x1400  }
0x79: {  	[sflag:s21] =	ssyncset.done $0x0  }
0x7a: {  	[sflag:s21] =	ssyncadd.s32 $0xFFFFEC00  }
0x7b: {  	[tilespmem:s22], [sflag:$0x3] =	stream.linear.gather [hbm4b:s13+s0], $0x1400, $0x38;
	[tilespmem:$0x1E800] =	vst v63  }
0x7c: {  	_ =	swait.ge [sflag:s21], $0x1400  }
0x7d: {  	[sflag:s21] =	ssyncset.done $0x0  }
0x7e: {  	[sflag:s21] =	ssyncadd.s32 $0xFFFFEC00  }
0x7f: {  	[tilespmem:s20], [sflag:$0x1] =	stream.indirect.gather [hbm4b:s2+s23], $0x80, s0, s23, $0xb8;
	[tilespmem:$0x1E800] =	vst v63  }
0x80: {  	_ = 	snop  }
0x81: {  	[tilespmem:s24], [sflag:$0x2] =	stream.indirect.gather [hbm4b:s2+s23], $0x80, s23, s23, $0xb8;
	[tilespmem:$0x1E800] =	vst v63  }
0x82: {  	_ =	swait.ge [sflag:s25], $0x4000  }
0x83: {  	[sflag:s25] =	ssyncset.done $0x0  }
0x84: {  	s1 =	simm.s32 $0x1400;
	[sflag:s25] =	ssyncadd.s32 $0xFFFFC000  }
0x85: {  	[spmem:s3] =	stream.indirect.scatter.add.f32 [tilespmem:s20], [sflag:$0x3], $0x80, s1, s23, $0xb8;
	[tilespmem:$0x1E800] =	vst v63  }
0x86: {  	_ =	swait.ge [sflag:s21], $0x4000  }
0x87: {  	[sflag:s21] =	ssyncset.done $0x0  }
0x88: {  	s1 =	simm.s32 $0x100;
	[sflag:s21] =	ssyncadd.s32 $0xFFFFC000  }
0x89: {  	[tilespmem:s20], [sflag:$0x1] =	stream.indirect.gather [hbm4b:s2+s23], $0x80, s1, s23, $0xb8;
	[tilespmem:$0x1E800] =	vst v63  }
0x8a: {  	_ =	swait.ge [sflag:s26], $0x4000  }
0x8b: {  	[sflag:s26] =	ssyncset.done $0x0  }
0x8c: {  	s1 =	simm.s32 $0x1480;
	[sflag:s26] =	ssyncadd.s32 $0xFFFFC000  }
0x8d: {  	[spmem:s3] =	stream.indirect.scatter.add.f32 [tilespmem:s24], [sflag:$0x3], $0x80, s1, s23, $0xb8;
	[tilespmem:$0x1E800] =	vst v63  }
0x8e: {  	_ =	swait.ge [sflag:s21], $0x4000  }
0x8f: {  	[sflag:s21] =	ssyncset.done $0x0  }
0x90: {  	s31 =	simm.s32 $0x400;
	s1 =	simm.s32 $0x180;
	[sflag:s21] =	ssyncadd.s32 $0xFFFFC000  }
.LBB2_6:
0x91: {  	[tilespmem:s24], [sflag:$0x2] =	stream.indirect.gather [hbm4b:s2+s23], $0x80, s1, s23, $0xb8;
	[tilespmem:$0x1E800] =	vst v63  }
0x92: {  	s0 =	smov.u32 s31  }
0x93: {  	p0 =	sne.s32 s31, $0x4800;
	s31 =	sadd.s32 $0x400, s31;
	_ =	swait.ge [sflag:s25], $0x4000  }
0x94: {  	s0 =	sshra.s32 s0, $0x2;
	[sflag:s25] =	ssyncset.done $0x0  }
0x95: {  	s1 =	sadd.s32 $0x1400, s0;
	[sflag:s25] =	ssyncadd.s32 $0xFFFFC000  }
0x96: {  	[spmem:s3] =	stream.indirect.scatter.add.f32 [tilespmem:s20], [sflag:$0x3], $0x80, s1, s23, $0xb8;
	[tilespmem:$0x1E800] =	vst v63  }
0x97: {  	_ =	swait.ge [sflag:s21], $0x4000  }
0x98: {  	[sflag:s21] =	ssyncset.done $0x0  }
0x99: {  	s1 =	sadd.s32 $0x100, s0;
	[sflag:s21] =	ssyncadd.s32 $0xFFFFC000  }
0x9a: {  	[tilespmem:s20], [sflag:$0x1] =	stream.indirect.gather [hbm4b:s2+s23], $0x80, s1, s23, $0xb8;
	[tilespmem:$0x1E800] =	vst v63  }
0x9b: {  	_ =	swait.ge [sflag:s26], $0x4000  }
0x9c: {  	[sflag:s26] =	ssyncset.done $0x0  }
.Ltmp2:
0x9d: {  	s1 =	sadd.s32 $0x1480, s0;
	[sflag:s26] =	ssyncadd.s32 $0xFFFFC000;
	(pc) =	sbr.rel @p0 .LBB2_6-.Ltmp2, $4  }
0x9e: {  	[spmem:s3] =	stream.indirect.scatter.add.f32 [tilespmem:s24], [sflag:$0x3], $0x80, s1, s23, $0xb8;
	[tilespmem:$0x1E800] =	vst v63  }
0x9f: {  	_ =	swait.ge [sflag:s21], $0x4000  }
0xa0: {  	[sflag:s21] =	ssyncset.done $0x0  }
0xa1: {  	s1 =	sadd.s32 $0x180, s0;
	[sflag:s21] =	ssyncadd.s32 $0xFFFFC000  }
0xa2: {  	[tilespmem:s24], [sflag:$0x2] =	stream.indirect.gather [hbm4b:s2+s23], $0x80, s1, s23, $0xb8;
	[tilespmem:$0x1E800] =	vst v63  }
0xa3: {  	_ =	swait.ge [sflag:s25], $0x4000  }
0xa4: {  	[sflag:s25] =	ssyncset.done $0x0  }
0xa5: {  	[sflag:s25] =	ssyncadd.s32 $0xFFFFC000  }
0xa6: {  	[spmem:s3] =	stream.indirect.scatter.add.f32 [tilespmem:s20], [sflag:$0x3], $0x80, s28, s23, $0xb8;
	[tilespmem:$0x1E800] =	vst v63  }
0xa7: {  	_ =	swait.ge [sflag:s21], $0x4000  }
0xa8: {  	[sflag:s21] =	ssyncset.done $0x0  }
0xa9: {  	[sflag:s21] =	ssyncadd.s32 $0xFFFFC000  }
0xaa: {  	_ =	swait.ge [sflag:s26], $0x4000  }
0xab: {  	[sflag:s26] =	ssyncset.done $0x0  }
0xac: {  	[sflag:s26] =	ssyncadd.s32 $0xFFFFC000  }
0xad: {  	[spmem:s3] =	stream.indirect.scatter.add.f32 [tilespmem:s24], [sflag:$0x3], $0x80, s29, s23, $0xb8;
	[tilespmem:$0x1E800] =	vst v63  }
0xae: {  	_ =	swait.ge [sflag:s21], $0x4000  }
0xaf: {  	[sflag:s21] =	ssyncset.done $0x0  }
0xb0: {  	[sflag:s21] =	ssyncadd.s32 $0xFFFFC000  }
0xb1: {  	[bflag:$0x0] =	sbarrier.arrive $0xFFFF  }
0xb2: {  	[tilespmem:s20], [sflag:$0x3] =	stream.linear.gather [spmem:s5], $0x4000, $0x38;
	[tilespmem:$0x1E800] =	vst v63  }
0xb3: {  	_ =	swait.ge [sflag:s21], $0x4000  }
0xb4: {  	[sflag:s21] =	ssyncset.done $0x0  }
0xb5: {  	[sflag:s21] =	ssyncadd.s32 $0xFFFFC000  }
0xb6: {  	[hbm4b:s14+s4] =	stream.linear.scatter [tilespmem:s20], [sflag:$0x3], $0x4000, $0x38;
	[tilespmem:$0x1E800] =	vst v63  }
0xb7: {  	_ =	swait.ge [sflag:s21], $0x4000  }
0xb8: {  	[sflag:s21] =	ssyncset.done $0x0  }
0xb9: {  	[sflag:s21] =	ssyncadd.s32 $0xFFFFC000  }
0xba: {  	[tilespmem:s20], [sflag:$0x3] =	stream.linear.gather [spmem:s6], $0x4000, $0x38;
	[tilespmem:$0x1E800] =	vst v63  }
0xbb: {  	_ =	swait.ge [sflag:s21], $0x4000  }
0xbc: {  	[sflag:s21] =	ssyncset.done $0x0  }
0xbd: {  	[sflag:s21] =	ssyncadd.s32 $0xFFFFC000  }
0xbe: {  	[hbm4b:s15+s4] =	stream.linear.scatter [tilespmem:s20], [sflag:$0x3], $0x4000, $0x38;
	[tilespmem:$0x1E800] =	vst v63  }
0xbf: {  	_ =	swait.ge [sflag:s21], $0x4000  }
0xc0: {  	[sflag:s21] =	ssyncset.done $0x0  }
0xc1: {  	[sflag:s21] =	ssyncadd.s32 $0xFFFFC000  }
0xc2: {  	[tilespmem:s20], [sflag:$0x3] =	stream.linear.gather [spmem:s7], $0x4000, $0x38;
	[tilespmem:$0x1E800] =	vst v63  }
0xc3: {  	_ =	swait.ge [sflag:s21], $0x4000  }
0xc4: {  	[sflag:s21] =	ssyncset.done $0x0  }
0xc5: {  	[sflag:s21] =	ssyncadd.s32 $0xFFFFC000  }
0xc6: {  	[hbm4b:s16+s4] =	stream.linear.scatter [tilespmem:s20], [sflag:$0x3], $0x4000, $0x38;
	[tilespmem:$0x1E800] =	vst v63  }
0xc7: {  	_ =	swait.ge [sflag:s21], $0x4000  }
0xc8: {  	[sflag:s21] =	ssyncset.done $0x0  }
0xc9: {  	[sflag:s21] =	ssyncadd.s32 $0xFFFFC000  }
0xca: {  	[tilespmem:s20], [sflag:$0x3] =	stream.linear.gather [spmem:s8], $0x4000, $0x38;
	[tilespmem:$0x1E800] =	vst v63  }
0xcb: {  	_ =	swait.ge [sflag:s21], $0x4000  }
0xcc: {  	[sflag:s21] =	ssyncset.done $0x0  }
0xcd: {  	[sflag:s21] =	ssyncadd.s32 $0xFFFFC000  }
0xce: {  	[hbm4b:s17+s4] =	stream.linear.scatter [tilespmem:s20], [sflag:$0x3], $0x4000, $0x38;
	[tilespmem:$0x1E800] =	vst v63  }
0xcf: {  	_ =	swait.ge [sflag:s21], $0x4000  }
0xd0: {  	[sflag:s21] =	ssyncset.done $0x0  }
0xd1: {  	[sflag:s21] =	ssyncadd.s32 $0xFFFFC000  }
0xd2: {  	[tilespmem:s20], [sflag:$0x3] =	stream.linear.gather [spmem:s9], $0x4000, $0x38;
	[tilespmem:$0x1E800] =	vst v63  }
0xd3: {  	s30 =	sadd.s32 $0x1, s30;
	_ =	swait.ge [sflag:s21], $0x4000  }
0xd4: {  	p0 =	sne.s32 s30, s19;
	[sflag:s21] =	ssyncset.done $0x0  }
.Ltmp3:
0xd5: {  	[sflag:s21] =	ssyncadd.s32 $0xFFFFC000;
	(pc) =	sbr.rel @p0 .LBB2_1-.Ltmp3, $4  }
0xd6: {  	[hbm4b:s18+s4] =	stream.linear.scatter [tilespmem:s20], [sflag:$0x3], $0x4000, $0x38;
	[tilespmem:$0x1E800] =	vst v63  }
0xd7: {  	_ =	swait.ge [sflag:s21], $0x4000  }
0xd8: {  	[sflag:s21] =	ssyncset.done $0x0  }
0xd9: {  	[sflag:s21] =	ssyncadd.s32 $0xFFFFC000  }
0xda: {  	_ =	sfence.sel $0x180000  }
0xdb: {  	[bflag:$0x0] =	sbarrier.arrive $0xFFFF  }
0xdc: {  	_ =	strace $0x90000050  }
0xdd: {  	s0 =	stileid.u32;
	[bflag:$0x2] =	sbarrier.arrive $0xFFFF  }
0xde: {  	p0 =	sne.s32 s0, $0x0;
	s0 =	rddreg [dreg:$0x3]  }
0xdf: {  	s0 =	sadd.s32 @!p0 $0x100000, s0  }
0xe0: {  	[sflag:s0] =	ssyncadd.tile.s32 @!p0 $0x1;
	_ =	shalt  }
.Lfunc_end2:
_tile_overlayer_lowered:
.L_overlay_start_2:
0xe1: {  	(tag) =	ssettag $0x2  }
0xe2: {  	s0 =	rddreg [dreg:$0x0];
	s2 =	stileid.u32  }
0xe3: {  	s1 =	rddreg [dreg:$0x1];
	p0 =	sne.s32 s2, $0x0  }
0xe4: {  	s3 =	rddreg [dreg:$0x2];
	[bflag:$0x3] =	sbarrier.arrive $0xFFFF;
	s2 =	simm.s32 @!p0 $0x1C03  }
0xe5: {  	[timem:s3], [sflag:s2] =	dma.local @!p0 [hbm:s0], s1  }
0xe6: {  	s0 =	simm.s32 @!p0 $0x3  }
0xe7: {  	_ =	swait.ge @!p0 [sflag:s0], s1  }
0xe8: {  	s1 =	ssub.s32 @!p0 $0x0, s1;
	[sflag:s0] =	ssyncset.done @!p0 $0x0  }
0xe9: {  	[sflag:s0] =	ssyncadd.s32 @!p0 s1  }
0xea: {  	[bflag:$0x3] =	sbarrier.arrive $0xFFFF  }
0xeb: {  	_ =	shalt  }

</sc_bundles>
